<compile_context>
chip_gen: v7x
topology: tpu7x:2x2x1
jax: 0.10.2.dev20260603
libtpu: 0.0.44.dev20260713+nightly
codegen_flags: <defaults>
</compile_context>

<pallas_src>
import functools

import jax
import jax.numpy as jnp
from jax import lax
from jax.experimental import pallas as pl
from jax.experimental.pallas import tpu as pltpu
from jax.experimental.pallas import tpu_sc as plsc

N = 10000
E = 320000
D = 128
H = 128
T = 10
TN = 10
C = 8

NC = 2
NS = 16
NW = NC * NS

B_E = 125
CH_DEG = 80

@functools.cache
def _mesh():
    return plsc.VectorSubcoreMesh(core_axis_name="c", subcore_axis_name="s",
                                  num_cores=NC, num_subcores=NS)


@functools.cache
def _sc_degree_kernel_build():
    @functools.partial(
        pl.kernel,
        out_type=[jax.ShapeDtypeStruct((N,), jnp.float32),
                  jax.ShapeDtypeStruct((N,), jnp.float32)],
        mesh=_mesh(),
        scratch_types=[
            pltpu.VMEM((CH_DEG, B_E), jnp.int32),
            pltpu.VMEM((CH_DEG, B_E), jnp.float32),
            pltpu.VMEM((1000,), jnp.float32),
            pltpu.VMEM_SHARED((N,), jnp.float32),
        ],
    )
    def _sc_degree_kernel(dst_hbm, ones_hbm, zeros_hbm, out0_hbm, out1_hbm,
                          idx_v, upd_v, stage_v, deg_sh):
        cid = lax.axis_index("c")
        sid = lax.axis_index("s")
        wid = sid * NC + cid
        @pl.when(sid < 10)
        def _():
            pltpu.sync_copy(zeros_hbm.at[pl.ds(sid * 1000, 1000)], stage_v)
            pltpu.sync_copy(stage_v, deg_sh.at[pl.ds(sid * 1000, 1000)])
        pltpu.sync_copy(dst_hbm.at[wid], idx_v)
        pltpu.sync_copy(ones_hbm, upd_v)
        plsc.subcore_barrier()

        def body(j, carry):
            pltpu.sync_copy(upd_v.at[j], deg_sh.at[idx_v.at[j]], add=True)
            return carry

        lax.fori_loop(0, CH_DEG, body, 0)
        plsc.subcore_barrier()

        @pl.when(sid < 10)
        def _():
            pltpu.sync_copy(deg_sh.at[pl.ds(sid * 1000, 1000)], stage_v)

            @pl.when(cid == 0)
            def _():
                pltpu.sync_copy(stage_v, out0_hbm.at[pl.ds(sid * 1000, 1000)])

            @pl.when(cid == 1)
            def _():
                pltpu.sync_copy(stage_v, out1_hbm.at[pl.ds(sid * 1000, 1000)])

    return _sc_degree_kernel


def _sc_degree(dst):
    dst_r = dst.reshape(NW, CH_DEG, B_E)
    ones = jnp.ones((CH_DEG, B_E), jnp.float32)
    zeros = jnp.zeros((N,), jnp.float32)
    d0, d1 = _sc_degree_kernel_build()(dst_r, ones, zeros)
    return jnp.stack([d0, d1])


@functools.cache
def _make_edge_pass(CH, G):
    CHO = CH // 8

    @functools.partial(
        pl.kernel,
        out_type=jax.ShapeDtypeStruct((NC, N, H), jnp.float32),
        mesh=_mesh(),
        scratch_types=[
            pltpu.VMEM((2, 8, 128), jnp.int32),
            pltpu.VMEM((2, 8, 128), jnp.int32),
            pltpu.VMEM((128, H), jnp.float32),
            pltpu.VMEM((128, H), jnp.float32),
            pltpu.VMEM_SHARED((N, H), jnp.float32),
            pltpu.SemaphoreType.DMA,
            pltpu.SemaphoreType.DMA,
            pltpu.SemaphoreType.DMA,
        ],
    )
    def _kernel(t0_hbm, t1_hbm, src_hbm, dst_hbm, zeros_hbm, out_hbm,
                src_v, dst_v, buf0, buf1, acc_sh, semi, sem0, sem1):
        cid = lax.axis_index("c")
        sid = lax.axis_index("s")
        g = cid if G == 2 else 0
        pltpu.sync_copy(src_hbm.at[g, sid, pl.ds(0, 8)], src_v.at[0])
        pltpu.sync_copy(dst_hbm.at[g, sid, pl.ds(0, 8)], dst_v.at[0])
        if CHO > 1:
            pltpu.async_copy(src_hbm.at[g, sid, pl.ds(8, 8)], src_v.at[1],
                             semi)
            pltpu.async_copy(dst_hbm.at[g, sid, pl.ds(8, 8)], dst_v.at[1],
                             semi)

        def run(table):
            def gather2(kk, dbuf, dsem):
                ko = kk // 8
                r = kk % 8
                p = ko % 2
                for ofs in (0, 64):
                    pltpu.async_copy(
                        table.at[src_v.at[p, r, pl.ds(ofs, 64)]],
                        dbuf.at[pl.ds(ofs, 64)], dsem)

            def wait2(kk, dbuf, dsem):
                ko = kk // 8
                r = kk % 8
                p = ko % 2
                for ofs in (0, 64):
                    pltpu.make_async_copy(
                        table.at[src_v.at[p, r, pl.ds(ofs, 64)]],
                        dbuf.at[pl.ds(ofs, 64)], dsem).wait()

            gather2(0, buf0, sem0)
            gather2(1, buf1, sem1)
            @pl.when(sid < 10)
            def _():
                pltpu.sync_copy(zeros_hbm,
                                acc_sh.at[pl.ds(sid * 1000, 1000)])
            plsc.subcore_barrier()

            def step(k, buf, sem):
                ko = k // 8
                r = k % 8
                p = ko % 2

                wait2(k, buf, sem)
                pltpu.sync_copy(buf, acc_sh.at[dst_v.at[p, r]], add=True)

                @pl.when(jnp.logical_and(r == 6, ko + 1 < CHO))
                def _():
                    pltpu.make_async_copy(
                        src_hbm.at[g, sid, pl.ds(0, 8)], src_v.at[1 - p],
                        semi).wait()
                    pltpu.make_async_copy(
                        dst_hbm.at[g, sid, pl.ds(0, 8)], dst_v.at[1 - p],
                        semi).wait()

                @pl.when(k + 2 < CH)
                def _():
                    gather2(k + 2, buf, sem)

                @pl.when(jnp.logical_and(r == 7, ko + 2 < CHO))
                def _():
                    pltpu.async_copy(
                        src_hbm.at[g, sid, pl.ds((ko + 2) * 8, 8)],
                        src_v.at[p], semi)
                    pltpu.async_copy(
                        dst_hbm.at[g, sid, pl.ds((ko + 2) * 8, 8)],
                        dst_v.at[p], semi)

            def body(kk, carry):
                k = kk * 2
                step(k, buf0, sem0)
                step(k + 1, buf1, sem1)
                return carry

            lax.fori_loop(0, CH // 2, body, 0)

        @pl.when(cid == 0)
        def _():
            run(t0_hbm)

        @pl.when(cid == 1)
        def _():
            run(t1_hbm)

        plsc.subcore_barrier()

        @pl.when(sid < 10)
        def _():
            pltpu.sync_copy(acc_sh.at[pl.ds(sid * 1000, 1000)],
                            out_hbm.at[cid, pl.ds(sid * 1000, 1000)])

    return _kernel


def _pad_idx(v, nw, ch, pad_base):
    per = E // nw
    v = v.reshape(nw, per)
    padn = ch * 128 - per
    pad = pad_base + (jnp.arange(padn, dtype=v.dtype) % 8)
    v = jnp.concatenate([v, jnp.broadcast_to(pad, (nw, padn))], axis=1)
    return v.reshape(nw // NS, NS, ch, 128)


def _sc_edge_pass(t0, t1, src, dst, split_edges):
    G = 2 if split_edges else 1
    nw = NW if split_edges else NS
    ch = (E // nw + 127) // 128
    ch = ((ch + 7) // 8) * 8
    src_p = _pad_idx(src, nw, ch, N)
    dst_p = _pad_idx(dst, nw, ch, 0)
    zeros = jnp.zeros((1000, H), jnp.float32)
    return _make_edge_pass(ch, G)(t0, t1, src_p, dst_p, zeros)


BN = 1000
GRID_N = N // BN


def _stageB_body(x_ref, w1_ref, w2_ref, degt_ref, hs_ref, dinv_ref):
    i = pl.program_id(0)

    @pl.when(i < GRID_N)
    def _():
        dp = degt_ref[...]
        deg_in = dp[:, 0:1] + dp[:, 1:2]
        dinv = lax.rsqrt(deg_in + 1.0)
        x = x_ref[...]
        h1 = jnp.dot(x, w1_ref[...], preferred_element_type=jnp.float32)
        h2 = jnp.dot(x, w2_ref[...], preferred_element_type=jnp.float32)
        hs_ref[0] = h1 * dinv
        hs_ref[1] = h2 * dinv
        dinv_ref[...] = dinv

    @pl.when(i == GRID_N)
    def _():
        hs_ref[...] = jnp.zeros_like(hs_ref)


def _stageB(x, W1, W2, degT):
    clamp = lambda i: jnp.minimum(i, GRID_N - 1)
    return pl.pallas_call(
        _stageB_body,
        grid=(GRID_N + 1,),
        in_specs=[
            pl.BlockSpec((BN, D), lambda i: (clamp(i), 0)),
            pl.BlockSpec((D, H), lambda i: (0, 0)),
            pl.BlockSpec((D, H), lambda i: (0, 0)),
            pl.BlockSpec((BN, 2), lambda i: (clamp(i), 0)),
        ],
        out_specs=[
            pl.BlockSpec((2, BN, H), lambda i: (0, i, 0)),
            pl.BlockSpec((BN, 1), lambda i: (clamp(i), 0)),
        ],
        out_shape=[
            jax.ShapeDtypeStruct((2, N + 8, H), jnp.float32),
            jax.ShapeDtypeStruct((N, 1), jnp.float32),
        ],
    )(x, W1, W2, degT)


def _stageD_body(hs_ref, u_ref, dinv_ref, b_ref, h1_ref, h2_ref):
    i = pl.program_id(0)

    @pl.when(i < GRID_N)
    def _():
        dinv = dinv_ref[...]
        h1 = jnp.maximum(dinv * (u_ref[0] + hs_ref[0]) + b_ref[0:1, :], 0.0)
        h2 = jnp.maximum(dinv * (u_ref[1] + hs_ref[1]) + b_ref[1:2, :], 0.0)
        h1_ref[...] = h1
        h2_ref[...] = h2

    @pl.when(i == GRID_N)
    def _():
        h1_ref[...] = jnp.zeros_like(h1_ref)


def _stageD(hs, u, dinv, bstack):
    clamp = lambda i: jnp.minimum(i, GRID_N - 1)
    return pl.pallas_call(
        _stageD_body,
        grid=(GRID_N + 1,),
        in_specs=[
            pl.BlockSpec((2, BN, H), lambda i: (0, clamp(i), 0)),
            pl.BlockSpec((2, BN, H), lambda i: (0, clamp(i), 0)),
            pl.BlockSpec((BN, 1), lambda i: (clamp(i), 0)),
            pl.BlockSpec((2, H), lambda i: (0, 0)),
        ],
        out_specs=[
            pl.BlockSpec((BN, H), lambda i: (i, 0)),
            pl.BlockSpec((BN, H), lambda i: (clamp(i), 0)),
        ],
        out_shape=[
            jax.ShapeDtypeStruct((N + 8, H), jnp.float32),
            jax.ShapeDtypeStruct((N, H), jnp.float32),
        ],
    )(hs, u, dinv, bstack)


def _stageF1_body(h1_ref, h2_ref, ms_ref, degt_ref, tf_ref, ta_ref, q_ref,
                  al_ref, y_ref, sums_ref):
    i = pl.program_id(0)
    ql = q_ref[...]
    qe = jnp.exp(ql - jnp.max(ql, axis=-1, keepdims=True))
    q = qe / jnp.sum(qe, axis=-1, keepdims=True)
    TF = tf_ref[...]
    TA = ta_ref[...]
    alpha = 1.0 / (1.0 + jnp.exp(-al_ref[0, 0]))
    Fbar = jnp.sum(q[:, :, None] * TF, axis=1)
    F2 = jnp.sum(q * jnp.sum(TF * TF, axis=-1), axis=-1)
    G = jnp.sum(TA[:, :, :, None] * TF[:, None, :, :], axis=2)
    Gbar = jnp.sum(q[:, :, None] * G, axis=1)
    G2 = jnp.sum(q * jnp.sum(G * G, axis=-1), axis=-1)

    dp = degt_ref[...]
    deg = dp[:, 0:1] + dp[:, 1:2]
    h1 = h1_ref[...]
    m = (ms_ref[0] + ms_ref[1]) / jnp.maximum(deg, 1.0)
    Cf = (jnp.sum(h1 * h1, axis=-1, keepdims=True)
          + jnp.reshape(F2, (1, T))
          - 2.0 * lax.dot_general(h1, Fbar, (((1,), (1,)), ((), ())),
                                  preferred_element_type=jnp.float32))
    Cs = (jnp.sum(m * m, axis=-1, keepdims=True)
          + jnp.reshape(G2, (1, T))
          - 2.0 * lax.dot_general(m, Gbar, (((1,), (1,)), ((), ())),
                                  preferred_element_type=jnp.float32))
    y = alpha * Cf + (1.0 - alpha) * Cs
    y_ref[...] = y

    h2 = h2_ref[...]

    @pl.when(i == 0)
    def _():
        sums_ref[...] = jnp.zeros_like(sums_ref)
        sums_ref[4:5, :H] = jnp.mean(h2, axis=0, keepdims=True)
        sums_ref[5:6, :T] = jnp.mean(y, axis=0, keepdims=True)

    ch = sums_ref[4:5, :H]
    cy = sums_ref[5:6, :T]
    h2c = h2 - ch
    yc = y - cy
    sums_ref[0:1, :H] += jnp.sum(h2c, axis=0, keepdims=True)
    sums_ref[1:2, :H] += jnp.sum(h2c * h2c, axis=0, keepdims=True)
    sums_ref[2:3, :T] += jnp.sum(yc, axis=0, keepdims=True)
    sums_ref[3:4, :T] += jnp.sum(yc * yc, axis=0, keepdims=True)


def _stageF1(h1, h2, ms, degT, TF, TA, q_logits, alpha_logit):
    return pl.pallas_call(
        _stageF1_body,
        grid=(GRID_N,),
        in_specs=[
            pl.BlockSpec((BN, H), lambda i: (i, 0)),
            pl.BlockSpec((BN, H), lambda i: (i, 0)),
            pl.BlockSpec((2, BN, H), lambda i: (0, i, 0)),
            pl.BlockSpec((BN, 2), lambda i: (i, 0)),
            pl.BlockSpec((T, TN, H), lambda i: (0, 0, 0)),
            pl.BlockSpec((T, TN, TN), lambda i: (0, 0, 0)),
            pl.BlockSpec((T, TN), lambda i: (0, 0)),
            pl.BlockSpec((1, 1), lambda i: (0, 0)),
        ],
        out_specs=[
            pl.BlockSpec((BN, T), lambda i: (i, 0)),
            pl.BlockSpec((8, H), lambda i: (0, 0)),
        ],
        out_shape=[
            jax.ShapeDtypeStruct((N, T), jnp.float32),
            jax.ShapeDtypeStruct((8, H), jnp.float32),
        ],
    )(h1, h2, ms, degT, TF, TA, q_logits, alpha_logit)


def _stageF2_body(h2_ref, y_ref, sums_ref, gh_ref, bh_ref, gy_ref, by_ref,
                  w1_ref, w2_ref, lb_ref, out_ref):
    s = sums_ref[...]
    inv_n = 1.0 / N
    dmu_h = s[0:1, :H] * inv_n
    var_h = s[1:2, :H] * inv_n - dmu_h * dmu_h
    mu_h = s[4:5, :H] + dmu_h
    dmu_y = s[2:3, :T] * inv_n
    var_y = s[3:4, :T] * inv_n - dmu_y * dmu_y
    mu_y = s[5:6, :T] + dmu_y
    sh = lax.rsqrt(var_h + 1e-5)
    sy = lax.rsqrt(var_y + 1e-5)
    h2n = (h2_ref[...] - mu_h) * sh * gh_ref[...] + bh_ref[...]
    yn = (y_ref[...] - mu_y) * sy * gy_ref[...] + by_ref[...]
    out = (jnp.dot(h2n, w1_ref[...], preferred_element_type=jnp.float32)
           + jnp.dot(yn, w2_ref[...], preferred_element_type=jnp.float32))
    out_ref[...] = out + lb_ref[...]


def _stageF2(h2, y, sums, gamma, beta, lin_W, lin_b):
    gh = gamma[:H].reshape(1, H)
    gy = gamma[H:].reshape(1, T)
    bh = beta[:H].reshape(1, H)
    by = beta[H:].reshape(1, T)
    w1 = lin_W[:H]
    w2 = lin_W[H:]
    lb = lin_b.reshape(1, C)
    return pl.pallas_call(
        _stageF2_body,
        grid=(GRID_N,),
        in_specs=[
            pl.BlockSpec((BN, H), lambda i: (i, 0)),
            pl.BlockSpec((BN, T), lambda i: (i, 0)),
            pl.BlockSpec((8, H), lambda i: (0, 0)),
            pl.BlockSpec((1, H), lambda i: (0, 0)),
            pl.BlockSpec((1, H), lambda i: (0, 0)),
            pl.BlockSpec((1, T), lambda i: (0, 0)),
            pl.BlockSpec((1, T), lambda i: (0, 0)),
            pl.BlockSpec((H, C), lambda i: (0, 0)),
            pl.BlockSpec((T, C), lambda i: (0, 0)),
            pl.BlockSpec((1, C), lambda i: (0, 0)),
        ],
        out_specs=pl.BlockSpec((BN, C), lambda i: (i, 0)),
        out_shape=jax.ShapeDtypeStruct((N, C), jnp.float32),
    )(h2, y, sums, gh, bh, gy, by, w1, w2, lb)


def kernel(x, edge_index, W1, b1, W2, b2, TF, TA, q_logits, alpha_logit,
           gamma, beta, lin_W, lin_b):
    src = edge_index[0]
    dst = edge_index[1]

    degp = _sc_degree(dst)
    degT = jnp.transpose(degp)

    hs, dinv = _stageB(x, W1, W2, degT)
    u = _sc_edge_pass(hs[0], hs[1], src, dst, split_edges=False)

    bstack = jnp.stack([b1, b2])
    h1, h2 = _stageD(hs, u, dinv, bstack)

    ms = _sc_edge_pass(h1, h1, src, dst, split_edges=True)

    alr = alpha_logit.reshape(1, 1)
    y, sums = _stageF1(h1, h2, ms, degT, TF, TA, q_logits, alr)

    return _stageF2(h2, y, sums, gamma, beta, lin_W, lin_b)

# --- scband reference (transcript-rebuilt; emitter-appended) ---
"""Pipeline reference for scband-gcn-ltfgw-parallel-82248623718954 (READ-ONLY COPY).

The authoritative reference and input builder live on the scoring server;
editing this copy changes nothing except your own understanding.
"""

import jax, jax.numpy as jnp
import numpy as np

N = 10000
E = 320000
D = 128
H = 128
T = 10
TN = 10
C = 8


def _gcn_conv(x, src, dst, W, b, n):
    loop = jnp.arange(n, dtype=src.dtype)
    s = jnp.concatenate([src, loop])
    d = jnp.concatenate([dst, loop])
    deg = jnp.zeros((n,), jnp.float32).at[d].add(1.0)
    dinv = 1.0 / jnp.sqrt(jnp.maximum(deg, 1.0))
    norm = dinv[s] * dinv[d]
    h = x @ W
    msg = h[s] * norm[:, None]
    out = jnp.zeros((n, W.shape[1]), jnp.float32).at[d].add(msg)
    return out + b


def _ltfgw(h, src, dst, TF, TA, q_logits, alpha_logit, n):
    deg = jnp.zeros((n,), jnp.float32).at[dst].add(1.0)
    m = jnp.zeros_like(h).at[dst].add(h[src]) / jnp.maximum(deg, 1.0)[:, None]
    q = jax.nn.softmax(q_logits, axis=-1)
    alpha = jax.nn.sigmoid(alpha_logit)
    Fbar = jnp.einsum('tj,tjh->th', q, TF)
    F2 = jnp.einsum('tj,tj->t', q, jnp.sum(TF * TF, axis=-1))
    Cf = jnp.sum(h * h, axis=-1)[:, None] + F2[None, :] - 2.0 * h @ Fbar.T
    G = jnp.einsum('tjk,tkh->tjh', TA, TF)
    Gbar = jnp.einsum('tj,tjh->th', q, G)
    G2 = jnp.einsum('tj,tj->t', q, jnp.sum(G * G, axis=-1))
    Cs = jnp.sum(m * m, axis=-1)[:, None] + G2[None, :] - 2.0 * m @ Gbar.T
    return alpha * Cf + (1.0 - alpha) * Cs


def setup_inputs(seed: int = 0):
    key = jax.random.key(seed)
    ks = jax.random.split(key, 12)
    x = jax.random.normal(ks[0], (N, D), dtype=jnp.float32)
    edge_index = jax.random.randint(ks[1], (2, E), 0, N, dtype=jnp.int32)
    W1 = jax.random.normal(ks[2], (D, H), dtype=jnp.float32) * 0.05
    b1 = jnp.zeros((H,), jnp.float32)
    W2 = jax.random.normal(ks[3], (D, H), dtype=jnp.float32) * 0.05
    b2 = jnp.zeros((H,), jnp.float32)
    TF = jax.random.normal(ks[4], (T, TN, H), dtype=jnp.float32)
    A = jax.random.uniform(ks[5], (T, TN, TN), dtype=jnp.float32)
    TA = 0.5 * (A + jnp.swapaxes(A, 1, 2))
    q_logits = jnp.zeros((T, TN), jnp.float32)
    alpha_logit = jnp.zeros((), jnp.float32)
    gamma = jnp.ones((H + T,), jnp.float32)
    beta = jnp.zeros((H + T,), jnp.float32)
    lin_W = jax.random.normal(ks[6], (H + T, C), dtype=jnp.float32) * 0.05
    lin_b = jnp.zeros((C,), jnp.float32)
    return {"x": x, "edge_index": edge_index, "W1": W1, "b1": b1, "W2": W2, "b2": b2, "TF": TF, "TA": TA, "q_logits": q_logits, "alpha_logit": alpha_logit, "gamma": gamma, "beta": beta, "lin_W": lin_W, "lin_b": lin_b}


def reference(x, edge_index, W1, b1, W2, b2, TF, TA, q_logits, alpha_logit, gamma, beta, lin_W, lin_b):
    src, dst = edge_index[0], edge_index[1]
    h1 = jax.nn.relu(_gcn_conv(x, src, dst, W1, b1, N))
    y = _ltfgw(h1, src, dst, TF, TA, q_logits, alpha_logit, N)
    h2 = jax.nn.relu(_gcn_conv(x, src, dst, W2, b2, N))
    z = jnp.concatenate([h2, y], axis=1)
    mu = jnp.mean(z, axis=0)
    var = jnp.var(z, axis=0)
    z = (z - mu) / jnp.sqrt(var + 1e-5) * gamma + beta
    return z @ lin_W + lin_b

if __name__ == "__main__":
    import jax
    _d = setup_inputs()
    print(jax.jit(kernel)(*tuple(_d.values())))

</pallas_src>

<mosaic_0001>
#map = affine_map<(d0, d1) -> (0, 0, 0)>
#map1 = affine_map<(d0, d1) -> (0, 0)>
#map2 = affine_map<(d0, d1) -> (0)>
module attributes {stable_mosaic.version = 14 : i64} {
  func.func @_sc_degree_kernel(%arg0: i32, %arg1: i32, %arg2: memref<32x80x125xi32, #tpu.memory_space<hbm>>, %arg3: memref<80x125xf32, #tpu.memory_space<hbm>>, %arg4: memref<10000xf32, #tpu.memory_space<hbm>>, %arg5: memref<10000xf32, #tpu.memory_space<hbm>>, %arg6: memref<10000xf32, #tpu.memory_space<hbm>>, %arg7: memref<80x125xi32, #tpu.memory_space<vmem>>, %arg8: memref<80x125xf32, #tpu.memory_space<vmem>>, %arg9: memref<1000xf32, #tpu.memory_space<vmem>>, %arg10: memref<10000xf32, #tpu.memory_space<vmem_shared>>) attributes {dimension_semantics = [#tpu.dimension_semantics<core_parallel>, #tpu.dimension_semantics<subcore_parallel>], iteration_bounds = array<i64: 2, 16>, scalar_prefetch = 0 : i64, scratch_operands = 4 : i64, tpu.core_type = #tpu.core_type<sc_vector_subcore>, window_params = [{transform_indices = #map}, {transform_indices = #map1}, {transform_indices = #map2}, {transform_indices = #map2}, {transform_indices = #map2}]} {
    %mul3A = arith.constant 2 : i32
    %mul3A_0 = arith.muli %arg1, %mul3A : i32
    %add3A = arith.addi %mul3A_0, %arg0 : i32
    %lt3A = arith.constant 10 : i32
    %lt3A_1 = arith.cmpi slt, %arg1, %lt3A : i32
    %convert_element_type3A = arith.extui %lt3A_1 : i1 to i32
    %cond3A = arith.constant 0 : i32
    %cond3A_2 = arith.cmpi ne, %convert_element_type3A, %cond3A : i32
    scf.if %cond3A_2 {
      %mul3A_14 = arith.constant 1000 : i32
      %mul3A_15 = arith.muli %arg1, %mul3A_14 : i32
      "tpu.region"() ({
        %run_scoped3A = tpu.sem_alloc : memref<!tpu.dma_semaphore, #tpu.memory_space<semaphore_mem>>
        %dma_start3A = tpu.memref_slice %arg4[%mul3A_15] : memref<10000xf32, #tpu.memory_space<hbm>> -> memref<1000xf32, #tpu.memory_space<hbm>>
        %dma_start3A_18 = tpu.memref_slice %arg4[%mul3A_15] : memref<10000xf32, #tpu.memory_space<hbm>> -> memref<1000xf32, #tpu.memory_space<hbm>>
        tpu.enqueue_dma source(%dma_start3A_18 : memref<1000xf32, #tpu.memory_space<hbm>>) target(%arg9 : memref<1000xf32, #tpu.memory_space<vmem>>) target_semaphore(%run_scoped3A : memref<!tpu.dma_semaphore, #tpu.memory_space<semaphore_mem>>)
        %dma_wait3A = tpu.memref_slice %arg4[%mul3A_15] : memref<10000xf32, #tpu.memory_space<hbm>> -> memref<1000xf32, #tpu.memory_space<hbm>>
        %dma_wait3A_19 = tpu.memref_slice %arg4[%mul3A_15] : memref<10000xf32, #tpu.memory_space<hbm>> -> memref<1000xf32, #tpu.memory_space<hbm>>
        tpu.wait_dma2 semaphore(%run_scoped3A : memref<!tpu.dma_semaphore, #tpu.memory_space<semaphore_mem>>) src(%dma_wait3A_19 : memref<1000xf32, #tpu.memory_space<hbm>>) dst(%arg9 : memref<1000xf32, #tpu.memory_space<vmem>>)
        tpu.yield
      }) : () -> ()
      %mul3A_16 = arith.constant 1000 : i32
      %mul3A_17 = arith.muli %arg1, %mul3A_16 : i32
      "tpu.region"() ({
        %run_scoped3A = tpu.sem_alloc : memref<!tpu.dma_semaphore, #tpu.memory_space<semaphore_mem>>
        %dma_start3A = tpu.memref_slice %arg10[%mul3A_17] : memref<10000xf32, #tpu.memory_space<vmem_shared>> -> memref<1000xf32, #tpu.memory_space<vmem_shared>>
        %dma_start3A_18 = tpu.memref_slice %arg10[%mul3A_17] : memref<10000xf32, #tpu.memory_space<vmem_shared>> -> memref<1000xf32, #tpu.memory_space<vmem_shared>>
        tpu.enqueue_dma source(%arg9 : memref<1000xf32, #tpu.memory_space<vmem>>) target(%dma_start3A_18 : memref<1000xf32, #tpu.memory_space<vmem_shared>>) target_semaphore(%run_scoped3A : memref<!tpu.dma_semaphore, #tpu.memory_space<semaphore_mem>>)
        %dma_wait3A = tpu.memref_slice %arg10[%mul3A_17] : memref<10000xf32, #tpu.memory_space<vmem_shared>> -> memref<1000xf32, #tpu.memory_space<vmem_shared>>
        %dma_wait3A_19 = tpu.memref_slice %arg10[%mul3A_17] : memref<10000xf32, #tpu.memory_space<vmem_shared>> -> memref<1000xf32, #tpu.memory_space<vmem_shared>>
        tpu.wait_dma2 semaphore(%run_scoped3A : memref<!tpu.dma_semaphore, #tpu.memory_space<semaphore_mem>>) src(%arg9 : memref<1000xf32, #tpu.memory_space<vmem>>) dst(%dma_wait3A_19 : memref<1000xf32, #tpu.memory_space<vmem_shared>>)
        tpu.yield
      }) : () -> ()
    } else {
    }
    "tpu.region"() ({
      %run_scoped3A = tpu.sem_alloc : memref<!tpu.dma_semaphore, #tpu.memory_space<semaphore_mem>>
      %dma_start3A = arith.constant 0 : i32
      %dma_start3A_14 = arith.constant 0 : i32
      %dma_start3A_15 = tpu.memref_slice %arg2[%add3A, %dma_start3A, %dma_start3A_14] : memref<32x80x125xi32, #tpu.memory_space<hbm>> -> memref<1x80x125xi32, #tpu.memory_space<hbm>>
      %dma_start3A_16 = tpu.memref_squeeze %dma_start3A_15 : memref<1x80x125xi32, #tpu.memory_space<hbm>> -> memref<80x125xi32, #tpu.memory_space<hbm>>
      %dma_start3A_17 = arith.constant 0 : i32
      %dma_start3A_18 = arith.constant 0 : i32
      %dma_start3A_19 = tpu.memref_slice %arg2[%add3A, %dma_start3A_17, %dma_start3A_18] : memref<32x80x125xi32, #tpu.memory_space<hbm>> -> memref<1x80x125xi32, #tpu.memory_space<hbm>>
      %dma_start3A_20 = tpu.memref_squeeze %dma_start3A_19 : memref<1x80x125xi32, #tpu.memory_space<hbm>> -> memref<80x125xi32, #tpu.memory_space<hbm>>
      tpu.enqueue_dma source(%dma_start3A_20 : memref<80x125xi32, #tpu.memory_space<hbm>>) target(%arg7 : memref<80x125xi32, #tpu.memory_space<vmem>>) target_semaphore(%run_scoped3A : memref<!tpu.dma_semaphore, #tpu.memory_space<semaphore_mem>>)
      %dma_wait3A = arith.constant 0 : i32
      %dma_wait3A_21 = arith.constant 0 : i32
      %dma_wait3A_22 = tpu.memref_slice %arg2[%add3A, %dma_wait3A, %dma_wait3A_21] : memref<32x80x125xi32, #tpu.memory_space<hbm>> -> memref<1x80x125xi32, #tpu.memory_space<hbm>>
      %dma_wait3A_23 = tpu.memref_squeeze %dma_wait3A_22 : memref<1x80x125xi32, #tpu.memory_space<hbm>> -> memref<80x125xi32, #tpu.memory_space<hbm>>
      %dma_wait3A_24 = arith.constant 0 : i32
      %dma_wait3A_25 = arith.constant 0 : i32
      %dma_wait3A_26 = tpu.memref_slice %arg2[%add3A, %dma_wait3A_24, %dma_wait3A_25] : memref<32x80x125xi32, #tpu.memory_space<hbm>> -> memref<1x80x125xi32, #tpu.memory_space<hbm>>
      %dma_wait3A_27 = tpu.memref_squeeze %dma_wait3A_26 : memref<1x80x125xi32, #tpu.memory_space<hbm>> -> memref<80x125xi32, #tpu.memory_space<hbm>>
      tpu.wait_dma2 semaphore(%run_scoped3A : memref<!tpu.dma_semaphore, #tpu.memory_space<semaphore_mem>>) src(%dma_wait3A_27 : memref<80x125xi32, #tpu.memory_space<hbm>>) dst(%arg7 : memref<80x125xi32, #tpu.memory_space<vmem>>)
      tpu.yield
    }) : () -> ()
    "tpu.region"() ({
      %run_scoped3A = tpu.sem_alloc : memref<!tpu.dma_semaphore, #tpu.memory_space<semaphore_mem>>
      tpu.enqueue_dma source(%arg3 : memref<80x125xf32, #tpu.memory_space<hbm>>) target(%arg8 : memref<80x125xf32, #tpu.memory_space<vmem>>) target_semaphore(%run_scoped3A : memref<!tpu.dma_semaphore, #tpu.memory_space<semaphore_mem>>)
      tpu.wait_dma2 semaphore(%run_scoped3A : memref<!tpu.dma_semaphore, #tpu.memory_space<semaphore_mem>>) src(%arg3 : memref<80x125xf32, #tpu.memory_space<hbm>>) dst(%arg8 : memref<80x125xf32, #tpu.memory_space<vmem>>)
      tpu.yield
    }) : () -> ()
    %barrier3A = arith.constant 0 : index
    tpu.barrier barrier_id(%barrier3A)
    %scan3A = arith.constant 0 : i32
    %scan3A_3 = arith.constant 0 : i32
    %scan3A_4 = arith.constant 80 : i32
    %scan3A_5 = arith.addi %scan3A_3, %scan3A_4 : i32
    %scan3A_6 = arith.constant 1 : i32
    scf.for %scan3A_14 = %scan3A_3 to %scan3A_5 step %scan3A_6  : i32 {
      "tpu.region"() ({
        %run_scoped3A = tpu.sem_alloc : memref<!tpu.dma_semaphore, #tpu.memory_space<semaphore_mem>>
        %dma_start3A = arith.constant 0 : i32
        %dma_start3A_15 = tpu.memref_slice %arg8[%scan3A_14, %dma_start3A] : memref<80x125xf32, #tpu.memory_space<vmem>> -> memref<1x125xf32, #tpu.memory_space<vmem>>
        %dma_start3A_16 = tpu.memref_squeeze %dma_start3A_15 : memref<1x125xf32, #tpu.memory_space<vmem>> -> memref<125xf32, #tpu.memory_space<vmem>>
        %dma_start3A_17 = arith.constant 0 : i32
        %dma_start3A_18 = tpu.memref_slice %arg7[%scan3A_14, %dma_start3A_17] : memref<80x125xi32, #tpu.memory_space<vmem>> -> memref<1x125xi32, #tpu.memory_space<vmem>>
        %dma_start3A_19 = tpu.memref_squeeze %dma_start3A_18 : memref<1x125xi32, #tpu.memory_space<vmem>> -> memref<125xi32, #tpu.memory_space<vmem>>
        %dma_start3A_20 = arith.constant 0 : i32
        %dma_start3A_21 = tpu.memref_slice %arg10[%dma_start3A_20] : memref<10000xf32, #tpu.memory_space<vmem_shared>> -> memref<10000xf32, #tpu.memory_space<vmem_shared>>
        tpu.enqueue_indirect_dma source(%dma_start3A_16 : memref<125xf32, #tpu.memory_space<vmem>>) target(%dma_start3A_21 : memref<10000xf32, #tpu.memory_space<vmem_shared>>) offsets(%dma_start3A_19 : memref<125xi32, #tpu.memory_space<vmem>>) semaphore(%run_scoped3A : memref<!tpu.dma_semaphore, #tpu.memory_space<semaphore_mem>>) {add = true}
        %dma_wait3A = arith.constant 0 : i32
        %dma_wait3A_22 = tpu.memref_slice %arg8[%scan3A_14, %dma_wait3A] : memref<80x125xf32, #tpu.memory_space<vmem>> -> memref<1x125xf32, #tpu.memory_space<vmem>>
        %dma_wait3A_23 = tpu.memref_squeeze %dma_wait3A_22 : memref<1x125xf32, #tpu.memory_space<vmem>> -> memref<125xf32, #tpu.memory_space<vmem>>
        %dma_wait3A_24 = arith.constant 0 : i32
        %dma_wait3A_25 = tpu.memref_slice %arg7[%scan3A_14, %dma_wait3A_24] : memref<80x125xi32, #tpu.memory_space<vmem>> -> memref<1x125xi32, #tpu.memory_space<vmem>>
        %dma_wait3A_26 = tpu.memref_squeeze %dma_wait3A_25 : memref<1x125xi32, #tpu.memory_space<vmem>> -> memref<125xi32, #tpu.memory_space<vmem>>
        %dma_wait3A_27 = arith.constant 0 : i32
        %dma_wait3A_28 = tpu.memref_slice %arg10[%dma_wait3A_27] : memref<10000xf32, #tpu.memory_space<vmem_shared>> -> memref<10000xf32, #tpu.memory_space<vmem_shared>>
        tpu.wait_indirect_dma semaphore(%run_scoped3A : memref<!tpu.dma_semaphore, #tpu.memory_space<semaphore_mem>>) src(%dma_wait3A_23 : memref<125xf32, #tpu.memory_space<vmem>>) dst(%dma_wait3A_28 : memref<10000xf32, #tpu.memory_space<vmem_shared>>)
        tpu.yield
      }) : () -> ()
    }
    %scan3A_7 = arith.constant 80 : i32
    %barrier3A_8 = arith.constant 0 : index
    tpu.barrier barrier_id(%barrier3A_8)
    %lt3A_9 = arith.constant 10 : i32
    %lt3A_10 = arith.cmpi slt, %arg1, %lt3A_9 : i32
    %convert_element_type3A_11 = arith.extui %lt3A_10 : i1 to i32
    %cond3A_12 = arith.constant 0 : i32
    %cond3A_13 = arith.cmpi ne, %convert_element_type3A_11, %cond3A_12 : i32
    scf.if %cond3A_13 {
      %mul3A_14 = arith.constant 1000 : i32
      %mul3A_15 = arith.muli %arg1, %mul3A_14 : i32
      "tpu.region"() ({
        %run_scoped3A = tpu.sem_alloc : memref<!tpu.dma_semaphore, #tpu.memory_space<semaphore_mem>>
        %dma_start3A = tpu.memref_slice %arg10[%mul3A_15] : memref<10000xf32, #tpu.memory_space<vmem_shared>> -> memref<1000xf32, #tpu.memory_space<vmem_shared>>
        %dma_start3A_25 = tpu.memref_slice %arg10[%mul3A_15] : memref<10000xf32, #tpu.memory_space<vmem_shared>> -> memref<1000xf32, #tpu.memory_space<vmem_shared>>
        tpu.enqueue_dma source(%dma_start3A_25 : memref<1000xf32, #tpu.memory_space<vmem_shared>>) target(%arg9 : memref<1000xf32, #tpu.memory_space<vmem>>) target_semaphore(%run_scoped3A : memref<!tpu.dma_semaphore, #tpu.memory_space<semaphore_mem>>)
        %dma_wait3A = tpu.memref_slice %arg10[%mul3A_15] : memref<10000xf32, #tpu.memory_space<vmem_shared>> -> memref<1000xf32, #tpu.memory_space<vmem_shared>>
        %dma_wait3A_26 = tpu.memref_slice %arg10[%mul3A_15] : memref<10000xf32, #tpu.memory_space<vmem_shared>> -> memref<1000xf32, #tpu.memory_space<vmem_shared>>
        tpu.wait_dma2 semaphore(%run_scoped3A : memref<!tpu.dma_semaphore, #tpu.memory_space<semaphore_mem>>) src(%dma_wait3A_26 : memref<1000xf32, #tpu.memory_space<vmem_shared>>) dst(%arg9 : memref<1000xf32, #tpu.memory_space<vmem>>)
        tpu.yield
      }) : () -> ()
      %eq3A = arith.constant 0 : i32
      %eq3A_16 = arith.cmpi eq, %arg0, %eq3A : i32
      %convert_element_type3A_17 = arith.extui %eq3A_16 : i1 to i32
      %cond3A_18 = arith.constant 0 : i32
      %cond3A_19 = arith.cmpi ne, %convert_element_type3A_17, %cond3A_18 : i32
      scf.if %cond3A_19 {
        %mul3A_25 = arith.constant 1000 : i32
        %mul3A_26 = arith.muli %arg1, %mul3A_25 : i32
        "tpu.region"() ({
          %run_scoped3A = tpu.sem_alloc : memref<!tpu.dma_semaphore, #tpu.memory_space<semaphore_mem>>
          %dma_start3A = tpu.memref_slice %arg5[%mul3A_26] : memref<10000xf32, #tpu.memory_space<hbm>> -> memref<1000xf32, #tpu.memory_space<hbm>>
          %dma_start3A_27 = tpu.memref_slice %arg5[%mul3A_26] : memref<10000xf32, #tpu.memory_space<hbm>> -> memref<1000xf32, #tpu.memory_space<hbm>>
          tpu.enqueue_dma source(%arg9 : memref<1000xf32, #tpu.memory_space<vmem>>) target(%dma_start3A_27 : memref<1000xf32, #tpu.memory_space<hbm>>) target_semaphore(%run_scoped3A : memref<!tpu.dma_semaphore, #tpu.memory_space<semaphore_mem>>)
          %dma_wait3A = tpu.memref_slice %arg5[%mul3A_26] : memref<10000xf32, #tpu.memory_space<hbm>> -> memref<1000xf32, #tpu.memory_space<hbm>>
          %dma_wait3A_28 = tpu.memref_slice %arg5[%mul3A_26] : memref<10000xf32, #tpu.memory_space<hbm>> -> memref<1000xf32, #tpu.memory_space<hbm>>
          tpu.wait_dma2 semaphore(%run_scoped3A : memref<!tpu.dma_semaphore, #tpu.memory_space<semaphore_mem>>) src(%arg9 : memref<1000xf32, #tpu.memory_space<vmem>>) dst(%dma_wait3A_28 : memref<1000xf32, #tpu.memory_space<hbm>>)
          tpu.yield
        }) : () -> ()
      } else {
      }
      %eq3A_20 = arith.constant 1 : i32
      %eq3A_21 = arith.cmpi eq, %arg0, %eq3A_20 : i32
      %convert_element_type3A_22 = arith.extui %eq3A_21 : i1 to i32
      %cond3A_23 = arith.constant 0 : i32
      %cond3A_24 = arith.cmpi ne, %convert_element_type3A_22, %cond3A_23 : i32
      scf.if %cond3A_24 {
        %mul3A_25 = arith.constant 1000 : i32
        %mul3A_26 = arith.muli %arg1, %mul3A_25 : i32
        "tpu.region"() ({
          %run_scoped3A = tpu.sem_alloc : memref<!tpu.dma_semaphore, #tpu.memory_space<semaphore_mem>>
          %dma_start3A = tpu.memref_slice %arg6[%mul3A_26] : memref<10000xf32, #tpu.memory_space<hbm>> -> memref<1000xf32, #tpu.memory_space<hbm>>
          %dma_start3A_27 = tpu.memref_slice %arg6[%mul3A_26] : memref<10000xf32, #tpu.memory_space<hbm>> -> memref<1000xf32, #tpu.memory_space<hbm>>
          tpu.enqueue_dma source(%arg9 : memref<1000xf32, #tpu.memory_space<vmem>>) target(%dma_start3A_27 : memref<1000xf32, #tpu.memory_space<hbm>>) target_semaphore(%run_scoped3A : memref<!tpu.dma_semaphore, #tpu.memory_space<semaphore_mem>>)
          %dma_wait3A = tpu.memref_slice %arg6[%mul3A_26] : memref<10000xf32, #tpu.memory_space<hbm>> -> memref<1000xf32, #tpu.memory_space<hbm>>
          %dma_wait3A_28 = tpu.memref_slice %arg6[%mul3A_26] : memref<10000xf32, #tpu.memory_space<hbm>> -> memref<1000xf32, #tpu.memory_space<hbm>>
          tpu.wait_dma2 semaphore(%run_scoped3A : memref<!tpu.dma_semaphore, #tpu.memory_space<semaphore_mem>>) src(%arg9 : memref<1000xf32, #tpu.memory_space<vmem>>) dst(%dma_wait3A_28 : memref<1000xf32, #tpu.memory_space<hbm>>)
          tpu.yield
        }) : () -> ()
      } else {
      }
    } else {
    }
    return
  }
}

#map = affine_map<(d0, d1) -> (0, 0)>
#map1 = affine_map<(d0, d1) -> (0, 0, 0, 0)>
#map2 = affine_map<(d0, d1) -> (0, 0, 0)>
module attributes {stable_mosaic.version = 14 : i64} {
  func.func @_kernel(%arg0: i32, %arg1: i32, %arg2: memref<10008x128xf32, #tpu.memory_space<hbm>>, %arg3: memref<10008x128xf32, #tpu.memory_space<hbm>>, %arg4: memref<2x16x80x128xi32, #tpu.memory_space<hbm>>, %arg5: memref<2x16x80x128xi32, #tpu.memory_space<hbm>>, %arg6: memref<1000x128xf32, #tpu.memory_space<hbm>>, %arg7: memref<2x10000x128xf32, #tpu.memory_space<hbm>>, %arg8: memref<2x8x128xi32, #tpu.memory_space<vmem>>, %arg9: memref<2x8x128xi32, #tpu.memory_space<vmem>>, %arg10: memref<128x128xf32, #tpu.memory_space<vmem>>, %arg11: memref<128x128xf32, #tpu.memory_space<vmem>>, %arg12: memref<10000x128xf32, #tpu.memory_space<vmem_shared>>, %arg13: memref<!tpu.dma_semaphore, #tpu.memory_space<semaphore_mem>>, %arg14: memref<!tpu.dma_semaphore, #tpu.memory_space<semaphore_mem>>, %arg15: memref<!tpu.dma_semaphore, #tpu.memory_space<semaphore_mem>>) attributes {dimension_semantics = [#tpu.dimension_semantics<core_parallel>, #tpu.dimension_semantics<subcore_parallel>], iteration_bounds = array<i64: 2, 16>, scalar_prefetch = 0 : i64, scratch_operands = 8 : i64, tpu.core_type = #tpu.core_type<sc_vector_subcore>, window_params = [{transform_indices = #map}, {transform_indices = #map}, {transform_indices = #map1}, {transform_indices = #map1}, {transform_indices = #map}, {transform_indices = #map2}]} {
    %run_scoped3A = arith.constant 0 : i32
    "tpu.region"() ({
      %run_scoped3A_45 = tpu.sem_alloc : memref<!tpu.dma_semaphore, #tpu.memory_space<semaphore_mem>>
      %dma_start3A_46 = arith.constant 0 : i32
      %dma_start3A_47 = arith.constant 0 : i32
      %dma_start3A_48 = tpu.memref_slice %arg8[%run_scoped3A, %dma_start3A_46, %dma_start3A_47] : memref<2x8x128xi32, #tpu.memory_space<vmem>> -> memref<1x8x128xi32, #tpu.memory_space<vmem>>
      %dma_start3A_49 = tpu.memref_squeeze %dma_start3A_48 : memref<1x8x128xi32, #tpu.memory_space<vmem>> -> memref<8x128xi32, #tpu.memory_space<vmem>>
      %dma_start3A_50 = arith.constant 0 : i32
      %dma_start3A_51 = arith.constant 0 : i32
      %dma_start3A_52 = tpu.memref_slice %arg4[%arg0, %arg1, %dma_start3A_50, %dma_start3A_51] : memref<2x16x80x128xi32, #tpu.memory_space<hbm>> -> memref<1x1x8x128xi32, #tpu.memory_space<hbm>>
      %dma_start3A_53 = tpu.memref_squeeze %dma_start3A_52 : memref<1x1x8x128xi32, #tpu.memory_space<hbm>> -> memref<8x128xi32, #tpu.memory_space<hbm>>
      %dma_start3A_54 = arith.constant 0 : i32
      %dma_start3A_55 = arith.constant 0 : i32
      %dma_start3A_56 = tpu.memref_slice %arg8[%run_scoped3A, %dma_start3A_54, %dma_start3A_55] : memref<2x8x128xi32, #tpu.memory_space<vmem>> -> memref<1x8x128xi32, #tpu.memory_space<vmem>>
      %dma_start3A_57 = tpu.memref_squeeze %dma_start3A_56 : memref<1x8x128xi32, #tpu.memory_space<vmem>> -> memref<8x128xi32, #tpu.memory_space<vmem>>
      %dma_start3A_58 = arith.constant 0 : i32
      %dma_start3A_59 = arith.constant 0 : i32
      %dma_start3A_60 = tpu.memref_slice %arg4[%arg0, %arg1, %dma_start3A_58, %dma_start3A_59] : memref<2x16x80x128xi32, #tpu.memory_space<hbm>> -> memref<1x1x8x128xi32, #tpu.memory_space<hbm>>
      %dma_start3A_61 = tpu.memref_squeeze %dma_start3A_60 : memref<1x1x8x128xi32, #tpu.memory_space<hbm>> -> memref<8x128xi32, #tpu.memory_space<hbm>>
      tpu.enqueue_dma source(%dma_start3A_61 : memref<8x128xi32, #tpu.memory_space<hbm>>) target(%dma_start3A_57 : memref<8x128xi32, #tpu.memory_space<vmem>>) target_semaphore(%run_scoped3A_45 : memref<!tpu.dma_semaphore, #tpu.memory_space<semaphore_mem>>)
      %dma_wait3A = arith.constant 0 : i32
      %dma_wait3A_62 = arith.constant 0 : i32
      %dma_wait3A_63 = tpu.memref_slice %arg8[%run_scoped3A, %dma_wait3A, %dma_wait3A_62] : memref<2x8x128xi32, #tpu.memory_space<vmem>> -> memref<1x8x128xi32, #tpu.memory_space<vmem>>
      %dma_wait3A_64 = tpu.memref_squeeze %dma_wait3A_63 : memref<1x8x128xi32, #tpu.memory_space<vmem>> -> memref<8x128xi32, #tpu.memory_space<vmem>>
      %dma_wait3A_65 = arith.constant 0 : i32
      %dma_wait3A_66 = arith.constant 0 : i32
      %dma_wait3A_67 = tpu.memref_slice %arg4[%arg0, %arg1, %dma_wait3A_65, %dma_wait3A_66] : memref<2x16x80x128xi32, #tpu.memory_space<hbm>> -> memref<1x1x8x128xi32, #tpu.memory_space<hbm>>
      %dma_wait3A_68 = tpu.memref_squeeze %dma_wait3A_67 : memref<1x1x8x128xi32, #tpu.memory_space<hbm>> -> memref<8x128xi32, #tpu.memory_space<hbm>>
      %dma_wait3A_69 = arith.constant 0 : i32
      %dma_wait3A_70 = arith.constant 0 : i32
      %dma_wait3A_71 = tpu.memref_slice %arg8[%run_scoped3A, %dma_wait3A_69, %dma_wait3A_70] : memref<2x8x128xi32, #tpu.memory_space<vmem>> -> memref<1x8x128xi32, #tpu.memory_space<vmem>>
      %dma_wait3A_72 = tpu.memref_squeeze %dma_wait3A_71 : memref<1x8x128xi32, #tpu.memory_space<vmem>> -> memref<8x128xi32, #tpu.memory_space<vmem>>
      %dma_wait3A_73 = arith.constant 0 : i32
      %dma_wait3A_74 = arith.constant 0 : i32
      %dma_wait3A_75 = tpu.memref_slice %arg4[%arg0, %arg1, %dma_wait3A_73, %dma_wait3A_74] : memref<2x16x80x128xi32, #tpu.memory_space<hbm>> -> memref<1x1x8x128xi32, #tpu.memory_space<hbm>>
      %dma_wait3A_76 = tpu.memref_squeeze %dma_wait3A_75 : memref<1x1x8x128xi32, #tpu.memory_space<hbm>> -> memref<8x128xi32, #tpu.memory_space<hbm>>
      tpu.wait_dma2 semaphore(%run_scoped3A_45 : memref<!tpu.dma_semaphore, #tpu.memory_space<semaphore_mem>>) src(%dma_wait3A_76 : memref<8x128xi32, #tpu.memory_space<hbm>>) dst(%dma_wait3A_72 : memref<8x128xi32, #tpu.memory_space<vmem>>)
      tpu.yield
    }) : () -> ()
    %run_scoped3A_0 = arith.constant 0 : i32
    "tpu.region"() ({
      %run_scoped3A_45 = tpu.sem_alloc : memref<!tpu.dma_semaphore, #tpu.memory_space<semaphore_mem>>
      %dma_start3A_46 = arith.constant 0 : i32
      %dma_start3A_47 = arith.constant 0 : i32
      %dma_start3A_48 = tpu.memref_slice %arg9[%run_scoped3A_0, %dma_start3A_46, %dma_start3A_47] : memref<2x8x128xi32, #tpu.memory_space<vmem>> -> memref<1x8x128xi32, #tpu.memory_space<vmem>>
      %dma_start3A_49 = tpu.memref_squeeze %dma_start3A_48 : memref<1x8x128xi32, #tpu.memory_space<vmem>> -> memref<8x128xi32, #tpu.memory_space<vmem>>
      %dma_start3A_50 = arith.constant 0 : i32
      %dma_start3A_51 = arith.constant 0 : i32
      %dma_start3A_52 = tpu.memref_slice %arg5[%arg0, %arg1, %dma_start3A_50, %dma_start3A_51] : memref<2x16x80x128xi32, #tpu.memory_space<hbm>> -> memref<1x1x8x128xi32, #tpu.memory_space<hbm>>
      %dma_start3A_53 = tpu.memref_squeeze %dma_start3A_52 : memref<1x1x8x128xi32, #tpu.memory_space<hbm>> -> memref<8x128xi32, #tpu.memory_space<hbm>>
      %dma_start3A_54 = arith.constant 0 : i32
      %dma_start3A_55 = arith.constant 0 : i32
      %dma_start3A_56 = tpu.memref_slice %arg9[%run_scoped3A_0, %dma_start3A_54, %dma_start3A_55] : memref<2x8x128xi32, #tpu.memory_space<vmem>> -> memref<1x8x128xi32, #tpu.memory_space<vmem>>
      %dma_start3A_57 = tpu.memref_squeeze %dma_start3A_56 : memref<1x8x128xi32, #tpu.memory_space<vmem>> -> memref<8x128xi32, #tpu.memory_space<vmem>>
      %dma_start3A_58 = arith.constant 0 : i32
      %dma_start3A_59 = arith.constant 0 : i32
      %dma_start3A_60 = tpu.memref_slice %arg5[%arg0, %arg1, %dma_start3A_58, %dma_start3A_59] : memref<2x16x80x128xi32, #tpu.memory_space<hbm>> -> memref<1x1x8x128xi32, #tpu.memory_space<hbm>>
      %dma_start3A_61 = tpu.memref_squeeze %dma_start3A_60 : memref<1x1x8x128xi32, #tpu.memory_space<hbm>> -> memref<8x128xi32, #tpu.memory_space<hbm>>
      tpu.enqueue_dma source(%dma_start3A_61 : memref<8x128xi32, #tpu.memory_space<hbm>>) target(%dma_start3A_57 : memref<8x128xi32, #tpu.memory_space<vmem>>) target_semaphore(%run_scoped3A_45 : memref<!tpu.dma_semaphore, #tpu.memory_space<semaphore_mem>>)
      %dma_wait3A = arith.constant 0 : i32
      %dma_wait3A_62 = arith.constant 0 : i32
      %dma_wait3A_63 = tpu.memref_slice %arg9[%run_scoped3A_0, %dma_wait3A, %dma_wait3A_62] : memref<2x8x128xi32, #tpu.memory_space<vmem>> -> memref<1x8x128xi32, #tpu.memory_space<vmem>>
      %dma_wait3A_64 = tpu.memref_squeeze %dma_wait3A_63 : memref<1x8x128xi32, #tpu.memory_space<vmem>> -> memref<8x128xi32, #tpu.memory_space<vmem>>
      %dma_wait3A_65 = arith.constant 0 : i32
      %dma_wait3A_66 = arith.constant 0 : i32
      %dma_wait3A_67 = tpu.memref_slice %arg5[%arg0, %arg1, %dma_wait3A_65, %dma_wait3A_66] : memref<2x16x80x128xi32, #tpu.memory_space<hbm>> -> memref<1x1x8x128xi32, #tpu.memory_space<hbm>>
      %dma_wait3A_68 = tpu.memref_squeeze %dma_wait3A_67 : memref<1x1x8x128xi32, #tpu.memory_space<hbm>> -> memref<8x128xi32, #tpu.memory_space<hbm>>
      %dma_wait3A_69 = arith.constant 0 : i32
      %dma_wait3A_70 = arith.constant 0 : i32
      %dma_wait3A_71 = tpu.memref_slice %arg9[%run_scoped3A_0, %dma_wait3A_69, %dma_wait3A_70] : memref<2x8x128xi32, #tpu.memory_space<vmem>> -> memref<1x8x128xi32, #tpu.memory_space<vmem>>
      %dma_wait3A_72 = tpu.memref_squeeze %dma_wait3A_71 : memref<1x8x128xi32, #tpu.memory_space<vmem>> -> memref<8x128xi32, #tpu.memory_space<vmem>>
      %dma_wait3A_73 = arith.constant 0 : i32
      %dma_wait3A_74 = arith.constant 0 : i32
      %dma_wait3A_75 = tpu.memref_slice %arg5[%arg0, %arg1, %dma_wait3A_73, %dma_wait3A_74] : memref<2x16x80x128xi32, #tpu.memory_space<hbm>> -> memref<1x1x8x128xi32, #tpu.memory_space<hbm>>
      %dma_wait3A_76 = tpu.memref_squeeze %dma_wait3A_75 : memref<1x1x8x128xi32, #tpu.memory_space<hbm>> -> memref<8x128xi32, #tpu.memory_space<hbm>>
      tpu.wait_dma2 semaphore(%run_scoped3A_45 : memref<!tpu.dma_semaphore, #tpu.memory_space<semaphore_mem>>) src(%dma_wait3A_76 : memref<8x128xi32, #tpu.memory_space<hbm>>) dst(%dma_wait3A_72 : memref<8x128xi32, #tpu.memory_space<vmem>>)
      tpu.yield
    }) : () -> ()
    %dma_start3A = arith.constant 1 : i32
    %dma_start3A_1 = arith.constant 0 : i32
    %dma_start3A_2 = arith.constant 0 : i32
    %dma_start3A_3 = tpu.memref_slice %arg8[%dma_start3A, %dma_start3A_1, %dma_start3A_2] : memref<2x8x128xi32, #tpu.memory_space<vmem>> -> memref<1x8x128xi32, #tpu.memory_space<vmem>>
    %dma_start3A_4 = tpu.memref_squeeze %dma_start3A_3 : memref<1x8x128xi32, #tpu.memory_space<vmem>> -> memref<8x128xi32, #tpu.memory_space<vmem>>
    %dma_start3A_5 = arith.constant 8 : i32
    %dma_start3A_6 = arith.constant 0 : i32
    %dma_start3A_7 = tpu.memref_slice %arg4[%arg0, %arg1, %dma_start3A_5, %dma_start3A_6] : memref<2x16x80x128xi32, #tpu.memory_space<hbm>> -> memref<1x1x8x128xi32, #tpu.memory_space<hbm>>
    %dma_start3A_8 = tpu.memref_squeeze %dma_start3A_7 : memref<1x1x8x128xi32, #tpu.memory_space<hbm>> -> memref<8x128xi32, #tpu.memory_space<hbm>>
    %dma_start3A_9 = arith.constant 0 : i32
    %dma_start3A_10 = arith.constant 0 : i32
    %dma_start3A_11 = tpu.memref_slice %arg8[%dma_start3A, %dma_start3A_9, %dma_start3A_10] : memref<2x8x128xi32, #tpu.memory_space<vmem>> -> memref<1x8x128xi32, #tpu.memory_space<vmem>>
    %dma_start3A_12 = tpu.memref_squeeze %dma_start3A_11 : memref<1x8x128xi32, #tpu.memory_space<vmem>> -> memref<8x128xi32, #tpu.memory_space<vmem>>
    %dma_start3A_13 = arith.constant 8 : i32
    %dma_start3A_14 = arith.constant 0 : i32
    %dma_start3A_15 = tpu.memref_slice %arg4[%arg0, %arg1, %dma_start3A_13, %dma_start3A_14] : memref<2x16x80x128xi32, #tpu.memory_space<hbm>> -> memref<1x1x8x128xi32, #tpu.memory_space<hbm>>
    %dma_start3A_16 = tpu.memref_squeeze %dma_start3A_15 : memref<1x1x8x128xi32, #tpu.memory_space<hbm>> -> memref<8x128xi32, #tpu.memory_space<hbm>>
    tpu.enqueue_dma source(%dma_start3A_16 : memref<8x128xi32, #tpu.memory_space<hbm>>) target(%dma_start3A_12 : memref<8x128xi32, #tpu.memory_space<vmem>>) target_semaphore(%arg13 : memref<!tpu.dma_semaphore, #tpu.memory_space<semaphore_mem>>)
    %dma_start3A_17 = arith.constant 1 : i32
    %dma_start3A_18 = arith.constant 0 : i32
    %dma_start3A_19 = arith.constant 0 : i32
    %dma_start3A_20 = tpu.memref_slice %arg9[%dma_start3A_17, %dma_start3A_18, %dma_start3A_19] : memref<2x8x128xi32, #tpu.memory_space<vmem>> -> memref<1x8x128xi32, #tpu.memory_space<vmem>>
    %dma_start3A_21 = tpu.memref_squeeze %dma_start3A_20 : memref<1x8x128xi32, #tpu.memory_space<vmem>> -> memref<8x128xi32, #tpu.memory_space<vmem>>
    %dma_start3A_22 = arith.constant 8 : i32
    %dma_start3A_23 = arith.constant 0 : i32
    %dma_start3A_24 = tpu.memref_slice %arg5[%arg0, %arg1, %dma_start3A_22, %dma_start3A_23] : memref<2x16x80x128xi32, #tpu.memory_space<hbm>> -> memref<1x1x8x128xi32, #tpu.memory_space<hbm>>
    %dma_start3A_25 = tpu.memref_squeeze %dma_start3A_24 : memref<1x1x8x128xi32, #tpu.memory_space<hbm>> -> memref<8x128xi32, #tpu.memory_space<hbm>>
    %dma_start3A_26 = arith.constant 0 : i32
    %dma_start3A_27 = arith.constant 0 : i32
    %dma_start3A_28 = tpu.memref_slice %arg9[%dma_start3A_17, %dma_start3A_26, %dma_start3A_27] : memref<2x8x128xi32, #tpu.memory_space<vmem>> -> memref<1x8x128xi32, #tpu.memory_space<vmem>>
    %dma_start3A_29 = tpu.memref_squeeze %dma_start3A_28 : memref<1x8x128xi32, #tpu.memory_space<vmem>> -> memref<8x128xi32, #tpu.memory_space<vmem>>
    %dma_start3A_30 = arith.constant 8 : i32
    %dma_start3A_31 = arith.constant 0 : i32
    %dma_start3A_32 = tpu.memref_slice %arg5[%arg0, %arg1, %dma_start3A_30, %dma_start3A_31] : memref<2x16x80x128xi32, #tpu.memory_space<hbm>> -> memref<1x1x8x128xi32, #tpu.memory_space<hbm>>
    %dma_start3A_33 = tpu.memref_squeeze %dma_start3A_32 : memref<1x1x8x128xi32, #tpu.memory_space<hbm>> -> memref<8x128xi32, #tpu.memory_space<hbm>>
    tpu.enqueue_dma source(%dma_start3A_33 : memref<8x128xi32, #tpu.memory_space<hbm>>) target(%dma_start3A_29 : memref<8x128xi32, #tpu.memory_space<vmem>>) target_semaphore(%arg13 : memref<!tpu.dma_semaphore, #tpu.memory_space<semaphore_mem>>)
    %eq3A = arith.constant 0 : i32
    %eq3A_34 = arith.cmpi eq, %arg0, %eq3A : i32
    %convert_element_type3A = arith.extui %eq3A_34 : i1 to i32
    %cond3A = arith.constant 0 : i32
    %cond3A_35 = arith.cmpi ne, %convert_element_type3A, %cond3A : i32
    scf.if %cond3A_35 {
      %dma_start3A_45 = arith.constant 0 : i32
      %dma_start3A_46 = arith.constant 0 : i32
      %dma_start3A_47 = arith.constant 0 : i32
      %dma_start3A_48 = arith.constant 0 : i32
      %dma_start3A_49 = tpu.memref_slice %arg10[%dma_start3A_47, %dma_start3A_48] : memref<128x128xf32, #tpu.memory_space<vmem>> -> memref<64x128xf32, #tpu.memory_space<vmem>>
      %dma_start3A_50 = arith.constant 0 : i32
      %dma_start3A_51 = tpu.memref_slice %arg8[%dma_start3A_45, %dma_start3A_46, %dma_start3A_50] : memref<2x8x128xi32, #tpu.memory_space<vmem>> -> memref<1x1x64xi32, #tpu.memory_space<vmem>>
      %dma_start3A_52 = tpu.memref_squeeze %dma_start3A_51 : memref<1x1x64xi32, #tpu.memory_space<vmem>> -> memref<64xi32, #tpu.memory_space<vmem>>
      %dma_start3A_53 = arith.constant 0 : i32
      %dma_start3A_54 = arith.constant 0 : i32
      %dma_start3A_55 = tpu.memref_slice %arg2[%dma_start3A_53, %dma_start3A_54] : memref<10008x128xf32, #tpu.memory_space<hbm>> -> memref<10008x128xf32, #tpu.memory_space<hbm>>
      tpu.enqueue_indirect_dma source(%dma_start3A_55 : memref<10008x128xf32, #tpu.memory_space<hbm>>) target(%dma_start3A_49 : memref<64x128xf32, #tpu.memory_space<vmem>>) offsets(%dma_start3A_52 : memref<64xi32, #tpu.memory_space<vmem>>) semaphore(%arg14 : memref<!tpu.dma_semaphore, #tpu.memory_space<semaphore_mem>>)
      %dma_start3A_56 = arith.constant 0 : i32
      %dma_start3A_57 = arith.constant 0 : i32
      %dma_start3A_58 = arith.constant 64 : i32
      %dma_start3A_59 = arith.constant 0 : i32
      %dma_start3A_60 = tpu.memref_slice %arg10[%dma_start3A_58, %dma_start3A_59] : memref<128x128xf32, #tpu.memory_space<vmem>> -> memref<64x128xf32, #tpu.memory_space<vmem>>
      %dma_start3A_61 = arith.constant 64 : i32
      %dma_start3A_62 = tpu.memref_slice %arg8[%dma_start3A_56, %dma_start3A_57, %dma_start3A_61] : memref<2x8x128xi32, #tpu.memory_space<vmem>> -> memref<1x1x64xi32, #tpu.memory_space<vmem>>
      %dma_start3A_63 = tpu.memref_squeeze %dma_start3A_62 : memref<1x1x64xi32, #tpu.memory_space<vmem>> -> memref<64xi32, #tpu.memory_space<vmem>>
      %dma_start3A_64 = arith.constant 0 : i32
      %dma_start3A_65 = arith.constant 0 : i32
      %dma_start3A_66 = tpu.memref_slice %arg2[%dma_start3A_64, %dma_start3A_65] : memref<10008x128xf32, #tpu.memory_space<hbm>> -> memref<10008x128xf32, #tpu.memory_space<hbm>>
      tpu.enqueue_indirect_dma source(%dma_start3A_66 : memref<10008x128xf32, #tpu.memory_space<hbm>>) target(%dma_start3A_60 : memref<64x128xf32, #tpu.memory_space<vmem>>) offsets(%dma_start3A_63 : memref<64xi32, #tpu.memory_space<vmem>>) semaphore(%arg14 : memref<!tpu.dma_semaphore, #tpu.memory_space<semaphore_mem>>)
      %dma_start3A_67 = arith.constant 0 : i32
      %dma_start3A_68 = arith.constant 1 : i32
      %dma_start3A_69 = arith.constant 0 : i32
      %dma_start3A_70 = arith.constant 0 : i32
      %dma_start3A_71 = tpu.memref_slice %arg11[%dma_start3A_69, %dma_start3A_70] : memref<128x128xf32, #tpu.memory_space<vmem>> -> memref<64x128xf32, #tpu.memory_space<vmem>>
      %dma_start3A_72 = arith.constant 0 : i32
      %dma_start3A_73 = tpu.memref_slice %arg8[%dma_start3A_67, %dma_start3A_68, %dma_start3A_72] : memref<2x8x128xi32, #tpu.memory_space<vmem>> -> memref<1x1x64xi32, #tpu.memory_space<vmem>>
      %dma_start3A_74 = tpu.memref_squeeze %dma_start3A_73 : memref<1x1x64xi32, #tpu.memory_space<vmem>> -> memref<64xi32, #tpu.memory_space<vmem>>
      %dma_start3A_75 = arith.constant 0 : i32
      %dma_start3A_76 = arith.constant 0 : i32
      %dma_start3A_77 = tpu.memref_slice %arg2[%dma_start3A_75, %dma_start3A_76] : memref<10008x128xf32, #tpu.memory_space<hbm>> -> memref<10008x128xf32, #tpu.memory_space<hbm>>
      tpu.enqueue_indirect_dma source(%dma_start3A_77 : memref<10008x128xf32, #tpu.memory_space<hbm>>) target(%dma_start3A_71 : memref<64x128xf32, #tpu.memory_space<vmem>>) offsets(%dma_start3A_74 : memref<64xi32, #tpu.memory_space<vmem>>) semaphore(%arg15 : memref<!tpu.dma_semaphore, #tpu.memory_space<semaphore_mem>>)
      %dma_start3A_78 = arith.constant 0 : i32
      %dma_start3A_79 = arith.constant 1 : i32
      %dma_start3A_80 = arith.constant 64 : i32
      %dma_start3A_81 = arith.constant 0 : i32
      %dma_start3A_82 = tpu.memref_slice %arg11[%dma_start3A_80, %dma_start3A_81] : memref<128x128xf32, #tpu.memory_space<vmem>> -> memref<64x128xf32, #tpu.memory_space<vmem>>
      %dma_start3A_83 = arith.constant 64 : i32
      %dma_start3A_84 = tpu.memref_slice %arg8[%dma_start3A_78, %dma_start3A_79, %dma_start3A_83] : memref<2x8x128xi32, #tpu.memory_space<vmem>> -> memref<1x1x64xi32, #tpu.memory_space<vmem>>
      %dma_start3A_85 = tpu.memref_squeeze %dma_start3A_84 : memref<1x1x64xi32, #tpu.memory_space<vmem>> -> memref<64xi32, #tpu.memory_space<vmem>>
      %dma_start3A_86 = arith.constant 0 : i32
      %dma_start3A_87 = arith.constant 0 : i32
      %dma_start3A_88 = tpu.memref_slice %arg2[%dma_start3A_86, %dma_start3A_87] : memref<10008x128xf32, #tpu.memory_space<hbm>> -> memref<10008x128xf32, #tpu.memory_space<hbm>>
      tpu.enqueue_indirect_dma source(%dma_start3A_88 : memref<10008x128xf32, #tpu.memory_space<hbm>>) target(%dma_start3A_82 : memref<64x128xf32, #tpu.memory_space<vmem>>) offsets(%dma_start3A_85 : memref<64xi32, #tpu.memory_space<vmem>>) semaphore(%arg15 : memref<!tpu.dma_semaphore, #tpu.memory_space<semaphore_mem>>)
      %lt3A_89 = arith.constant 10 : i32
      %lt3A_90 = arith.cmpi slt, %arg1, %lt3A_89 : i32
      %convert_element_type3A_91 = arith.extui %lt3A_90 : i1 to i32
      %cond3A_92 = arith.constant 0 : i32
      %cond3A_93 = arith.cmpi ne, %convert_element_type3A_91, %cond3A_92 : i32
      scf.if %cond3A_93 {
        %mul3A = arith.constant 1000 : i32
        %mul3A_100 = arith.muli %arg1, %mul3A : i32
        "tpu.region"() ({
          %run_scoped3A_101 = tpu.sem_alloc : memref<!tpu.dma_semaphore, #tpu.memory_space<semaphore_mem>>
          %dma_start3A_102 = arith.constant 0 : i32
          %dma_start3A_103 = tpu.memref_slice %arg12[%mul3A_100, %dma_start3A_102] : memref<10000x128xf32, #tpu.memory_space<vmem_shared>> -> memref<1000x128xf32, #tpu.memory_space<vmem_shared>>
          tpu.enqueue_dma source(%arg6 : memref<1000x128xf32, #tpu.memory_space<hbm>>) target(%dma_start3A_103 : memref<1000x128xf32, #tpu.memory_space<vmem_shared>>) target_semaphore(%run_scoped3A_101 : memref<!tpu.dma_semaphore, #tpu.memory_space<semaphore_mem>>)
          %dma_wait3A = arith.constant 0 : i32
          %dma_wait3A_104 = tpu.memref_slice %arg12[%mul3A_100, %dma_wait3A] : memref<10000x128xf32, #tpu.memory_space<vmem_shared>> -> memref<1000x128xf32, #tpu.memory_space<vmem_shared>>
          tpu.wait_dma2 semaphore(%run_scoped3A_101 : memref<!tpu.dma_semaphore, #tpu.memory_space<semaphore_mem>>) src(%arg6 : memref<1000x128xf32, #tpu.memory_space<hbm>>) dst(%dma_wait3A_104 : memref<1000x128xf32, #tpu.memory_space<vmem_shared>>)
          tpu.yield
        }) : () -> ()
      } else {
      }
      %barrier3A_94 = arith.constant 0 : index
      tpu.barrier barrier_id(%barrier3A_94)
      %scan3A = arith.constant 0 : i32
      %scan3A_95 = arith.constant 0 : i32
      %scan3A_96 = arith.constant 40 : i32
      %scan3A_97 = arith.addi %scan3A_95, %scan3A_96 : i32
      %scan3A_98 = arith.constant 1 : i32
      scf.for %scan3A_100 = %scan3A_95 to %scan3A_97 step %scan3A_98  : i32 {
        %mul3A = arith.constant 2 : i32
        %mul3A_101 = arith.muli %scan3A_100, %mul3A : i32
        %jit3A = arith.constant 8 : i32
        %div3A = arith.divsi %mul3A_101, %jit3A : i32
        %sign3A = arith.constant 0 : i32
        %sign3A_102 = arith.cmpi sgt, %mul3A_101, %sign3A : i32
        %sign3A_103 = arith.extui %sign3A_102 : i1 to i32
        %sign3A_104 = arith.constant 0 : i32
        %sign3A_105 = arith.cmpi slt, %mul3A_101, %sign3A_104 : i32
        %sign3A_106 = arith.extui %sign3A_105 : i1 to i32
        %sign3A_107 = arith.subi %sign3A_103, %sign3A_106 : i32
        %sign3A_108 = arith.constant 0 : i32
        %sign3A_109 = arith.cmpi sgt, %jit3A, %sign3A_108 : i32
        %sign3A_110 = arith.extui %sign3A_109 : i1 to i32
        %sign3A_111 = arith.constant 0 : i32
        %sign3A_112 = arith.cmpi slt, %jit3A, %sign3A_111 : i32
        %sign3A_113 = arith.extui %sign3A_112 : i1 to i32
        %sign3A_114 = arith.subi %sign3A_110, %sign3A_113 : i32
        %ne3A = arith.cmpi ne, %sign3A_107, %sign3A_114 : i32
        %rem3A = arith.remsi %mul3A_101, %jit3A : i32
        %ne3A_115 = arith.constant 0 : i32
        %ne3A_116 = arith.cmpi ne, %rem3A, %ne3A_115 : i32
        %and3A = arith.andi %ne3A, %ne3A_116 : i1
        %sub3A = arith.constant 1 : i32
        %sub3A_117 = arith.subi %div3A, %sub3A : i32
        %select_n3A = arith.select %and3A, %sub3A_117, %div3A : i32
        %jit3A_118 = arith.constant 8 : i32
        %eq3A_119 = arith.constant 0 : i32
        %eq3A_120 = arith.cmpi eq, %jit3A_118, %eq3A_119 : i32
        %jit3A_121 = arith.constant 1 : i32
        %select_n3A_122 = arith.select %eq3A_120, %jit3A_121, %jit3A_118 : i32
        %rem3A_123 = arith.remsi %mul3A_101, %select_n3A_122 : i32
        %ne3A_124 = arith.constant 0 : i32
        %ne3A_125 = arith.cmpi ne, %rem3A_123, %ne3A_124 : i32
        %lt3A_126 = arith.constant 0 : i32
        %lt3A_127 = arith.cmpi slt, %rem3A_123, %lt3A_126 : i32
        %lt3A_128 = arith.constant 0 : i32
        %lt3A_129 = arith.cmpi slt, %select_n3A_122, %lt3A_128 : i32
        %ne3A_130 = arith.xori %lt3A_127, %lt3A_129 : i1
        %and3A_131 = arith.andi %ne3A_130, %ne3A_125 : i1
        %add3A = arith.addi %rem3A_123, %select_n3A_122 : i32
        %select_n3A_132 = arith.select %and3A_131, %add3A, %rem3A_123 : i32
        %jit3A_133 = arith.constant 2 : i32
        %eq3A_134 = arith.constant 0 : i32
        %eq3A_135 = arith.cmpi eq, %jit3A_133, %eq3A_134 : i32
        %jit3A_136 = arith.constant 1 : i32
        %select_n3A_137 = arith.select %eq3A_135, %jit3A_136, %jit3A_133 : i32
        %rem3A_138 = arith.remsi %select_n3A, %select_n3A_137 : i32
        %ne3A_139 = arith.constant 0 : i32
        %ne3A_140 = arith.cmpi ne, %rem3A_138, %ne3A_139 : i32
        %lt3A_141 = arith.constant 0 : i32
        %lt3A_142 = arith.cmpi slt, %rem3A_138, %lt3A_141 : i32
        %lt3A_143 = arith.constant 0 : i32
        %lt3A_144 = arith.cmpi slt, %select_n3A_137, %lt3A_143 : i32
        %ne3A_145 = arith.xori %lt3A_142, %lt3A_144 : i1
        %and3A_146 = arith.andi %ne3A_145, %ne3A_140 : i1
        %add3A_147 = arith.addi %rem3A_138, %select_n3A_137 : i32
        %select_n3A_148 = arith.select %and3A_146, %add3A_147, %rem3A_138 : i32
        %jit3A_149 = arith.constant 8 : i32
        %div3A_150 = arith.divsi %mul3A_101, %jit3A_149 : i32
        %sign3A_151 = arith.constant 0 : i32
        %sign3A_152 = arith.cmpi sgt, %mul3A_101, %sign3A_151 : i32
        %sign3A_153 = arith.extui %sign3A_152 : i1 to i32
        %sign3A_154 = arith.constant 0 : i32
        %sign3A_155 = arith.cmpi slt, %mul3A_101, %sign3A_154 : i32
        %sign3A_156 = arith.extui %sign3A_155 : i1 to i32
        %sign3A_157 = arith.subi %sign3A_153, %sign3A_156 : i32
        %sign3A_158 = arith.constant 0 : i32
        %sign3A_159 = arith.cmpi sgt, %jit3A_149, %sign3A_158 : i32
        %sign3A_160 = arith.extui %sign3A_159 : i1 to i32
        %sign3A_161 = arith.constant 0 : i32
        %sign3A_162 = arith.cmpi slt, %jit3A_149, %sign3A_161 : i32
        %sign3A_163 = arith.extui %sign3A_162 : i1 to i32
        %sign3A_164 = arith.subi %sign3A_160, %sign3A_163 : i32
        %ne3A_165 = arith.cmpi ne, %sign3A_157, %sign3A_164 : i32
        %rem3A_166 = arith.remsi %mul3A_101, %jit3A_149 : i32
        %ne3A_167 = arith.constant 0 : i32
        %ne3A_168 = arith.cmpi ne, %rem3A_166, %ne3A_167 : i32
        %and3A_169 = arith.andi %ne3A_165, %ne3A_168 : i1
        %sub3A_170 = arith.constant 1 : i32
        %sub3A_171 = arith.subi %div3A_150, %sub3A_170 : i32
        %select_n3A_172 = arith.select %and3A_169, %sub3A_171, %div3A_150 : i32
        %jit3A_173 = arith.constant 8 : i32
        %eq3A_174 = arith.constant 0 : i32
        %eq3A_175 = arith.cmpi eq, %jit3A_173, %eq3A_174 : i32
        %jit3A_176 = arith.constant 1 : i32
        %select_n3A_177 = arith.select %eq3A_175, %jit3A_176, %jit3A_173 : i32
        %rem3A_178 = arith.remsi %mul3A_101, %select_n3A_177 : i32
        %ne3A_179 = arith.constant 0 : i32
        %ne3A_180 = arith.cmpi ne, %rem3A_178, %ne3A_179 : i32
        %lt3A_181 = arith.constant 0 : i32
        %lt3A_182 = arith.cmpi slt, %rem3A_178, %lt3A_181 : i32
        %lt3A_183 = arith.constant 0 : i32
        %lt3A_184 = arith.cmpi slt, %select_n3A_177, %lt3A_183 : i32
        %ne3A_185 = arith.xori %lt3A_182, %lt3A_184 : i1
        %and3A_186 = arith.andi %ne3A_185, %ne3A_180 : i1
        %add3A_187 = arith.addi %rem3A_178, %select_n3A_177 : i32
        %select_n3A_188 = arith.select %and3A_186, %add3A_187, %rem3A_178 : i32
        %jit3A_189 = arith.constant 2 : i32
        %eq3A_190 = arith.constant 0 : i32
        %eq3A_191 = arith.cmpi eq, %jit3A_189, %eq3A_190 : i32
        %jit3A_192 = arith.constant 1 : i32
        %select_n3A_193 = arith.select %eq3A_191, %jit3A_192, %jit3A_189 : i32
        %rem3A_194 = arith.remsi %select_n3A_172, %select_n3A_193 : i32
        %ne3A_195 = arith.constant 0 : i32
        %ne3A_196 = arith.cmpi ne, %rem3A_194, %ne3A_195 : i32
        %lt3A_197 = arith.constant 0 : i32
        %lt3A_198 = arith.cmpi slt, %rem3A_194, %lt3A_197 : i32
        %lt3A_199 = arith.constant 0 : i32
        %lt3A_200 = arith.cmpi slt, %select_n3A_193, %lt3A_199 : i32
        %ne3A_201 = arith.xori %lt3A_198, %lt3A_200 : i1
        %and3A_202 = arith.andi %ne3A_201, %ne3A_196 : i1
        %add3A_203 = arith.addi %rem3A_194, %select_n3A_193 : i32
        %select_n3A_204 = arith.select %and3A_202, %add3A_203, %rem3A_194 : i32
        %dma_wait3A = arith.constant 0 : i32
        %dma_wait3A_205 = arith.constant 0 : i32
        %dma_wait3A_206 = tpu.memref_slice %arg10[%dma_wait3A, %dma_wait3A_205] : memref<128x128xf32, #tpu.memory_space<vmem>> -> memref<64x128xf32, #tpu.memory_space<vmem>>
        %dma_wait3A_207 = arith.constant 0 : i32
        %dma_wait3A_208 = tpu.memref_slice %arg8[%select_n3A_204, %select_n3A_188, %dma_wait3A_207] : memref<2x8x128xi32, #tpu.memory_space<vmem>> -> memref<1x1x64xi32, #tpu.memory_space<vmem>>
        %dma_wait3A_209 = tpu.memref_squeeze %dma_wait3A_208 : memref<1x1x64xi32, #tpu.memory_space<vmem>> -> memref<64xi32, #tpu.memory_space<vmem>>
        %dma_wait3A_210 = arith.constant 0 : i32
        %dma_wait3A_211 = arith.constant 0 : i32
        %dma_wait3A_212 = tpu.memref_slice %arg2[%dma_wait3A_210, %dma_wait3A_211] : memref<10008x128xf32, #tpu.memory_space<hbm>> -> memref<10008x128xf32, #tpu.memory_space<hbm>>
        tpu.wait_indirect_dma semaphore(%arg14 : memref<!tpu.dma_semaphore, #tpu.memory_space<semaphore_mem>>) src(%dma_wait3A_212 : memref<10008x128xf32, #tpu.memory_space<hbm>>) dst(%dma_wait3A_206 : memref<64x128xf32, #tpu.memory_space<vmem>>)
        %dma_wait3A_213 = arith.constant 64 : i32
        %dma_wait3A_214 = arith.constant 0 : i32
        %dma_wait3A_215 = tpu.memref_slice %arg10[%dma_wait3A_213, %dma_wait3A_214] : memref<128x128xf32, #tpu.memory_space<vmem>> -> memref<64x128xf32, #tpu.memory_space<vmem>>
        %dma_wait3A_216 = arith.constant 64 : i32
        %dma_wait3A_217 = tpu.memref_slice %arg8[%select_n3A_204, %select_n3A_188, %dma_wait3A_216] : memref<2x8x128xi32, #tpu.memory_space<vmem>> -> memref<1x1x64xi32, #tpu.memory_space<vmem>>
        %dma_wait3A_218 = tpu.memref_squeeze %dma_wait3A_217 : memref<1x1x64xi32, #tpu.memory_space<vmem>> -> memref<64xi32, #tpu.memory_space<vmem>>
        %dma_wait3A_219 = arith.constant 0 : i32
        %dma_wait3A_220 = arith.constant 0 : i32
        %dma_wait3A_221 = tpu.memref_slice %arg2[%dma_wait3A_219, %dma_wait3A_220] : memref<10008x128xf32, #tpu.memory_space<hbm>> -> memref<10008x128xf32, #tpu.memory_space<hbm>>
        tpu.wait_indirect_dma semaphore(%arg14 : memref<!tpu.dma_semaphore, #tpu.memory_space<semaphore_mem>>) src(%dma_wait3A_221 : memref<10008x128xf32, #tpu.memory_space<hbm>>) dst(%dma_wait3A_215 : memref<64x128xf32, #tpu.memory_space<vmem>>)
        "tpu.region"() ({
          %run_scoped3A_408 = tpu.sem_alloc : memref<!tpu.dma_semaphore, #tpu.memory_space<semaphore_mem>>
          %dma_start3A_409 = arith.constant 0 : i32
          %dma_start3A_410 = tpu.memref_slice %arg9[%select_n3A_148, %select_n3A_132, %dma_start3A_409] : memref<2x8x128xi32, #tpu.memory_space<vmem>> -> memref<1x1x128xi32, #tpu.memory_space<vmem>>
          %dma_start3A_411 = tpu.memref_squeeze %dma_start3A_410 : memref<1x1x128xi32, #tpu.memory_space<vmem>> -> memref<128xi32, #tpu.memory_space<vmem>>
          %dma_start3A_412 = arith.constant 0 : i32
          %dma_start3A_413 = arith.constant 0 : i32
          %dma_start3A_414 = tpu.memref_slice %arg12[%dma_start3A_412, %dma_start3A_413] : memref<10000x128xf32, #tpu.memory_space<vmem_shared>> -> memref<10000x128xf32, #tpu.memory_space<vmem_shared>>
          tpu.enqueue_indirect_dma source(%arg10 : memref<128x128xf32, #tpu.memory_space<vmem>>) target(%dma_start3A_414 : memref<10000x128xf32, #tpu.memory_space<vmem_shared>>) offsets(%dma_start3A_411 : memref<128xi32, #tpu.memory_space<vmem>>) semaphore(%run_scoped3A_408 : memref<!tpu.dma_semaphore, #tpu.memory_space<semaphore_mem>>) {add = true}
          %dma_wait3A_415 = arith.constant 0 : i32
          %dma_wait3A_416 = tpu.memref_slice %arg9[%select_n3A_148, %select_n3A_132, %dma_wait3A_415] : memref<2x8x128xi32, #tpu.memory_space<vmem>> -> memref<1x1x128xi32, #tpu.memory_space<vmem>>
          %dma_wait3A_417 = tpu.memref_squeeze %dma_wait3A_416 : memref<1x1x128xi32, #tpu.memory_space<vmem>> -> memref<128xi32, #tpu.memory_space<vmem>>
          %dma_wait3A_418 = arith.constant 0 : i32
          %dma_wait3A_419 = arith.constant 0 : i32
          %dma_wait3A_420 = tpu.memref_slice %arg12[%dma_wait3A_418, %dma_wait3A_419] : memref<10000x128xf32, #tpu.memory_space<vmem_shared>> -> memref<10000x128xf32, #tpu.memory_space<vmem_shared>>
          tpu.wait_indirect_dma semaphore(%run_scoped3A_408 : memref<!tpu.dma_semaphore, #tpu.memory_space<semaphore_mem>>) src(%arg10 : memref<128x128xf32, #tpu.memory_space<vmem>>) dst(%dma_wait3A_420 : memref<10000x128xf32, #tpu.memory_space<vmem_shared>>)
          tpu.yield
        }) : () -> ()
        %eq3A_222 = arith.constant 6 : i32
        %eq3A_223 = arith.cmpi eq, %select_n3A_132, %eq3A_222 : i32
        %add3A_224 = arith.constant 1 : i32
        %add3A_225 = arith.addi %select_n3A, %add3A_224 : i32
        %lt3A_226 = arith.constant 10 : i32
        %lt3A_227 = arith.cmpi slt, %add3A_225, %lt3A_226 : i32
        %and3A_228 = arith.andi %eq3A_223, %lt3A_227 : i1
        %convert_element_type3A_229 = arith.extui %and3A_228 : i1 to i32
        %cond3A_230 = arith.constant 0 : i32
        %cond3A_231 = arith.cmpi ne, %convert_element_type3A_229, %cond3A_230 : i32
        scf.if %cond3A_231 {
          %sub3A_408 = arith.constant 1 : i32
          %sub3A_409 = arith.subi %sub3A_408, %select_n3A_148 : i32
          %dma_wait3A_410 = arith.constant 0 : i32
          %dma_wait3A_411 = arith.constant 0 : i32
          %dma_wait3A_412 = tpu.memref_slice %arg8[%sub3A_409, %dma_wait3A_410, %dma_wait3A_411] : memref<2x8x128xi32, #tpu.memory_space<vmem>> -> memref<1x8x128xi32, #tpu.memory_space<vmem>>
          %dma_wait3A_413 = tpu.memref_squeeze %dma_wait3A_412 : memref<1x8x128xi32, #tpu.memory_space<vmem>> -> memref<8x128xi32, #tpu.memory_space<vmem>>
          %dma_wait3A_414 = arith.constant 0 : i32
          %dma_wait3A_415 = arith.constant 0 : i32
          %dma_wait3A_416 = tpu.memref_slice %arg4[%arg0, %arg1, %dma_wait3A_414, %dma_wait3A_415] : memref<2x16x80x128xi32, #tpu.memory_space<hbm>> -> memref<1x1x8x128xi32, #tpu.memory_space<hbm>>
          %dma_wait3A_417 = tpu.memref_squeeze %dma_wait3A_416 : memref<1x1x8x128xi32, #tpu.memory_space<hbm>> -> memref<8x128xi32, #tpu.memory_space<hbm>>
          %dma_wait3A_418 = arith.constant 0 : i32
          %dma_wait3A_419 = arith.constant 0 : i32
          %dma_wait3A_420 = tpu.memref_slice %arg8[%sub3A_409, %dma_wait3A_418, %dma_wait3A_419] : memref<2x8x128xi32, #tpu.memory_space<vmem>> -> memref<1x8x128xi32, #tpu.memory_space<vmem>>
          %dma_wait3A_421 = tpu.memref_squeeze %dma_wait3A_420 : memref<1x8x128xi32, #tpu.memory_space<vmem>> -> memref<8x128xi32, #tpu.memory_space<vmem>>
          %dma_wait3A_422 = arith.constant 0 : i32
          %dma_wait3A_423 = arith.constant 0 : i32
          %dma_wait3A_424 = tpu.memref_slice %arg4[%arg0, %arg1, %dma_wait3A_422, %dma_wait3A_423] : memref<2x16x80x128xi32, #tpu.memory_space<hbm>> -> memref<1x1x8x128xi32, #tpu.memory_space<hbm>>
          %dma_wait3A_425 = tpu.memref_squeeze %dma_wait3A_424 : memref<1x1x8x128xi32, #tpu.memory_space<hbm>> -> memref<8x128xi32, #tpu.memory_space<hbm>>
          tpu.wait_dma2 semaphore(%arg13 : memref<!tpu.dma_semaphore, #tpu.memory_space<semaphore_mem>>) src(%dma_wait3A_425 : memref<8x128xi32, #tpu.memory_space<hbm>>) dst(%dma_wait3A_421 : memref<8x128xi32, #tpu.memory_space<vmem>>)
          %sub3A_426 = arith.constant 1 : i32
          %sub3A_427 = arith.subi %sub3A_426, %select_n3A_148 : i32
          %dma_wait3A_428 = arith.constant 0 : i32
          %dma_wait3A_429 = arith.constant 0 : i32
          %dma_wait3A_430 = tpu.memref_slice %arg9[%sub3A_427, %dma_wait3A_428, %dma_wait3A_429] : memref<2x8x128xi32, #tpu.memory_space<vmem>> -> memref<1x8x128xi32, #tpu.memory_space<vmem>>
          %dma_wait3A_431 = tpu.memref_squeeze %dma_wait3A_430 : memref<1x8x128xi32, #tpu.memory_space<vmem>> -> memref<8x128xi32, #tpu.memory_space<vmem>>
          %dma_wait3A_432 = arith.constant 0 : i32
          %dma_wait3A_433 = arith.constant 0 : i32
          %dma_wait3A_434 = tpu.memref_slice %arg5[%arg0, %arg1, %dma_wait3A_432, %dma_wait3A_433] : memref<2x16x80x128xi32, #tpu.memory_space<hbm>> -> memref<1x1x8x128xi32, #tpu.memory_space<hbm>>
          %dma_wait3A_435 = tpu.memref_squeeze %dma_wait3A_434 : memref<1x1x8x128xi32, #tpu.memory_space<hbm>> -> memref<8x128xi32, #tpu.memory_space<hbm>>
          %dma_wait3A_436 = arith.constant 0 : i32
          %dma_wait3A_437 = arith.constant 0 : i32
          %dma_wait3A_438 = tpu.memref_slice %arg9[%sub3A_427, %dma_wait3A_436, %dma_wait3A_437] : memref<2x8x128xi32, #tpu.memory_space<vmem>> -> memref<1x8x128xi32, #tpu.memory_space<vmem>>
          %dma_wait3A_439 = tpu.memref_squeeze %dma_wait3A_438 : memref<1x8x128xi32, #tpu.memory_space<vmem>> -> memref<8x128xi32, #tpu.memory_space<vmem>>
          %dma_wait3A_440 = arith.constant 0 : i32
          %dma_wait3A_441 = arith.constant 0 : i32
          %dma_wait3A_442 = tpu.memref_slice %arg5[%arg0, %arg1, %dma_wait3A_440, %dma_wait3A_441] : memref<2x16x80x128xi32, #tpu.memory_space<hbm>> -> memref<1x1x8x128xi32, #tpu.memory_space<hbm>>
          %dma_wait3A_443 = tpu.memref_squeeze %dma_wait3A_442 : memref<1x1x8x128xi32, #tpu.memory_space<hbm>> -> memref<8x128xi32, #tpu.memory_space<hbm>>
          tpu.wait_dma2 semaphore(%arg13 : memref<!tpu.dma_semaphore, #tpu.memory_space<semaphore_mem>>) src(%dma_wait3A_443 : memref<8x128xi32, #tpu.memory_space<hbm>>) dst(%dma_wait3A_439 : memref<8x128xi32, #tpu.memory_space<vmem>>)
        } else {
        }
        %add3A_232 = arith.constant 2 : i32
        %add3A_233 = arith.addi %mul3A_101, %add3A_232 : i32
        %lt3A_234 = arith.constant 80 : i32
        %lt3A_235 = arith.cmpi slt, %add3A_233, %lt3A_234 : i32
        %convert_element_type3A_236 = arith.extui %lt3A_235 : i1 to i32
        %cond3A_237 = arith.constant 0 : i32
        %cond3A_238 = arith.cmpi ne, %convert_element_type3A_236, %cond3A_237 : i32
        scf.if %cond3A_238 {
          %add3A_408 = arith.constant 2 : i32
          %add3A_409 = arith.addi %mul3A_101, %add3A_408 : i32
          %jit3A_410 = arith.constant 8 : i32
          %div3A_411 = arith.divsi %add3A_409, %jit3A_410 : i32
          %sign3A_412 = arith.constant 0 : i32
          %sign3A_413 = arith.cmpi sgt, %add3A_409, %sign3A_412 : i32
          %sign3A_414 = arith.extui %sign3A_413 : i1 to i32
          %sign3A_415 = arith.constant 0 : i32
          %sign3A_416 = arith.cmpi slt, %add3A_409, %sign3A_415 : i32
          %sign3A_417 = arith.extui %sign3A_416 : i1 to i32
          %sign3A_418 = arith.subi %sign3A_414, %sign3A_417 : i32
          %sign3A_419 = arith.constant 0 : i32
          %sign3A_420 = arith.cmpi sgt, %jit3A_410, %sign3A_419 : i32
          %sign3A_421 = arith.extui %sign3A_420 : i1 to i32
          %sign3A_422 = arith.constant 0 : i32
          %sign3A_423 = arith.cmpi slt, %jit3A_410, %sign3A_422 : i32
          %sign3A_424 = arith.extui %sign3A_423 : i1 to i32
          %sign3A_425 = arith.subi %sign3A_421, %sign3A_424 : i32
          %ne3A_426 = arith.cmpi ne, %sign3A_418, %sign3A_425 : i32
          %rem3A_427 = arith.remsi %add3A_409, %jit3A_410 : i32
          %ne3A_428 = arith.constant 0 : i32
          %ne3A_429 = arith.cmpi ne, %rem3A_427, %ne3A_428 : i32
          %and3A_430 = arith.andi %ne3A_426, %ne3A_429 : i1
          %sub3A_431 = arith.constant 1 : i32
          %sub3A_432 = arith.subi %div3A_411, %sub3A_431 : i32
          %select_n3A_433 = arith.select %and3A_430, %sub3A_432, %div3A_411 : i32
          %jit3A_434 = arith.constant 8 : i32
          %eq3A_435 = arith.constant 0 : i32
          %eq3A_436 = arith.cmpi eq, %jit3A_434, %eq3A_435 : i32
          %jit3A_437 = arith.constant 1 : i32
          %select_n3A_438 = arith.select %eq3A_436, %jit3A_437, %jit3A_434 : i32
          %rem3A_439 = arith.remsi %add3A_409, %select_n3A_438 : i32
          %ne3A_440 = arith.constant 0 : i32
          %ne3A_441 = arith.cmpi ne, %rem3A_439, %ne3A_440 : i32
          %lt3A_442 = arith.constant 0 : i32
          %lt3A_443 = arith.cmpi slt, %rem3A_439, %lt3A_442 : i32
          %lt3A_444 = arith.constant 0 : i32
          %lt3A_445 = arith.cmpi slt, %select_n3A_438, %lt3A_444 : i32
          %ne3A_446 = arith.xori %lt3A_443, %lt3A_445 : i1
          %and3A_447 = arith.andi %ne3A_446, %ne3A_441 : i1
          %add3A_448 = arith.addi %rem3A_439, %select_n3A_438 : i32
          %select_n3A_449 = arith.select %and3A_447, %add3A_448, %rem3A_439 : i32
          %jit3A_450 = arith.constant 2 : i32
          %eq3A_451 = arith.constant 0 : i32
          %eq3A_452 = arith.cmpi eq, %jit3A_450, %eq3A_451 : i32
          %jit3A_453 = arith.constant 1 : i32
          %select_n3A_454 = arith.select %eq3A_452, %jit3A_453, %jit3A_450 : i32
          %rem3A_455 = arith.remsi %select_n3A_433, %select_n3A_454 : i32
          %ne3A_456 = arith.constant 0 : i32
          %ne3A_457 = arith.cmpi ne, %rem3A_455, %ne3A_456 : i32
          %lt3A_458 = arith.constant 0 : i32
          %lt3A_459 = arith.cmpi slt, %rem3A_455, %lt3A_458 : i32
          %lt3A_460 = arith.constant 0 : i32
          %lt3A_461 = arith.cmpi slt, %select_n3A_454, %lt3A_460 : i32
          %ne3A_462 = arith.xori %lt3A_459, %lt3A_461 : i1
          %and3A_463 = arith.andi %ne3A_462, %ne3A_457 : i1
          %add3A_464 = arith.addi %rem3A_455, %select_n3A_454 : i32
          %select_n3A_465 = arith.select %and3A_463, %add3A_464, %rem3A_455 : i32
          %dma_start3A_466 = arith.constant 0 : i32
          %dma_start3A_467 = arith.constant 0 : i32
          %dma_start3A_468 = tpu.memref_slice %arg10[%dma_start3A_466, %dma_start3A_467] : memref<128x128xf32, #tpu.memory_space<vmem>> -> memref<64x128xf32, #tpu.memory_space<vmem>>
          %dma_start3A_469 = arith.constant 0 : i32
          %dma_start3A_470 = tpu.memref_slice %arg8[%select_n3A_465, %select_n3A_449, %dma_start3A_469] : memref<2x8x128xi32, #tpu.memory_space<vmem>> -> memref<1x1x64xi32, #tpu.memory_space<vmem>>
          %dma_start3A_471 = tpu.memref_squeeze %dma_start3A_470 : memref<1x1x64xi32, #tpu.memory_space<vmem>> -> memref<64xi32, #tpu.memory_space<vmem>>
          %dma_start3A_472 = arith.constant 0 : i32
          %dma_start3A_473 = arith.constant 0 : i32
          %dma_start3A_474 = tpu.memref_slice %arg2[%dma_start3A_472, %dma_start3A_473] : memref<10008x128xf32, #tpu.memory_space<hbm>> -> memref<10008x128xf32, #tpu.memory_space<hbm>>
          tpu.enqueue_indirect_dma source(%dma_start3A_474 : memref<10008x128xf32, #tpu.memory_space<hbm>>) target(%dma_start3A_468 : memref<64x128xf32, #tpu.memory_space<vmem>>) offsets(%dma_start3A_471 : memref<64xi32, #tpu.memory_space<vmem>>) semaphore(%arg14 : memref<!tpu.dma_semaphore, #tpu.memory_space<semaphore_mem>>)
          %dma_start3A_475 = arith.constant 64 : i32
          %dma_start3A_476 = arith.constant 0 : i32
          %dma_start3A_477 = tpu.memref_slice %arg10[%dma_start3A_475, %dma_start3A_476] : memref<128x128xf32, #tpu.memory_space<vmem>> -> memref<64x128xf32, #tpu.memory_space<vmem>>
          %dma_start3A_478 = arith.constant 64 : i32
          %dma_start3A_479 = tpu.memref_slice %arg8[%select_n3A_465, %select_n3A_449, %dma_start3A_478] : memref<2x8x128xi32, #tpu.memory_space<vmem>> -> memref<1x1x64xi32, #tpu.memory_space<vmem>>
          %dma_start3A_480 = tpu.memref_squeeze %dma_start3A_479 : memref<1x1x64xi32, #tpu.memory_space<vmem>> -> memref<64xi32, #tpu.memory_space<vmem>>
          %dma_start3A_481 = arith.constant 0 : i32
          %dma_start3A_482 = arith.constant 0 : i32
          %dma_start3A_483 = tpu.memref_slice %arg2[%dma_start3A_481, %dma_start3A_482] : memref<10008x128xf32, #tpu.memory_space<hbm>> -> memref<10008x128xf32, #tpu.memory_space<hbm>>
          tpu.enqueue_indirect_dma source(%dma_start3A_483 : memref<10008x128xf32, #tpu.memory_space<hbm>>) target(%dma_start3A_477 : memref<64x128xf32, #tpu.memory_space<vmem>>) offsets(%dma_start3A_480 : memref<64xi32, #tpu.memory_space<vmem>>) semaphore(%arg14 : memref<!tpu.dma_semaphore, #tpu.memory_space<semaphore_mem>>)
        } else {
        }
        %eq3A_239 = arith.constant 7 : i32
        %eq3A_240 = arith.cmpi eq, %select_n3A_132, %eq3A_239 : i32
        %add3A_241 = arith.constant 2 : i32
        %add3A_242 = arith.addi %select_n3A, %add3A_241 : i32
        %lt3A_243 = arith.constant 10 : i32
        %lt3A_244 = arith.cmpi slt, %add3A_242, %lt3A_243 : i32
        %and3A_245 = arith.andi %eq3A_240, %lt3A_244 : i1
        %convert_element_type3A_246 = arith.extui %and3A_245 : i1 to i32
        %cond3A_247 = arith.constant 0 : i32
        %cond3A_248 = arith.cmpi ne, %convert_element_type3A_246, %cond3A_247 : i32
        scf.if %cond3A_248 {
          %add3A_408 = arith.constant 2 : i32
          %add3A_409 = arith.addi %select_n3A, %add3A_408 : i32
          %mul3A_410 = arith.constant 8 : i32
          %mul3A_411 = arith.muli %add3A_409, %mul3A_410 : i32
          %dma_start3A_412 = arith.constant 0 : i32
          %dma_start3A_413 = arith.constant 0 : i32
          %dma_start3A_414 = tpu.memref_slice %arg8[%select_n3A_148, %dma_start3A_412, %dma_start3A_413] : memref<2x8x128xi32, #tpu.memory_space<vmem>> -> memref<1x8x128xi32, #tpu.memory_space<vmem>>
          %dma_start3A_415 = tpu.memref_squeeze %dma_start3A_414 : memref<1x8x128xi32, #tpu.memory_space<vmem>> -> memref<8x128xi32, #tpu.memory_space<vmem>>
          %dma_start3A_416 = arith.constant 0 : i32
          %dma_start3A_417 = tpu.memref_slice %arg4[%arg0, %arg1, %mul3A_411, %dma_start3A_416] : memref<2x16x80x128xi32, #tpu.memory_space<hbm>> -> memref<1x1x8x128xi32, #tpu.memory_space<hbm>>
          %dma_start3A_418 = tpu.memref_squeeze %dma_start3A_417 : memref<1x1x8x128xi32, #tpu.memory_space<hbm>> -> memref<8x128xi32, #tpu.memory_space<hbm>>
          %dma_start3A_419 = arith.constant 0 : i32
          %dma_start3A_420 = arith.constant 0 : i32
          %dma_start3A_421 = tpu.memref_slice %arg8[%select_n3A_148, %dma_start3A_419, %dma_start3A_420] : memref<2x8x128xi32, #tpu.memory_space<vmem>> -> memref<1x8x128xi32, #tpu.memory_space<vmem>>
          %dma_start3A_422 = tpu.memref_squeeze %dma_start3A_421 : memref<1x8x128xi32, #tpu.memory_space<vmem>> -> memref<8x128xi32, #tpu.memory_space<vmem>>
          %dma_start3A_423 = arith.constant 0 : i32
          %dma_start3A_424 = tpu.memref_slice %arg4[%arg0, %arg1, %mul3A_411, %dma_start3A_423] : memref<2x16x80x128xi32, #tpu.memory_space<hbm>> -> memref<1x1x8x128xi32, #tpu.memory_space<hbm>>
          %dma_start3A_425 = tpu.memref_squeeze %dma_start3A_424 : memref<1x1x8x128xi32, #tpu.memory_space<hbm>> -> memref<8x128xi32, #tpu.memory_space<hbm>>
          tpu.enqueue_dma source(%dma_start3A_425 : memref<8x128xi32, #tpu.memory_space<hbm>>) target(%dma_start3A_422 : memref<8x128xi32, #tpu.memory_space<vmem>>) target_semaphore(%arg13 : memref<!tpu.dma_semaphore, #tpu.memory_space<semaphore_mem>>)
          %add3A_426 = arith.constant 2 : i32
          %add3A_427 = arith.addi %select_n3A, %add3A_426 : i32
          %mul3A_428 = arith.constant 8 : i32
          %mul3A_429 = arith.muli %add3A_427, %mul3A_428 : i32
          %dma_start3A_430 = arith.constant 0 : i32
          %dma_start3A_431 = arith.constant 0 : i32
          %dma_start3A_432 = tpu.memref_slice %arg9[%select_n3A_148, %dma_start3A_430, %dma_start3A_431] : memref<2x8x128xi32, #tpu.memory_space<vmem>> -> memref<1x8x128xi32, #tpu.memory_space<vmem>>
          %dma_start3A_433 = tpu.memref_squeeze %dma_start3A_432 : memref<1x8x128xi32, #tpu.memory_space<vmem>> -> memref<8x128xi32, #tpu.memory_space<vmem>>
          %dma_start3A_434 = arith.constant 0 : i32
          %dma_start3A_435 = tpu.memref_slice %arg5[%arg0, %arg1, %mul3A_429, %dma_start3A_434] : memref<2x16x80x128xi32, #tpu.memory_space<hbm>> -> memref<1x1x8x128xi32, #tpu.memory_space<hbm>>
          %dma_start3A_436 = tpu.memref_squeeze %dma_start3A_435 : memref<1x1x8x128xi32, #tpu.memory_space<hbm>> -> memref<8x128xi32, #tpu.memory_space<hbm>>
          %dma_start3A_437 = arith.constant 0 : i32
          %dma_start3A_438 = arith.constant 0 : i32
          %dma_start3A_439 = tpu.memref_slice %arg9[%select_n3A_148, %dma_start3A_437, %dma_start3A_438] : memref<2x8x128xi32, #tpu.memory_space<vmem>> -> memref<1x8x128xi32, #tpu.memory_space<vmem>>
          %dma_start3A_440 = tpu.memref_squeeze %dma_start3A_439 : memref<1x8x128xi32, #tpu.memory_space<vmem>> -> memref<8x128xi32, #tpu.memory_space<vmem>>
          %dma_start3A_441 = arith.constant 0 : i32
          %dma_start3A_442 = tpu.memref_slice %arg5[%arg0, %arg1, %mul3A_429, %dma_start3A_441] : memref<2x16x80x128xi32, #tpu.memory_space<hbm>> -> memref<1x1x8x128xi32, #tpu.memory_space<hbm>>
          %dma_start3A_443 = tpu.memref_squeeze %dma_start3A_442 : memref<1x1x8x128xi32, #tpu.memory_space<hbm>> -> memref<8x128xi32, #tpu.memory_space<hbm>>
          tpu.enqueue_dma source(%dma_start3A_443 : memref<8x128xi32, #tpu.memory_space<hbm>>) target(%dma_start3A_440 : memref<8x128xi32, #tpu.memory_space<vmem>>) target_semaphore(%arg13 : memref<!tpu.dma_semaphore, #tpu.memory_space<semaphore_mem>>)
        } else {
        }
        %add3A_249 = arith.constant 1 : i32
        %add3A_250 = arith.addi %mul3A_101, %add3A_249 : i32
        %jit3A_251 = arith.constant 8 : i32
        %div3A_252 = arith.divsi %add3A_250, %jit3A_251 : i32
        %sign3A_253 = arith.constant 0 : i32
        %sign3A_254 = arith.cmpi sgt, %add3A_250, %sign3A_253 : i32
        %sign3A_255 = arith.extui %sign3A_254 : i1 to i32
        %sign3A_256 = arith.constant 0 : i32
        %sign3A_257 = arith.cmpi slt, %add3A_250, %sign3A_256 : i32
        %sign3A_258 = arith.extui %sign3A_257 : i1 to i32
        %sign3A_259 = arith.subi %sign3A_255, %sign3A_258 : i32
        %sign3A_260 = arith.constant 0 : i32
        %sign3A_261 = arith.cmpi sgt, %jit3A_251, %sign3A_260 : i32
        %sign3A_262 = arith.extui %sign3A_261 : i1 to i32
        %sign3A_263 = arith.constant 0 : i32
        %sign3A_264 = arith.cmpi slt, %jit3A_251, %sign3A_263 : i32
        %sign3A_265 = arith.extui %sign3A_264 : i1 to i32
        %sign3A_266 = arith.subi %sign3A_262, %sign3A_265 : i32
        %ne3A_267 = arith.cmpi ne, %sign3A_259, %sign3A_266 : i32
        %rem3A_268 = arith.remsi %add3A_250, %jit3A_251 : i32
        %ne3A_269 = arith.constant 0 : i32
        %ne3A_270 = arith.cmpi ne, %rem3A_268, %ne3A_269 : i32
        %and3A_271 = arith.andi %ne3A_267, %ne3A_270 : i1
        %sub3A_272 = arith.constant 1 : i32
        %sub3A_273 = arith.subi %div3A_252, %sub3A_272 : i32
        %select_n3A_274 = arith.select %and3A_271, %sub3A_273, %div3A_252 : i32
        %jit3A_275 = arith.constant 8 : i32
        %eq3A_276 = arith.constant 0 : i32
        %eq3A_277 = arith.cmpi eq, %jit3A_275, %eq3A_276 : i32
        %jit3A_278 = arith.constant 1 : i32
        %select_n3A_279 = arith.select %eq3A_277, %jit3A_278, %jit3A_275 : i32
        %rem3A_280 = arith.remsi %add3A_250, %select_n3A_279 : i32
        %ne3A_281 = arith.constant 0 : i32
        %ne3A_282 = arith.cmpi ne, %rem3A_280, %ne3A_281 : i32
        %lt3A_283 = arith.constant 0 : i32
        %lt3A_284 = arith.cmpi slt, %rem3A_280, %lt3A_283 : i32
        %lt3A_285 = arith.constant 0 : i32
        %lt3A_286 = arith.cmpi slt, %select_n3A_279, %lt3A_285 : i32
        %ne3A_287 = arith.xori %lt3A_284, %lt3A_286 : i1
        %and3A_288 = arith.andi %ne3A_287, %ne3A_282 : i1
        %add3A_289 = arith.addi %rem3A_280, %select_n3A_279 : i32
        %select_n3A_290 = arith.select %and3A_288, %add3A_289, %rem3A_280 : i32
        %jit3A_291 = arith.constant 2 : i32
        %eq3A_292 = arith.constant 0 : i32
        %eq3A_293 = arith.cmpi eq, %jit3A_291, %eq3A_292 : i32
        %jit3A_294 = arith.constant 1 : i32
        %select_n3A_295 = arith.select %eq3A_293, %jit3A_294, %jit3A_291 : i32
        %rem3A_296 = arith.remsi %select_n3A_274, %select_n3A_295 : i32
        %ne3A_297 = arith.constant 0 : i32
        %ne3A_298 = arith.cmpi ne, %rem3A_296, %ne3A_297 : i32
        %lt3A_299 = arith.constant 0 : i32
        %lt3A_300 = arith.cmpi slt, %rem3A_296, %lt3A_299 : i32
        %lt3A_301 = arith.constant 0 : i32
        %lt3A_302 = arith.cmpi slt, %select_n3A_295, %lt3A_301 : i32
        %ne3A_303 = arith.xori %lt3A_300, %lt3A_302 : i1
        %and3A_304 = arith.andi %ne3A_303, %ne3A_298 : i1
        %add3A_305 = arith.addi %rem3A_296, %select_n3A_295 : i32
        %select_n3A_306 = arith.select %and3A_304, %add3A_305, %rem3A_296 : i32
        %jit3A_307 = arith.constant 8 : i32
        %div3A_308 = arith.divsi %add3A_250, %jit3A_307 : i32
        %sign3A_309 = arith.constant 0 : i32
        %sign3A_310 = arith.cmpi sgt, %add3A_250, %sign3A_309 : i32
        %sign3A_311 = arith.extui %sign3A_310 : i1 to i32
        %sign3A_312 = arith.constant 0 : i32
        %sign3A_313 = arith.cmpi slt, %add3A_250, %sign3A_312 : i32
        %sign3A_314 = arith.extui %sign3A_313 : i1 to i32
        %sign3A_315 = arith.subi %sign3A_311, %sign3A_314 : i32
        %sign3A_316 = arith.constant 0 : i32
        %sign3A_317 = arith.cmpi sgt, %jit3A_307, %sign3A_316 : i32
        %sign3A_318 = arith.extui %sign3A_317 : i1 to i32
        %sign3A_319 = arith.constant 0 : i32
        %sign3A_320 = arith.cmpi slt, %jit3A_307, %sign3A_319 : i32
        %sign3A_321 = arith.extui %sign3A_320 : i1 to i32
        %sign3A_322 = arith.subi %sign3A_318, %sign3A_321 : i32
        %ne3A_323 = arith.cmpi ne, %sign3A_315, %sign3A_322 : i32
        %rem3A_324 = arith.remsi %add3A_250, %jit3A_307 : i32
        %ne3A_325 = arith.constant 0 : i32
        %ne3A_326 = arith.cmpi ne, %rem3A_324, %ne3A_325 : i32
        %and3A_327 = arith.andi %ne3A_323, %ne3A_326 : i1
        %sub3A_328 = arith.constant 1 : i32
        %sub3A_329 = arith.subi %div3A_308, %sub3A_328 : i32
        %select_n3A_330 = arith.select %and3A_327, %sub3A_329, %div3A_308 : i32
        %jit3A_331 = arith.constant 8 : i32
        %eq3A_332 = arith.constant 0 : i32
        %eq3A_333 = arith.cmpi eq, %jit3A_331, %eq3A_332 : i32
        %jit3A_334 = arith.constant 1 : i32
        %select_n3A_335 = arith.select %eq3A_333, %jit3A_334, %jit3A_331 : i32
        %rem3A_336 = arith.remsi %add3A_250, %select_n3A_335 : i32
        %ne3A_337 = arith.constant 0 : i32
        %ne3A_338 = arith.cmpi ne, %rem3A_336, %ne3A_337 : i32
        %lt3A_339 = arith.constant 0 : i32
        %lt3A_340 = arith.cmpi slt, %rem3A_336, %lt3A_339 : i32
        %lt3A_341 = arith.constant 0 : i32
        %lt3A_342 = arith.cmpi slt, %select_n3A_335, %lt3A_341 : i32
        %ne3A_343 = arith.xori %lt3A_340, %lt3A_342 : i1
        %and3A_344 = arith.andi %ne3A_343, %ne3A_338 : i1
        %add3A_345 = arith.addi %rem3A_336, %select_n3A_335 : i32
        %select_n3A_346 = arith.select %and3A_344, %add3A_345, %rem3A_336 : i32
        %jit3A_347 = arith.constant 2 : i32
        %eq3A_348 = arith.constant 0 : i32
        %eq3A_349 = arith.cmpi eq, %jit3A_347, %eq3A_348 : i32
        %jit3A_350 = arith.constant 1 : i32
        %select_n3A_351 = arith.select %eq3A_349, %jit3A_350, %jit3A_347 : i32
        %rem3A_352 = arith.remsi %select_n3A_330, %select_n3A_351 : i32
        %ne3A_353 = arith.constant 0 : i32
        %ne3A_354 = arith.cmpi ne, %rem3A_352, %ne3A_353 : i32
        %lt3A_355 = arith.constant 0 : i32
        %lt3A_356 = arith.cmpi slt, %rem3A_352, %lt3A_355 : i32
        %lt3A_357 = arith.constant 0 : i32
        %lt3A_358 = arith.cmpi slt, %select_n3A_351, %lt3A_357 : i32
        %ne3A_359 = arith.xori %lt3A_356, %lt3A_358 : i1
        %and3A_360 = arith.andi %ne3A_359, %ne3A_354 : i1
        %add3A_361 = arith.addi %rem3A_352, %select_n3A_351 : i32
        %select_n3A_362 = arith.select %and3A_360, %add3A_361, %rem3A_352 : i32
        %dma_wait3A_363 = arith.constant 0 : i32
        %dma_wait3A_364 = arith.constant 0 : i32
        %dma_wait3A_365 = tpu.memref_slice %arg11[%dma_wait3A_363, %dma_wait3A_364] : memref<128x128xf32, #tpu.memory_space<vmem>> -> memref<64x128xf32, #tpu.memory_space<vmem>>
        %dma_wait3A_366 = arith.constant 0 : i32
        %dma_wait3A_367 = tpu.memref_slice %arg8[%select_n3A_362, %select_n3A_346, %dma_wait3A_366] : memref<2x8x128xi32, #tpu.memory_space<vmem>> -> memref<1x1x64xi32, #tpu.memory_space<vmem>>
        %dma_wait3A_368 = tpu.memref_squeeze %dma_wait3A_367 : memref<1x1x64xi32, #tpu.memory_space<vmem>> -> memref<64xi32, #tpu.memory_space<vmem>>
        %dma_wait3A_369 = arith.constant 0 : i32
        %dma_wait3A_370 = arith.constant 0 : i32
        %dma_wait3A_371 = tpu.memref_slice %arg2[%dma_wait3A_369, %dma_wait3A_370] : memref<10008x128xf32, #tpu.memory_space<hbm>> -> memref<10008x128xf32, #tpu.memory_space<hbm>>
        tpu.wait_indirect_dma semaphore(%arg15 : memref<!tpu.dma_semaphore, #tpu.memory_space<semaphore_mem>>) src(%dma_wait3A_371 : memref<10008x128xf32, #tpu.memory_space<hbm>>) dst(%dma_wait3A_365 : memref<64x128xf32, #tpu.memory_space<vmem>>)
        %dma_wait3A_372 = arith.constant 64 : i32
        %dma_wait3A_373 = arith.constant 0 : i32
        %dma_wait3A_374 = tpu.memref_slice %arg11[%dma_wait3A_372, %dma_wait3A_373] : memref<128x128xf32, #tpu.memory_space<vmem>> -> memref<64x128xf32, #tpu.memory_space<vmem>>
        %dma_wait3A_375 = arith.constant 64 : i32
        %dma_wait3A_376 = tpu.memref_slice %arg8[%select_n3A_362, %select_n3A_346, %dma_wait3A_375] : memref<2x8x128xi32, #tpu.memory_space<vmem>> -> memref<1x1x64xi32, #tpu.memory_space<vmem>>
        %dma_wait3A_377 = tpu.memref_squeeze %dma_wait3A_376 : memref<1x1x64xi32, #tpu.memory_space<vmem>> -> memref<64xi32, #tpu.memory_space<vmem>>
        %dma_wait3A_378 = arith.constant 0 : i32
        %dma_wait3A_379 = arith.constant 0 : i32
        %dma_wait3A_380 = tpu.memref_slice %arg2[%dma_wait3A_378, %dma_wait3A_379] : memref<10008x128xf32, #tpu.memory_space<hbm>> -> memref<10008x128xf32, #tpu.memory_space<hbm>>
        tpu.wait_indirect_dma semaphore(%arg15 : memref<!tpu.dma_semaphore, #tpu.memory_space<semaphore_mem>>) src(%dma_wait3A_380 : memref<10008x128xf32, #tpu.memory_space<hbm>>) dst(%dma_wait3A_374 : memref<64x128xf32, #tpu.memory_space<vmem>>)
        "tpu.region"() ({
          %run_scoped3A_408 = tpu.sem_alloc : memref<!tpu.dma_semaphore, #tpu.memory_space<semaphore_mem>>
          %dma_start3A_409 = arith.constant 0 : i32
          %dma_start3A_410 = tpu.memref_slice %arg9[%select_n3A_306, %select_n3A_290, %dma_start3A_409] : memref<2x8x128xi32, #tpu.memory_space<vmem>> -> memref<1x1x128xi32, #tpu.memory_space<vmem>>
          %dma_start3A_411 = tpu.memref_squeeze %dma_start3A_410 : memref<1x1x128xi32, #tpu.memory_space<vmem>> -> memref<128xi32, #tpu.memory_space<vmem>>
          %dma_start3A_412 = arith.constant 0 : i32
          %dma_start3A_413 = arith.constant 0 : i32
          %dma_start3A_414 = tpu.memref_slice %arg12[%dma_start3A_412, %dma_start3A_413] : memref<10000x128xf32, #tpu.memory_space<vmem_shared>> -> memref<10000x128xf32, #tpu.memory_space<vmem_shared>>
          tpu.enqueue_indirect_dma source(%arg11 : memref<128x128xf32, #tpu.memory_space<vmem>>) target(%dma_start3A_414 : memref<10000x128xf32, #tpu.memory_space<vmem_shared>>) offsets(%dma_start3A_411 : memref<128xi32, #tpu.memory_space<vmem>>) semaphore(%run_scoped3A_408 : memref<!tpu.dma_semaphore, #tpu.memory_space<semaphore_mem>>) {add = true}
          %dma_wait3A_415 = arith.constant 0 : i32
          %dma_wait3A_416 = tpu.memref_slice %arg9[%select_n3A_306, %select_n3A_290, %dma_wait3A_415] : memref<2x8x128xi32, #tpu.memory_space<vmem>> -> memref<1x1x128xi32, #tpu.memory_space<vmem>>
          %dma_wait3A_417 = tpu.memref_squeeze %dma_wait3A_416 : memref<1x1x128xi32, #tpu.memory_space<vmem>> -> memref<128xi32, #tpu.memory_space<vmem>>
          %dma_wait3A_418 = arith.constant 0 : i32
          %dma_wait3A_419 = arith.constant 0 : i32
          %dma_wait3A_420 = tpu.memref_slice %arg12[%dma_wait3A_418, %dma_wait3A_419] : memref<10000x128xf32, #tpu.memory_space<vmem_shared>> -> memref<10000x128xf32, #tpu.memory_space<vmem_shared>>
          tpu.wait_indirect_dma semaphore(%run_scoped3A_408 : memref<!tpu.dma_semaphore, #tpu.memory_space<semaphore_mem>>) src(%arg11 : memref<128x128xf32, #tpu.memory_space<vmem>>) dst(%dma_wait3A_420 : memref<10000x128xf32, #tpu.memory_space<vmem_shared>>)
          tpu.yield
        }) : () -> ()
        %eq3A_381 = arith.constant 6 : i32
        %eq3A_382 = arith.cmpi eq, %select_n3A_290, %eq3A_381 : i32
        %add3A_383 = arith.constant 1 : i32
        %add3A_384 = arith.addi %select_n3A_274, %add3A_383 : i32
        %lt3A_385 = arith.constant 10 : i32
        %lt3A_386 = arith.cmpi slt, %add3A_384, %lt3A_385 : i32
        %and3A_387 = arith.andi %eq3A_382, %lt3A_386 : i1
        %convert_element_type3A_388 = arith.extui %and3A_387 : i1 to i32
        %cond3A_389 = arith.constant 0 : i32
        %cond3A_390 = arith.cmpi ne, %convert_element_type3A_388, %cond3A_389 : i32
        scf.if %cond3A_390 {
          %sub3A_408 = arith.constant 1 : i32
          %sub3A_409 = arith.subi %sub3A_408, %select_n3A_306 : i32
          %dma_wait3A_410 = arith.constant 0 : i32
          %dma_wait3A_411 = arith.constant 0 : i32
          %dma_wait3A_412 = tpu.memref_slice %arg8[%sub3A_409, %dma_wait3A_410, %dma_wait3A_411] : memref<2x8x128xi32, #tpu.memory_space<vmem>> -> memref<1x8x128xi32, #tpu.memory_space<vmem>>
          %dma_wait3A_413 = tpu.memref_squeeze %dma_wait3A_412 : memref<1x8x128xi32, #tpu.memory_space<vmem>> -> memref<8x128xi32, #tpu.memory_space<vmem>>
          %dma_wait3A_414 = arith.constant 0 : i32
          %dma_wait3A_415 = arith.constant 0 : i32
          %dma_wait3A_416 = tpu.memref_slice %arg4[%arg0, %arg1, %dma_wait3A_414, %dma_wait3A_415] : memref<2x16x80x128xi32, #tpu.memory_space<hbm>> -> memref<1x1x8x128xi32, #tpu.memory_space<hbm>>
          %dma_wait3A_417 = tpu.memref_squeeze %dma_wait3A_416 : memref<1x1x8x128xi32, #tpu.memory_space<hbm>> -> memref<8x128xi32, #tpu.memory_space<hbm>>
          %dma_wait3A_418 = arith.constant 0 : i32
          %dma_wait3A_419 = arith.constant 0 : i32
          %dma_wait3A_420 = tpu.memref_slice %arg8[%sub3A_409, %dma_wait3A_418, %dma_wait3A_419] : memref<2x8x128xi32, #tpu.memory_space<vmem>> -> memref<1x8x128xi32, #tpu.memory_space<vmem>>
          %dma_wait3A_421 = tpu.memref_squeeze %dma_wait3A_420 : memref<1x8x128xi32, #tpu.memory_space<vmem>> -> memref<8x128xi32, #tpu.memory_space<vmem>>
          %dma_wait3A_422 = arith.constant 0 : i32
          %dma_wait3A_423 = arith.constant 0 : i32
          %dma_wait3A_424 = tpu.memref_slice %arg4[%arg0, %arg1, %dma_wait3A_422, %dma_wait3A_423] : memref<2x16x80x128xi32, #tpu.memory_space<hbm>> -> memref<1x1x8x128xi32, #tpu.memory_space<hbm>>
          %dma_wait3A_425 = tpu.memref_squeeze %dma_wait3A_424 : memref<1x1x8x128xi32, #tpu.memory_space<hbm>> -> memref<8x128xi32, #tpu.memory_space<hbm>>
          tpu.wait_dma2 semaphore(%arg13 : memref<!tpu.dma_semaphore, #tpu.memory_space<semaphore_mem>>) src(%dma_wait3A_425 : memref<8x128xi32, #tpu.memory_space<hbm>>) dst(%dma_wait3A_421 : memref<8x128xi32, #tpu.memory_space<vmem>>)
          %sub3A_426 = arith.constant 1 : i32
          %sub3A_427 = arith.subi %sub3A_426, %select_n3A_306 : i32
          %dma_wait3A_428 = arith.constant 0 : i32
          %dma_wait3A_429 = arith.constant 0 : i32
          %dma_wait3A_430 = tpu.memref_slice %arg9[%sub3A_427, %dma_wait3A_428, %dma_wait3A_429] : memref<2x8x128xi32, #tpu.memory_space<vmem>> -> memref<1x8x128xi32, #tpu.memory_space<vmem>>
          %dma_wait3A_431 = tpu.memref_squeeze %dma_wait3A_430 : memref<1x8x128xi32, #tpu.memory_space<vmem>> -> memref<8x128xi32, #tpu.memory_space<vmem>>
          %dma_wait3A_432 = arith.constant 0 : i32
          %dma_wait3A_433 = arith.constant 0 : i32
          %dma_wait3A_434 = tpu.memref_slice %arg5[%arg0, %arg1, %dma_wait3A_432, %dma_wait3A_433] : memref<2x16x80x128xi32, #tpu.memory_space<hbm>> -> memref<1x1x8x128xi32, #tpu.memory_space<hbm>>
          %dma_wait3A_435 = tpu.memref_squeeze %dma_wait3A_434 : memref<1x1x8x128xi32, #tpu.memory_space<hbm>> -> memref<8x128xi32, #tpu.memory_space<hbm>>
          %dma_wait3A_436 = arith.constant 0 : i32
          %dma_wait3A_437 = arith.constant 0 : i32
          %dma_wait3A_438 = tpu.memref_slice %arg9[%sub3A_427, %dma_wait3A_436, %dma_wait3A_437] : memref<2x8x128xi32, #tpu.memory_space<vmem>> -> memref<1x8x128xi32, #tpu.memory_space<vmem>>
          %dma_wait3A_439 = tpu.memref_squeeze %dma_wait3A_438 : memref<1x8x128xi32, #tpu.memory_space<vmem>> -> memref<8x128xi32, #tpu.memory_space<vmem>>
          %dma_wait3A_440 = arith.constant 0 : i32
          %dma_wait3A_441 = arith.constant 0 : i32
          %dma_wait3A_442 = tpu.memref_slice %arg5[%arg0, %arg1, %dma_wait3A_440, %dma_wait3A_441] : memref<2x16x80x128xi32, #tpu.memory_space<hbm>> -> memref<1x1x8x128xi32, #tpu.memory_space<hbm>>
          %dma_wait3A_443 = tpu.memref_squeeze %dma_wait3A_442 : memref<1x1x8x128xi32, #tpu.memory_space<hbm>> -> memref<8x128xi32, #tpu.memory_space<hbm>>
          tpu.wait_dma2 semaphore(%arg13 : memref<!tpu.dma_semaphore, #tpu.memory_space<semaphore_mem>>) src(%dma_wait3A_443 : memref<8x128xi32, #tpu.memory_space<hbm>>) dst(%dma_wait3A_439 : memref<8x128xi32, #tpu.memory_space<vmem>>)
        } else {
        }
        %add3A_391 = arith.constant 2 : i32
        %add3A_392 = arith.addi %add3A_250, %add3A_391 : i32
        %lt3A_393 = arith.constant 80 : i32
        %lt3A_394 = arith.cmpi slt, %add3A_392, %lt3A_393 : i32
        %convert_element_type3A_395 = arith.extui %lt3A_394 : i1 to i32
        %cond3A_396 = arith.constant 0 : i32
        %cond3A_397 = arith.cmpi ne, %convert_element_type3A_395, %cond3A_396 : i32
        scf.if %cond3A_397 {
          %add3A_408 = arith.constant 2 : i32
          %add3A_409 = arith.addi %add3A_250, %add3A_408 : i32
          %jit3A_410 = arith.constant 8 : i32
          %div3A_411 = arith.divsi %add3A_409, %jit3A_410 : i32
          %sign3A_412 = arith.constant 0 : i32
          %sign3A_413 = arith.cmpi sgt, %add3A_409, %sign3A_412 : i32
          %sign3A_414 = arith.extui %sign3A_413 : i1 to i32
          %sign3A_415 = arith.constant 0 : i32
          %sign3A_416 = arith.cmpi slt, %add3A_409, %sign3A_415 : i32
          %sign3A_417 = arith.extui %sign3A_416 : i1 to i32
          %sign3A_418 = arith.subi %sign3A_414, %sign3A_417 : i32
          %sign3A_419 = arith.constant 0 : i32
          %sign3A_420 = arith.cmpi sgt, %jit3A_410, %sign3A_419 : i32
          %sign3A_421 = arith.extui %sign3A_420 : i1 to i32
          %sign3A_422 = arith.constant 0 : i32
          %sign3A_423 = arith.cmpi slt, %jit3A_410, %sign3A_422 : i32
          %sign3A_424 = arith.extui %sign3A_423 : i1 to i32
          %sign3A_425 = arith.subi %sign3A_421, %sign3A_424 : i32
          %ne3A_426 = arith.cmpi ne, %sign3A_418, %sign3A_425 : i32
          %rem3A_427 = arith.remsi %add3A_409, %jit3A_410 : i32
          %ne3A_428 = arith.constant 0 : i32
          %ne3A_429 = arith.cmpi ne, %rem3A_427, %ne3A_428 : i32
          %and3A_430 = arith.andi %ne3A_426, %ne3A_429 : i1
          %sub3A_431 = arith.constant 1 : i32
          %sub3A_432 = arith.subi %div3A_411, %sub3A_431 : i32
          %select_n3A_433 = arith.select %and3A_430, %sub3A_432, %div3A_411 : i32
          %jit3A_434 = arith.constant 8 : i32
          %eq3A_435 = arith.constant 0 : i32
          %eq3A_436 = arith.cmpi eq, %jit3A_434, %eq3A_435 : i32
          %jit3A_437 = arith.constant 1 : i32
          %select_n3A_438 = arith.select %eq3A_436, %jit3A_437, %jit3A_434 : i32
          %rem3A_439 = arith.remsi %add3A_409, %select_n3A_438 : i32
          %ne3A_440 = arith.constant 0 : i32
          %ne3A_441 = arith.cmpi ne, %rem3A_439, %ne3A_440 : i32
          %lt3A_442 = arith.constant 0 : i32
          %lt3A_443 = arith.cmpi slt, %rem3A_439, %lt3A_442 : i32
          %lt3A_444 = arith.constant 0 : i32
          %lt3A_445 = arith.cmpi slt, %select_n3A_438, %lt3A_444 : i32
          %ne3A_446 = arith.xori %lt3A_443, %lt3A_445 : i1
          %and3A_447 = arith.andi %ne3A_446, %ne3A_441 : i1
          %add3A_448 = arith.addi %rem3A_439, %select_n3A_438 : i32
          %select_n3A_449 = arith.select %and3A_447, %add3A_448, %rem3A_439 : i32
          %jit3A_450 = arith.constant 2 : i32
          %eq3A_451 = arith.constant 0 : i32
          %eq3A_452 = arith.cmpi eq, %jit3A_450, %eq3A_451 : i32
          %jit3A_453 = arith.constant 1 : i32
          %select_n3A_454 = arith.select %eq3A_452, %jit3A_453, %jit3A_450 : i32
          %rem3A_455 = arith.remsi %select_n3A_433, %select_n3A_454 : i32
          %ne3A_456 = arith.constant 0 : i32
          %ne3A_457 = arith.cmpi ne, %rem3A_455, %ne3A_456 : i32
          %lt3A_458 = arith.constant 0 : i32
          %lt3A_459 = arith.cmpi slt, %rem3A_455, %lt3A_458 : i32
          %lt3A_460 = arith.constant 0 : i32
          %lt3A_461 = arith.cmpi slt, %select_n3A_454, %lt3A_460 : i32
          %ne3A_462 = arith.xori %lt3A_459, %lt3A_461 : i1
          %and3A_463 = arith.andi %ne3A_462, %ne3A_457 : i1
          %add3A_464 = arith.addi %rem3A_455, %select_n3A_454 : i32
          %select_n3A_465 = arith.select %and3A_463, %add3A_464, %rem3A_455 : i32
          %dma_start3A_466 = arith.constant 0 : i32
          %dma_start3A_467 = arith.constant 0 : i32
          %dma_start3A_468 = tpu.memref_slice %arg11[%dma_start3A_466, %dma_start3A_467] : memref<128x128xf32, #tpu.memory_space<vmem>> -> memref<64x128xf32, #tpu.memory_space<vmem>>
          %dma_start3A_469 = arith.constant 0 : i32
          %dma_start3A_470 = tpu.memref_slice %arg8[%select_n3A_465, %select_n3A_449, %dma_start3A_469] : memref<2x8x128xi32, #tpu.memory_space<vmem>> -> memref<1x1x64xi32, #tpu.memory_space<vmem>>
          %dma_start3A_471 = tpu.memref_squeeze %dma_start3A_470 : memref<1x1x64xi32, #tpu.memory_space<vmem>> -> memref<64xi32, #tpu.memory_space<vmem>>
          %dma_start3A_472 = arith.constant 0 : i32
          %dma_start3A_473 = arith.constant 0 : i32
          %dma_start3A_474 = tpu.memref_slice %arg2[%dma_start3A_472, %dma_start3A_473] : memref<10008x128xf32, #tpu.memory_space<hbm>> -> memref<10008x128xf32, #tpu.memory_space<hbm>>
          tpu.enqueue_indirect_dma source(%dma_start3A_474 : memref<10008x128xf32, #tpu.memory_space<hbm>>) target(%dma_start3A_468 : memref<64x128xf32, #tpu.memory_space<vmem>>) offsets(%dma_start3A_471 : memref<64xi32, #tpu.memory_space<vmem>>) semaphore(%arg15 : memref<!tpu.dma_semaphore, #tpu.memory_space<semaphore_mem>>)
          %dma_start3A_475 = arith.constant 64 : i32
          %dma_start3A_476 = arith.constant 0 : i32
          %dma_start3A_477 = tpu.memref_slice %arg11[%dma_start3A_475, %dma_start3A_476] : memref<128x128xf32, #tpu.memory_space<vmem>> -> memref<64x128xf32, #tpu.memory_space<vmem>>
          %dma_start3A_478 = arith.constant 64 : i32
          %dma_start3A_479 = tpu.memref_slice %arg8[%select_n3A_465, %select_n3A_449, %dma_start3A_478] : memref<2x8x128xi32, #tpu.memory_space<vmem>> -> memref<1x1x64xi32, #tpu.memory_space<vmem>>
          %dma_start3A_480 = tpu.memref_squeeze %dma_start3A_479 : memref<1x1x64xi32, #tpu.memory_space<vmem>> -> memref<64xi32, #tpu.memory_space<vmem>>
          %dma_start3A_481 = arith.constant 0 : i32
          %dma_start3A_482 = arith.constant 0 : i32
          %dma_start3A_483 = tpu.memref_slice %arg2[%dma_start3A_481, %dma_start3A_482] : memref<10008x128xf32, #tpu.memory_space<hbm>> -> memref<10008x128xf32, #tpu.memory_space<hbm>>
          tpu.enqueue_indirect_dma source(%dma_start3A_483 : memref<10008x128xf32, #tpu.memory_space<hbm>>) target(%dma_start3A_477 : memref<64x128xf32, #tpu.memory_space<vmem>>) offsets(%dma_start3A_480 : memref<64xi32, #tpu.memory_space<vmem>>) semaphore(%arg15 : memref<!tpu.dma_semaphore, #tpu.memory_space<semaphore_mem>>)
        } else {
        }
        %eq3A_398 = arith.constant 7 : i32
        %eq3A_399 = arith.cmpi eq, %select_n3A_290, %eq3A_398 : i32
        %add3A_400 = arith.constant 2 : i32
        %add3A_401 = arith.addi %select_n3A_274, %add3A_400 : i32
        %lt3A_402 = arith.constant 10 : i32
        %lt3A_403 = arith.cmpi slt, %add3A_401, %lt3A_402 : i32
        %and3A_404 = arith.andi %eq3A_399, %lt3A_403 : i1
        %convert_element_type3A_405 = arith.extui %and3A_404 : i1 to i32
        %cond3A_406 = arith.constant 0 : i32
        %cond3A_407 = arith.cmpi ne, %convert_element_type3A_405, %cond3A_406 : i32
        scf.if %cond3A_407 {
          %add3A_408 = arith.constant 2 : i32
          %add3A_409 = arith.addi %select_n3A_274, %add3A_408 : i32
          %mul3A_410 = arith.constant 8 : i32
          %mul3A_411 = arith.muli %add3A_409, %mul3A_410 : i32
          %dma_start3A_412 = arith.constant 0 : i32
          %dma_start3A_413 = arith.constant 0 : i32
          %dma_start3A_414 = tpu.memref_slice %arg8[%select_n3A_306, %dma_start3A_412, %dma_start3A_413] : memref<2x8x128xi32, #tpu.memory_space<vmem>> -> memref<1x8x128xi32, #tpu.memory_space<vmem>>
          %dma_start3A_415 = tpu.memref_squeeze %dma_start3A_414 : memref<1x8x128xi32, #tpu.memory_space<vmem>> -> memref<8x128xi32, #tpu.memory_space<vmem>>
          %dma_start3A_416 = arith.constant 0 : i32
          %dma_start3A_417 = tpu.memref_slice %arg4[%arg0, %arg1, %mul3A_411, %dma_start3A_416] : memref<2x16x80x128xi32, #tpu.memory_space<hbm>> -> memref<1x1x8x128xi32, #tpu.memory_space<hbm>>
          %dma_start3A_418 = tpu.memref_squeeze %dma_start3A_417 : memref<1x1x8x128xi32, #tpu.memory_space<hbm>> -> memref<8x128xi32, #tpu.memory_space<hbm>>
          %dma_start3A_419 = arith.constant 0 : i32
          %dma_start3A_420 = arith.constant 0 : i32
          %dma_start3A_421 = tpu.memref_slice %arg8[%select_n3A_306, %dma_start3A_419, %dma_start3A_420] : memref<2x8x128xi32, #tpu.memory_space<vmem>> -> memref<1x8x128xi32, #tpu.memory_space<vmem>>
          %dma_start3A_422 = tpu.memref_squeeze %dma_start3A_421 : memref<1x8x128xi32, #tpu.memory_space<vmem>> -> memref<8x128xi32, #tpu.memory_space<vmem>>
          %dma_start3A_423 = arith.constant 0 : i32
          %dma_start3A_424 = tpu.memref_slice %arg4[%arg0, %arg1, %mul3A_411, %dma_start3A_423] : memref<2x16x80x128xi32, #tpu.memory_space<hbm>> -> memref<1x1x8x128xi32, #tpu.memory_space<hbm>>
          %dma_start3A_425 = tpu.memref_squeeze %dma_start3A_424 : memref<1x1x8x128xi32, #tpu.memory_space<hbm>> -> memref<8x128xi32, #tpu.memory_space<hbm>>
          tpu.enqueue_dma source(%dma_start3A_425 : memref<8x128xi32, #tpu.memory_space<hbm>>) target(%dma_start3A_422 : memref<8x128xi32, #tpu.memory_space<vmem>>) target_semaphore(%arg13 : memref<!tpu.dma_semaphore, #tpu.memory_space<semaphore_mem>>)
          %add3A_426 = arith.constant 2 : i32
          %add3A_427 = arith.addi %select_n3A_274, %add3A_426 : i32
          %mul3A_428 = arith.constant 8 : i32
          %mul3A_429 = arith.muli %add3A_427, %mul3A_428 : i32
          %dma_start3A_430 = arith.constant 0 : i32
          %dma_start3A_431 = arith.constant 0 : i32
          %dma_start3A_432 = tpu.memref_slice %arg9[%select_n3A_306, %dma_start3A_430, %dma_start3A_431] : memref<2x8x128xi32, #tpu.memory_space<vmem>> -> memref<1x8x128xi32, #tpu.memory_space<vmem>>
          %dma_start3A_433 = tpu.memref_squeeze %dma_start3A_432 : memref<1x8x128xi32, #tpu.memory_space<vmem>> -> memref<8x128xi32, #tpu.memory_space<vmem>>
          %dma_start3A_434 = arith.constant 0 : i32
          %dma_start3A_435 = tpu.memref_slice %arg5[%arg0, %arg1, %mul3A_429, %dma_start3A_434] : memref<2x16x80x128xi32, #tpu.memory_space<hbm>> -> memref<1x1x8x128xi32, #tpu.memory_space<hbm>>
          %dma_start3A_436 = tpu.memref_squeeze %dma_start3A_435 : memref<1x1x8x128xi32, #tpu.memory_space<hbm>> -> memref<8x128xi32, #tpu.memory_space<hbm>>
          %dma_start3A_437 = arith.constant 0 : i32
          %dma_start3A_438 = arith.constant 0 : i32
          %dma_start3A_439 = tpu.memref_slice %arg9[%select_n3A_306, %dma_start3A_437, %dma_start3A_438] : memref<2x8x128xi32, #tpu.memory_space<vmem>> -> memref<1x8x128xi32, #tpu.memory_space<vmem>>
          %dma_start3A_440 = tpu.memref_squeeze %dma_start3A_439 : memref<1x8x128xi32, #tpu.memory_space<vmem>> -> memref<8x128xi32, #tpu.memory_space<vmem>>
          %dma_start3A_441 = arith.constant 0 : i32
          %dma_start3A_442 = tpu.memref_slice %arg5[%arg0, %arg1, %mul3A_429, %dma_start3A_441] : memref<2x16x80x128xi32, #tpu.memory_space<hbm>> -> memref<1x1x8x128xi32, #tpu.memory_space<hbm>>
          %dma_start3A_443 = tpu.memref_squeeze %dma_start3A_442 : memref<1x1x8x128xi32, #tpu.memory_space<hbm>> -> memref<8x128xi32, #tpu.memory_space<hbm>>
          tpu.enqueue_dma source(%dma_start3A_443 : memref<8x128xi32, #tpu.memory_space<hbm>>) target(%dma_start3A_440 : memref<8x128xi32, #tpu.memory_space<vmem>>) target_semaphore(%arg13 : memref<!tpu.dma_semaphore, #tpu.memory_space<semaphore_mem>>)
        } else {
        }
      }
      %scan3A_99 = arith.constant 40 : i32
    } else {
    }
    %eq3A_36 = arith.constant 1 : i32
    %eq3A_37 = arith.cmpi eq, %arg0, %eq3A_36 : i32
    %convert_element_type3A_38 = arith.extui %eq3A_37 : i1 to i32
    %cond3A_39 = arith.constant 0 : i32
    %cond3A_40 = arith.cmpi ne, %convert_element_type3A_38, %cond3A_39 : i32
    scf.if %cond3A_40 {
      %dma_start3A_45 = arith.constant 0 : i32
      %dma_start3A_46 = arith.constant 0 : i32
      %dma_start3A_47 = arith.constant 0 : i32
      %dma_start3A_48 = arith.constant 0 : i32
      %dma_start3A_49 = tpu.memref_slice %arg10[%dma_start3A_47, %dma_start3A_48] : memref<128x128xf32, #tpu.memory_space<vmem>> -> memref<64x128xf32, #tpu.memory_space<vmem>>
      %dma_start3A_50 = arith.constant 0 : i32
      %dma_start3A_51 = tpu.memref_slice %arg8[%dma_start3A_45, %dma_start3A_46, %dma_start3A_50] : memref<2x8x128xi32, #tpu.memory_space<vmem>> -> memref<1x1x64xi32, #tpu.memory_space<vmem>>
      %dma_start3A_52 = tpu.memref_squeeze %dma_start3A_51 : memref<1x1x64xi32, #tpu.memory_space<vmem>> -> memref<64xi32, #tpu.memory_space<vmem>>
      %dma_start3A_53 = arith.constant 0 : i32
      %dma_start3A_54 = arith.constant 0 : i32
      %dma_start3A_55 = tpu.memref_slice %arg3[%dma_start3A_53, %dma_start3A_54] : memref<10008x128xf32, #tpu.memory_space<hbm>> -> memref<10008x128xf32, #tpu.memory_space<hbm>>
      tpu.enqueue_indirect_dma source(%dma_start3A_55 : memref<10008x128xf32, #tpu.memory_space<hbm>>) target(%dma_start3A_49 : memref<64x128xf32, #tpu.memory_space<vmem>>) offsets(%dma_start3A_52 : memref<64xi32, #tpu.memory_space<vmem>>) semaphore(%arg14 : memref<!tpu.dma_semaphore, #tpu.memory_space<semaphore_mem>>)
      %dma_start3A_56 = arith.constant 0 : i32
      %dma_start3A_57 = arith.constant 0 : i32
      %dma_start3A_58 = arith.constant 64 : i32
      %dma_start3A_59 = arith.constant 0 : i32
      %dma_start3A_60 = tpu.memref_slice %arg10[%dma_start3A_58, %dma_start3A_59] : memref<128x128xf32, #tpu.memory_space<vmem>> -> memref<64x128xf32, #tpu.memory_space<vmem>>
      %dma_start3A_61 = arith.constant 64 : i32
      %dma_start3A_62 = tpu.memref_slice %arg8[%dma_start3A_56, %dma_start3A_57, %dma_start3A_61] : memref<2x8x128xi32, #tpu.memory_space<vmem>> -> memref<1x1x64xi32, #tpu.memory_space<vmem>>
      %dma_start3A_63 = tpu.memref_squeeze %dma_start3A_62 : memref<1x1x64xi32, #tpu.memory_space<vmem>> -> memref<64xi32, #tpu.memory_space<vmem>>
      %dma_start3A_64 = arith.constant 0 : i32
      %dma_start3A_65 = arith.constant 0 : i32
      %dma_start3A_66 = tpu.memref_slice %arg3[%dma_start3A_64, %dma_start3A_65] : memref<10008x128xf32, #tpu.memory_space<hbm>> -> memref<10008x128xf32, #tpu.memory_space<hbm>>
      tpu.enqueue_indirect_dma source(%dma_start3A_66 : memref<10008x128xf32, #tpu.memory_space<hbm>>) target(%dma_start3A_60 : memref<64x128xf32, #tpu.memory_space<vmem>>) offsets(%dma_start3A_63 : memref<64xi32, #tpu.memory_space<vmem>>) semaphore(%arg14 : memref<!tpu.dma_semaphore, #tpu.memory_space<semaphore_mem>>)
      %dma_start3A_67 = arith.constant 0 : i32
      %dma_start3A_68 = arith.constant 1 : i32
      %dma_start3A_69 = arith.constant 0 : i32
      %dma_start3A_70 = arith.constant 0 : i32
      %dma_start3A_71 = tpu.memref_slice %arg11[%dma_start3A_69, %dma_start3A_70] : memref<128x128xf32, #tpu.memory_space<vmem>> -> memref<64x128xf32, #tpu.memory_space<vmem>>
      %dma_start3A_72 = arith.constant 0 : i32
      %dma_start3A_73 = tpu.memref_slice %arg8[%dma_start3A_67, %dma_start3A_68, %dma_start3A_72] : memref<2x8x128xi32, #tpu.memory_space<vmem>> -> memref<1x1x64xi32, #tpu.memory_space<vmem>>
      %dma_start3A_74 = tpu.memref_squeeze %dma_start3A_73 : memref<1x1x64xi32, #tpu.memory_space<vmem>> -> memref<64xi32, #tpu.memory_space<vmem>>
      %dma_start3A_75 = arith.constant 0 : i32
      %dma_start3A_76 = arith.constant 0 : i32
      %dma_start3A_77 = tpu.memref_slice %arg3[%dma_start3A_75, %dma_start3A_76] : memref<10008x128xf32, #tpu.memory_space<hbm>> -> memref<10008x128xf32, #tpu.memory_space<hbm>>
      tpu.enqueue_indirect_dma source(%dma_start3A_77 : memref<10008x128xf32, #tpu.memory_space<hbm>>) target(%dma_start3A_71 : memref<64x128xf32, #tpu.memory_space<vmem>>) offsets(%dma_start3A_74 : memref<64xi32, #tpu.memory_space<vmem>>) semaphore(%arg15 : memref<!tpu.dma_semaphore, #tpu.memory_space<semaphore_mem>>)
      %dma_start3A_78 = arith.constant 0 : i32
      %dma_start3A_79 = arith.constant 1 : i32
      %dma_start3A_80 = arith.constant 64 : i32
      %dma_start3A_81 = arith.constant 0 : i32
      %dma_start3A_82 = tpu.memref_slice %arg11[%dma_start3A_80, %dma_start3A_81] : memref<128x128xf32, #tpu.memory_space<vmem>> -> memref<64x128xf32, #tpu.memory_space<vmem>>
      %dma_start3A_83 = arith.constant 64 : i32
      %dma_start3A_84 = tpu.memref_slice %arg8[%dma_start3A_78, %dma_start3A_79, %dma_start3A_83] : memref<2x8x128xi32, #tpu.memory_space<vmem>> -> memref<1x1x64xi32, #tpu.memory_space<vmem>>
      %dma_start3A_85 = tpu.memref_squeeze %dma_start3A_84 : memref<1x1x64xi32, #tpu.memory_space<vmem>> -> memref<64xi32, #tpu.memory_space<vmem>>
      %dma_start3A_86 = arith.constant 0 : i32
      %dma_start3A_87 = arith.constant 0 : i32
      %dma_start3A_88 = tpu.memref_slice %arg3[%dma_start3A_86, %dma_start3A_87] : memref<10008x128xf32, #tpu.memory_space<hbm>> -> memref<10008x128xf32, #tpu.memory_space<hbm>>
      tpu.enqueue_indirect_dma source(%dma_start3A_88 : memref<10008x128xf32, #tpu.memory_space<hbm>>) target(%dma_start3A_82 : memref<64x128xf32, #tpu.memory_space<vmem>>) offsets(%dma_start3A_85 : memref<64xi32, #tpu.memory_space<vmem>>) semaphore(%arg15 : memref<!tpu.dma_semaphore, #tpu.memory_space<semaphore_mem>>)
      %lt3A_89 = arith.constant 10 : i32
      %lt3A_90 = arith.cmpi slt, %arg1, %lt3A_89 : i32
      %convert_element_type3A_91 = arith.extui %lt3A_90 : i1 to i32
      %cond3A_92 = arith.constant 0 : i32
      %cond3A_93 = arith.cmpi ne, %convert_element_type3A_91, %cond3A_92 : i32
      scf.if %cond3A_93 {
        %mul3A = arith.constant 1000 : i32
        %mul3A_100 = arith.muli %arg1, %mul3A : i32
        "tpu.region"() ({
          %run_scoped3A_101 = tpu.sem_alloc : memref<!tpu.dma_semaphore, #tpu.memory_space<semaphore_mem>>
          %dma_start3A_102 = arith.constant 0 : i32
          %dma_start3A_103 = tpu.memref_slice %arg12[%mul3A_100, %dma_start3A_102] : memref<10000x128xf32, #tpu.memory_space<vmem_shared>> -> memref<1000x128xf32, #tpu.memory_space<vmem_shared>>
          tpu.enqueue_dma source(%arg6 : memref<1000x128xf32, #tpu.memory_space<hbm>>) target(%dma_start3A_103 : memref<1000x128xf32, #tpu.memory_space<vmem_shared>>) target_semaphore(%run_scoped3A_101 : memref<!tpu.dma_semaphore, #tpu.memory_space<semaphore_mem>>)
          %dma_wait3A = arith.constant 0 : i32
          %dma_wait3A_104 = tpu.memref_slice %arg12[%mul3A_100, %dma_wait3A] : memref<10000x128xf32, #tpu.memory_space<vmem_shared>> -> memref<1000x128xf32, #tpu.memory_space<vmem_shared>>
          tpu.wait_dma2 semaphore(%run_scoped3A_101 : memref<!tpu.dma_semaphore, #tpu.memory_space<semaphore_mem>>) src(%arg6 : memref<1000x128xf32, #tpu.memory_space<hbm>>) dst(%dma_wait3A_104 : memref<1000x128xf32, #tpu.memory_space<vmem_shared>>)
          tpu.yield
        }) : () -> ()
      } else {
      }
      %barrier3A_94 = arith.constant 0 : index
      tpu.barrier barrier_id(%barrier3A_94)
      %scan3A = arith.constant 0 : i32
      %scan3A_95 = arith.constant 0 : i32
      %scan3A_96 = arith.constant 40 : i32
      %scan3A_97 = arith.addi %scan3A_95, %scan3A_96 : i32
      %scan3A_98 = arith.constant 1 : i32
      scf.for %scan3A_100 = %scan3A_95 to %scan3A_97 step %scan3A_98  : i32 {
        %mul3A = arith.constant 2 : i32
        %mul3A_101 = arith.muli %scan3A_100, %mul3A : i32
        %jit3A = arith.constant 8 : i32
        %div3A = arith.divsi %mul3A_101, %jit3A : i32
        %sign3A = arith.constant 0 : i32
        %sign3A_102 = arith.cmpi sgt, %mul3A_101, %sign3A : i32
        %sign3A_103 = arith.extui %sign3A_102 : i1 to i32
        %sign3A_104 = arith.constant 0 : i32
        %sign3A_105 = arith.cmpi slt, %mul3A_101, %sign3A_104 : i32
        %sign3A_106 = arith.extui %sign3A_105 : i1 to i32
        %sign3A_107 = arith.subi %sign3A_103, %sign3A_106 : i32
        %sign3A_108 = arith.constant 0 : i32
        %sign3A_109 = arith.cmpi sgt, %jit3A, %sign3A_108 : i32
        %sign3A_110 = arith.extui %sign3A_109 : i1 to i32
        %sign3A_111 = arith.constant 0 : i32
        %sign3A_112 = arith.cmpi slt, %jit3A, %sign3A_111 : i32
        %sign3A_113 = arith.extui %sign3A_112 : i1 to i32
        %sign3A_114 = arith.subi %sign3A_110, %sign3A_113 : i32
        %ne3A = arith.cmpi ne, %sign3A_107, %sign3A_114 : i32
        %rem3A = arith.remsi %mul3A_101, %jit3A : i32
        %ne3A_115 = arith.constant 0 : i32
        %ne3A_116 = arith.cmpi ne, %rem3A, %ne3A_115 : i32
        %and3A = arith.andi %ne3A, %ne3A_116 : i1
        %sub3A = arith.constant 1 : i32
        %sub3A_117 = arith.subi %div3A, %sub3A : i32
        %select_n3A = arith.select %and3A, %sub3A_117, %div3A : i32
        %jit3A_118 = arith.constant 8 : i32
        %eq3A_119 = arith.constant 0 : i32
        %eq3A_120 = arith.cmpi eq, %jit3A_118, %eq3A_119 : i32
        %jit3A_121 = arith.constant 1 : i32
        %select_n3A_122 = arith.select %eq3A_120, %jit3A_121, %jit3A_118 : i32
        %rem3A_123 = arith.remsi %mul3A_101, %select_n3A_122 : i32
        %ne3A_124 = arith.constant 0 : i32
        %ne3A_125 = arith.cmpi ne, %rem3A_123, %ne3A_124 : i32
        %lt3A_126 = arith.constant 0 : i32
        %lt3A_127 = arith.cmpi slt, %rem3A_123, %lt3A_126 : i32
        %lt3A_128 = arith.constant 0 : i32
        %lt3A_129 = arith.cmpi slt, %select_n3A_122, %lt3A_128 : i32
        %ne3A_130 = arith.xori %lt3A_127, %lt3A_129 : i1
        %and3A_131 = arith.andi %ne3A_130, %ne3A_125 : i1
        %add3A = arith.addi %rem3A_123, %select_n3A_122 : i32
        %select_n3A_132 = arith.select %and3A_131, %add3A, %rem3A_123 : i32
        %jit3A_133 = arith.constant 2 : i32
        %eq3A_134 = arith.constant 0 : i32
        %eq3A_135 = arith.cmpi eq, %jit3A_133, %eq3A_134 : i32
        %jit3A_136 = arith.constant 1 : i32
        %select_n3A_137 = arith.select %eq3A_135, %jit3A_136, %jit3A_133 : i32
        %rem3A_138 = arith.remsi %select_n3A, %select_n3A_137 : i32
        %ne3A_139 = arith.constant 0 : i32
        %ne3A_140 = arith.cmpi ne, %rem3A_138, %ne3A_139 : i32
        %lt3A_141 = arith.constant 0 : i32
        %lt3A_142 = arith.cmpi slt, %rem3A_138, %lt3A_141 : i32
        %lt3A_143 = arith.constant 0 : i32
        %lt3A_144 = arith.cmpi slt, %select_n3A_137, %lt3A_143 : i32
        %ne3A_145 = arith.xori %lt3A_142, %lt3A_144 : i1
        %and3A_146 = arith.andi %ne3A_145, %ne3A_140 : i1
        %add3A_147 = arith.addi %rem3A_138, %select_n3A_137 : i32
        %select_n3A_148 = arith.select %and3A_146, %add3A_147, %rem3A_138 : i32
        %jit3A_149 = arith.constant 8 : i32
        %div3A_150 = arith.divsi %mul3A_101, %jit3A_149 : i32
        %sign3A_151 = arith.constant 0 : i32
        %sign3A_152 = arith.cmpi sgt, %mul3A_101, %sign3A_151 : i32
        %sign3A_153 = arith.extui %sign3A_152 : i1 to i32
        %sign3A_154 = arith.constant 0 : i32
        %sign3A_155 = arith.cmpi slt, %mul3A_101, %sign3A_154 : i32
        %sign3A_156 = arith.extui %sign3A_155 : i1 to i32
        %sign3A_157 = arith.subi %sign3A_153, %sign3A_156 : i32
        %sign3A_158 = arith.constant 0 : i32
        %sign3A_159 = arith.cmpi sgt, %jit3A_149, %sign3A_158 : i32
        %sign3A_160 = arith.extui %sign3A_159 : i1 to i32
        %sign3A_161 = arith.constant 0 : i32
        %sign3A_162 = arith.cmpi slt, %jit3A_149, %sign3A_161 : i32
        %sign3A_163 = arith.extui %sign3A_162 : i1 to i32
        %sign3A_164 = arith.subi %sign3A_160, %sign3A_163 : i32
        %ne3A_165 = arith.cmpi ne, %sign3A_157, %sign3A_164 : i32
        %rem3A_166 = arith.remsi %mul3A_101, %jit3A_149 : i32
        %ne3A_167 = arith.constant 0 : i32
        %ne3A_168 = arith.cmpi ne, %rem3A_166, %ne3A_167 : i32
        %and3A_169 = arith.andi %ne3A_165, %ne3A_168 : i1
        %sub3A_170 = arith.constant 1 : i32
        %sub3A_171 = arith.subi %div3A_150, %sub3A_170 : i32
        %select_n3A_172 = arith.select %and3A_169, %sub3A_171, %div3A_150 : i32
        %jit3A_173 = arith.constant 8 : i32
        %eq3A_174 = arith.constant 0 : i32
        %eq3A_175 = arith.cmpi eq, %jit3A_173, %eq3A_174 : i32
        %jit3A_176 = arith.constant 1 : i32
        %select_n3A_177 = arith.select %eq3A_175, %jit3A_176, %jit3A_173 : i32
        %rem3A_178 = arith.remsi %mul3A_101, %select_n3A_177 : i32
        %ne3A_179 = arith.constant 0 : i32
        %ne3A_180 = arith.cmpi ne, %rem3A_178, %ne3A_179 : i32
        %lt3A_181 = arith.constant 0 : i32
        %lt3A_182 = arith.cmpi slt, %rem3A_178, %lt3A_181 : i32
        %lt3A_183 = arith.constant 0 : i32
        %lt3A_184 = arith.cmpi slt, %select_n3A_177, %lt3A_183 : i32
        %ne3A_185 = arith.xori %lt3A_182, %lt3A_184 : i1
        %and3A_186 = arith.andi %ne3A_185, %ne3A_180 : i1
        %add3A_187 = arith.addi %rem3A_178, %select_n3A_177 : i32
        %select_n3A_188 = arith.select %and3A_186, %add3A_187, %rem3A_178 : i32
        %jit3A_189 = arith.constant 2 : i32
        %eq3A_190 = arith.constant 0 : i32
        %eq3A_191 = arith.cmpi eq, %jit3A_189, %eq3A_190 : i32
        %jit3A_192 = arith.constant 1 : i32
        %select_n3A_193 = arith.select %eq3A_191, %jit3A_192, %jit3A_189 : i32
        %rem3A_194 = arith.remsi %select_n3A_172, %select_n3A_193 : i32
        %ne3A_195 = arith.constant 0 : i32
        %ne3A_196 = arith.cmpi ne, %rem3A_194, %ne3A_195 : i32
        %lt3A_197 = arith.constant 0 : i32
        %lt3A_198 = arith.cmpi slt, %rem3A_194, %lt3A_197 : i32
        %lt3A_199 = arith.constant 0 : i32
        %lt3A_200 = arith.cmpi slt, %select_n3A_193, %lt3A_199 : i32
        %ne3A_201 = arith.xori %lt3A_198, %lt3A_200 : i1
        %and3A_202 = arith.andi %ne3A_201, %ne3A_196 : i1
        %add3A_203 = arith.addi %rem3A_194, %select_n3A_193 : i32
        %select_n3A_204 = arith.select %and3A_202, %add3A_203, %rem3A_194 : i32
        %dma_wait3A = arith.constant 0 : i32
        %dma_wait3A_205 = arith.constant 0 : i32
        %dma_wait3A_206 = tpu.memref_slice %arg10[%dma_wait3A, %dma_wait3A_205] : memref<128x128xf32, #tpu.memory_space<vmem>> -> memref<64x128xf32, #tpu.memory_space<vmem>>
        %dma_wait3A_207 = arith.constant 0 : i32
        %dma_wait3A_208 = tpu.memref_slice %arg8[%select_n3A_204, %select_n3A_188, %dma_wait3A_207] : memref<2x8x128xi32, #tpu.memory_space<vmem>> -> memref<1x1x64xi32, #tpu.memory_space<vmem>>
        %dma_wait3A_209 = tpu.memref_squeeze %dma_wait3A_208 : memref<1x1x64xi32, #tpu.memory_space<vmem>> -> memref<64xi32, #tpu.memory_space<vmem>>
        %dma_wait3A_210 = arith.constant 0 : i32
        %dma_wait3A_211 = arith.constant 0 : i32
        %dma_wait3A_212 = tpu.memref_slice %arg3[%dma_wait3A_210, %dma_wait3A_211] : memref<10008x128xf32, #tpu.memory_space<hbm>> -> memref<10008x128xf32, #tpu.memory_space<hbm>>
        tpu.wait_indirect_dma semaphore(%arg14 : memref<!tpu.dma_semaphore, #tpu.memory_space<semaphore_mem>>) src(%dma_wait3A_212 : memref<10008x128xf32, #tpu.memory_space<hbm>>) dst(%dma_wait3A_206 : memref<64x128xf32, #tpu.memory_space<vmem>>)
        %dma_wait3A_213 = arith.constant 64 : i32
        %dma_wait3A_214 = arith.constant 0 : i32
        %dma_wait3A_215 = tpu.memref_slice %arg10[%dma_wait3A_213, %dma_wait3A_214] : memref<128x128xf32, #tpu.memory_space<vmem>> -> memref<64x128xf32, #tpu.memory_space<vmem>>
        %dma_wait3A_216 = arith.constant 64 : i32
        %dma_wait3A_217 = tpu.memref_slice %arg8[%select_n3A_204, %select_n3A_188, %dma_wait3A_216] : memref<2x8x128xi32, #tpu.memory_space<vmem>> -> memref<1x1x64xi32, #tpu.memory_space<vmem>>
        %dma_wait3A_218 = tpu.memref_squeeze %dma_wait3A_217 : memref<1x1x64xi32, #tpu.memory_space<vmem>> -> memref<64xi32, #tpu.memory_space<vmem>>
        %dma_wait3A_219 = arith.constant 0 : i32
        %dma_wait3A_220 = arith.constant 0 : i32
        %dma_wait3A_221 = tpu.memref_slice %arg3[%dma_wait3A_219, %dma_wait3A_220] : memref<10008x128xf32, #tpu.memory_space<hbm>> -> memref<10008x128xf32, #tpu.memory_space<hbm>>
        tpu.wait_indirect_dma semaphore(%arg14 : memref<!tpu.dma_semaphore, #tpu.memory_space<semaphore_mem>>) src(%dma_wait3A_221 : memref<10008x128xf32, #tpu.memory_space<hbm>>) dst(%dma_wait3A_215 : memref<64x128xf32, #tpu.memory_space<vmem>>)
        "tpu.region"() ({
          %run_scoped3A_408 = tpu.sem_alloc : memref<!tpu.dma_semaphore, #tpu.memory_space<semaphore_mem>>
          %dma_start3A_409 = arith.constant 0 : i32
          %dma_start3A_410 = tpu.memref_slice %arg9[%select_n3A_148, %select_n3A_132, %dma_start3A_409] : memref<2x8x128xi32, #tpu.memory_space<vmem>> -> memref<1x1x128xi32, #tpu.memory_space<vmem>>
          %dma_start3A_411 = tpu.memref_squeeze %dma_start3A_410 : memref<1x1x128xi32, #tpu.memory_space<vmem>> -> memref<128xi32, #tpu.memory_space<vmem>>
          %dma_start3A_412 = arith.constant 0 : i32
          %dma_start3A_413 = arith.constant 0 : i32
          %dma_start3A_414 = tpu.memref_slice %arg12[%dma_start3A_412, %dma_start3A_413] : memref<10000x128xf32, #tpu.memory_space<vmem_shared>> -> memref<10000x128xf32, #tpu.memory_space<vmem_shared>>
          tpu.enqueue_indirect_dma source(%arg10 : memref<128x128xf32, #tpu.memory_space<vmem>>) target(%dma_start3A_414 : memref<10000x128xf32, #tpu.memory_space<vmem_shared>>) offsets(%dma_start3A_411 : memref<128xi32, #tpu.memory_space<vmem>>) semaphore(%run_scoped3A_408 : memref<!tpu.dma_semaphore, #tpu.memory_space<semaphore_mem>>) {add = true}
          %dma_wait3A_415 = arith.constant 0 : i32
          %dma_wait3A_416 = tpu.memref_slice %arg9[%select_n3A_148, %select_n3A_132, %dma_wait3A_415] : memref<2x8x128xi32, #tpu.memory_space<vmem>> -> memref<1x1x128xi32, #tpu.memory_space<vmem>>
          %dma_wait3A_417 = tpu.memref_squeeze %dma_wait3A_416 : memref<1x1x128xi32, #tpu.memory_space<vmem>> -> memref<128xi32, #tpu.memory_space<vmem>>
          %dma_wait3A_418 = arith.constant 0 : i32
          %dma_wait3A_419 = arith.constant 0 : i32
          %dma_wait3A_420 = tpu.memref_slice %arg12[%dma_wait3A_418, %dma_wait3A_419] : memref<10000x128xf32, #tpu.memory_space<vmem_shared>> -> memref<10000x128xf32, #tpu.memory_space<vmem_shared>>
          tpu.wait_indirect_dma semaphore(%run_scoped3A_408 : memref<!tpu.dma_semaphore, #tpu.memory_space<semaphore_mem>>) src(%arg10 : memref<128x128xf32, #tpu.memory_space<vmem>>) dst(%dma_wait3A_420 : memref<10000x128xf32, #tpu.memory_space<vmem_shared>>)
          tpu.yield
        }) : () -> ()
        %eq3A_222 = arith.constant 6 : i32
        %eq3A_223 = arith.cmpi eq, %select_n3A_132, %eq3A_222 : i32
        %add3A_224 = arith.constant 1 : i32
        %add3A_225 = arith.addi %select_n3A, %add3A_224 : i32
        %lt3A_226 = arith.constant 10 : i32
        %lt3A_227 = arith.cmpi slt, %add3A_225, %lt3A_226 : i32
        %and3A_228 = arith.andi %eq3A_223, %lt3A_227 : i1
        %convert_element_type3A_229 = arith.extui %and3A_228 : i1 to i32
        %cond3A_230 = arith.constant 0 : i32
        %cond3A_231 = arith.cmpi ne, %convert_element_type3A_229, %cond3A_230 : i32
        scf.if %cond3A_231 {
          %sub3A_408 = arith.constant 1 : i32
          %sub3A_409 = arith.subi %sub3A_408, %select_n3A_148 : i32
          %dma_wait3A_410 = arith.constant 0 : i32
          %dma_wait3A_411 = arith.constant 0 : i32
          %dma_wait3A_412 = tpu.memref_slice %arg8[%sub3A_409, %dma_wait3A_410, %dma_wait3A_411] : memref<2x8x128xi32, #tpu.memory_space<vmem>> -> memref<1x8x128xi32, #tpu.memory_space<vmem>>
          %dma_wait3A_413 = tpu.memref_squeeze %dma_wait3A_412 : memref<1x8x128xi32, #tpu.memory_space<vmem>> -> memref<8x128xi32, #tpu.memory_space<vmem>>
          %dma_wait3A_414 = arith.constant 0 : i32
          %dma_wait3A_415 = arith.constant 0 : i32
          %dma_wait3A_416 = tpu.memref_slice %arg4[%arg0, %arg1, %dma_wait3A_414, %dma_wait3A_415] : memref<2x16x80x128xi32, #tpu.memory_space<hbm>> -> memref<1x1x8x128xi32, #tpu.memory_space<hbm>>
          %dma_wait3A_417 = tpu.memref_squeeze %dma_wait3A_416 : memref<1x1x8x128xi32, #tpu.memory_space<hbm>> -> memref<8x128xi32, #tpu.memory_space<hbm>>
          %dma_wait3A_418 = arith.constant 0 : i32
          %dma_wait3A_419 = arith.constant 0 : i32
          %dma_wait3A_420 = tpu.memref_slice %arg8[%sub3A_409, %dma_wait3A_418, %dma_wait3A_419] : memref<2x8x128xi32, #tpu.memory_space<vmem>> -> memref<1x8x128xi32, #tpu.memory_space<vmem>>
          %dma_wait3A_421 = tpu.memref_squeeze %dma_wait3A_420 : memref<1x8x128xi32, #tpu.memory_space<vmem>> -> memref<8x128xi32, #tpu.memory_space<vmem>>
          %dma_wait3A_422 = arith.constant 0 : i32
          %dma_wait3A_423 = arith.constant 0 : i32
          %dma_wait3A_424 = tpu.memref_slice %arg4[%arg0, %arg1, %dma_wait3A_422, %dma_wait3A_423] : memref<2x16x80x128xi32, #tpu.memory_space<hbm>> -> memref<1x1x8x128xi32, #tpu.memory_space<hbm>>
          %dma_wait3A_425 = tpu.memref_squeeze %dma_wait3A_424 : memref<1x1x8x128xi32, #tpu.memory_space<hbm>> -> memref<8x128xi32, #tpu.memory_space<hbm>>
          tpu.wait_dma2 semaphore(%arg13 : memref<!tpu.dma_semaphore, #tpu.memory_space<semaphore_mem>>) src(%dma_wait3A_425 : memref<8x128xi32, #tpu.memory_space<hbm>>) dst(%dma_wait3A_421 : memref<8x128xi32, #tpu.memory_space<vmem>>)
          %sub3A_426 = arith.constant 1 : i32
          %sub3A_427 = arith.subi %sub3A_426, %select_n3A_148 : i32
          %dma_wait3A_428 = arith.constant 0 : i32
          %dma_wait3A_429 = arith.constant 0 : i32
          %dma_wait3A_430 = tpu.memref_slice %arg9[%sub3A_427, %dma_wait3A_428, %dma_wait3A_429] : memref<2x8x128xi32, #tpu.memory_space<vmem>> -> memref<1x8x128xi32, #tpu.memory_space<vmem>>
          %dma_wait3A_431 = tpu.memref_squeeze %dma_wait3A_430 : memref<1x8x128xi32, #tpu.memory_space<vmem>> -> memref<8x128xi32, #tpu.memory_space<vmem>>
          %dma_wait3A_432 = arith.constant 0 : i32
          %dma_wait3A_433 = arith.constant 0 : i32
          %dma_wait3A_434 = tpu.memref_slice %arg5[%arg0, %arg1, %dma_wait3A_432, %dma_wait3A_433] : memref<2x16x80x128xi32, #tpu.memory_space<hbm>> -> memref<1x1x8x128xi32, #tpu.memory_space<hbm>>
          %dma_wait3A_435 = tpu.memref_squeeze %dma_wait3A_434 : memref<1x1x8x128xi32, #tpu.memory_space<hbm>> -> memref<8x128xi32, #tpu.memory_space<hbm>>
          %dma_wait3A_436 = arith.constant 0 : i32
          %dma_wait3A_437 = arith.constant 0 : i32
          %dma_wait3A_438 = tpu.memref_slice %arg9[%sub3A_427, %dma_wait3A_436, %dma_wait3A_437] : memref<2x8x128xi32, #tpu.memory_space<vmem>> -> memref<1x8x128xi32, #tpu.memory_space<vmem>>
          %dma_wait3A_439 = tpu.memref_squeeze %dma_wait3A_438 : memref<1x8x128xi32, #tpu.memory_space<vmem>> -> memref<8x128xi32, #tpu.memory_space<vmem>>
          %dma_wait3A_440 = arith.constant 0 : i32
          %dma_wait3A_441 = arith.constant 0 : i32
          %dma_wait3A_442 = tpu.memref_slice %arg5[%arg0, %arg1, %dma_wait3A_440, %dma_wait3A_441] : memref<2x16x80x128xi32, #tpu.memory_space<hbm>> -> memref<1x1x8x128xi32, #tpu.memory_space<hbm>>
          %dma_wait3A_443 = tpu.memref_squeeze %dma_wait3A_442 : memref<1x1x8x128xi32, #tpu.memory_space<hbm>> -> memref<8x128xi32, #tpu.memory_space<hbm>>
          tpu.wait_dma2 semaphore(%arg13 : memref<!tpu.dma_semaphore, #tpu.memory_space<semaphore_mem>>) src(%dma_wait3A_443 : memref<8x128xi32, #tpu.memory_space<hbm>>) dst(%dma_wait3A_439 : memref<8x128xi32, #tpu.memory_space<vmem>>)
        } else {
        }
        %add3A_232 = arith.constant 2 : i32
        %add3A_233 = arith.addi %mul3A_101, %add3A_232 : i32
        %lt3A_234 = arith.constant 80 : i32
        %lt3A_235 = arith.cmpi slt, %add3A_233, %lt3A_234 : i32
        %convert_element_type3A_236 = arith.extui %lt3A_235 : i1 to i32
        %cond3A_237 = arith.constant 0 : i32
        %cond3A_238 = arith.cmpi ne, %convert_element_type3A_236, %cond3A_237 : i32
        scf.if %cond3A_238 {
          %add3A_408 = arith.constant 2 : i32
          %add3A_409 = arith.addi %mul3A_101, %add3A_408 : i32
          %jit3A_410 = arith.constant 8 : i32
          %div3A_411 = arith.divsi %add3A_409, %jit3A_410 : i32
          %sign3A_412 = arith.constant 0 : i32
          %sign3A_413 = arith.cmpi sgt, %add3A_409, %sign3A_412 : i32
          %sign3A_414 = arith.extui %sign3A_413 : i1 to i32
          %sign3A_415 = arith.constant 0 : i32
          %sign3A_416 = arith.cmpi slt, %add3A_409, %sign3A_415 : i32
          %sign3A_417 = arith.extui %sign3A_416 : i1 to i32
          %sign3A_418 = arith.subi %sign3A_414, %sign3A_417 : i32
          %sign3A_419 = arith.constant 0 : i32
          %sign3A_420 = arith.cmpi sgt, %jit3A_410, %sign3A_419 : i32
          %sign3A_421 = arith.extui %sign3A_420 : i1 to i32
          %sign3A_422 = arith.constant 0 : i32
          %sign3A_423 = arith.cmpi slt, %jit3A_410, %sign3A_422 : i32
          %sign3A_424 = arith.extui %sign3A_423 : i1 to i32
          %sign3A_425 = arith.subi %sign3A_421, %sign3A_424 : i32
          %ne3A_426 = arith.cmpi ne, %sign3A_418, %sign3A_425 : i32
          %rem3A_427 = arith.remsi %add3A_409, %jit3A_410 : i32
          %ne3A_428 = arith.constant 0 : i32
          %ne3A_429 = arith.cmpi ne, %rem3A_427, %ne3A_428 : i32
          %and3A_430 = arith.andi %ne3A_426, %ne3A_429 : i1
          %sub3A_431 = arith.constant 1 : i32
          %sub3A_432 = arith.subi %div3A_411, %sub3A_431 : i32
          %select_n3A_433 = arith.select %and3A_430, %sub3A_432, %div3A_411 : i32
          %jit3A_434 = arith.constant 8 : i32
          %eq3A_435 = arith.constant 0 : i32
          %eq3A_436 = arith.cmpi eq, %jit3A_434, %eq3A_435 : i32
          %jit3A_437 = arith.constant 1 : i32
          %select_n3A_438 = arith.select %eq3A_436, %jit3A_437, %jit3A_434 : i32
          %rem3A_439 = arith.remsi %add3A_409, %select_n3A_438 : i32
          %ne3A_440 = arith.constant 0 : i32
          %ne3A_441 = arith.cmpi ne, %rem3A_439, %ne3A_440 : i32
          %lt3A_442 = arith.constant 0 : i32
          %lt3A_443 = arith.cmpi slt, %rem3A_439, %lt3A_442 : i32
          %lt3A_444 = arith.constant 0 : i32
          %lt3A_445 = arith.cmpi slt, %select_n3A_438, %lt3A_444 : i32
          %ne3A_446 = arith.xori %lt3A_443, %lt3A_445 : i1
          %and3A_447 = arith.andi %ne3A_446, %ne3A_441 : i1
          %add3A_448 = arith.addi %rem3A_439, %select_n3A_438 : i32
          %select_n3A_449 = arith.select %and3A_447, %add3A_448, %rem3A_439 : i32
          %jit3A_450 = arith.constant 2 : i32
          %eq3A_451 = arith.constant 0 : i32
          %eq3A_452 = arith.cmpi eq, %jit3A_450, %eq3A_451 : i32
          %jit3A_453 = arith.constant 1 : i32
          %select_n3A_454 = arith.select %eq3A_452, %jit3A_453, %jit3A_450 : i32
          %rem3A_455 = arith.remsi %select_n3A_433, %select_n3A_454 : i32
          %ne3A_456 = arith.constant 0 : i32
          %ne3A_457 = arith.cmpi ne, %rem3A_455, %ne3A_456 : i32
          %lt3A_458 = arith.constant 0 : i32
          %lt3A_459 = arith.cmpi slt, %rem3A_455, %lt3A_458 : i32
          %lt3A_460 = arith.constant 0 : i32
          %lt3A_461 = arith.cmpi slt, %select_n3A_454, %lt3A_460 : i32
          %ne3A_462 = arith.xori %lt3A_459, %lt3A_461 : i1
          %and3A_463 = arith.andi %ne3A_462, %ne3A_457 : i1
          %add3A_464 = arith.addi %rem3A_455, %select_n3A_454 : i32
          %select_n3A_465 = arith.select %and3A_463, %add3A_464, %rem3A_455 : i32
          %dma_start3A_466 = arith.constant 0 : i32
          %dma_start3A_467 = arith.constant 0 : i32
          %dma_start3A_468 = tpu.memref_slice %arg10[%dma_start3A_466, %dma_start3A_467] : memref<128x128xf32, #tpu.memory_space<vmem>> -> memref<64x128xf32, #tpu.memory_space<vmem>>
          %dma_start3A_469 = arith.constant 0 : i32
          %dma_start3A_470 = tpu.memref_slice %arg8[%select_n3A_465, %select_n3A_449, %dma_start3A_469] : memref<2x8x128xi32, #tpu.memory_space<vmem>> -> memref<1x1x64xi32, #tpu.memory_space<vmem>>
          %dma_start3A_471 = tpu.memref_squeeze %dma_start3A_470 : memref<1x1x64xi32, #tpu.memory_space<vmem>> -> memref<64xi32, #tpu.memory_space<vmem>>
          %dma_start3A_472 = arith.constant 0 : i32
          %dma_start3A_473 = arith.constant 0 : i32
          %dma_start3A_474 = tpu.memref_slice %arg3[%dma_start3A_472, %dma_start3A_473] : memref<10008x128xf32, #tpu.memory_space<hbm>> -> memref<10008x128xf32, #tpu.memory_space<hbm>>
          tpu.enqueue_indirect_dma source(%dma_start3A_474 : memref<10008x128xf32, #tpu.memory_space<hbm>>) target(%dma_start3A_468 : memref<64x128xf32, #tpu.memory_space<vmem>>) offsets(%dma_start3A_471 : memref<64xi32, #tpu.memory_space<vmem>>) semaphore(%arg14 : memref<!tpu.dma_semaphore, #tpu.memory_space<semaphore_mem>>)
          %dma_start3A_475 = arith.constant 64 : i32
          %dma_start3A_476 = arith.constant 0 : i32
          %dma_start3A_477 = tpu.memref_slice %arg10[%dma_start3A_475, %dma_start3A_476] : memref<128x128xf32, #tpu.memory_space<vmem>> -> memref<64x128xf32, #tpu.memory_space<vmem>>
          %dma_start3A_478 = arith.constant 64 : i32
          %dma_start3A_479 = tpu.memref_slice %arg8[%select_n3A_465, %select_n3A_449, %dma_start3A_478] : memref<2x8x128xi32, #tpu.memory_space<vmem>> -> memref<1x1x64xi32, #tpu.memory_space<vmem>>
          %dma_start3A_480 = tpu.memref_squeeze %dma_start3A_479 : memref<1x1x64xi32, #tpu.memory_space<vmem>> -> memref<64xi32, #tpu.memory_space<vmem>>
          %dma_start3A_481 = arith.constant 0 : i32
          %dma_start3A_482 = arith.constant 0 : i32
          %dma_start3A_483 = tpu.memref_slice %arg3[%dma_start3A_481, %dma_start3A_482] : memref<10008x128xf32, #tpu.memory_space<hbm>> -> memref<10008x128xf32, #tpu.memory_space<hbm>>
          tpu.enqueue_indirect_dma source(%dma_start3A_483 : memref<10008x128xf32, #tpu.memory_space<hbm>>) target(%dma_start3A_477 : memref<64x128xf32, #tpu.memory_space<vmem>>) offsets(%dma_start3A_480 : memref<64xi32, #tpu.memory_space<vmem>>) semaphore(%arg14 : memref<!tpu.dma_semaphore, #tpu.memory_space<semaphore_mem>>)
        } else {
        }
        %eq3A_239 = arith.constant 7 : i32
        %eq3A_240 = arith.cmpi eq, %select_n3A_132, %eq3A_239 : i32
        %add3A_241 = arith.constant 2 : i32
        %add3A_242 = arith.addi %select_n3A, %add3A_241 : i32
        %lt3A_243 = arith.constant 10 : i32
        %lt3A_244 = arith.cmpi slt, %add3A_242, %lt3A_243 : i32
        %and3A_245 = arith.andi %eq3A_240, %lt3A_244 : i1
        %convert_element_type3A_246 = arith.extui %and3A_245 : i1 to i32
        %cond3A_247 = arith.constant 0 : i32
        %cond3A_248 = arith.cmpi ne, %convert_element_type3A_246, %cond3A_247 : i32
        scf.if %cond3A_248 {
          %add3A_408 = arith.constant 2 : i32
          %add3A_409 = arith.addi %select_n3A, %add3A_408 : i32
          %mul3A_410 = arith.constant 8 : i32
          %mul3A_411 = arith.muli %add3A_409, %mul3A_410 : i32
          %dma_start3A_412 = arith.constant 0 : i32
          %dma_start3A_413 = arith.constant 0 : i32
          %dma_start3A_414 = tpu.memref_slice %arg8[%select_n3A_148, %dma_start3A_412, %dma_start3A_413] : memref<2x8x128xi32, #tpu.memory_space<vmem>> -> memref<1x8x128xi32, #tpu.memory_space<vmem>>
          %dma_start3A_415 = tpu.memref_squeeze %dma_start3A_414 : memref<1x8x128xi32, #tpu.memory_space<vmem>> -> memref<8x128xi32, #tpu.memory_space<vmem>>
          %dma_start3A_416 = arith.constant 0 : i32
          %dma_start3A_417 = tpu.memref_slice %arg4[%arg0, %arg1, %mul3A_411, %dma_start3A_416] : memref<2x16x80x128xi32, #tpu.memory_space<hbm>> -> memref<1x1x8x128xi32, #tpu.memory_space<hbm>>
          %dma_start3A_418 = tpu.memref_squeeze %dma_start3A_417 : memref<1x1x8x128xi32, #tpu.memory_space<hbm>> -> memref<8x128xi32, #tpu.memory_space<hbm>>
          %dma_start3A_419 = arith.constant 0 : i32
          %dma_start3A_420 = arith.constant 0 : i32
          %dma_start3A_421 = tpu.memref_slice %arg8[%select_n3A_148, %dma_start3A_419, %dma_start3A_420] : memref<2x8x128xi32, #tpu.memory_space<vmem>> -> memref<1x8x128xi32, #tpu.memory_space<vmem>>
          %dma_start3A_422 = tpu.memref_squeeze %dma_start3A_421 : memref<1x8x128xi32, #tpu.memory_space<vmem>> -> memref<8x128xi32, #tpu.memory_space<vmem>>
          %dma_start3A_423 = arith.constant 0 : i32
          %dma_start3A_424 = tpu.memref_slice %arg4[%arg0, %arg1, %mul3A_411, %dma_start3A_423] : memref<2x16x80x128xi32, #tpu.memory_space<hbm>> -> memref<1x1x8x128xi32, #tpu.memory_space<hbm>>
          %dma_start3A_425 = tpu.memref_squeeze %dma_start3A_424 : memref<1x1x8x128xi32, #tpu.memory_space<hbm>> -> memref<8x128xi32, #tpu.memory_space<hbm>>
          tpu.enqueue_dma source(%dma_start3A_425 : memref<8x128xi32, #tpu.memory_space<hbm>>) target(%dma_start3A_422 : memref<8x128xi32, #tpu.memory_space<vmem>>) target_semaphore(%arg13 : memref<!tpu.dma_semaphore, #tpu.memory_space<semaphore_mem>>)
          %add3A_426 = arith.constant 2 : i32
          %add3A_427 = arith.addi %select_n3A, %add3A_426 : i32
          %mul3A_428 = arith.constant 8 : i32
          %mul3A_429 = arith.muli %add3A_427, %mul3A_428 : i32
          %dma_start3A_430 = arith.constant 0 : i32
          %dma_start3A_431 = arith.constant 0 : i32
          %dma_start3A_432 = tpu.memref_slice %arg9[%select_n3A_148, %dma_start3A_430, %dma_start3A_431] : memref<2x8x128xi32, #tpu.memory_space<vmem>> -> memref<1x8x128xi32, #tpu.memory_space<vmem>>
          %dma_start3A_433 = tpu.memref_squeeze %dma_start3A_432 : memref<1x8x128xi32, #tpu.memory_space<vmem>> -> memref<8x128xi32, #tpu.memory_space<vmem>>
          %dma_start3A_434 = arith.constant 0 : i32
          %dma_start3A_435 = tpu.memref_slice %arg5[%arg0, %arg1, %mul3A_429, %dma_start3A_434] : memref<2x16x80x128xi32, #tpu.memory_space<hbm>> -> memref<1x1x8x128xi32, #tpu.memory_space<hbm>>
          %dma_start3A_436 = tpu.memref_squeeze %dma_start3A_435 : memref<1x1x8x128xi32, #tpu.memory_space<hbm>> -> memref<8x128xi32, #tpu.memory_space<hbm>>
          %dma_start3A_437 = arith.constant 0 : i32
          %dma_start3A_438 = arith.constant 0 : i32
          %dma_start3A_439 = tpu.memref_slice %arg9[%select_n3A_148, %dma_start3A_437, %dma_start3A_438] : memref<2x8x128xi32, #tpu.memory_space<vmem>> -> memref<1x8x128xi32, #tpu.memory_space<vmem>>
          %dma_start3A_440 = tpu.memref_squeeze %dma_start3A_439 : memref<1x8x128xi32, #tpu.memory_space<vmem>> -> memref<8x128xi32, #tpu.memory_space<vmem>>
          %dma_start3A_441 = arith.constant 0 : i32
          %dma_start3A_442 = tpu.memref_slice %arg5[%arg0, %arg1, %mul3A_429, %dma_start3A_441] : memref<2x16x80x128xi32, #tpu.memory_space<hbm>> -> memref<1x1x8x128xi32, #tpu.memory_space<hbm>>
          %dma_start3A_443 = tpu.memref_squeeze %dma_start3A_442 : memref<1x1x8x128xi32, #tpu.memory_space<hbm>> -> memref<8x128xi32, #tpu.memory_space<hbm>>
          tpu.enqueue_dma source(%dma_start3A_443 : memref<8x128xi32, #tpu.memory_space<hbm>>) target(%dma_start3A_440 : memref<8x128xi32, #tpu.memory_space<vmem>>) target_semaphore(%arg13 : memref<!tpu.dma_semaphore, #tpu.memory_space<semaphore_mem>>)
        } else {
        }
        %add3A_249 = arith.constant 1 : i32
        %add3A_250 = arith.addi %mul3A_101, %add3A_249 : i32
        %jit3A_251 = arith.constant 8 : i32
        %div3A_252 = arith.divsi %add3A_250, %jit3A_251 : i32
        %sign3A_253 = arith.constant 0 : i32
        %sign3A_254 = arith.cmpi sgt, %add3A_250, %sign3A_253 : i32
        %sign3A_255 = arith.extui %sign3A_254 : i1 to i32
        %sign3A_256 = arith.constant 0 : i32
        %sign3A_257 = arith.cmpi slt, %add3A_250, %sign3A_256 : i32
        %sign3A_258 = arith.extui %sign3A_257 : i1 to i32
        %sign3A_259 = arith.subi %sign3A_255, %sign3A_258 : i32
        %sign3A_260 = arith.constant 0 : i32
        %sign3A_261 = arith.cmpi sgt, %jit3A_251, %sign3A_260 : i32
        %sign3A_262 = arith.extui %sign3A_261 : i1 to i32
        %sign3A_263 = arith.constant 0 : i32
        %sign3A_264 = arith.cmpi slt, %jit3A_251, %sign3A_263 : i32
        %sign3A_265 = arith.extui %sign3A_264 : i1 to i32
        %sign3A_266 = arith.subi %sign3A_262, %sign3A_265 : i32
        %ne3A_267 = arith.cmpi ne, %sign3A_259, %sign3A_266 : i32
        %rem3A_268 = arith.remsi %add3A_250, %jit3A_251 : i32
        %ne3A_269 = arith.constant 0 : i32
        %ne3A_270 = arith.cmpi ne, %rem3A_268, %ne3A_269 : i32
        %and3A_271 = arith.andi %ne3A_267, %ne3A_270 : i1
        %sub3A_272 = arith.constant 1 : i32
        %sub3A_273 = arith.subi %div3A_252, %sub3A_272 : i32
        %select_n3A_274 = arith.select %and3A_271, %sub3A_273, %div3A_252 : i32
        %jit3A_275 = arith.constant 8 : i32
        %eq3A_276 = arith.constant 0 : i32
        %eq3A_277 = arith.cmpi eq, %jit3A_275, %eq3A_276 : i32
        %jit3A_278 = arith.constant 1 : i32
        %select_n3A_279 = arith.select %eq3A_277, %jit3A_278, %jit3A_275 : i32
        %rem3A_280 = arith.remsi %add3A_250, %select_n3A_279 : i32
        %ne3A_281 = arith.constant 0 : i32
        %ne3A_282 = arith.cmpi ne, %rem3A_280, %ne3A_281 : i32
        %lt3A_283 = arith.constant 0 : i32
        %lt3A_284 = arith.cmpi slt, %rem3A_280, %lt3A_283 : i32
        %lt3A_285 = arith.constant 0 : i32
        %lt3A_286 = arith.cmpi slt, %select_n3A_279, %lt3A_285 : i32
        %ne3A_287 = arith.xori %lt3A_284, %lt3A_286 : i1
        %and3A_288 = arith.andi %ne3A_287, %ne3A_282 : i1
        %add3A_289 = arith.addi %rem3A_280, %select_n3A_279 : i32
        %select_n3A_290 = arith.select %and3A_288, %add3A_289, %rem3A_280 : i32
        %jit3A_291 = arith.constant 2 : i32
        %eq3A_292 = arith.constant 0 : i32
        %eq3A_293 = arith.cmpi eq, %jit3A_291, %eq3A_292 : i32
        %jit3A_294 = arith.constant 1 : i32
        %select_n3A_295 = arith.select %eq3A_293, %jit3A_294, %jit3A_291 : i32
        %rem3A_296 = arith.remsi %select_n3A_274, %select_n3A_295 : i32
        %ne3A_297 = arith.constant 0 : i32
        %ne3A_298 = arith.cmpi ne, %rem3A_296, %ne3A_297 : i32
        %lt3A_299 = arith.constant 0 : i32
        %lt3A_300 = arith.cmpi slt, %rem3A_296, %lt3A_299 : i32
        %lt3A_301 = arith.constant 0 : i32
        %lt3A_302 = arith.cmpi slt, %select_n3A_295, %lt3A_301 : i32
        %ne3A_303 = arith.xori %lt3A_300, %lt3A_302 : i1
        %and3A_304 = arith.andi %ne3A_303, %ne3A_298 : i1
        %add3A_305 = arith.addi %rem3A_296, %select_n3A_295 : i32
        %select_n3A_306 = arith.select %and3A_304, %add3A_305, %rem3A_296 : i32
        %jit3A_307 = arith.constant 8 : i32
        %div3A_308 = arith.divsi %add3A_250, %jit3A_307 : i32
        %sign3A_309 = arith.constant 0 : i32
        %sign3A_310 = arith.cmpi sgt, %add3A_250, %sign3A_309 : i32
        %sign3A_311 = arith.extui %sign3A_310 : i1 to i32
        %sign3A_312 = arith.constant 0 : i32
        %sign3A_313 = arith.cmpi slt, %add3A_250, %sign3A_312 : i32
        %sign3A_314 = arith.extui %sign3A_313 : i1 to i32
        %sign3A_315 = arith.subi %sign3A_311, %sign3A_314 : i32
        %sign3A_316 = arith.constant 0 : i32
        %sign3A_317 = arith.cmpi sgt, %jit3A_307, %sign3A_316 : i32
        %sign3A_318 = arith.extui %sign3A_317 : i1 to i32
        %sign3A_319 = arith.constant 0 : i32
        %sign3A_320 = arith.cmpi slt, %jit3A_307, %sign3A_319 : i32
        %sign3A_321 = arith.extui %sign3A_320 : i1 to i32
        %sign3A_322 = arith.subi %sign3A_318, %sign3A_321 : i32
        %ne3A_323 = arith.cmpi ne, %sign3A_315, %sign3A_322 : i32
        %rem3A_324 = arith.remsi %add3A_250, %jit3A_307 : i32
        %ne3A_325 = arith.constant 0 : i32
        %ne3A_326 = arith.cmpi ne, %rem3A_324, %ne3A_325 : i32
        %and3A_327 = arith.andi %ne3A_323, %ne3A_326 : i1
        %sub3A_328 = arith.constant 1 : i32
        %sub3A_329 = arith.subi %div3A_308, %sub3A_328 : i32
        %select_n3A_330 = arith.select %and3A_327, %sub3A_329, %div3A_308 : i32
        %jit3A_331 = arith.constant 8 : i32
        %eq3A_332 = arith.constant 0 : i32
        %eq3A_333 = arith.cmpi eq, %jit3A_331, %eq3A_332 : i32
        %jit3A_334 = arith.constant 1 : i32
        %select_n3A_335 = arith.select %eq3A_333, %jit3A_334, %jit3A_331 : i32
        %rem3A_336 = arith.remsi %add3A_250, %select_n3A_335 : i32
        %ne3A_337 = arith.constant 0 : i32
        %ne3A_338 = arith.cmpi ne, %rem3A_336, %ne3A_337 : i32
        %lt3A_339 = arith.constant 0 : i32
        %lt3A_340 = arith.cmpi slt, %rem3A_336, %lt3A_339 : i32
        %lt3A_341 = arith.constant 0 : i32
        %lt3A_342 = arith.cmpi slt, %select_n3A_335, %lt3A_341 : i32
        %ne3A_343 = arith.xori %lt3A_340, %lt3A_342 : i1
        %and3A_344 = arith.andi %ne3A_343, %ne3A_338 : i1
        %add3A_345 = arith.addi %rem3A_336, %select_n3A_335 : i32
        %select_n3A_346 = arith.select %and3A_344, %add3A_345, %rem3A_336 : i32
        %jit3A_347 = arith.constant 2 : i32
        %eq3A_348 = arith.constant 0 : i32
        %eq3A_349 = arith.cmpi eq, %jit3A_347, %eq3A_348 : i32
        %jit3A_350 = arith.constant 1 : i32
        %select_n3A_351 = arith.select %eq3A_349, %jit3A_350, %jit3A_347 : i32
        %rem3A_352 = arith.remsi %select_n3A_330, %select_n3A_351 : i32
        %ne3A_353 = arith.constant 0 : i32
        %ne3A_354 = arith.cmpi ne, %rem3A_352, %ne3A_353 : i32
        %lt3A_355 = arith.constant 0 : i32
        %lt3A_356 = arith.cmpi slt, %rem3A_352, %lt3A_355 : i32
        %lt3A_357 = arith.constant 0 : i32
        %lt3A_358 = arith.cmpi slt, %select_n3A_351, %lt3A_357 : i32
        %ne3A_359 = arith.xori %lt3A_356, %lt3A_358 : i1
        %and3A_360 = arith.andi %ne3A_359, %ne3A_354 : i1
        %add3A_361 = arith.addi %rem3A_352, %select_n3A_351 : i32
        %select_n3A_362 = arith.select %and3A_360, %add3A_361, %rem3A_352 : i32
        %dma_wait3A_363 = arith.constant 0 : i32
        %dma_wait3A_364 = arith.constant 0 : i32
        %dma_wait3A_365 = tpu.memref_slice %arg11[%dma_wait3A_363, %dma_wait3A_364] : memref<128x128xf32, #tpu.memory_space<vmem>> -> memref<64x128xf32, #tpu.memory_space<vmem>>
        %dma_wait3A_366 = arith.constant 0 : i32
        %dma_wait3A_367 = tpu.memref_slice %arg8[%select_n3A_362, %select_n3A_346, %dma_wait3A_366] : memref<2x8x128xi32, #tpu.memory_space<vmem>> -> memref<1x1x64xi32, #tpu.memory_space<vmem>>
        %dma_wait3A_368 = tpu.memref_squeeze %dma_wait3A_367 : memref<1x1x64xi32, #tpu.memory_space<vmem>> -> memref<64xi32, #tpu.memory_space<vmem>>
        %dma_wait3A_369 = arith.constant 0 : i32
        %dma_wait3A_370 = arith.constant 0 : i32
        %dma_wait3A_371 = tpu.memref_slice %arg3[%dma_wait3A_369, %dma_wait3A_370] : memref<10008x128xf32, #tpu.memory_space<hbm>> -> memref<10008x128xf32, #tpu.memory_space<hbm>>
        tpu.wait_indirect_dma semaphore(%arg15 : memref<!tpu.dma_semaphore, #tpu.memory_space<semaphore_mem>>) src(%dma_wait3A_371 : memref<10008x128xf32, #tpu.memory_space<hbm>>) dst(%dma_wait3A_365 : memref<64x128xf32, #tpu.memory_space<vmem>>)
        %dma_wait3A_372 = arith.constant 64 : i32
        %dma_wait3A_373 = arith.constant 0 : i32
        %dma_wait3A_374 = tpu.memref_slice %arg11[%dma_wait3A_372, %dma_wait3A_373] : memref<128x128xf32, #tpu.memory_space<vmem>> -> memref<64x128xf32, #tpu.memory_space<vmem>>
        %dma_wait3A_375 = arith.constant 64 : i32
        %dma_wait3A_376 = tpu.memref_slice %arg8[%select_n3A_362, %select_n3A_346, %dma_wait3A_375] : memref<2x8x128xi32, #tpu.memory_space<vmem>> -> memref<1x1x64xi32, #tpu.memory_space<vmem>>
        %dma_wait3A_377 = tpu.memref_squeeze %dma_wait3A_376 : memref<1x1x64xi32, #tpu.memory_space<vmem>> -> memref<64xi32, #tpu.memory_space<vmem>>
        %dma_wait3A_378 = arith.constant 0 : i32
        %dma_wait3A_379 = arith.constant 0 : i32
        %dma_wait3A_380 = tpu.memref_slice %arg3[%dma_wait3A_378, %dma_wait3A_379] : memref<10008x128xf32, #tpu.memory_space<hbm>> -> memref<10008x128xf32, #tpu.memory_space<hbm>>
        tpu.wait_indirect_dma semaphore(%arg15 : memref<!tpu.dma_semaphore, #tpu.memory_space<semaphore_mem>>) src(%dma_wait3A_380 : memref<10008x128xf32, #tpu.memory_space<hbm>>) dst(%dma_wait3A_374 : memref<64x128xf32, #tpu.memory_space<vmem>>)
        "tpu.region"() ({
          %run_scoped3A_408 = tpu.sem_alloc : memref<!tpu.dma_semaphore, #tpu.memory_space<semaphore_mem>>
          %dma_start3A_409 = arith.constant 0 : i32
          %dma_start3A_410 = tpu.memref_slice %arg9[%select_n3A_306, %select_n3A_290, %dma_start3A_409] : memref<2x8x128xi32, #tpu.memory_space<vmem>> -> memref<1x1x128xi32, #tpu.memory_space<vmem>>
          %dma_start3A_411 = tpu.memref_squeeze %dma_start3A_410 : memref<1x1x128xi32, #tpu.memory_space<vmem>> -> memref<128xi32, #tpu.memory_space<vmem>>
          %dma_start3A_412 = arith.constant 0 : i32
          %dma_start3A_413 = arith.constant 0 : i32
          %dma_start3A_414 = tpu.memref_slice %arg12[%dma_start3A_412, %dma_start3A_413] : memref<10000x128xf32, #tpu.memory_space<vmem_shared>> -> memref<10000x128xf32, #tpu.memory_space<vmem_shared>>
          tpu.enqueue_indirect_dma source(%arg11 : memref<128x128xf32, #tpu.memory_space<vmem>>) target(%dma_start3A_414 : memref<10000x128xf32, #tpu.memory_space<vmem_shared>>) offsets(%dma_start3A_411 : memref<128xi32, #tpu.memory_space<vmem>>) semaphore(%run_scoped3A_408 : memref<!tpu.dma_semaphore, #tpu.memory_space<semaphore_mem>>) {add = true}
          %dma_wait3A_415 = arith.constant 0 : i32
          %dma_wait3A_416 = tpu.memref_slice %arg9[%select_n3A_306, %select_n3A_290, %dma_wait3A_415] : memref<2x8x128xi32, #tpu.memory_space<vmem>> -> memref<1x1x128xi32, #tpu.memory_space<vmem>>
          %dma_wait3A_417 = tpu.memref_squeeze %dma_wait3A_416 : memref<1x1x128xi32, #tpu.memory_space<vmem>> -> memref<128xi32, #tpu.memory_space<vmem>>
          %dma_wait3A_418 = arith.constant 0 : i32
          %dma_wait3A_419 = arith.constant 0 : i32
          %dma_wait3A_420 = tpu.memref_slice %arg12[%dma_wait3A_418, %dma_wait3A_419] : memref<10000x128xf32, #tpu.memory_space<vmem_shared>> -> memref<10000x128xf32, #tpu.memory_space<vmem_shared>>
          tpu.wait_indirect_dma semaphore(%run_scoped3A_408 : memref<!tpu.dma_semaphore, #tpu.memory_space<semaphore_mem>>) src(%arg11 : memref<128x128xf32, #tpu.memory_space<vmem>>) dst(%dma_wait3A_420 : memref<10000x128xf32, #tpu.memory_space<vmem_shared>>)
          tpu.yield
        }) : () -> ()
        %eq3A_381 = arith.constant 6 : i32
        %eq3A_382 = arith.cmpi eq, %select_n3A_290, %eq3A_381 : i32
        %add3A_383 = arith.constant 1 : i32
        %add3A_384 = arith.addi %select_n3A_274, %add3A_383 : i32
        %lt3A_385 = arith.constant 10 : i32
        %lt3A_386 = arith.cmpi slt, %add3A_384, %lt3A_385 : i32
        %and3A_387 = arith.andi %eq3A_382, %lt3A_386 : i1
        %convert_element_type3A_388 = arith.extui %and3A_387 : i1 to i32
        %cond3A_389 = arith.constant 0 : i32
        %cond3A_390 = arith.cmpi ne, %convert_element_type3A_388, %cond3A_389 : i32
        scf.if %cond3A_390 {
          %sub3A_408 = arith.constant 1 : i32
          %sub3A_409 = arith.subi %sub3A_408, %select_n3A_306 : i32
          %dma_wait3A_410 = arith.constant 0 : i32
          %dma_wait3A_411 = arith.constant 0 : i32
          %dma_wait3A_412 = tpu.memref_slice %arg8[%sub3A_409, %dma_wait3A_410, %dma_wait3A_411] : memref<2x8x128xi32, #tpu.memory_space<vmem>> -> memref<1x8x128xi32, #tpu.memory_space<vmem>>
          %dma_wait3A_413 = tpu.memref_squeeze %dma_wait3A_412 : memref<1x8x128xi32, #tpu.memory_space<vmem>> -> memref<8x128xi32, #tpu.memory_space<vmem>>
          %dma_wait3A_414 = arith.constant 0 : i32
          %dma_wait3A_415 = arith.constant 0 : i32
          %dma_wait3A_416 = tpu.memref_slice %arg4[%arg0, %arg1, %dma_wait3A_414, %dma_wait3A_415] : memref<2x16x80x128xi32, #tpu.memory_space<hbm>> -> memref<1x1x8x128xi32, #tpu.memory_space<hbm>>
          %dma_wait3A_417 = tpu.memref_squeeze %dma_wait3A_416 : memref<1x1x8x128xi32, #tpu.memory_space<hbm>> -> memref<8x128xi32, #tpu.memory_space<hbm>>
          %dma_wait3A_418 = arith.constant 0 : i32
          %dma_wait3A_419 = arith.constant 0 : i32
          %dma_wait3A_420 = tpu.memref_slice %arg8[%sub3A_409, %dma_wait3A_418, %dma_wait3A_419] : memref<2x8x128xi32, #tpu.memory_space<vmem>> -> memref<1x8x128xi32, #tpu.memory_space<vmem>>
          %dma_wait3A_421 = tpu.memref_squeeze %dma_wait3A_420 : memref<1x8x128xi32, #tpu.memory_space<vmem>> -> memref<8x128xi32, #tpu.memory_space<vmem>>
          %dma_wait3A_422 = arith.constant 0 : i32
          %dma_wait3A_423 = arith.constant 0 : i32
          %dma_wait3A_424 = tpu.memref_slice %arg4[%arg0, %arg1, %dma_wait3A_422, %dma_wait3A_423] : memref<2x16x80x128xi32, #tpu.memory_space<hbm>> -> memref<1x1x8x128xi32, #tpu.memory_space<hbm>>
          %dma_wait3A_425 = tpu.memref_squeeze %dma_wait3A_424 : memref<1x1x8x128xi32, #tpu.memory_space<hbm>> -> memref<8x128xi32, #tpu.memory_space<hbm>>
          tpu.wait_dma2 semaphore(%arg13 : memref<!tpu.dma_semaphore, #tpu.memory_space<semaphore_mem>>) src(%dma_wait3A_425 : memref<8x128xi32, #tpu.memory_space<hbm>>) dst(%dma_wait3A_421 : memref<8x128xi32, #tpu.memory_space<vmem>>)
          %sub3A_426 = arith.constant 1 : i32
          %sub3A_427 = arith.subi %sub3A_426, %select_n3A_306 : i32
          %dma_wait3A_428 = arith.constant 0 : i32
          %dma_wait3A_429 = arith.constant 0 : i32
          %dma_wait3A_430 = tpu.memref_slice %arg9[%sub3A_427, %dma_wait3A_428, %dma_wait3A_429] : memref<2x8x128xi32, #tpu.memory_space<vmem>> -> memref<1x8x128xi32, #tpu.memory_space<vmem>>
          %dma_wait3A_431 = tpu.memref_squeeze %dma_wait3A_430 : memref<1x8x128xi32, #tpu.memory_space<vmem>> -> memref<8x128xi32, #tpu.memory_space<vmem>>
          %dma_wait3A_432 = arith.constant 0 : i32
          %dma_wait3A_433 = arith.constant 0 : i32
          %dma_wait3A_434 = tpu.memref_slice %arg5[%arg0, %arg1, %dma_wait3A_432, %dma_wait3A_433] : memref<2x16x80x128xi32, #tpu.memory_space<hbm>> -> memref<1x1x8x128xi32, #tpu.memory_space<hbm>>
          %dma_wait3A_435 = tpu.memref_squeeze %dma_wait3A_434 : memref<1x1x8x128xi32, #tpu.memory_space<hbm>> -> memref<8x128xi32, #tpu.memory_space<hbm>>
          %dma_wait3A_436 = arith.constant 0 : i32
          %dma_wait3A_437 = arith.constant 0 : i32
          %dma_wait3A_438 = tpu.memref_slice %arg9[%sub3A_427, %dma_wait3A_436, %dma_wait3A_437] : memref<2x8x128xi32, #tpu.memory_space<vmem>> -> memref<1x8x128xi32, #tpu.memory_space<vmem>>
          %dma_wait3A_439 = tpu.memref_squeeze %dma_wait3A_438 : memref<1x8x128xi32, #tpu.memory_space<vmem>> -> memref<8x128xi32, #tpu.memory_space<vmem>>
          %dma_wait3A_440 = arith.constant 0 : i32
          %dma_wait3A_441 = arith.constant 0 : i32
          %dma_wait3A_442 = tpu.memref_slice %arg5[%arg0, %arg1, %dma_wait3A_440, %dma_wait3A_441] : memref<2x16x80x128xi32, #tpu.memory_space<hbm>> -> memref<1x1x8x128xi32, #tpu.memory_space<hbm>>
          %dma_wait3A_443 = tpu.memref_squeeze %dma_wait3A_442 : memref<1x1x8x128xi32, #tpu.memory_space<hbm>> -> memref<8x128xi32, #tpu.memory_space<hbm>>
          tpu.wait_dma2 semaphore(%arg13 : memref<!tpu.dma_semaphore, #tpu.memory_space<semaphore_mem>>) src(%dma_wait3A_443 : memref<8x128xi32, #tpu.memory_space<hbm>>) dst(%dma_wait3A_439 : memref<8x128xi32, #tpu.memory_space<vmem>>)
        } else {
        }
        %add3A_391 = arith.constant 2 : i32
        %add3A_392 = arith.addi %add3A_250, %add3A_391 : i32
        %lt3A_393 = arith.constant 80 : i32
        %lt3A_394 = arith.cmpi slt, %add3A_392, %lt3A_393 : i32
        %convert_element_type3A_395 = arith.extui %lt3A_394 : i1 to i32
        %cond3A_396 = arith.constant 0 : i32
        %cond3A_397 = arith.cmpi ne, %convert_element_type3A_395, %cond3A_396 : i32
        scf.if %cond3A_397 {
          %add3A_408 = arith.constant 2 : i32
          %add3A_409 = arith.addi %add3A_250, %add3A_408 : i32
          %jit3A_410 = arith.constant 8 : i32
          %div3A_411 = arith.divsi %add3A_409, %jit3A_410 : i32
          %sign3A_412 = arith.constant 0 : i32
          %sign3A_413 = arith.cmpi sgt, %add3A_409, %sign3A_412 : i32
          %sign3A_414 = arith.extui %sign3A_413 : i1 to i32
          %sign3A_415 = arith.constant 0 : i32
          %sign3A_416 = arith.cmpi slt, %add3A_409, %sign3A_415 : i32
          %sign3A_417 = arith.extui %sign3A_416 : i1 to i32
          %sign3A_418 = arith.subi %sign3A_414, %sign3A_417 : i32
          %sign3A_419 = arith.constant 0 : i32
          %sign3A_420 = arith.cmpi sgt, %jit3A_410, %sign3A_419 : i32
          %sign3A_421 = arith.extui %sign3A_420 : i1 to i32
          %sign3A_422 = arith.constant 0 : i32
          %sign3A_423 = arith.cmpi slt, %jit3A_410, %sign3A_422 : i32
          %sign3A_424 = arith.extui %sign3A_423 : i1 to i32
          %sign3A_425 = arith.subi %sign3A_421, %sign3A_424 : i32
          %ne3A_426 = arith.cmpi ne, %sign3A_418, %sign3A_425 : i32
          %rem3A_427 = arith.remsi %add3A_409, %jit3A_410 : i32
          %ne3A_428 = arith.constant 0 : i32
          %ne3A_429 = arith.cmpi ne, %rem3A_427, %ne3A_428 : i32
          %and3A_430 = arith.andi %ne3A_426, %ne3A_429 : i1
          %sub3A_431 = arith.constant 1 : i32
          %sub3A_432 = arith.subi %div3A_411, %sub3A_431 : i32
          %select_n3A_433 = arith.select %and3A_430, %sub3A_432, %div3A_411 : i32
          %jit3A_434 = arith.constant 8 : i32
          %eq3A_435 = arith.constant 0 : i32
          %eq3A_436 = arith.cmpi eq, %jit3A_434, %eq3A_435 : i32
          %jit3A_437 = arith.constant 1 : i32
          %select_n3A_438 = arith.select %eq3A_436, %jit3A_437, %jit3A_434 : i32
          %rem3A_439 = arith.remsi %add3A_409, %select_n3A_438 : i32
          %ne3A_440 = arith.constant 0 : i32
          %ne3A_441 = arith.cmpi ne, %rem3A_439, %ne3A_440 : i32
          %lt3A_442 = arith.constant 0 : i32
          %lt3A_443 = arith.cmpi slt, %rem3A_439, %lt3A_442 : i32
          %lt3A_444 = arith.constant 0 : i32
          %lt3A_445 = arith.cmpi slt, %select_n3A_438, %lt3A_444 : i32
          %ne3A_446 = arith.xori %lt3A_443, %lt3A_445 : i1
          %and3A_447 = arith.andi %ne3A_446, %ne3A_441 : i1
          %add3A_448 = arith.addi %rem3A_439, %select_n3A_438 : i32
          %select_n3A_449 = arith.select %and3A_447, %add3A_448, %rem3A_439 : i32
          %jit3A_450 = arith.constant 2 : i32
          %eq3A_451 = arith.constant 0 : i32
          %eq3A_452 = arith.cmpi eq, %jit3A_450, %eq3A_451 : i32
          %jit3A_453 = arith.constant 1 : i32
          %select_n3A_454 = arith.select %eq3A_452, %jit3A_453, %jit3A_450 : i32
          %rem3A_455 = arith.remsi %select_n3A_433, %select_n3A_454 : i32
          %ne3A_456 = arith.constant 0 : i32
          %ne3A_457 = arith.cmpi ne, %rem3A_455, %ne3A_456 : i32
          %lt3A_458 = arith.constant 0 : i32
          %lt3A_459 = arith.cmpi slt, %rem3A_455, %lt3A_458 : i32
          %lt3A_460 = arith.constant 0 : i32
          %lt3A_461 = arith.cmpi slt, %select_n3A_454, %lt3A_460 : i32
          %ne3A_462 = arith.xori %lt3A_459, %lt3A_461 : i1
          %and3A_463 = arith.andi %ne3A_462, %ne3A_457 : i1
          %add3A_464 = arith.addi %rem3A_455, %select_n3A_454 : i32
          %select_n3A_465 = arith.select %and3A_463, %add3A_464, %rem3A_455 : i32
          %dma_start3A_466 = arith.constant 0 : i32
          %dma_start3A_467 = arith.constant 0 : i32
          %dma_start3A_468 = tpu.memref_slice %arg11[%dma_start3A_466, %dma_start3A_467] : memref<128x128xf32, #tpu.memory_space<vmem>> -> memref<64x128xf32, #tpu.memory_space<vmem>>
          %dma_start3A_469 = arith.constant 0 : i32
          %dma_start3A_470 = tpu.memref_slice %arg8[%select_n3A_465, %select_n3A_449, %dma_start3A_469] : memref<2x8x128xi32, #tpu.memory_space<vmem>> -> memref<1x1x64xi32, #tpu.memory_space<vmem>>
          %dma_start3A_471 = tpu.memref_squeeze %dma_start3A_470 : memref<1x1x64xi32, #tpu.memory_space<vmem>> -> memref<64xi32, #tpu.memory_space<vmem>>
          %dma_start3A_472 = arith.constant 0 : i32
          %dma_start3A_473 = arith.constant 0 : i32
          %dma_start3A_474 = tpu.memref_slice %arg3[%dma_start3A_472, %dma_start3A_473] : memref<10008x128xf32, #tpu.memory_space<hbm>> -> memref<10008x128xf32, #tpu.memory_space<hbm>>
          tpu.enqueue_indirect_dma source(%dma_start3A_474 : memref<10008x128xf32, #tpu.memory_space<hbm>>) target(%dma_start3A_468 : memref<64x128xf32, #tpu.memory_space<vmem>>) offsets(%dma_start3A_471 : memref<64xi32, #tpu.memory_space<vmem>>) semaphore(%arg15 : memref<!tpu.dma_semaphore, #tpu.memory_space<semaphore_mem>>)
          %dma_start3A_475 = arith.constant 64 : i32
          %dma_start3A_476 = arith.constant 0 : i32
          %dma_start3A_477 = tpu.memref_slice %arg11[%dma_start3A_475, %dma_start3A_476] : memref<128x128xf32, #tpu.memory_space<vmem>> -> memref<64x128xf32, #tpu.memory_space<vmem>>
          %dma_start3A_478 = arith.constant 64 : i32
          %dma_start3A_479 = tpu.memref_slice %arg8[%select_n3A_465, %select_n3A_449, %dma_start3A_478] : memref<2x8x128xi32, #tpu.memory_space<vmem>> -> memref<1x1x64xi32, #tpu.memory_space<vmem>>
          %dma_start3A_480 = tpu.memref_squeeze %dma_start3A_479 : memref<1x1x64xi32, #tpu.memory_space<vmem>> -> memref<64xi32, #tpu.memory_space<vmem>>
          %dma_start3A_481 = arith.constant 0 : i32
          %dma_start3A_482 = arith.constant 0 : i32
          %dma_start3A_483 = tpu.memref_slice %arg3[%dma_start3A_481, %dma_start3A_482] : memref<10008x128xf32, #tpu.memory_space<hbm>> -> memref<10008x128xf32, #tpu.memory_space<hbm>>
          tpu.enqueue_indirect_dma source(%dma_start3A_483 : memref<10008x128xf32, #tpu.memory_space<hbm>>) target(%dma_start3A_477 : memref<64x128xf32, #tpu.memory_space<vmem>>) offsets(%dma_start3A_480 : memref<64xi32, #tpu.memory_space<vmem>>) semaphore(%arg15 : memref<!tpu.dma_semaphore, #tpu.memory_space<semaphore_mem>>)
        } else {
        }
        %eq3A_398 = arith.constant 7 : i32
        %eq3A_399 = arith.cmpi eq, %select_n3A_290, %eq3A_398 : i32
        %add3A_400 = arith.constant 2 : i32
        %add3A_401 = arith.addi %select_n3A_274, %add3A_400 : i32
        %lt3A_402 = arith.constant 10 : i32
        %lt3A_403 = arith.cmpi slt, %add3A_401, %lt3A_402 : i32
        %and3A_404 = arith.andi %eq3A_399, %lt3A_403 : i1
        %convert_element_type3A_405 = arith.extui %and3A_404 : i1 to i32
        %cond3A_406 = arith.constant 0 : i32
        %cond3A_407 = arith.cmpi ne, %convert_element_type3A_405, %cond3A_406 : i32
        scf.if %cond3A_407 {
          %add3A_408 = arith.constant 2 : i32
          %add3A_409 = arith.addi %select_n3A_274, %add3A_408 : i32
          %mul3A_410 = arith.constant 8 : i32
          %mul3A_411 = arith.muli %add3A_409, %mul3A_410 : i32
          %dma_start3A_412 = arith.constant 0 : i32
          %dma_start3A_413 = arith.constant 0 : i32
          %dma_start3A_414 = tpu.memref_slice %arg8[%select_n3A_306, %dma_start3A_412, %dma_start3A_413] : memref<2x8x128xi32, #tpu.memory_space<vmem>> -> memref<1x8x128xi32, #tpu.memory_space<vmem>>
          %dma_start3A_415 = tpu.memref_squeeze %dma_start3A_414 : memref<1x8x128xi32, #tpu.memory_space<vmem>> -> memref<8x128xi32, #tpu.memory_space<vmem>>
          %dma_start3A_416 = arith.constant 0 : i32
          %dma_start3A_417 = tpu.memref_slice %arg4[%arg0, %arg1, %mul3A_411, %dma_start3A_416] : memref<2x16x80x128xi32, #tpu.memory_space<hbm>> -> memref<1x1x8x128xi32, #tpu.memory_space<hbm>>
          %dma_start3A_418 = tpu.memref_squeeze %dma_start3A_417 : memref<1x1x8x128xi32, #tpu.memory_space<hbm>> -> memref<8x128xi32, #tpu.memory_space<hbm>>
          %dma_start3A_419 = arith.constant 0 : i32
          %dma_start3A_420 = arith.constant 0 : i32
          %dma_start3A_421 = tpu.memref_slice %arg8[%select_n3A_306, %dma_start3A_419, %dma_start3A_420] : memref<2x8x128xi32, #tpu.memory_space<vmem>> -> memref<1x8x128xi32, #tpu.memory_space<vmem>>
          %dma_start3A_422 = tpu.memref_squeeze %dma_start3A_421 : memref<1x8x128xi32, #tpu.memory_space<vmem>> -> memref<8x128xi32, #tpu.memory_space<vmem>>
          %dma_start3A_423 = arith.constant 0 : i32
          %dma_start3A_424 = tpu.memref_slice %arg4[%arg0, %arg1, %mul3A_411, %dma_start3A_423] : memref<2x16x80x128xi32, #tpu.memory_space<hbm>> -> memref<1x1x8x128xi32, #tpu.memory_space<hbm>>
          %dma_start3A_425 = tpu.memref_squeeze %dma_start3A_424 : memref<1x1x8x128xi32, #tpu.memory_space<hbm>> -> memref<8x128xi32, #tpu.memory_space<hbm>>
          tpu.enqueue_dma source(%dma_start3A_425 : memref<8x128xi32, #tpu.memory_space<hbm>>) target(%dma_start3A_422 : memref<8x128xi32, #tpu.memory_space<vmem>>) target_semaphore(%arg13 : memref<!tpu.dma_semaphore, #tpu.memory_space<semaphore_mem>>)
          %add3A_426 = arith.constant 2 : i32
          %add3A_427 = arith.addi %select_n3A_274, %add3A_426 : i32
          %mul3A_428 = arith.constant 8 : i32
          %mul3A_429 = arith.muli %add3A_427, %mul3A_428 : i32
          %dma_start3A_430 = arith.constant 0 : i32
          %dma_start3A_431 = arith.constant 0 : i32
          %dma_start3A_432 = tpu.memref_slice %arg9[%select_n3A_306, %dma_start3A_430, %dma_start3A_431] : memref<2x8x128xi32, #tpu.memory_space<vmem>> -> memref<1x8x128xi32, #tpu.memory_space<vmem>>
          %dma_start3A_433 = tpu.memref_squeeze %dma_start3A_432 : memref<1x8x128xi32, #tpu.memory_space<vmem>> -> memref<8x128xi32, #tpu.memory_space<vmem>>
          %dma_start3A_434 = arith.constant 0 : i32
          %dma_start3A_435 = tpu.memref_slice %arg5[%arg0, %arg1, %mul3A_429, %dma_start3A_434] : memref<2x16x80x128xi32, #tpu.memory_space<hbm>> -> memref<1x1x8x128xi32, #tpu.memory_space<hbm>>
          %dma_start3A_436 = tpu.memref_squeeze %dma_start3A_435 : memref<1x1x8x128xi32, #tpu.memory_space<hbm>> -> memref<8x128xi32, #tpu.memory_space<hbm>>
          %dma_start3A_437 = arith.constant 0 : i32
          %dma_start3A_438 = arith.constant 0 : i32
          %dma_start3A_439 = tpu.memref_slice %arg9[%select_n3A_306, %dma_start3A_437, %dma_start3A_438] : memref<2x8x128xi32, #tpu.memory_space<vmem>> -> memref<1x8x128xi32, #tpu.memory_space<vmem>>
          %dma_start3A_440 = tpu.memref_squeeze %dma_start3A_439 : memref<1x8x128xi32, #tpu.memory_space<vmem>> -> memref<8x128xi32, #tpu.memory_space<vmem>>
          %dma_start3A_441 = arith.constant 0 : i32
          %dma_start3A_442 = tpu.memref_slice %arg5[%arg0, %arg1, %mul3A_429, %dma_start3A_441] : memref<2x16x80x128xi32, #tpu.memory_space<hbm>> -> memref<1x1x8x128xi32, #tpu.memory_space<hbm>>
          %dma_start3A_443 = tpu.memref_squeeze %dma_start3A_442 : memref<1x1x8x128xi32, #tpu.memory_space<hbm>> -> memref<8x128xi32, #tpu.memory_space<hbm>>
          tpu.enqueue_dma source(%dma_start3A_443 : memref<8x128xi32, #tpu.memory_space<hbm>>) target(%dma_start3A_440 : memref<8x128xi32, #tpu.memory_space<vmem>>) target_semaphore(%arg13 : memref<!tpu.dma_semaphore, #tpu.memory_space<semaphore_mem>>)
        } else {
        }
      }
      %scan3A_99 = arith.constant 40 : i32
    } else {
    }
    %barrier3A = arith.constant 0 : index
    tpu.barrier barrier_id(%barrier3A)
    %lt3A = arith.constant 10 : i32
    %lt3A_41 = arith.cmpi slt, %arg1, %lt3A : i32
    %convert_element_type3A_42 = arith.extui %lt3A_41 : i1 to i32
    %cond3A_43 = arith.constant 0 : i32
    %cond3A_44 = arith.cmpi ne, %convert_element_type3A_42, %cond3A_43 : i32
    scf.if %cond3A_44 {
      %mul3A = arith.constant 1000 : i32
      %mul3A_45 = arith.muli %arg1, %mul3A : i32
      %mul3A_46 = arith.constant 1000 : i32
      %mul3A_47 = arith.muli %arg1, %mul3A_46 : i32
      "tpu.region"() ({
        %run_scoped3A_48 = tpu.sem_alloc : memref<!tpu.dma_semaphore, #tpu.memory_space<semaphore_mem>>
        %dma_start3A_49 = arith.constant 0 : i32
        %dma_start3A_50 = tpu.memref_slice %arg7[%arg0, %mul3A_47, %dma_start3A_49] : memref<2x10000x128xf32, #tpu.memory_space<hbm>> -> memref<1x1000x128xf32, #tpu.memory_space<hbm>>
        %dma_start3A_51 = tpu.memref_squeeze %dma_start3A_50 : memref<1x1000x128xf32, #tpu.memory_space<hbm>> -> memref<1000x128xf32, #tpu.memory_space<hbm>>
        %dma_start3A_52 = arith.constant 0 : i32
        %dma_start3A_53 = tpu.memref_slice %arg12[%mul3A_45, %dma_start3A_52] : memref<10000x128xf32, #tpu.memory_space<vmem_shared>> -> memref<1000x128xf32, #tpu.memory_space<vmem_shared>>
        tpu.enqueue_dma source(%dma_start3A_53 : memref<1000x128xf32, #tpu.memory_space<vmem_shared>>) target(%dma_start3A_51 : memref<1000x128xf32, #tpu.memory_space<hbm>>) target_semaphore(%run_scoped3A_48 : memref<!tpu.dma_semaphore, #tpu.memory_space<semaphore_mem>>)
        %dma_wait3A = arith.constant 0 : i32
        %dma_wait3A_54 = tpu.memref_slice %arg7[%arg0, %mul3A_47, %dma_wait3A] : memref<2x10000x128xf32, #tpu.memory_space<hbm>> -> memref<1x1000x128xf32, #tpu.memory_space<hbm>>
        %dma_wait3A_55 = tpu.memref_squeeze %dma_wait3A_54 : memref<1x1000x128xf32, #tpu.memory_space<hbm>> -> memref<1000x128xf32, #tpu.memory_space<hbm>>
        %dma_wait3A_56 = arith.constant 0 : i32
        %dma_wait3A_57 = tpu.memref_slice %arg12[%mul3A_45, %dma_wait3A_56] : memref<10000x128xf32, #tpu.memory_space<vmem_shared>> -> memref<1000x128xf32, #tpu.memory_space<vmem_shared>>
        tpu.wait_dma2 semaphore(%run_scoped3A_48 : memref<!tpu.dma_semaphore, #tpu.memory_space<semaphore_mem>>) src(%dma_wait3A_57 : memref<1000x128xf32, #tpu.memory_space<vmem_shared>>) dst(%dma_wait3A_55 : memref<1000x128xf32, #tpu.memory_space<hbm>>)
        tpu.yield
      }) : () -> ()
    } else {
    }
    return
  }
}

#map = affine_map<(d0, d1) -> (0, 0)>
#map1 = affine_map<(d0, d1) -> (0, 0, 0, 0)>
#map2 = affine_map<(d0, d1) -> (0, 0, 0)>
module attributes {stable_mosaic.version = 14 : i64} {
  func.func @_kernel(%arg0: i32, %arg1: i32, %arg2: memref<10008x128xf32, #tpu.memory_space<hbm>>, %arg3: memref<10008x128xf32, #tpu.memory_space<hbm>>, %arg4: memref<1x16x160x128xi32, #tpu.memory_space<hbm>>, %arg5: memref<1x16x160x128xi32, #tpu.memory_space<hbm>>, %arg6: memref<1000x128xf32, #tpu.memory_space<hbm>>, %arg7: memref<2x10000x128xf32, #tpu.memory_space<hbm>>, %arg8: memref<2x8x128xi32, #tpu.memory_space<vmem>>, %arg9: memref<2x8x128xi32, #tpu.memory_space<vmem>>, %arg10: memref<128x128xf32, #tpu.memory_space<vmem>>, %arg11: memref<128x128xf32, #tpu.memory_space<vmem>>, %arg12: memref<10000x128xf32, #tpu.memory_space<vmem_shared>>, %arg13: memref<!tpu.dma_semaphore, #tpu.memory_space<semaphore_mem>>, %arg14: memref<!tpu.dma_semaphore, #tpu.memory_space<semaphore_mem>>, %arg15: memref<!tpu.dma_semaphore, #tpu.memory_space<semaphore_mem>>) attributes {dimension_semantics = [#tpu.dimension_semantics<core_parallel>, #tpu.dimension_semantics<subcore_parallel>], iteration_bounds = array<i64: 2, 16>, scalar_prefetch = 0 : i64, scratch_operands = 8 : i64, tpu.core_type = #tpu.core_type<sc_vector_subcore>, window_params = [{transform_indices = #map}, {transform_indices = #map}, {transform_indices = #map1}, {transform_indices = #map1}, {transform_indices = #map}, {transform_indices = #map2}]} {
    %run_scoped3A = arith.constant 0 : i32
    %run_scoped3A_0 = arith.constant 0 : i32
    "tpu.region"() ({
      %run_scoped3A_49 = tpu.sem_alloc : memref<!tpu.dma_semaphore, #tpu.memory_space<semaphore_mem>>
      %dma_start3A_50 = arith.constant 0 : i32
      %dma_start3A_51 = arith.constant 0 : i32
      %dma_start3A_52 = tpu.memref_slice %arg8[%run_scoped3A_0, %dma_start3A_50, %dma_start3A_51] : memref<2x8x128xi32, #tpu.memory_space<vmem>> -> memref<1x8x128xi32, #tpu.memory_space<vmem>>
      %dma_start3A_53 = tpu.memref_squeeze %dma_start3A_52 : memref<1x8x128xi32, #tpu.memory_space<vmem>> -> memref<8x128xi32, #tpu.memory_space<vmem>>
      %dma_start3A_54 = arith.constant 0 : i32
      %dma_start3A_55 = arith.constant 0 : i32
      %dma_start3A_56 = tpu.memref_slice %arg4[%run_scoped3A, %arg1, %dma_start3A_54, %dma_start3A_55] : memref<1x16x160x128xi32, #tpu.memory_space<hbm>> -> memref<1x1x8x128xi32, #tpu.memory_space<hbm>>
      %dma_start3A_57 = tpu.memref_squeeze %dma_start3A_56 : memref<1x1x8x128xi32, #tpu.memory_space<hbm>> -> memref<8x128xi32, #tpu.memory_space<hbm>>
      %dma_start3A_58 = arith.constant 0 : i32
      %dma_start3A_59 = arith.constant 0 : i32
      %dma_start3A_60 = tpu.memref_slice %arg8[%run_scoped3A_0, %dma_start3A_58, %dma_start3A_59] : memref<2x8x128xi32, #tpu.memory_space<vmem>> -> memref<1x8x128xi32, #tpu.memory_space<vmem>>
      %dma_start3A_61 = tpu.memref_squeeze %dma_start3A_60 : memref<1x8x128xi32, #tpu.memory_space<vmem>> -> memref<8x128xi32, #tpu.memory_space<vmem>>
      %dma_start3A_62 = arith.constant 0 : i32
      %dma_start3A_63 = arith.constant 0 : i32
      %dma_start3A_64 = tpu.memref_slice %arg4[%run_scoped3A, %arg1, %dma_start3A_62, %dma_start3A_63] : memref<1x16x160x128xi32, #tpu.memory_space<hbm>> -> memref<1x1x8x128xi32, #tpu.memory_space<hbm>>
      %dma_start3A_65 = tpu.memref_squeeze %dma_start3A_64 : memref<1x1x8x128xi32, #tpu.memory_space<hbm>> -> memref<8x128xi32, #tpu.memory_space<hbm>>
      tpu.enqueue_dma source(%dma_start3A_65 : memref<8x128xi32, #tpu.memory_space<hbm>>) target(%dma_start3A_61 : memref<8x128xi32, #tpu.memory_space<vmem>>) target_semaphore(%run_scoped3A_49 : memref<!tpu.dma_semaphore, #tpu.memory_space<semaphore_mem>>)
      %dma_wait3A = arith.constant 0 : i32
      %dma_wait3A_66 = arith.constant 0 : i32
      %dma_wait3A_67 = tpu.memref_slice %arg8[%run_scoped3A_0, %dma_wait3A, %dma_wait3A_66] : memref<2x8x128xi32, #tpu.memory_space<vmem>> -> memref<1x8x128xi32, #tpu.memory_space<vmem>>
      %dma_wait3A_68 = tpu.memref_squeeze %dma_wait3A_67 : memref<1x8x128xi32, #tpu.memory_space<vmem>> -> memref<8x128xi32, #tpu.memory_space<vmem>>
      %dma_wait3A_69 = arith.constant 0 : i32
      %dma_wait3A_70 = arith.constant 0 : i32
      %dma_wait3A_71 = tpu.memref_slice %arg4[%run_scoped3A, %arg1, %dma_wait3A_69, %dma_wait3A_70] : memref<1x16x160x128xi32, #tpu.memory_space<hbm>> -> memref<1x1x8x128xi32, #tpu.memory_space<hbm>>
      %dma_wait3A_72 = tpu.memref_squeeze %dma_wait3A_71 : memref<1x1x8x128xi32, #tpu.memory_space<hbm>> -> memref<8x128xi32, #tpu.memory_space<hbm>>
      %dma_wait3A_73 = arith.constant 0 : i32
      %dma_wait3A_74 = arith.constant 0 : i32
      %dma_wait3A_75 = tpu.memref_slice %arg8[%run_scoped3A_0, %dma_wait3A_73, %dma_wait3A_74] : memref<2x8x128xi32, #tpu.memory_space<vmem>> -> memref<1x8x128xi32, #tpu.memory_space<vmem>>
      %dma_wait3A_76 = tpu.memref_squeeze %dma_wait3A_75 : memref<1x8x128xi32, #tpu.memory_space<vmem>> -> memref<8x128xi32, #tpu.memory_space<vmem>>
      %dma_wait3A_77 = arith.constant 0 : i32
      %dma_wait3A_78 = arith.constant 0 : i32
      %dma_wait3A_79 = tpu.memref_slice %arg4[%run_scoped3A, %arg1, %dma_wait3A_77, %dma_wait3A_78] : memref<1x16x160x128xi32, #tpu.memory_space<hbm>> -> memref<1x1x8x128xi32, #tpu.memory_space<hbm>>
      %dma_wait3A_80 = tpu.memref_squeeze %dma_wait3A_79 : memref<1x1x8x128xi32, #tpu.memory_space<hbm>> -> memref<8x128xi32, #tpu.memory_space<hbm>>
      tpu.wait_dma2 semaphore(%run_scoped3A_49 : memref<!tpu.dma_semaphore, #tpu.memory_space<semaphore_mem>>) src(%dma_wait3A_80 : memref<8x128xi32, #tpu.memory_space<hbm>>) dst(%dma_wait3A_76 : memref<8x128xi32, #tpu.memory_space<vmem>>)
      tpu.yield
    }) : () -> ()
    %run_scoped3A_1 = arith.constant 0 : i32
    %run_scoped3A_2 = arith.constant 0 : i32
    "tpu.region"() ({
      %run_scoped3A_49 = tpu.sem_alloc : memref<!tpu.dma_semaphore, #tpu.memory_space<semaphore_mem>>
      %dma_start3A_50 = arith.constant 0 : i32
      %dma_start3A_51 = arith.constant 0 : i32
      %dma_start3A_52 = tpu.memref_slice %arg9[%run_scoped3A_2, %dma_start3A_50, %dma_start3A_51] : memref<2x8x128xi32, #tpu.memory_space<vmem>> -> memref<1x8x128xi32, #tpu.memory_space<vmem>>
      %dma_start3A_53 = tpu.memref_squeeze %dma_start3A_52 : memref<1x8x128xi32, #tpu.memory_space<vmem>> -> memref<8x128xi32, #tpu.memory_space<vmem>>
      %dma_start3A_54 = arith.constant 0 : i32
      %dma_start3A_55 = arith.constant 0 : i32
      %dma_start3A_56 = tpu.memref_slice %arg5[%run_scoped3A_1, %arg1, %dma_start3A_54, %dma_start3A_55] : memref<1x16x160x128xi32, #tpu.memory_space<hbm>> -> memref<1x1x8x128xi32, #tpu.memory_space<hbm>>
      %dma_start3A_57 = tpu.memref_squeeze %dma_start3A_56 : memref<1x1x8x128xi32, #tpu.memory_space<hbm>> -> memref<8x128xi32, #tpu.memory_space<hbm>>
      %dma_start3A_58 = arith.constant 0 : i32
      %dma_start3A_59 = arith.constant 0 : i32
      %dma_start3A_60 = tpu.memref_slice %arg9[%run_scoped3A_2, %dma_start3A_58, %dma_start3A_59] : memref<2x8x128xi32, #tpu.memory_space<vmem>> -> memref<1x8x128xi32, #tpu.memory_space<vmem>>
      %dma_start3A_61 = tpu.memref_squeeze %dma_start3A_60 : memref<1x8x128xi32, #tpu.memory_space<vmem>> -> memref<8x128xi32, #tpu.memory_space<vmem>>
      %dma_start3A_62 = arith.constant 0 : i32
      %dma_start3A_63 = arith.constant 0 : i32
      %dma_start3A_64 = tpu.memref_slice %arg5[%run_scoped3A_1, %arg1, %dma_start3A_62, %dma_start3A_63] : memref<1x16x160x128xi32, #tpu.memory_space<hbm>> -> memref<1x1x8x128xi32, #tpu.memory_space<hbm>>
      %dma_start3A_65 = tpu.memref_squeeze %dma_start3A_64 : memref<1x1x8x128xi32, #tpu.memory_space<hbm>> -> memref<8x128xi32, #tpu.memory_space<hbm>>
      tpu.enqueue_dma source(%dma_start3A_65 : memref<8x128xi32, #tpu.memory_space<hbm>>) target(%dma_start3A_61 : memref<8x128xi32, #tpu.memory_space<vmem>>) target_semaphore(%run_scoped3A_49 : memref<!tpu.dma_semaphore, #tpu.memory_space<semaphore_mem>>)
      %dma_wait3A = arith.constant 0 : i32
      %dma_wait3A_66 = arith.constant 0 : i32
      %dma_wait3A_67 = tpu.memref_slice %arg9[%run_scoped3A_2, %dma_wait3A, %dma_wait3A_66] : memref<2x8x128xi32, #tpu.memory_space<vmem>> -> memref<1x8x128xi32, #tpu.memory_space<vmem>>
      %dma_wait3A_68 = tpu.memref_squeeze %dma_wait3A_67 : memref<1x8x128xi32, #tpu.memory_space<vmem>> -> memref<8x128xi32, #tpu.memory_space<vmem>>
      %dma_wait3A_69 = arith.constant 0 : i32
      %dma_wait3A_70 = arith.constant 0 : i32
      %dma_wait3A_71 = tpu.memref_slice %arg5[%run_scoped3A_1, %arg1, %dma_wait3A_69, %dma_wait3A_70] : memref<1x16x160x128xi32, #tpu.memory_space<hbm>> -> memref<1x1x8x128xi32, #tpu.memory_space<hbm>>
      %dma_wait3A_72 = tpu.memref_squeeze %dma_wait3A_71 : memref<1x1x8x128xi32, #tpu.memory_space<hbm>> -> memref<8x128xi32, #tpu.memory_space<hbm>>
      %dma_wait3A_73 = arith.constant 0 : i32
      %dma_wait3A_74 = arith.constant 0 : i32
      %dma_wait3A_75 = tpu.memref_slice %arg9[%run_scoped3A_2, %dma_wait3A_73, %dma_wait3A_74] : memref<2x8x128xi32, #tpu.memory_space<vmem>> -> memref<1x8x128xi32, #tpu.memory_space<vmem>>
      %dma_wait3A_76 = tpu.memref_squeeze %dma_wait3A_75 : memref<1x8x128xi32, #tpu.memory_space<vmem>> -> memref<8x128xi32, #tpu.memory_space<vmem>>
      %dma_wait3A_77 = arith.constant 0 : i32
      %dma_wait3A_78 = arith.constant 0 : i32
      %dma_wait3A_79 = tpu.memref_slice %arg5[%run_scoped3A_1, %arg1, %dma_wait3A_77, %dma_wait3A_78] : memref<1x16x160x128xi32, #tpu.memory_space<hbm>> -> memref<1x1x8x128xi32, #tpu.memory_space<hbm>>
      %dma_wait3A_80 = tpu.memref_squeeze %dma_wait3A_79 : memref<1x1x8x128xi32, #tpu.memory_space<hbm>> -> memref<8x128xi32, #tpu.memory_space<hbm>>
      tpu.wait_dma2 semaphore(%run_scoped3A_49 : memref<!tpu.dma_semaphore, #tpu.memory_space<semaphore_mem>>) src(%dma_wait3A_80 : memref<8x128xi32, #tpu.memory_space<hbm>>) dst(%dma_wait3A_76 : memref<8x128xi32, #tpu.memory_space<vmem>>)
      tpu.yield
    }) : () -> ()
    %dma_start3A = arith.constant 0 : i32
    %dma_start3A_3 = arith.constant 1 : i32
    %dma_start3A_4 = arith.constant 0 : i32
    %dma_start3A_5 = arith.constant 0 : i32
    %dma_start3A_6 = tpu.memref_slice %arg8[%dma_start3A_3, %dma_start3A_4, %dma_start3A_5] : memref<2x8x128xi32, #tpu.memory_space<vmem>> -> memref<1x8x128xi32, #tpu.memory_space<vmem>>
    %dma_start3A_7 = tpu.memref_squeeze %dma_start3A_6 : memref<1x8x128xi32, #tpu.memory_space<vmem>> -> memref<8x128xi32, #tpu.memory_space<vmem>>
    %dma_start3A_8 = arith.constant 8 : i32
    %dma_start3A_9 = arith.constant 0 : i32
    %dma_start3A_10 = tpu.memref_slice %arg4[%dma_start3A, %arg1, %dma_start3A_8, %dma_start3A_9] : memref<1x16x160x128xi32, #tpu.memory_space<hbm>> -> memref<1x1x8x128xi32, #tpu.memory_space<hbm>>
    %dma_start3A_11 = tpu.memref_squeeze %dma_start3A_10 : memref<1x1x8x128xi32, #tpu.memory_space<hbm>> -> memref<8x128xi32, #tpu.memory_space<hbm>>
    %dma_start3A_12 = arith.constant 0 : i32
    %dma_start3A_13 = arith.constant 0 : i32
    %dma_start3A_14 = tpu.memref_slice %arg8[%dma_start3A_3, %dma_start3A_12, %dma_start3A_13] : memref<2x8x128xi32, #tpu.memory_space<vmem>> -> memref<1x8x128xi32, #tpu.memory_space<vmem>>
    %dma_start3A_15 = tpu.memref_squeeze %dma_start3A_14 : memref<1x8x128xi32, #tpu.memory_space<vmem>> -> memref<8x128xi32, #tpu.memory_space<vmem>>
    %dma_start3A_16 = arith.constant 8 : i32
    %dma_start3A_17 = arith.constant 0 : i32
    %dma_start3A_18 = tpu.memref_slice %arg4[%dma_start3A, %arg1, %dma_start3A_16, %dma_start3A_17] : memref<1x16x160x128xi32, #tpu.memory_space<hbm>> -> memref<1x1x8x128xi32, #tpu.memory_space<hbm>>
    %dma_start3A_19 = tpu.memref_squeeze %dma_start3A_18 : memref<1x1x8x128xi32, #tpu.memory_space<hbm>> -> memref<8x128xi32, #tpu.memory_space<hbm>>
    tpu.enqueue_dma source(%dma_start3A_19 : memref<8x128xi32, #tpu.memory_space<hbm>>) target(%dma_start3A_15 : memref<8x128xi32, #tpu.memory_space<vmem>>) target_semaphore(%arg13 : memref<!tpu.dma_semaphore, #tpu.memory_space<semaphore_mem>>)
    %dma_start3A_20 = arith.constant 0 : i32
    %dma_start3A_21 = arith.constant 1 : i32
    %dma_start3A_22 = arith.constant 0 : i32
    %dma_start3A_23 = arith.constant 0 : i32
    %dma_start3A_24 = tpu.memref_slice %arg9[%dma_start3A_21, %dma_start3A_22, %dma_start3A_23] : memref<2x8x128xi32, #tpu.memory_space<vmem>> -> memref<1x8x128xi32, #tpu.memory_space<vmem>>
    %dma_start3A_25 = tpu.memref_squeeze %dma_start3A_24 : memref<1x8x128xi32, #tpu.memory_space<vmem>> -> memref<8x128xi32, #tpu.memory_space<vmem>>
    %dma_start3A_26 = arith.constant 8 : i32
    %dma_start3A_27 = arith.constant 0 : i32
    %dma_start3A_28 = tpu.memref_slice %arg5[%dma_start3A_20, %arg1, %dma_start3A_26, %dma_start3A_27] : memref<1x16x160x128xi32, #tpu.memory_space<hbm>> -> memref<1x1x8x128xi32, #tpu.memory_space<hbm>>
    %dma_start3A_29 = tpu.memref_squeeze %dma_start3A_28 : memref<1x1x8x128xi32, #tpu.memory_space<hbm>> -> memref<8x128xi32, #tpu.memory_space<hbm>>
    %dma_start3A_30 = arith.constant 0 : i32
    %dma_start3A_31 = arith.constant 0 : i32
    %dma_start3A_32 = tpu.memref_slice %arg9[%dma_start3A_21, %dma_start3A_30, %dma_start3A_31] : memref<2x8x128xi32, #tpu.memory_space<vmem>> -> memref<1x8x128xi32, #tpu.memory_space<vmem>>
    %dma_start3A_33 = tpu.memref_squeeze %dma_start3A_32 : memref<1x8x128xi32, #tpu.memory_space<vmem>> -> memref<8x128xi32, #tpu.memory_space<vmem>>
    %dma_start3A_34 = arith.constant 8 : i32
    %dma_start3A_35 = arith.constant 0 : i32
    %dma_start3A_36 = tpu.memref_slice %arg5[%dma_start3A_20, %arg1, %dma_start3A_34, %dma_start3A_35] : memref<1x16x160x128xi32, #tpu.memory_space<hbm>> -> memref<1x1x8x128xi32, #tpu.memory_space<hbm>>
    %dma_start3A_37 = tpu.memref_squeeze %dma_start3A_36 : memref<1x1x8x128xi32, #tpu.memory_space<hbm>> -> memref<8x128xi32, #tpu.memory_space<hbm>>
    tpu.enqueue_dma source(%dma_start3A_37 : memref<8x128xi32, #tpu.memory_space<hbm>>) target(%dma_start3A_33 : memref<8x128xi32, #tpu.memory_space<vmem>>) target_semaphore(%arg13 : memref<!tpu.dma_semaphore, #tpu.memory_space<semaphore_mem>>)
    %eq3A = arith.constant 0 : i32
    %eq3A_38 = arith.cmpi eq, %arg0, %eq3A : i32
    %convert_element_type3A = arith.extui %eq3A_38 : i1 to i32
    %cond3A = arith.constant 0 : i32
    %cond3A_39 = arith.cmpi ne, %convert_element_type3A, %cond3A : i32
    scf.if %cond3A_39 {
      %dma_start3A_49 = arith.constant 0 : i32
      %dma_start3A_50 = arith.constant 0 : i32
      %dma_start3A_51 = arith.constant 0 : i32
      %dma_start3A_52 = arith.constant 0 : i32
      %dma_start3A_53 = tpu.memref_slice %arg10[%dma_start3A_51, %dma_start3A_52] : memref<128x128xf32, #tpu.memory_space<vmem>> -> memref<64x128xf32, #tpu.memory_space<vmem>>
      %dma_start3A_54 = arith.constant 0 : i32
      %dma_start3A_55 = tpu.memref_slice %arg8[%dma_start3A_49, %dma_start3A_50, %dma_start3A_54] : memref<2x8x128xi32, #tpu.memory_space<vmem>> -> memref<1x1x64xi32, #tpu.memory_space<vmem>>
      %dma_start3A_56 = tpu.memref_squeeze %dma_start3A_55 : memref<1x1x64xi32, #tpu.memory_space<vmem>> -> memref<64xi32, #tpu.memory_space<vmem>>
      %dma_start3A_57 = arith.constant 0 : i32
      %dma_start3A_58 = arith.constant 0 : i32
      %dma_start3A_59 = tpu.memref_slice %arg2[%dma_start3A_57, %dma_start3A_58] : memref<10008x128xf32, #tpu.memory_space<hbm>> -> memref<10008x128xf32, #tpu.memory_space<hbm>>
      tpu.enqueue_indirect_dma source(%dma_start3A_59 : memref<10008x128xf32, #tpu.memory_space<hbm>>) target(%dma_start3A_53 : memref<64x128xf32, #tpu.memory_space<vmem>>) offsets(%dma_start3A_56 : memref<64xi32, #tpu.memory_space<vmem>>) semaphore(%arg14 : memref<!tpu.dma_semaphore, #tpu.memory_space<semaphore_mem>>)
      %dma_start3A_60 = arith.constant 0 : i32
      %dma_start3A_61 = arith.constant 0 : i32
      %dma_start3A_62 = arith.constant 64 : i32
      %dma_start3A_63 = arith.constant 0 : i32
      %dma_start3A_64 = tpu.memref_slice %arg10[%dma_start3A_62, %dma_start3A_63] : memref<128x128xf32, #tpu.memory_space<vmem>> -> memref<64x128xf32, #tpu.memory_space<vmem>>
      %dma_start3A_65 = arith.constant 64 : i32
      %dma_start3A_66 = tpu.memref_slice %arg8[%dma_start3A_60, %dma_start3A_61, %dma_start3A_65] : memref<2x8x128xi32, #tpu.memory_space<vmem>> -> memref<1x1x64xi32, #tpu.memory_space<vmem>>
      %dma_start3A_67 = tpu.memref_squeeze %dma_start3A_66 : memref<1x1x64xi32, #tpu.memory_space<vmem>> -> memref<64xi32, #tpu.memory_space<vmem>>
      %dma_start3A_68 = arith.constant 0 : i32
      %dma_start3A_69 = arith.constant 0 : i32
      %dma_start3A_70 = tpu.memref_slice %arg2[%dma_start3A_68, %dma_start3A_69] : memref<10008x128xf32, #tpu.memory_space<hbm>> -> memref<10008x128xf32, #tpu.memory_space<hbm>>
      tpu.enqueue_indirect_dma source(%dma_start3A_70 : memref<10008x128xf32, #tpu.memory_space<hbm>>) target(%dma_start3A_64 : memref<64x128xf32, #tpu.memory_space<vmem>>) offsets(%dma_start3A_67 : memref<64xi32, #tpu.memory_space<vmem>>) semaphore(%arg14 : memref<!tpu.dma_semaphore, #tpu.memory_space<semaphore_mem>>)
      %dma_start3A_71 = arith.constant 0 : i32
      %dma_start3A_72 = arith.constant 1 : i32
      %dma_start3A_73 = arith.constant 0 : i32
      %dma_start3A_74 = arith.constant 0 : i32
      %dma_start3A_75 = tpu.memref_slice %arg11[%dma_start3A_73, %dma_start3A_74] : memref<128x128xf32, #tpu.memory_space<vmem>> -> memref<64x128xf32, #tpu.memory_space<vmem>>
      %dma_start3A_76 = arith.constant 0 : i32
      %dma_start3A_77 = tpu.memref_slice %arg8[%dma_start3A_71, %dma_start3A_72, %dma_start3A_76] : memref<2x8x128xi32, #tpu.memory_space<vmem>> -> memref<1x1x64xi32, #tpu.memory_space<vmem>>
      %dma_start3A_78 = tpu.memref_squeeze %dma_start3A_77 : memref<1x1x64xi32, #tpu.memory_space<vmem>> -> memref<64xi32, #tpu.memory_space<vmem>>
      %dma_start3A_79 = arith.constant 0 : i32
      %dma_start3A_80 = arith.constant 0 : i32
      %dma_start3A_81 = tpu.memref_slice %arg2[%dma_start3A_79, %dma_start3A_80] : memref<10008x128xf32, #tpu.memory_space<hbm>> -> memref<10008x128xf32, #tpu.memory_space<hbm>>
      tpu.enqueue_indirect_dma source(%dma_start3A_81 : memref<10008x128xf32, #tpu.memory_space<hbm>>) target(%dma_start3A_75 : memref<64x128xf32, #tpu.memory_space<vmem>>) offsets(%dma_start3A_78 : memref<64xi32, #tpu.memory_space<vmem>>) semaphore(%arg15 : memref<!tpu.dma_semaphore, #tpu.memory_space<semaphore_mem>>)
      %dma_start3A_82 = arith.constant 0 : i32
      %dma_start3A_83 = arith.constant 1 : i32
      %dma_start3A_84 = arith.constant 64 : i32
      %dma_start3A_85 = arith.constant 0 : i32
      %dma_start3A_86 = tpu.memref_slice %arg11[%dma_start3A_84, %dma_start3A_85] : memref<128x128xf32, #tpu.memory_space<vmem>> -> memref<64x128xf32, #tpu.memory_space<vmem>>
      %dma_start3A_87 = arith.constant 64 : i32
      %dma_start3A_88 = tpu.memref_slice %arg8[%dma_start3A_82, %dma_start3A_83, %dma_start3A_87] : memref<2x8x128xi32, #tpu.memory_space<vmem>> -> memref<1x1x64xi32, #tpu.memory_space<vmem>>
      %dma_start3A_89 = tpu.memref_squeeze %dma_start3A_88 : memref<1x1x64xi32, #tpu.memory_space<vmem>> -> memref<64xi32, #tpu.memory_space<vmem>>
      %dma_start3A_90 = arith.constant 0 : i32
      %dma_start3A_91 = arith.constant 0 : i32
      %dma_start3A_92 = tpu.memref_slice %arg2[%dma_start3A_90, %dma_start3A_91] : memref<10008x128xf32, #tpu.memory_space<hbm>> -> memref<10008x128xf32, #tpu.memory_space<hbm>>
      tpu.enqueue_indirect_dma source(%dma_start3A_92 : memref<10008x128xf32, #tpu.memory_space<hbm>>) target(%dma_start3A_86 : memref<64x128xf32, #tpu.memory_space<vmem>>) offsets(%dma_start3A_89 : memref<64xi32, #tpu.memory_space<vmem>>) semaphore(%arg15 : memref<!tpu.dma_semaphore, #tpu.memory_space<semaphore_mem>>)
      %lt3A_93 = arith.constant 10 : i32
      %lt3A_94 = arith.cmpi slt, %arg1, %lt3A_93 : i32
      %convert_element_type3A_95 = arith.extui %lt3A_94 : i1 to i32
      %cond3A_96 = arith.constant 0 : i32
      %cond3A_97 = arith.cmpi ne, %convert_element_type3A_95, %cond3A_96 : i32
      scf.if %cond3A_97 {
        %mul3A = arith.constant 1000 : i32
        %mul3A_104 = arith.muli %arg1, %mul3A : i32
        "tpu.region"() ({
          %run_scoped3A_105 = tpu.sem_alloc : memref<!tpu.dma_semaphore, #tpu.memory_space<semaphore_mem>>
          %dma_start3A_106 = arith.constant 0 : i32
          %dma_start3A_107 = tpu.memref_slice %arg12[%mul3A_104, %dma_start3A_106] : memref<10000x128xf32, #tpu.memory_space<vmem_shared>> -> memref<1000x128xf32, #tpu.memory_space<vmem_shared>>
          tpu.enqueue_dma source(%arg6 : memref<1000x128xf32, #tpu.memory_space<hbm>>) target(%dma_start3A_107 : memref<1000x128xf32, #tpu.memory_space<vmem_shared>>) target_semaphore(%run_scoped3A_105 : memref<!tpu.dma_semaphore, #tpu.memory_space<semaphore_mem>>)
          %dma_wait3A = arith.constant 0 : i32
          %dma_wait3A_108 = tpu.memref_slice %arg12[%mul3A_104, %dma_wait3A] : memref<10000x128xf32, #tpu.memory_space<vmem_shared>> -> memref<1000x128xf32, #tpu.memory_space<vmem_shared>>
          tpu.wait_dma2 semaphore(%run_scoped3A_105 : memref<!tpu.dma_semaphore, #tpu.memory_space<semaphore_mem>>) src(%arg6 : memref<1000x128xf32, #tpu.memory_space<hbm>>) dst(%dma_wait3A_108 : memref<1000x128xf32, #tpu.memory_space<vmem_shared>>)
          tpu.yield
        }) : () -> ()
      } else {
      }
      %barrier3A_98 = arith.constant 0 : index
      tpu.barrier barrier_id(%barrier3A_98)
      %scan3A = arith.constant 0 : i32
      %scan3A_99 = arith.constant 0 : i32
      %scan3A_100 = arith.constant 80 : i32
      %scan3A_101 = arith.addi %scan3A_99, %scan3A_100 : i32
      %scan3A_102 = arith.constant 1 : i32
      scf.for %scan3A_104 = %scan3A_99 to %scan3A_101 step %scan3A_102  : i32 {
        %mul3A = arith.constant 2 : i32
        %mul3A_105 = arith.muli %scan3A_104, %mul3A : i32
        %jit3A = arith.constant 8 : i32
        %div3A = arith.divsi %mul3A_105, %jit3A : i32
        %sign3A = arith.constant 0 : i32
        %sign3A_106 = arith.cmpi sgt, %mul3A_105, %sign3A : i32
        %sign3A_107 = arith.extui %sign3A_106 : i1 to i32
        %sign3A_108 = arith.constant 0 : i32
        %sign3A_109 = arith.cmpi slt, %mul3A_105, %sign3A_108 : i32
        %sign3A_110 = arith.extui %sign3A_109 : i1 to i32
        %sign3A_111 = arith.subi %sign3A_107, %sign3A_110 : i32
        %sign3A_112 = arith.constant 0 : i32
        %sign3A_113 = arith.cmpi sgt, %jit3A, %sign3A_112 : i32
        %sign3A_114 = arith.extui %sign3A_113 : i1 to i32
        %sign3A_115 = arith.constant 0 : i32
        %sign3A_116 = arith.cmpi slt, %jit3A, %sign3A_115 : i32
        %sign3A_117 = arith.extui %sign3A_116 : i1 to i32
        %sign3A_118 = arith.subi %sign3A_114, %sign3A_117 : i32
        %ne3A = arith.cmpi ne, %sign3A_111, %sign3A_118 : i32
        %rem3A = arith.remsi %mul3A_105, %jit3A : i32
        %ne3A_119 = arith.constant 0 : i32
        %ne3A_120 = arith.cmpi ne, %rem3A, %ne3A_119 : i32
        %and3A = arith.andi %ne3A, %ne3A_120 : i1
        %sub3A = arith.constant 1 : i32
        %sub3A_121 = arith.subi %div3A, %sub3A : i32
        %select_n3A = arith.select %and3A, %sub3A_121, %div3A : i32
        %jit3A_122 = arith.constant 8 : i32
        %eq3A_123 = arith.constant 0 : i32
        %eq3A_124 = arith.cmpi eq, %jit3A_122, %eq3A_123 : i32
        %jit3A_125 = arith.constant 1 : i32
        %select_n3A_126 = arith.select %eq3A_124, %jit3A_125, %jit3A_122 : i32
        %rem3A_127 = arith.remsi %mul3A_105, %select_n3A_126 : i32
        %ne3A_128 = arith.constant 0 : i32
        %ne3A_129 = arith.cmpi ne, %rem3A_127, %ne3A_128 : i32
        %lt3A_130 = arith.constant 0 : i32
        %lt3A_131 = arith.cmpi slt, %rem3A_127, %lt3A_130 : i32
        %lt3A_132 = arith.constant 0 : i32
        %lt3A_133 = arith.cmpi slt, %select_n3A_126, %lt3A_132 : i32
        %ne3A_134 = arith.xori %lt3A_131, %lt3A_133 : i1
        %and3A_135 = arith.andi %ne3A_134, %ne3A_129 : i1
        %add3A = arith.addi %rem3A_127, %select_n3A_126 : i32
        %select_n3A_136 = arith.select %and3A_135, %add3A, %rem3A_127 : i32
        %jit3A_137 = arith.constant 2 : i32
        %eq3A_138 = arith.constant 0 : i32
        %eq3A_139 = arith.cmpi eq, %jit3A_137, %eq3A_138 : i32
        %jit3A_140 = arith.constant 1 : i32
        %select_n3A_141 = arith.select %eq3A_139, %jit3A_140, %jit3A_137 : i32
        %rem3A_142 = arith.remsi %select_n3A, %select_n3A_141 : i32
        %ne3A_143 = arith.constant 0 : i32
        %ne3A_144 = arith.cmpi ne, %rem3A_142, %ne3A_143 : i32
        %lt3A_145 = arith.constant 0 : i32
        %lt3A_146 = arith.cmpi slt, %rem3A_142, %lt3A_145 : i32
        %lt3A_147 = arith.constant 0 : i32
        %lt3A_148 = arith.cmpi slt, %select_n3A_141, %lt3A_147 : i32
        %ne3A_149 = arith.xori %lt3A_146, %lt3A_148 : i1
        %and3A_150 = arith.andi %ne3A_149, %ne3A_144 : i1
        %add3A_151 = arith.addi %rem3A_142, %select_n3A_141 : i32
        %select_n3A_152 = arith.select %and3A_150, %add3A_151, %rem3A_142 : i32
        %jit3A_153 = arith.constant 8 : i32
        %div3A_154 = arith.divsi %mul3A_105, %jit3A_153 : i32
        %sign3A_155 = arith.constant 0 : i32
        %sign3A_156 = arith.cmpi sgt, %mul3A_105, %sign3A_155 : i32
        %sign3A_157 = arith.extui %sign3A_156 : i1 to i32
        %sign3A_158 = arith.constant 0 : i32
        %sign3A_159 = arith.cmpi slt, %mul3A_105, %sign3A_158 : i32
        %sign3A_160 = arith.extui %sign3A_159 : i1 to i32
        %sign3A_161 = arith.subi %sign3A_157, %sign3A_160 : i32
        %sign3A_162 = arith.constant 0 : i32
        %sign3A_163 = arith.cmpi sgt, %jit3A_153, %sign3A_162 : i32
        %sign3A_164 = arith.extui %sign3A_163 : i1 to i32
        %sign3A_165 = arith.constant 0 : i32
        %sign3A_166 = arith.cmpi slt, %jit3A_153, %sign3A_165 : i32
        %sign3A_167 = arith.extui %sign3A_166 : i1 to i32
        %sign3A_168 = arith.subi %sign3A_164, %sign3A_167 : i32
        %ne3A_169 = arith.cmpi ne, %sign3A_161, %sign3A_168 : i32
        %rem3A_170 = arith.remsi %mul3A_105, %jit3A_153 : i32
        %ne3A_171 = arith.constant 0 : i32
        %ne3A_172 = arith.cmpi ne, %rem3A_170, %ne3A_171 : i32
        %and3A_173 = arith.andi %ne3A_169, %ne3A_172 : i1
        %sub3A_174 = arith.constant 1 : i32
        %sub3A_175 = arith.subi %div3A_154, %sub3A_174 : i32
        %select_n3A_176 = arith.select %and3A_173, %sub3A_175, %div3A_154 : i32
        %jit3A_177 = arith.constant 8 : i32
        %eq3A_178 = arith.constant 0 : i32
        %eq3A_179 = arith.cmpi eq, %jit3A_177, %eq3A_178 : i32
        %jit3A_180 = arith.constant 1 : i32
        %select_n3A_181 = arith.select %eq3A_179, %jit3A_180, %jit3A_177 : i32
        %rem3A_182 = arith.remsi %mul3A_105, %select_n3A_181 : i32
        %ne3A_183 = arith.constant 0 : i32
        %ne3A_184 = arith.cmpi ne, %rem3A_182, %ne3A_183 : i32
        %lt3A_185 = arith.constant 0 : i32
        %lt3A_186 = arith.cmpi slt, %rem3A_182, %lt3A_185 : i32
        %lt3A_187 = arith.constant 0 : i32
        %lt3A_188 = arith.cmpi slt, %select_n3A_181, %lt3A_187 : i32
        %ne3A_189 = arith.xori %lt3A_186, %lt3A_188 : i1
        %and3A_190 = arith.andi %ne3A_189, %ne3A_184 : i1
        %add3A_191 = arith.addi %rem3A_182, %select_n3A_181 : i32
        %select_n3A_192 = arith.select %and3A_190, %add3A_191, %rem3A_182 : i32
        %jit3A_193 = arith.constant 2 : i32
        %eq3A_194 = arith.constant 0 : i32
        %eq3A_195 = arith.cmpi eq, %jit3A_193, %eq3A_194 : i32
        %jit3A_196 = arith.constant 1 : i32
        %select_n3A_197 = arith.select %eq3A_195, %jit3A_196, %jit3A_193 : i32
        %rem3A_198 = arith.remsi %select_n3A_176, %select_n3A_197 : i32
        %ne3A_199 = arith.constant 0 : i32
        %ne3A_200 = arith.cmpi ne, %rem3A_198, %ne3A_199 : i32
        %lt3A_201 = arith.constant 0 : i32
        %lt3A_202 = arith.cmpi slt, %rem3A_198, %lt3A_201 : i32
        %lt3A_203 = arith.constant 0 : i32
        %lt3A_204 = arith.cmpi slt, %select_n3A_197, %lt3A_203 : i32
        %ne3A_205 = arith.xori %lt3A_202, %lt3A_204 : i1
        %and3A_206 = arith.andi %ne3A_205, %ne3A_200 : i1
        %add3A_207 = arith.addi %rem3A_198, %select_n3A_197 : i32
        %select_n3A_208 = arith.select %and3A_206, %add3A_207, %rem3A_198 : i32
        %dma_wait3A = arith.constant 0 : i32
        %dma_wait3A_209 = arith.constant 0 : i32
        %dma_wait3A_210 = tpu.memref_slice %arg10[%dma_wait3A, %dma_wait3A_209] : memref<128x128xf32, #tpu.memory_space<vmem>> -> memref<64x128xf32, #tpu.memory_space<vmem>>
        %dma_wait3A_211 = arith.constant 0 : i32
        %dma_wait3A_212 = tpu.memref_slice %arg8[%select_n3A_208, %select_n3A_192, %dma_wait3A_211] : memref<2x8x128xi32, #tpu.memory_space<vmem>> -> memref<1x1x64xi32, #tpu.memory_space<vmem>>
        %dma_wait3A_213 = tpu.memref_squeeze %dma_wait3A_212 : memref<1x1x64xi32, #tpu.memory_space<vmem>> -> memref<64xi32, #tpu.memory_space<vmem>>
        %dma_wait3A_214 = arith.constant 0 : i32
        %dma_wait3A_215 = arith.constant 0 : i32
        %dma_wait3A_216 = tpu.memref_slice %arg2[%dma_wait3A_214, %dma_wait3A_215] : memref<10008x128xf32, #tpu.memory_space<hbm>> -> memref<10008x128xf32, #tpu.memory_space<hbm>>
        tpu.wait_indirect_dma semaphore(%arg14 : memref<!tpu.dma_semaphore, #tpu.memory_space<semaphore_mem>>) src(%dma_wait3A_216 : memref<10008x128xf32, #tpu.memory_space<hbm>>) dst(%dma_wait3A_210 : memref<64x128xf32, #tpu.memory_space<vmem>>)
        %dma_wait3A_217 = arith.constant 64 : i32
        %dma_wait3A_218 = arith.constant 0 : i32
        %dma_wait3A_219 = tpu.memref_slice %arg10[%dma_wait3A_217, %dma_wait3A_218] : memref<128x128xf32, #tpu.memory_space<vmem>> -> memref<64x128xf32, #tpu.memory_space<vmem>>
        %dma_wait3A_220 = arith.constant 64 : i32
        %dma_wait3A_221 = tpu.memref_slice %arg8[%select_n3A_208, %select_n3A_192, %dma_wait3A_220] : memref<2x8x128xi32, #tpu.memory_space<vmem>> -> memref<1x1x64xi32, #tpu.memory_space<vmem>>
        %dma_wait3A_222 = tpu.memref_squeeze %dma_wait3A_221 : memref<1x1x64xi32, #tpu.memory_space<vmem>> -> memref<64xi32, #tpu.memory_space<vmem>>
        %dma_wait3A_223 = arith.constant 0 : i32
        %dma_wait3A_224 = arith.constant 0 : i32
        %dma_wait3A_225 = tpu.memref_slice %arg2[%dma_wait3A_223, %dma_wait3A_224] : memref<10008x128xf32, #tpu.memory_space<hbm>> -> memref<10008x128xf32, #tpu.memory_space<hbm>>
        tpu.wait_indirect_dma semaphore(%arg14 : memref<!tpu.dma_semaphore, #tpu.memory_space<semaphore_mem>>) src(%dma_wait3A_225 : memref<10008x128xf32, #tpu.memory_space<hbm>>) dst(%dma_wait3A_219 : memref<64x128xf32, #tpu.memory_space<vmem>>)
        "tpu.region"() ({
          %run_scoped3A_412 = tpu.sem_alloc : memref<!tpu.dma_semaphore, #tpu.memory_space<semaphore_mem>>
          %dma_start3A_413 = arith.constant 0 : i32
          %dma_start3A_414 = tpu.memref_slice %arg9[%select_n3A_152, %select_n3A_136, %dma_start3A_413] : memref<2x8x128xi32, #tpu.memory_space<vmem>> -> memref<1x1x128xi32, #tpu.memory_space<vmem>>
          %dma_start3A_415 = tpu.memref_squeeze %dma_start3A_414 : memref<1x1x128xi32, #tpu.memory_space<vmem>> -> memref<128xi32, #tpu.memory_space<vmem>>
          %dma_start3A_416 = arith.constant 0 : i32
          %dma_start3A_417 = arith.constant 0 : i32
          %dma_start3A_418 = tpu.memref_slice %arg12[%dma_start3A_416, %dma_start3A_417] : memref<10000x128xf32, #tpu.memory_space<vmem_shared>> -> memref<10000x128xf32, #tpu.memory_space<vmem_shared>>
          tpu.enqueue_indirect_dma source(%arg10 : memref<128x128xf32, #tpu.memory_space<vmem>>) target(%dma_start3A_418 : memref<10000x128xf32, #tpu.memory_space<vmem_shared>>) offsets(%dma_start3A_415 : memref<128xi32, #tpu.memory_space<vmem>>) semaphore(%run_scoped3A_412 : memref<!tpu.dma_semaphore, #tpu.memory_space<semaphore_mem>>) {add = true}
          %dma_wait3A_419 = arith.constant 0 : i32
          %dma_wait3A_420 = tpu.memref_slice %arg9[%select_n3A_152, %select_n3A_136, %dma_wait3A_419] : memref<2x8x128xi32, #tpu.memory_space<vmem>> -> memref<1x1x128xi32, #tpu.memory_space<vmem>>
          %dma_wait3A_421 = tpu.memref_squeeze %dma_wait3A_420 : memref<1x1x128xi32, #tpu.memory_space<vmem>> -> memref<128xi32, #tpu.memory_space<vmem>>
          %dma_wait3A_422 = arith.constant 0 : i32
          %dma_wait3A_423 = arith.constant 0 : i32
          %dma_wait3A_424 = tpu.memref_slice %arg12[%dma_wait3A_422, %dma_wait3A_423] : memref<10000x128xf32, #tpu.memory_space<vmem_shared>> -> memref<10000x128xf32, #tpu.memory_space<vmem_shared>>
          tpu.wait_indirect_dma semaphore(%run_scoped3A_412 : memref<!tpu.dma_semaphore, #tpu.memory_space<semaphore_mem>>) src(%arg10 : memref<128x128xf32, #tpu.memory_space<vmem>>) dst(%dma_wait3A_424 : memref<10000x128xf32, #tpu.memory_space<vmem_shared>>)
          tpu.yield
        }) : () -> ()
        %eq3A_226 = arith.constant 6 : i32
        %eq3A_227 = arith.cmpi eq, %select_n3A_136, %eq3A_226 : i32
        %add3A_228 = arith.constant 1 : i32
        %add3A_229 = arith.addi %select_n3A, %add3A_228 : i32
        %lt3A_230 = arith.constant 20 : i32
        %lt3A_231 = arith.cmpi slt, %add3A_229, %lt3A_230 : i32
        %and3A_232 = arith.andi %eq3A_227, %lt3A_231 : i1
        %convert_element_type3A_233 = arith.extui %and3A_232 : i1 to i32
        %cond3A_234 = arith.constant 0 : i32
        %cond3A_235 = arith.cmpi ne, %convert_element_type3A_233, %cond3A_234 : i32
        scf.if %cond3A_235 {
          %sub3A_412 = arith.constant 1 : i32
          %sub3A_413 = arith.subi %sub3A_412, %select_n3A_152 : i32
          %dma_wait3A_414 = arith.constant 0 : i32
          %dma_wait3A_415 = arith.constant 0 : i32
          %dma_wait3A_416 = arith.constant 0 : i32
          %dma_wait3A_417 = tpu.memref_slice %arg8[%sub3A_413, %dma_wait3A_415, %dma_wait3A_416] : memref<2x8x128xi32, #tpu.memory_space<vmem>> -> memref<1x8x128xi32, #tpu.memory_space<vmem>>
          %dma_wait3A_418 = tpu.memref_squeeze %dma_wait3A_417 : memref<1x8x128xi32, #tpu.memory_space<vmem>> -> memref<8x128xi32, #tpu.memory_space<vmem>>
          %dma_wait3A_419 = arith.constant 0 : i32
          %dma_wait3A_420 = arith.constant 0 : i32
          %dma_wait3A_421 = tpu.memref_slice %arg4[%dma_wait3A_414, %arg1, %dma_wait3A_419, %dma_wait3A_420] : memref<1x16x160x128xi32, #tpu.memory_space<hbm>> -> memref<1x1x8x128xi32, #tpu.memory_space<hbm>>
          %dma_wait3A_422 = tpu.memref_squeeze %dma_wait3A_421 : memref<1x1x8x128xi32, #tpu.memory_space<hbm>> -> memref<8x128xi32, #tpu.memory_space<hbm>>
          %dma_wait3A_423 = arith.constant 0 : i32
          %dma_wait3A_424 = arith.constant 0 : i32
          %dma_wait3A_425 = tpu.memref_slice %arg8[%sub3A_413, %dma_wait3A_423, %dma_wait3A_424] : memref<2x8x128xi32, #tpu.memory_space<vmem>> -> memref<1x8x128xi32, #tpu.memory_space<vmem>>
          %dma_wait3A_426 = tpu.memref_squeeze %dma_wait3A_425 : memref<1x8x128xi32, #tpu.memory_space<vmem>> -> memref<8x128xi32, #tpu.memory_space<vmem>>
          %dma_wait3A_427 = arith.constant 0 : i32
          %dma_wait3A_428 = arith.constant 0 : i32
          %dma_wait3A_429 = tpu.memref_slice %arg4[%dma_wait3A_414, %arg1, %dma_wait3A_427, %dma_wait3A_428] : memref<1x16x160x128xi32, #tpu.memory_space<hbm>> -> memref<1x1x8x128xi32, #tpu.memory_space<hbm>>
          %dma_wait3A_430 = tpu.memref_squeeze %dma_wait3A_429 : memref<1x1x8x128xi32, #tpu.memory_space<hbm>> -> memref<8x128xi32, #tpu.memory_space<hbm>>
          tpu.wait_dma2 semaphore(%arg13 : memref<!tpu.dma_semaphore, #tpu.memory_space<semaphore_mem>>) src(%dma_wait3A_430 : memref<8x128xi32, #tpu.memory_space<hbm>>) dst(%dma_wait3A_426 : memref<8x128xi32, #tpu.memory_space<vmem>>)
          %sub3A_431 = arith.constant 1 : i32
          %sub3A_432 = arith.subi %sub3A_431, %select_n3A_152 : i32
          %dma_wait3A_433 = arith.constant 0 : i32
          %dma_wait3A_434 = arith.constant 0 : i32
          %dma_wait3A_435 = arith.constant 0 : i32
          %dma_wait3A_436 = tpu.memref_slice %arg9[%sub3A_432, %dma_wait3A_434, %dma_wait3A_435] : memref<2x8x128xi32, #tpu.memory_space<vmem>> -> memref<1x8x128xi32, #tpu.memory_space<vmem>>
          %dma_wait3A_437 = tpu.memref_squeeze %dma_wait3A_436 : memref<1x8x128xi32, #tpu.memory_space<vmem>> -> memref<8x128xi32, #tpu.memory_space<vmem>>
          %dma_wait3A_438 = arith.constant 0 : i32
          %dma_wait3A_439 = arith.constant 0 : i32
          %dma_wait3A_440 = tpu.memref_slice %arg5[%dma_wait3A_433, %arg1, %dma_wait3A_438, %dma_wait3A_439] : memref<1x16x160x128xi32, #tpu.memory_space<hbm>> -> memref<1x1x8x128xi32, #tpu.memory_space<hbm>>
          %dma_wait3A_441 = tpu.memref_squeeze %dma_wait3A_440 : memref<1x1x8x128xi32, #tpu.memory_space<hbm>> -> memref<8x128xi32, #tpu.memory_space<hbm>>
          %dma_wait3A_442 = arith.constant 0 : i32
          %dma_wait3A_443 = arith.constant 0 : i32
          %dma_wait3A_444 = tpu.memref_slice %arg9[%sub3A_432, %dma_wait3A_442, %dma_wait3A_443] : memref<2x8x128xi32, #tpu.memory_space<vmem>> -> memref<1x8x128xi32, #tpu.memory_space<vmem>>
          %dma_wait3A_445 = tpu.memref_squeeze %dma_wait3A_444 : memref<1x8x128xi32, #tpu.memory_space<vmem>> -> memref<8x128xi32, #tpu.memory_space<vmem>>
          %dma_wait3A_446 = arith.constant 0 : i32
          %dma_wait3A_447 = arith.constant 0 : i32
          %dma_wait3A_448 = tpu.memref_slice %arg5[%dma_wait3A_433, %arg1, %dma_wait3A_446, %dma_wait3A_447] : memref<1x16x160x128xi32, #tpu.memory_space<hbm>> -> memref<1x1x8x128xi32, #tpu.memory_space<hbm>>
          %dma_wait3A_449 = tpu.memref_squeeze %dma_wait3A_448 : memref<1x1x8x128xi32, #tpu.memory_space<hbm>> -> memref<8x128xi32, #tpu.memory_space<hbm>>
          tpu.wait_dma2 semaphore(%arg13 : memref<!tpu.dma_semaphore, #tpu.memory_space<semaphore_mem>>) src(%dma_wait3A_449 : memref<8x128xi32, #tpu.memory_space<hbm>>) dst(%dma_wait3A_445 : memref<8x128xi32, #tpu.memory_space<vmem>>)
        } else {
        }
        %add3A_236 = arith.constant 2 : i32
        %add3A_237 = arith.addi %mul3A_105, %add3A_236 : i32
        %lt3A_238 = arith.constant 160 : i32
        %lt3A_239 = arith.cmpi slt, %add3A_237, %lt3A_238 : i32
        %convert_element_type3A_240 = arith.extui %lt3A_239 : i1 to i32
        %cond3A_241 = arith.constant 0 : i32
        %cond3A_242 = arith.cmpi ne, %convert_element_type3A_240, %cond3A_241 : i32
        scf.if %cond3A_242 {
          %add3A_412 = arith.constant 2 : i32
          %add3A_413 = arith.addi %mul3A_105, %add3A_412 : i32
          %jit3A_414 = arith.constant 8 : i32
          %div3A_415 = arith.divsi %add3A_413, %jit3A_414 : i32
          %sign3A_416 = arith.constant 0 : i32
          %sign3A_417 = arith.cmpi sgt, %add3A_413, %sign3A_416 : i32
          %sign3A_418 = arith.extui %sign3A_417 : i1 to i32
          %sign3A_419 = arith.constant 0 : i32
          %sign3A_420 = arith.cmpi slt, %add3A_413, %sign3A_419 : i32
          %sign3A_421 = arith.extui %sign3A_420 : i1 to i32
          %sign3A_422 = arith.subi %sign3A_418, %sign3A_421 : i32
          %sign3A_423 = arith.constant 0 : i32
          %sign3A_424 = arith.cmpi sgt, %jit3A_414, %sign3A_423 : i32
          %sign3A_425 = arith.extui %sign3A_424 : i1 to i32
          %sign3A_426 = arith.constant 0 : i32
          %sign3A_427 = arith.cmpi slt, %jit3A_414, %sign3A_426 : i32
          %sign3A_428 = arith.extui %sign3A_427 : i1 to i32
          %sign3A_429 = arith.subi %sign3A_425, %sign3A_428 : i32
          %ne3A_430 = arith.cmpi ne, %sign3A_422, %sign3A_429 : i32
          %rem3A_431 = arith.remsi %add3A_413, %jit3A_414 : i32
          %ne3A_432 = arith.constant 0 : i32
          %ne3A_433 = arith.cmpi ne, %rem3A_431, %ne3A_432 : i32
          %and3A_434 = arith.andi %ne3A_430, %ne3A_433 : i1
          %sub3A_435 = arith.constant 1 : i32
          %sub3A_436 = arith.subi %div3A_415, %sub3A_435 : i32
          %select_n3A_437 = arith.select %and3A_434, %sub3A_436, %div3A_415 : i32
          %jit3A_438 = arith.constant 8 : i32
          %eq3A_439 = arith.constant 0 : i32
          %eq3A_440 = arith.cmpi eq, %jit3A_438, %eq3A_439 : i32
          %jit3A_441 = arith.constant 1 : i32
          %select_n3A_442 = arith.select %eq3A_440, %jit3A_441, %jit3A_438 : i32
          %rem3A_443 = arith.remsi %add3A_413, %select_n3A_442 : i32
          %ne3A_444 = arith.constant 0 : i32
          %ne3A_445 = arith.cmpi ne, %rem3A_443, %ne3A_444 : i32
          %lt3A_446 = arith.constant 0 : i32
          %lt3A_447 = arith.cmpi slt, %rem3A_443, %lt3A_446 : i32
          %lt3A_448 = arith.constant 0 : i32
          %lt3A_449 = arith.cmpi slt, %select_n3A_442, %lt3A_448 : i32
          %ne3A_450 = arith.xori %lt3A_447, %lt3A_449 : i1
          %and3A_451 = arith.andi %ne3A_450, %ne3A_445 : i1
          %add3A_452 = arith.addi %rem3A_443, %select_n3A_442 : i32
          %select_n3A_453 = arith.select %and3A_451, %add3A_452, %rem3A_443 : i32
          %jit3A_454 = arith.constant 2 : i32
          %eq3A_455 = arith.constant 0 : i32
          %eq3A_456 = arith.cmpi eq, %jit3A_454, %eq3A_455 : i32
          %jit3A_457 = arith.constant 1 : i32
          %select_n3A_458 = arith.select %eq3A_456, %jit3A_457, %jit3A_454 : i32
          %rem3A_459 = arith.remsi %select_n3A_437, %select_n3A_458 : i32
          %ne3A_460 = arith.constant 0 : i32
          %ne3A_461 = arith.cmpi ne, %rem3A_459, %ne3A_460 : i32
          %lt3A_462 = arith.constant 0 : i32
          %lt3A_463 = arith.cmpi slt, %rem3A_459, %lt3A_462 : i32
          %lt3A_464 = arith.constant 0 : i32
          %lt3A_465 = arith.cmpi slt, %select_n3A_458, %lt3A_464 : i32
          %ne3A_466 = arith.xori %lt3A_463, %lt3A_465 : i1
          %and3A_467 = arith.andi %ne3A_466, %ne3A_461 : i1
          %add3A_468 = arith.addi %rem3A_459, %select_n3A_458 : i32
          %select_n3A_469 = arith.select %and3A_467, %add3A_468, %rem3A_459 : i32
          %dma_start3A_470 = arith.constant 0 : i32
          %dma_start3A_471 = arith.constant 0 : i32
          %dma_start3A_472 = tpu.memref_slice %arg10[%dma_start3A_470, %dma_start3A_471] : memref<128x128xf32, #tpu.memory_space<vmem>> -> memref<64x128xf32, #tpu.memory_space<vmem>>
          %dma_start3A_473 = arith.constant 0 : i32
          %dma_start3A_474 = tpu.memref_slice %arg8[%select_n3A_469, %select_n3A_453, %dma_start3A_473] : memref<2x8x128xi32, #tpu.memory_space<vmem>> -> memref<1x1x64xi32, #tpu.memory_space<vmem>>
          %dma_start3A_475 = tpu.memref_squeeze %dma_start3A_474 : memref<1x1x64xi32, #tpu.memory_space<vmem>> -> memref<64xi32, #tpu.memory_space<vmem>>
          %dma_start3A_476 = arith.constant 0 : i32
          %dma_start3A_477 = arith.constant 0 : i32
          %dma_start3A_478 = tpu.memref_slice %arg2[%dma_start3A_476, %dma_start3A_477] : memref<10008x128xf32, #tpu.memory_space<hbm>> -> memref<10008x128xf32, #tpu.memory_space<hbm>>
          tpu.enqueue_indirect_dma source(%dma_start3A_478 : memref<10008x128xf32, #tpu.memory_space<hbm>>) target(%dma_start3A_472 : memref<64x128xf32, #tpu.memory_space<vmem>>) offsets(%dma_start3A_475 : memref<64xi32, #tpu.memory_space<vmem>>) semaphore(%arg14 : memref<!tpu.dma_semaphore, #tpu.memory_space<semaphore_mem>>)
          %dma_start3A_479 = arith.constant 64 : i32
          %dma_start3A_480 = arith.constant 0 : i32
          %dma_start3A_481 = tpu.memref_slice %arg10[%dma_start3A_479, %dma_start3A_480] : memref<128x128xf32, #tpu.memory_space<vmem>> -> memref<64x128xf32, #tpu.memory_space<vmem>>
          %dma_start3A_482 = arith.constant 64 : i32
          %dma_start3A_483 = tpu.memref_slice %arg8[%select_n3A_469, %select_n3A_453, %dma_start3A_482] : memref<2x8x128xi32, #tpu.memory_space<vmem>> -> memref<1x1x64xi32, #tpu.memory_space<vmem>>
          %dma_start3A_484 = tpu.memref_squeeze %dma_start3A_483 : memref<1x1x64xi32, #tpu.memory_space<vmem>> -> memref<64xi32, #tpu.memory_space<vmem>>
          %dma_start3A_485 = arith.constant 0 : i32
          %dma_start3A_486 = arith.constant 0 : i32
          %dma_start3A_487 = tpu.memref_slice %arg2[%dma_start3A_485, %dma_start3A_486] : memref<10008x128xf32, #tpu.memory_space<hbm>> -> memref<10008x128xf32, #tpu.memory_space<hbm>>
          tpu.enqueue_indirect_dma source(%dma_start3A_487 : memref<10008x128xf32, #tpu.memory_space<hbm>>) target(%dma_start3A_481 : memref<64x128xf32, #tpu.memory_space<vmem>>) offsets(%dma_start3A_484 : memref<64xi32, #tpu.memory_space<vmem>>) semaphore(%arg14 : memref<!tpu.dma_semaphore, #tpu.memory_space<semaphore_mem>>)
        } else {
        }
        %eq3A_243 = arith.constant 7 : i32
        %eq3A_244 = arith.cmpi eq, %select_n3A_136, %eq3A_243 : i32
        %add3A_245 = arith.constant 2 : i32
        %add3A_246 = arith.addi %select_n3A, %add3A_245 : i32
        %lt3A_247 = arith.constant 20 : i32
        %lt3A_248 = arith.cmpi slt, %add3A_246, %lt3A_247 : i32
        %and3A_249 = arith.andi %eq3A_244, %lt3A_248 : i1
        %convert_element_type3A_250 = arith.extui %and3A_249 : i1 to i32
        %cond3A_251 = arith.constant 0 : i32
        %cond3A_252 = arith.cmpi ne, %convert_element_type3A_250, %cond3A_251 : i32
        scf.if %cond3A_252 {
          %add3A_412 = arith.constant 2 : i32
          %add3A_413 = arith.addi %select_n3A, %add3A_412 : i32
          %mul3A_414 = arith.constant 8 : i32
          %mul3A_415 = arith.muli %add3A_413, %mul3A_414 : i32
          %dma_start3A_416 = arith.constant 0 : i32
          %dma_start3A_417 = arith.constant 0 : i32
          %dma_start3A_418 = arith.constant 0 : i32
          %dma_start3A_419 = tpu.memref_slice %arg8[%select_n3A_152, %dma_start3A_417, %dma_start3A_418] : memref<2x8x128xi32, #tpu.memory_space<vmem>> -> memref<1x8x128xi32, #tpu.memory_space<vmem>>
          %dma_start3A_420 = tpu.memref_squeeze %dma_start3A_419 : memref<1x8x128xi32, #tpu.memory_space<vmem>> -> memref<8x128xi32, #tpu.memory_space<vmem>>
          %dma_start3A_421 = arith.constant 0 : i32
          %dma_start3A_422 = tpu.memref_slice %arg4[%dma_start3A_416, %arg1, %mul3A_415, %dma_start3A_421] : memref<1x16x160x128xi32, #tpu.memory_space<hbm>> -> memref<1x1x8x128xi32, #tpu.memory_space<hbm>>
          %dma_start3A_423 = tpu.memref_squeeze %dma_start3A_422 : memref<1x1x8x128xi32, #tpu.memory_space<hbm>> -> memref<8x128xi32, #tpu.memory_space<hbm>>
          %dma_start3A_424 = arith.constant 0 : i32
          %dma_start3A_425 = arith.constant 0 : i32
          %dma_start3A_426 = tpu.memref_slice %arg8[%select_n3A_152, %dma_start3A_424, %dma_start3A_425] : memref<2x8x128xi32, #tpu.memory_space<vmem>> -> memref<1x8x128xi32, #tpu.memory_space<vmem>>
          %dma_start3A_427 = tpu.memref_squeeze %dma_start3A_426 : memref<1x8x128xi32, #tpu.memory_space<vmem>> -> memref<8x128xi32, #tpu.memory_space<vmem>>
          %dma_start3A_428 = arith.constant 0 : i32
          %dma_start3A_429 = tpu.memref_slice %arg4[%dma_start3A_416, %arg1, %mul3A_415, %dma_start3A_428] : memref<1x16x160x128xi32, #tpu.memory_space<hbm>> -> memref<1x1x8x128xi32, #tpu.memory_space<hbm>>
          %dma_start3A_430 = tpu.memref_squeeze %dma_start3A_429 : memref<1x1x8x128xi32, #tpu.memory_space<hbm>> -> memref<8x128xi32, #tpu.memory_space<hbm>>
          tpu.enqueue_dma source(%dma_start3A_430 : memref<8x128xi32, #tpu.memory_space<hbm>>) target(%dma_start3A_427 : memref<8x128xi32, #tpu.memory_space<vmem>>) target_semaphore(%arg13 : memref<!tpu.dma_semaphore, #tpu.memory_space<semaphore_mem>>)
          %add3A_431 = arith.constant 2 : i32
          %add3A_432 = arith.addi %select_n3A, %add3A_431 : i32
          %mul3A_433 = arith.constant 8 : i32
          %mul3A_434 = arith.muli %add3A_432, %mul3A_433 : i32
          %dma_start3A_435 = arith.constant 0 : i32
          %dma_start3A_436 = arith.constant 0 : i32
          %dma_start3A_437 = arith.constant 0 : i32
          %dma_start3A_438 = tpu.memref_slice %arg9[%select_n3A_152, %dma_start3A_436, %dma_start3A_437] : memref<2x8x128xi32, #tpu.memory_space<vmem>> -> memref<1x8x128xi32, #tpu.memory_space<vmem>>
          %dma_start3A_439 = tpu.memref_squeeze %dma_start3A_438 : memref<1x8x128xi32, #tpu.memory_space<vmem>> -> memref<8x128xi32, #tpu.memory_space<vmem>>
          %dma_start3A_440 = arith.constant 0 : i32
          %dma_start3A_441 = tpu.memref_slice %arg5[%dma_start3A_435, %arg1, %mul3A_434, %dma_start3A_440] : memref<1x16x160x128xi32, #tpu.memory_space<hbm>> -> memref<1x1x8x128xi32, #tpu.memory_space<hbm>>
          %dma_start3A_442 = tpu.memref_squeeze %dma_start3A_441 : memref<1x1x8x128xi32, #tpu.memory_space<hbm>> -> memref<8x128xi32, #tpu.memory_space<hbm>>
          %dma_start3A_443 = arith.constant 0 : i32
          %dma_start3A_444 = arith.constant 0 : i32
          %dma_start3A_445 = tpu.memref_slice %arg9[%select_n3A_152, %dma_start3A_443, %dma_start3A_444] : memref<2x8x128xi32, #tpu.memory_space<vmem>> -> memref<1x8x128xi32, #tpu.memory_space<vmem>>
          %dma_start3A_446 = tpu.memref_squeeze %dma_start3A_445 : memref<1x8x128xi32, #tpu.memory_space<vmem>> -> memref<8x128xi32, #tpu.memory_space<vmem>>
          %dma_start3A_447 = arith.constant 0 : i32
          %dma_start3A_448 = tpu.memref_slice %arg5[%dma_start3A_435, %arg1, %mul3A_434, %dma_start3A_447] : memref<1x16x160x128xi32, #tpu.memory_space<hbm>> -> memref<1x1x8x128xi32, #tpu.memory_space<hbm>>
          %dma_start3A_449 = tpu.memref_squeeze %dma_start3A_448 : memref<1x1x8x128xi32, #tpu.memory_space<hbm>> -> memref<8x128xi32, #tpu.memory_space<hbm>>
          tpu.enqueue_dma source(%dma_start3A_449 : memref<8x128xi32, #tpu.memory_space<hbm>>) target(%dma_start3A_446 : memref<8x128xi32, #tpu.memory_space<vmem>>) target_semaphore(%arg13 : memref<!tpu.dma_semaphore, #tpu.memory_space<semaphore_mem>>)
        } else {
        }
        %add3A_253 = arith.constant 1 : i32
        %add3A_254 = arith.addi %mul3A_105, %add3A_253 : i32
        %jit3A_255 = arith.constant 8 : i32
        %div3A_256 = arith.divsi %add3A_254, %jit3A_255 : i32
        %sign3A_257 = arith.constant 0 : i32
        %sign3A_258 = arith.cmpi sgt, %add3A_254, %sign3A_257 : i32
        %sign3A_259 = arith.extui %sign3A_258 : i1 to i32
        %sign3A_260 = arith.constant 0 : i32
        %sign3A_261 = arith.cmpi slt, %add3A_254, %sign3A_260 : i32
        %sign3A_262 = arith.extui %sign3A_261 : i1 to i32
        %sign3A_263 = arith.subi %sign3A_259, %sign3A_262 : i32
        %sign3A_264 = arith.constant 0 : i32
        %sign3A_265 = arith.cmpi sgt, %jit3A_255, %sign3A_264 : i32
        %sign3A_266 = arith.extui %sign3A_265 : i1 to i32
        %sign3A_267 = arith.constant 0 : i32
        %sign3A_268 = arith.cmpi slt, %jit3A_255, %sign3A_267 : i32
        %sign3A_269 = arith.extui %sign3A_268 : i1 to i32
        %sign3A_270 = arith.subi %sign3A_266, %sign3A_269 : i32
        %ne3A_271 = arith.cmpi ne, %sign3A_263, %sign3A_270 : i32
        %rem3A_272 = arith.remsi %add3A_254, %jit3A_255 : i32
        %ne3A_273 = arith.constant 0 : i32
        %ne3A_274 = arith.cmpi ne, %rem3A_272, %ne3A_273 : i32
        %and3A_275 = arith.andi %ne3A_271, %ne3A_274 : i1
        %sub3A_276 = arith.constant 1 : i32
        %sub3A_277 = arith.subi %div3A_256, %sub3A_276 : i32
        %select_n3A_278 = arith.select %and3A_275, %sub3A_277, %div3A_256 : i32
        %jit3A_279 = arith.constant 8 : i32
        %eq3A_280 = arith.constant 0 : i32
        %eq3A_281 = arith.cmpi eq, %jit3A_279, %eq3A_280 : i32
        %jit3A_282 = arith.constant 1 : i32
        %select_n3A_283 = arith.select %eq3A_281, %jit3A_282, %jit3A_279 : i32
        %rem3A_284 = arith.remsi %add3A_254, %select_n3A_283 : i32
        %ne3A_285 = arith.constant 0 : i32
        %ne3A_286 = arith.cmpi ne, %rem3A_284, %ne3A_285 : i32
        %lt3A_287 = arith.constant 0 : i32
        %lt3A_288 = arith.cmpi slt, %rem3A_284, %lt3A_287 : i32
        %lt3A_289 = arith.constant 0 : i32
        %lt3A_290 = arith.cmpi slt, %select_n3A_283, %lt3A_289 : i32
        %ne3A_291 = arith.xori %lt3A_288, %lt3A_290 : i1
        %and3A_292 = arith.andi %ne3A_291, %ne3A_286 : i1
        %add3A_293 = arith.addi %rem3A_284, %select_n3A_283 : i32
        %select_n3A_294 = arith.select %and3A_292, %add3A_293, %rem3A_284 : i32
        %jit3A_295 = arith.constant 2 : i32
        %eq3A_296 = arith.constant 0 : i32
        %eq3A_297 = arith.cmpi eq, %jit3A_295, %eq3A_296 : i32
        %jit3A_298 = arith.constant 1 : i32
        %select_n3A_299 = arith.select %eq3A_297, %jit3A_298, %jit3A_295 : i32
        %rem3A_300 = arith.remsi %select_n3A_278, %select_n3A_299 : i32
        %ne3A_301 = arith.constant 0 : i32
        %ne3A_302 = arith.cmpi ne, %rem3A_300, %ne3A_301 : i32
        %lt3A_303 = arith.constant 0 : i32
        %lt3A_304 = arith.cmpi slt, %rem3A_300, %lt3A_303 : i32
        %lt3A_305 = arith.constant 0 : i32
        %lt3A_306 = arith.cmpi slt, %select_n3A_299, %lt3A_305 : i32
        %ne3A_307 = arith.xori %lt3A_304, %lt3A_306 : i1
        %and3A_308 = arith.andi %ne3A_307, %ne3A_302 : i1
        %add3A_309 = arith.addi %rem3A_300, %select_n3A_299 : i32
        %select_n3A_310 = arith.select %and3A_308, %add3A_309, %rem3A_300 : i32
        %jit3A_311 = arith.constant 8 : i32
        %div3A_312 = arith.divsi %add3A_254, %jit3A_311 : i32
        %sign3A_313 = arith.constant 0 : i32
        %sign3A_314 = arith.cmpi sgt, %add3A_254, %sign3A_313 : i32
        %sign3A_315 = arith.extui %sign3A_314 : i1 to i32
        %sign3A_316 = arith.constant 0 : i32
        %sign3A_317 = arith.cmpi slt, %add3A_254, %sign3A_316 : i32
        %sign3A_318 = arith.extui %sign3A_317 : i1 to i32
        %sign3A_319 = arith.subi %sign3A_315, %sign3A_318 : i32
        %sign3A_320 = arith.constant 0 : i32
        %sign3A_321 = arith.cmpi sgt, %jit3A_311, %sign3A_320 : i32
        %sign3A_322 = arith.extui %sign3A_321 : i1 to i32
        %sign3A_323 = arith.constant 0 : i32
        %sign3A_324 = arith.cmpi slt, %jit3A_311, %sign3A_323 : i32
        %sign3A_325 = arith.extui %sign3A_324 : i1 to i32
        %sign3A_326 = arith.subi %sign3A_322, %sign3A_325 : i32
        %ne3A_327 = arith.cmpi ne, %sign3A_319, %sign3A_326 : i32
        %rem3A_328 = arith.remsi %add3A_254, %jit3A_311 : i32
        %ne3A_329 = arith.constant 0 : i32
        %ne3A_330 = arith.cmpi ne, %rem3A_328, %ne3A_329 : i32
        %and3A_331 = arith.andi %ne3A_327, %ne3A_330 : i1
        %sub3A_332 = arith.constant 1 : i32
        %sub3A_333 = arith.subi %div3A_312, %sub3A_332 : i32
        %select_n3A_334 = arith.select %and3A_331, %sub3A_333, %div3A_312 : i32
        %jit3A_335 = arith.constant 8 : i32
        %eq3A_336 = arith.constant 0 : i32
        %eq3A_337 = arith.cmpi eq, %jit3A_335, %eq3A_336 : i32
        %jit3A_338 = arith.constant 1 : i32
        %select_n3A_339 = arith.select %eq3A_337, %jit3A_338, %jit3A_335 : i32
        %rem3A_340 = arith.remsi %add3A_254, %select_n3A_339 : i32
        %ne3A_341 = arith.constant 0 : i32
        %ne3A_342 = arith.cmpi ne, %rem3A_340, %ne3A_341 : i32
        %lt3A_343 = arith.constant 0 : i32
        %lt3A_344 = arith.cmpi slt, %rem3A_340, %lt3A_343 : i32
        %lt3A_345 = arith.constant 0 : i32
        %lt3A_346 = arith.cmpi slt, %select_n3A_339, %lt3A_345 : i32
        %ne3A_347 = arith.xori %lt3A_344, %lt3A_346 : i1
        %and3A_348 = arith.andi %ne3A_347, %ne3A_342 : i1
        %add3A_349 = arith.addi %rem3A_340, %select_n3A_339 : i32
        %select_n3A_350 = arith.select %and3A_348, %add3A_349, %rem3A_340 : i32
        %jit3A_351 = arith.constant 2 : i32
        %eq3A_352 = arith.constant 0 : i32
        %eq3A_353 = arith.cmpi eq, %jit3A_351, %eq3A_352 : i32
        %jit3A_354 = arith.constant 1 : i32
        %select_n3A_355 = arith.select %eq3A_353, %jit3A_354, %jit3A_351 : i32
        %rem3A_356 = arith.remsi %select_n3A_334, %select_n3A_355 : i32
        %ne3A_357 = arith.constant 0 : i32
        %ne3A_358 = arith.cmpi ne, %rem3A_356, %ne3A_357 : i32
        %lt3A_359 = arith.constant 0 : i32
        %lt3A_360 = arith.cmpi slt, %rem3A_356, %lt3A_359 : i32
        %lt3A_361 = arith.constant 0 : i32
        %lt3A_362 = arith.cmpi slt, %select_n3A_355, %lt3A_361 : i32
        %ne3A_363 = arith.xori %lt3A_360, %lt3A_362 : i1
        %and3A_364 = arith.andi %ne3A_363, %ne3A_358 : i1
        %add3A_365 = arith.addi %rem3A_356, %select_n3A_355 : i32
        %select_n3A_366 = arith.select %and3A_364, %add3A_365, %rem3A_356 : i32
        %dma_wait3A_367 = arith.constant 0 : i32
        %dma_wait3A_368 = arith.constant 0 : i32
        %dma_wait3A_369 = tpu.memref_slice %arg11[%dma_wait3A_367, %dma_wait3A_368] : memref<128x128xf32, #tpu.memory_space<vmem>> -> memref<64x128xf32, #tpu.memory_space<vmem>>
        %dma_wait3A_370 = arith.constant 0 : i32
        %dma_wait3A_371 = tpu.memref_slice %arg8[%select_n3A_366, %select_n3A_350, %dma_wait3A_370] : memref<2x8x128xi32, #tpu.memory_space<vmem>> -> memref<1x1x64xi32, #tpu.memory_space<vmem>>
        %dma_wait3A_372 = tpu.memref_squeeze %dma_wait3A_371 : memref<1x1x64xi32, #tpu.memory_space<vmem>> -> memref<64xi32, #tpu.memory_space<vmem>>
        %dma_wait3A_373 = arith.constant 0 : i32
        %dma_wait3A_374 = arith.constant 0 : i32
        %dma_wait3A_375 = tpu.memref_slice %arg2[%dma_wait3A_373, %dma_wait3A_374] : memref<10008x128xf32, #tpu.memory_space<hbm>> -> memref<10008x128xf32, #tpu.memory_space<hbm>>
        tpu.wait_indirect_dma semaphore(%arg15 : memref<!tpu.dma_semaphore, #tpu.memory_space<semaphore_mem>>) src(%dma_wait3A_375 : memref<10008x128xf32, #tpu.memory_space<hbm>>) dst(%dma_wait3A_369 : memref<64x128xf32, #tpu.memory_space<vmem>>)
        %dma_wait3A_376 = arith.constant 64 : i32
        %dma_wait3A_377 = arith.constant 0 : i32
        %dma_wait3A_378 = tpu.memref_slice %arg11[%dma_wait3A_376, %dma_wait3A_377] : memref<128x128xf32, #tpu.memory_space<vmem>> -> memref<64x128xf32, #tpu.memory_space<vmem>>
        %dma_wait3A_379 = arith.constant 64 : i32
        %dma_wait3A_380 = tpu.memref_slice %arg8[%select_n3A_366, %select_n3A_350, %dma_wait3A_379] : memref<2x8x128xi32, #tpu.memory_space<vmem>> -> memref<1x1x64xi32, #tpu.memory_space<vmem>>
        %dma_wait3A_381 = tpu.memref_squeeze %dma_wait3A_380 : memref<1x1x64xi32, #tpu.memory_space<vmem>> -> memref<64xi32, #tpu.memory_space<vmem>>
        %dma_wait3A_382 = arith.constant 0 : i32
        %dma_wait3A_383 = arith.constant 0 : i32
        %dma_wait3A_384 = tpu.memref_slice %arg2[%dma_wait3A_382, %dma_wait3A_383] : memref<10008x128xf32, #tpu.memory_space<hbm>> -> memref<10008x128xf32, #tpu.memory_space<hbm>>
        tpu.wait_indirect_dma semaphore(%arg15 : memref<!tpu.dma_semaphore, #tpu.memory_space<semaphore_mem>>) src(%dma_wait3A_384 : memref<10008x128xf32, #tpu.memory_space<hbm>>) dst(%dma_wait3A_378 : memref<64x128xf32, #tpu.memory_space<vmem>>)
        "tpu.region"() ({
          %run_scoped3A_412 = tpu.sem_alloc : memref<!tpu.dma_semaphore, #tpu.memory_space<semaphore_mem>>
          %dma_start3A_413 = arith.constant 0 : i32
          %dma_start3A_414 = tpu.memref_slice %arg9[%select_n3A_310, %select_n3A_294, %dma_start3A_413] : memref<2x8x128xi32, #tpu.memory_space<vmem>> -> memref<1x1x128xi32, #tpu.memory_space<vmem>>
          %dma_start3A_415 = tpu.memref_squeeze %dma_start3A_414 : memref<1x1x128xi32, #tpu.memory_space<vmem>> -> memref<128xi32, #tpu.memory_space<vmem>>
          %dma_start3A_416 = arith.constant 0 : i32
          %dma_start3A_417 = arith.constant 0 : i32
          %dma_start3A_418 = tpu.memref_slice %arg12[%dma_start3A_416, %dma_start3A_417] : memref<10000x128xf32, #tpu.memory_space<vmem_shared>> -> memref<10000x128xf32, #tpu.memory_space<vmem_shared>>
          tpu.enqueue_indirect_dma source(%arg11 : memref<128x128xf32, #tpu.memory_space<vmem>>) target(%dma_start3A_418 : memref<10000x128xf32, #tpu.memory_space<vmem_shared>>) offsets(%dma_start3A_415 : memref<128xi32, #tpu.memory_space<vmem>>) semaphore(%run_scoped3A_412 : memref<!tpu.dma_semaphore, #tpu.memory_space<semaphore_mem>>) {add = true}
          %dma_wait3A_419 = arith.constant 0 : i32
          %dma_wait3A_420 = tpu.memref_slice %arg9[%select_n3A_310, %select_n3A_294, %dma_wait3A_419] : memref<2x8x128xi32, #tpu.memory_space<vmem>> -> memref<1x1x128xi32, #tpu.memory_space<vmem>>
          %dma_wait3A_421 = tpu.memref_squeeze %dma_wait3A_420 : memref<1x1x128xi32, #tpu.memory_space<vmem>> -> memref<128xi32, #tpu.memory_space<vmem>>
          %dma_wait3A_422 = arith.constant 0 : i32
          %dma_wait3A_423 = arith.constant 0 : i32
          %dma_wait3A_424 = tpu.memref_slice %arg12[%dma_wait3A_422, %dma_wait3A_423] : memref<10000x128xf32, #tpu.memory_space<vmem_shared>> -> memref<10000x128xf32, #tpu.memory_space<vmem_shared>>
          tpu.wait_indirect_dma semaphore(%run_scoped3A_412 : memref<!tpu.dma_semaphore, #tpu.memory_space<semaphore_mem>>) src(%arg11 : memref<128x128xf32, #tpu.memory_space<vmem>>) dst(%dma_wait3A_424 : memref<10000x128xf32, #tpu.memory_space<vmem_shared>>)
          tpu.yield
        }) : () -> ()
        %eq3A_385 = arith.constant 6 : i32
        %eq3A_386 = arith.cmpi eq, %select_n3A_294, %eq3A_385 : i32
        %add3A_387 = arith.constant 1 : i32
        %add3A_388 = arith.addi %select_n3A_278, %add3A_387 : i32
        %lt3A_389 = arith.constant 20 : i32
        %lt3A_390 = arith.cmpi slt, %add3A_388, %lt3A_389 : i32
        %and3A_391 = arith.andi %eq3A_386, %lt3A_390 : i1
        %convert_element_type3A_392 = arith.extui %and3A_391 : i1 to i32
        %cond3A_393 = arith.constant 0 : i32
        %cond3A_394 = arith.cmpi ne, %convert_element_type3A_392, %cond3A_393 : i32
        scf.if %cond3A_394 {
          %sub3A_412 = arith.constant 1 : i32
          %sub3A_413 = arith.subi %sub3A_412, %select_n3A_310 : i32
          %dma_wait3A_414 = arith.constant 0 : i32
          %dma_wait3A_415 = arith.constant 0 : i32
          %dma_wait3A_416 = arith.constant 0 : i32
          %dma_wait3A_417 = tpu.memref_slice %arg8[%sub3A_413, %dma_wait3A_415, %dma_wait3A_416] : memref<2x8x128xi32, #tpu.memory_space<vmem>> -> memref<1x8x128xi32, #tpu.memory_space<vmem>>
          %dma_wait3A_418 = tpu.memref_squeeze %dma_wait3A_417 : memref<1x8x128xi32, #tpu.memory_space<vmem>> -> memref<8x128xi32, #tpu.memory_space<vmem>>
          %dma_wait3A_419 = arith.constant 0 : i32
          %dma_wait3A_420 = arith.constant 0 : i32
          %dma_wait3A_421 = tpu.memref_slice %arg4[%dma_wait3A_414, %arg1, %dma_wait3A_419, %dma_wait3A_420] : memref<1x16x160x128xi32, #tpu.memory_space<hbm>> -> memref<1x1x8x128xi32, #tpu.memory_space<hbm>>
          %dma_wait3A_422 = tpu.memref_squeeze %dma_wait3A_421 : memref<1x1x8x128xi32, #tpu.memory_space<hbm>> -> memref<8x128xi32, #tpu.memory_space<hbm>>
          %dma_wait3A_423 = arith.constant 0 : i32
          %dma_wait3A_424 = arith.constant 0 : i32
          %dma_wait3A_425 = tpu.memref_slice %arg8[%sub3A_413, %dma_wait3A_423, %dma_wait3A_424] : memref<2x8x128xi32, #tpu.memory_space<vmem>> -> memref<1x8x128xi32, #tpu.memory_space<vmem>>
          %dma_wait3A_426 = tpu.memref_squeeze %dma_wait3A_425 : memref<1x8x128xi32, #tpu.memory_space<vmem>> -> memref<8x128xi32, #tpu.memory_space<vmem>>
          %dma_wait3A_427 = arith.constant 0 : i32
          %dma_wait3A_428 = arith.constant 0 : i32
          %dma_wait3A_429 = tpu.memref_slice %arg4[%dma_wait3A_414, %arg1, %dma_wait3A_427, %dma_wait3A_428] : memref<1x16x160x128xi32, #tpu.memory_space<hbm>> -> memref<1x1x8x128xi32, #tpu.memory_space<hbm>>
          %dma_wait3A_430 = tpu.memref_squeeze %dma_wait3A_429 : memref<1x1x8x128xi32, #tpu.memory_space<hbm>> -> memref<8x128xi32, #tpu.memory_space<hbm>>
          tpu.wait_dma2 semaphore(%arg13 : memref<!tpu.dma_semaphore, #tpu.memory_space<semaphore_mem>>) src(%dma_wait3A_430 : memref<8x128xi32, #tpu.memory_space<hbm>>) dst(%dma_wait3A_426 : memref<8x128xi32, #tpu.memory_space<vmem>>)
          %sub3A_431 = arith.constant 1 : i32
          %sub3A_432 = arith.subi %sub3A_431, %select_n3A_310 : i32
          %dma_wait3A_433 = arith.constant 0 : i32
          %dma_wait3A_434 = arith.constant 0 : i32
          %dma_wait3A_435 = arith.constant 0 : i32
          %dma_wait3A_436 = tpu.memref_slice %arg9[%sub3A_432, %dma_wait3A_434, %dma_wait3A_435] : memref<2x8x128xi32, #tpu.memory_space<vmem>> -> memref<1x8x128xi32, #tpu.memory_space<vmem>>
          %dma_wait3A_437 = tpu.memref_squeeze %dma_wait3A_436 : memref<1x8x128xi32, #tpu.memory_space<vmem>> -> memref<8x128xi32, #tpu.memory_space<vmem>>
          %dma_wait3A_438 = arith.constant 0 : i32
          %dma_wait3A_439 = arith.constant 0 : i32
          %dma_wait3A_440 = tpu.memref_slice %arg5[%dma_wait3A_433, %arg1, %dma_wait3A_438, %dma_wait3A_439] : memref<1x16x160x128xi32, #tpu.memory_space<hbm>> -> memref<1x1x8x128xi32, #tpu.memory_space<hbm>>
          %dma_wait3A_441 = tpu.memref_squeeze %dma_wait3A_440 : memref<1x1x8x128xi32, #tpu.memory_space<hbm>> -> memref<8x128xi32, #tpu.memory_space<hbm>>
          %dma_wait3A_442 = arith.constant 0 : i32
          %dma_wait3A_443 = arith.constant 0 : i32
          %dma_wait3A_444 = tpu.memref_slice %arg9[%sub3A_432, %dma_wait3A_442, %dma_wait3A_443] : memref<2x8x128xi32, #tpu.memory_space<vmem>> -> memref<1x8x128xi32, #tpu.memory_space<vmem>>
          %dma_wait3A_445 = tpu.memref_squeeze %dma_wait3A_444 : memref<1x8x128xi32, #tpu.memory_space<vmem>> -> memref<8x128xi32, #tpu.memory_space<vmem>>
          %dma_wait3A_446 = arith.constant 0 : i32
          %dma_wait3A_447 = arith.constant 0 : i32
          %dma_wait3A_448 = tpu.memref_slice %arg5[%dma_wait3A_433, %arg1, %dma_wait3A_446, %dma_wait3A_447] : memref<1x16x160x128xi32, #tpu.memory_space<hbm>> -> memref<1x1x8x128xi32, #tpu.memory_space<hbm>>
          %dma_wait3A_449 = tpu.memref_squeeze %dma_wait3A_448 : memref<1x1x8x128xi32, #tpu.memory_space<hbm>> -> memref<8x128xi32, #tpu.memory_space<hbm>>
          tpu.wait_dma2 semaphore(%arg13 : memref<!tpu.dma_semaphore, #tpu.memory_space<semaphore_mem>>) src(%dma_wait3A_449 : memref<8x128xi32, #tpu.memory_space<hbm>>) dst(%dma_wait3A_445 : memref<8x128xi32, #tpu.memory_space<vmem>>)
        } else {
        }
        %add3A_395 = arith.constant 2 : i32
        %add3A_396 = arith.addi %add3A_254, %add3A_395 : i32
        %lt3A_397 = arith.constant 160 : i32
        %lt3A_398 = arith.cmpi slt, %add3A_396, %lt3A_397 : i32
        %convert_element_type3A_399 = arith.extui %lt3A_398 : i1 to i32
        %cond3A_400 = arith.constant 0 : i32
        %cond3A_401 = arith.cmpi ne, %convert_element_type3A_399, %cond3A_400 : i32
        scf.if %cond3A_401 {
          %add3A_412 = arith.constant 2 : i32
          %add3A_413 = arith.addi %add3A_254, %add3A_412 : i32
          %jit3A_414 = arith.constant 8 : i32
          %div3A_415 = arith.divsi %add3A_413, %jit3A_414 : i32
          %sign3A_416 = arith.constant 0 : i32
          %sign3A_417 = arith.cmpi sgt, %add3A_413, %sign3A_416 : i32
          %sign3A_418 = arith.extui %sign3A_417 : i1 to i32
          %sign3A_419 = arith.constant 0 : i32
          %sign3A_420 = arith.cmpi slt, %add3A_413, %sign3A_419 : i32
          %sign3A_421 = arith.extui %sign3A_420 : i1 to i32
          %sign3A_422 = arith.subi %sign3A_418, %sign3A_421 : i32
          %sign3A_423 = arith.constant 0 : i32
          %sign3A_424 = arith.cmpi sgt, %jit3A_414, %sign3A_423 : i32
          %sign3A_425 = arith.extui %sign3A_424 : i1 to i32
          %sign3A_426 = arith.constant 0 : i32
          %sign3A_427 = arith.cmpi slt, %jit3A_414, %sign3A_426 : i32
          %sign3A_428 = arith.extui %sign3A_427 : i1 to i32
          %sign3A_429 = arith.subi %sign3A_425, %sign3A_428 : i32
          %ne3A_430 = arith.cmpi ne, %sign3A_422, %sign3A_429 : i32
          %rem3A_431 = arith.remsi %add3A_413, %jit3A_414 : i32
          %ne3A_432 = arith.constant 0 : i32
          %ne3A_433 = arith.cmpi ne, %rem3A_431, %ne3A_432 : i32
          %and3A_434 = arith.andi %ne3A_430, %ne3A_433 : i1
          %sub3A_435 = arith.constant 1 : i32
          %sub3A_436 = arith.subi %div3A_415, %sub3A_435 : i32
          %select_n3A_437 = arith.select %and3A_434, %sub3A_436, %div3A_415 : i32
          %jit3A_438 = arith.constant 8 : i32
          %eq3A_439 = arith.constant 0 : i32
          %eq3A_440 = arith.cmpi eq, %jit3A_438, %eq3A_439 : i32
          %jit3A_441 = arith.constant 1 : i32
          %select_n3A_442 = arith.select %eq3A_440, %jit3A_441, %jit3A_438 : i32
          %rem3A_443 = arith.remsi %add3A_413, %select_n3A_442 : i32
          %ne3A_444 = arith.constant 0 : i32
          %ne3A_445 = arith.cmpi ne, %rem3A_443, %ne3A_444 : i32
          %lt3A_446 = arith.constant 0 : i32
          %lt3A_447 = arith.cmpi slt, %rem3A_443, %lt3A_446 : i32
          %lt3A_448 = arith.constant 0 : i32
          %lt3A_449 = arith.cmpi slt, %select_n3A_442, %lt3A_448 : i32
          %ne3A_450 = arith.xori %lt3A_447, %lt3A_449 : i1
          %and3A_451 = arith.andi %ne3A_450, %ne3A_445 : i1
          %add3A_452 = arith.addi %rem3A_443, %select_n3A_442 : i32
          %select_n3A_453 = arith.select %and3A_451, %add3A_452, %rem3A_443 : i32
          %jit3A_454 = arith.constant 2 : i32
          %eq3A_455 = arith.constant 0 : i32
          %eq3A_456 = arith.cmpi eq, %jit3A_454, %eq3A_455 : i32
          %jit3A_457 = arith.constant 1 : i32
          %select_n3A_458 = arith.select %eq3A_456, %jit3A_457, %jit3A_454 : i32
          %rem3A_459 = arith.remsi %select_n3A_437, %select_n3A_458 : i32
          %ne3A_460 = arith.constant 0 : i32
          %ne3A_461 = arith.cmpi ne, %rem3A_459, %ne3A_460 : i32
          %lt3A_462 = arith.constant 0 : i32
          %lt3A_463 = arith.cmpi slt, %rem3A_459, %lt3A_462 : i32
          %lt3A_464 = arith.constant 0 : i32
          %lt3A_465 = arith.cmpi slt, %select_n3A_458, %lt3A_464 : i32
          %ne3A_466 = arith.xori %lt3A_463, %lt3A_465 : i1
          %and3A_467 = arith.andi %ne3A_466, %ne3A_461 : i1
          %add3A_468 = arith.addi %rem3A_459, %select_n3A_458 : i32
          %select_n3A_469 = arith.select %and3A_467, %add3A_468, %rem3A_459 : i32
          %dma_start3A_470 = arith.constant 0 : i32
          %dma_start3A_471 = arith.constant 0 : i32
          %dma_start3A_472 = tpu.memref_slice %arg11[%dma_start3A_470, %dma_start3A_471] : memref<128x128xf32, #tpu.memory_space<vmem>> -> memref<64x128xf32, #tpu.memory_space<vmem>>
          %dma_start3A_473 = arith.constant 0 : i32
          %dma_start3A_474 = tpu.memref_slice %arg8[%select_n3A_469, %select_n3A_453, %dma_start3A_473] : memref<2x8x128xi32, #tpu.memory_space<vmem>> -> memref<1x1x64xi32, #tpu.memory_space<vmem>>
          %dma_start3A_475 = tpu.memref_squeeze %dma_start3A_474 : memref<1x1x64xi32, #tpu.memory_space<vmem>> -> memref<64xi32, #tpu.memory_space<vmem>>
          %dma_start3A_476 = arith.constant 0 : i32
          %dma_start3A_477 = arith.constant 0 : i32
          %dma_start3A_478 = tpu.memref_slice %arg2[%dma_start3A_476, %dma_start3A_477] : memref<10008x128xf32, #tpu.memory_space<hbm>> -> memref<10008x128xf32, #tpu.memory_space<hbm>>
          tpu.enqueue_indirect_dma source(%dma_start3A_478 : memref<10008x128xf32, #tpu.memory_space<hbm>>) target(%dma_start3A_472 : memref<64x128xf32, #tpu.memory_space<vmem>>) offsets(%dma_start3A_475 : memref<64xi32, #tpu.memory_space<vmem>>) semaphore(%arg15 : memref<!tpu.dma_semaphore, #tpu.memory_space<semaphore_mem>>)
          %dma_start3A_479 = arith.constant 64 : i32
          %dma_start3A_480 = arith.constant 0 : i32
          %dma_start3A_481 = tpu.memref_slice %arg11[%dma_start3A_479, %dma_start3A_480] : memref<128x128xf32, #tpu.memory_space<vmem>> -> memref<64x128xf32, #tpu.memory_space<vmem>>
          %dma_start3A_482 = arith.constant 64 : i32
          %dma_start3A_483 = tpu.memref_slice %arg8[%select_n3A_469, %select_n3A_453, %dma_start3A_482] : memref<2x8x128xi32, #tpu.memory_space<vmem>> -> memref<1x1x64xi32, #tpu.memory_space<vmem>>
          %dma_start3A_484 = tpu.memref_squeeze %dma_start3A_483 : memref<1x1x64xi32, #tpu.memory_space<vmem>> -> memref<64xi32, #tpu.memory_space<vmem>>
          %dma_start3A_485 = arith.constant 0 : i32
          %dma_start3A_486 = arith.constant 0 : i32
          %dma_start3A_487 = tpu.memref_slice %arg2[%dma_start3A_485, %dma_start3A_486] : memref<10008x128xf32, #tpu.memory_space<hbm>> -> memref<10008x128xf32, #tpu.memory_space<hbm>>
          tpu.enqueue_indirect_dma source(%dma_start3A_487 : memref<10008x128xf32, #tpu.memory_space<hbm>>) target(%dma_start3A_481 : memref<64x128xf32, #tpu.memory_space<vmem>>) offsets(%dma_start3A_484 : memref<64xi32, #tpu.memory_space<vmem>>) semaphore(%arg15 : memref<!tpu.dma_semaphore, #tpu.memory_space<semaphore_mem>>)
        } else {
        }
        %eq3A_402 = arith.constant 7 : i32
        %eq3A_403 = arith.cmpi eq, %select_n3A_294, %eq3A_402 : i32
        %add3A_404 = arith.constant 2 : i32
        %add3A_405 = arith.addi %select_n3A_278, %add3A_404 : i32
        %lt3A_406 = arith.constant 20 : i32
        %lt3A_407 = arith.cmpi slt, %add3A_405, %lt3A_406 : i32
        %and3A_408 = arith.andi %eq3A_403, %lt3A_407 : i1
        %convert_element_type3A_409 = arith.extui %and3A_408 : i1 to i32
        %cond3A_410 = arith.constant 0 : i32
        %cond3A_411 = arith.cmpi ne, %convert_element_type3A_409, %cond3A_410 : i32
        scf.if %cond3A_411 {
          %add3A_412 = arith.constant 2 : i32
          %add3A_413 = arith.addi %select_n3A_278, %add3A_412 : i32
          %mul3A_414 = arith.constant 8 : i32
          %mul3A_415 = arith.muli %add3A_413, %mul3A_414 : i32
          %dma_start3A_416 = arith.constant 0 : i32
          %dma_start3A_417 = arith.constant 0 : i32
          %dma_start3A_418 = arith.constant 0 : i32
          %dma_start3A_419 = tpu.memref_slice %arg8[%select_n3A_310, %dma_start3A_417, %dma_start3A_418] : memref<2x8x128xi32, #tpu.memory_space<vmem>> -> memref<1x8x128xi32, #tpu.memory_space<vmem>>
          %dma_start3A_420 = tpu.memref_squeeze %dma_start3A_419 : memref<1x8x128xi32, #tpu.memory_space<vmem>> -> memref<8x128xi32, #tpu.memory_space<vmem>>
          %dma_start3A_421 = arith.constant 0 : i32
          %dma_start3A_422 = tpu.memref_slice %arg4[%dma_start3A_416, %arg1, %mul3A_415, %dma_start3A_421] : memref<1x16x160x128xi32, #tpu.memory_space<hbm>> -> memref<1x1x8x128xi32, #tpu.memory_space<hbm>>
          %dma_start3A_423 = tpu.memref_squeeze %dma_start3A_422 : memref<1x1x8x128xi32, #tpu.memory_space<hbm>> -> memref<8x128xi32, #tpu.memory_space<hbm>>
          %dma_start3A_424 = arith.constant 0 : i32
          %dma_start3A_425 = arith.constant 0 : i32
          %dma_start3A_426 = tpu.memref_slice %arg8[%select_n3A_310, %dma_start3A_424, %dma_start3A_425] : memref<2x8x128xi32, #tpu.memory_space<vmem>> -> memref<1x8x128xi32, #tpu.memory_space<vmem>>
          %dma_start3A_427 = tpu.memref_squeeze %dma_start3A_426 : memref<1x8x128xi32, #tpu.memory_space<vmem>> -> memref<8x128xi32, #tpu.memory_space<vmem>>
          %dma_start3A_428 = arith.constant 0 : i32
          %dma_start3A_429 = tpu.memref_slice %arg4[%dma_start3A_416, %arg1, %mul3A_415, %dma_start3A_428] : memref<1x16x160x128xi32, #tpu.memory_space<hbm>> -> memref<1x1x8x128xi32, #tpu.memory_space<hbm>>
          %dma_start3A_430 = tpu.memref_squeeze %dma_start3A_429 : memref<1x1x8x128xi32, #tpu.memory_space<hbm>> -> memref<8x128xi32, #tpu.memory_space<hbm>>
          tpu.enqueue_dma source(%dma_start3A_430 : memref<8x128xi32, #tpu.memory_space<hbm>>) target(%dma_start3A_427 : memref<8x128xi32, #tpu.memory_space<vmem>>) target_semaphore(%arg13 : memref<!tpu.dma_semaphore, #tpu.memory_space<semaphore_mem>>)
          %add3A_431 = arith.constant 2 : i32
          %add3A_432 = arith.addi %select_n3A_278, %add3A_431 : i32
          %mul3A_433 = arith.constant 8 : i32
          %mul3A_434 = arith.muli %add3A_432, %mul3A_433 : i32
          %dma_start3A_435 = arith.constant 0 : i32
          %dma_start3A_436 = arith.constant 0 : i32
          %dma_start3A_437 = arith.constant 0 : i32
          %dma_start3A_438 = tpu.memref_slice %arg9[%select_n3A_310, %dma_start3A_436, %dma_start3A_437] : memref<2x8x128xi32, #tpu.memory_space<vmem>> -> memref<1x8x128xi32, #tpu.memory_space<vmem>>
          %dma_start3A_439 = tpu.memref_squeeze %dma_start3A_438 : memref<1x8x128xi32, #tpu.memory_space<vmem>> -> memref<8x128xi32, #tpu.memory_space<vmem>>
          %dma_start3A_440 = arith.constant 0 : i32
          %dma_start3A_441 = tpu.memref_slice %arg5[%dma_start3A_435, %arg1, %mul3A_434, %dma_start3A_440] : memref<1x16x160x128xi32, #tpu.memory_space<hbm>> -> memref<1x1x8x128xi32, #tpu.memory_space<hbm>>
          %dma_start3A_442 = tpu.memref_squeeze %dma_start3A_441 : memref<1x1x8x128xi32, #tpu.memory_space<hbm>> -> memref<8x128xi32, #tpu.memory_space<hbm>>
          %dma_start3A_443 = arith.constant 0 : i32
          %dma_start3A_444 = arith.constant 0 : i32
          %dma_start3A_445 = tpu.memref_slice %arg9[%select_n3A_310, %dma_start3A_443, %dma_start3A_444] : memref<2x8x128xi32, #tpu.memory_space<vmem>> -> memref<1x8x128xi32, #tpu.memory_space<vmem>>
          %dma_start3A_446 = tpu.memref_squeeze %dma_start3A_445 : memref<1x8x128xi32, #tpu.memory_space<vmem>> -> memref<8x128xi32, #tpu.memory_space<vmem>>
          %dma_start3A_447 = arith.constant 0 : i32
          %dma_start3A_448 = tpu.memref_slice %arg5[%dma_start3A_435, %arg1, %mul3A_434, %dma_start3A_447] : memref<1x16x160x128xi32, #tpu.memory_space<hbm>> -> memref<1x1x8x128xi32, #tpu.memory_space<hbm>>
          %dma_start3A_449 = tpu.memref_squeeze %dma_start3A_448 : memref<1x1x8x128xi32, #tpu.memory_space<hbm>> -> memref<8x128xi32, #tpu.memory_space<hbm>>
          tpu.enqueue_dma source(%dma_start3A_449 : memref<8x128xi32, #tpu.memory_space<hbm>>) target(%dma_start3A_446 : memref<8x128xi32, #tpu.memory_space<vmem>>) target_semaphore(%arg13 : memref<!tpu.dma_semaphore, #tpu.memory_space<semaphore_mem>>)
        } else {
        }
      }
      %scan3A_103 = arith.constant 80 : i32
    } else {
    }
    %eq3A_40 = arith.constant 1 : i32
    %eq3A_41 = arith.cmpi eq, %arg0, %eq3A_40 : i32
    %convert_element_type3A_42 = arith.extui %eq3A_41 : i1 to i32
    %cond3A_43 = arith.constant 0 : i32
    %cond3A_44 = arith.cmpi ne, %convert_element_type3A_42, %cond3A_43 : i32
    scf.if %cond3A_44 {
      %dma_start3A_49 = arith.constant 0 : i32
      %dma_start3A_50 = arith.constant 0 : i32
      %dma_start3A_51 = arith.constant 0 : i32
      %dma_start3A_52 = arith.constant 0 : i32
      %dma_start3A_53 = tpu.memref_slice %arg10[%dma_start3A_51, %dma_start3A_52] : memref<128x128xf32, #tpu.memory_space<vmem>> -> memref<64x128xf32, #tpu.memory_space<vmem>>
      %dma_start3A_54 = arith.constant 0 : i32
      %dma_start3A_55 = tpu.memref_slice %arg8[%dma_start3A_49, %dma_start3A_50, %dma_start3A_54] : memref<2x8x128xi32, #tpu.memory_space<vmem>> -> memref<1x1x64xi32, #tpu.memory_space<vmem>>
      %dma_start3A_56 = tpu.memref_squeeze %dma_start3A_55 : memref<1x1x64xi32, #tpu.memory_space<vmem>> -> memref<64xi32, #tpu.memory_space<vmem>>
      %dma_start3A_57 = arith.constant 0 : i32
      %dma_start3A_58 = arith.constant 0 : i32
      %dma_start3A_59 = tpu.memref_slice %arg3[%dma_start3A_57, %dma_start3A_58] : memref<10008x128xf32, #tpu.memory_space<hbm>> -> memref<10008x128xf32, #tpu.memory_space<hbm>>
      tpu.enqueue_indirect_dma source(%dma_start3A_59 : memref<10008x128xf32, #tpu.memory_space<hbm>>) target(%dma_start3A_53 : memref<64x128xf32, #tpu.memory_space<vmem>>) offsets(%dma_start3A_56 : memref<64xi32, #tpu.memory_space<vmem>>) semaphore(%arg14 : memref<!tpu.dma_semaphore, #tpu.memory_space<semaphore_mem>>)
      %dma_start3A_60 = arith.constant 0 : i32
      %dma_start3A_61 = arith.constant 0 : i32
      %dma_start3A_62 = arith.constant 64 : i32
      %dma_start3A_63 = arith.constant 0 : i32
      %dma_start3A_64 = tpu.memref_slice %arg10[%dma_start3A_62, %dma_start3A_63] : memref<128x128xf32, #tpu.memory_space<vmem>> -> memref<64x128xf32, #tpu.memory_space<vmem>>
      %dma_start3A_65 = arith.constant 64 : i32
      %dma_start3A_66 = tpu.memref_slice %arg8[%dma_start3A_60, %dma_start3A_61, %dma_start3A_65] : memref<2x8x128xi32, #tpu.memory_space<vmem>> -> memref<1x1x64xi32, #tpu.memory_space<vmem>>
      %dma_start3A_67 = tpu.memref_squeeze %dma_start3A_66 : memref<1x1x64xi32, #tpu.memory_space<vmem>> -> memref<64xi32, #tpu.memory_space<vmem>>
      %dma_start3A_68 = arith.constant 0 : i32
      %dma_start3A_69 = arith.constant 0 : i32
      %dma_start3A_70 = tpu.memref_slice %arg3[%dma_start3A_68, %dma_start3A_69] : memref<10008x128xf32, #tpu.memory_space<hbm>> -> memref<10008x128xf32, #tpu.memory_space<hbm>>
      tpu.enqueue_indirect_dma source(%dma_start3A_70 : memref<10008x128xf32, #tpu.memory_space<hbm>>) target(%dma_start3A_64 : memref<64x128xf32, #tpu.memory_space<vmem>>) offsets(%dma_start3A_67 : memref<64xi32, #tpu.memory_space<vmem>>) semaphore(%arg14 : memref<!tpu.dma_semaphore, #tpu.memory_space<semaphore_mem>>)
      %dma_start3A_71 = arith.constant 0 : i32
      %dma_start3A_72 = arith.constant 1 : i32
      %dma_start3A_73 = arith.constant 0 : i32
      %dma_start3A_74 = arith.constant 0 : i32
      %dma_start3A_75 = tpu.memref_slice %arg11[%dma_start3A_73, %dma_start3A_74] : memref<128x128xf32, #tpu.memory_space<vmem>> -> memref<64x128xf32, #tpu.memory_space<vmem>>
      %dma_start3A_76 = arith.constant 0 : i32
      %dma_start3A_77 = tpu.memref_slice %arg8[%dma_start3A_71, %dma_start3A_72, %dma_start3A_76] : memref<2x8x128xi32, #tpu.memory_space<vmem>> -> memref<1x1x64xi32, #tpu.memory_space<vmem>>
      %dma_start3A_78 = tpu.memref_squeeze %dma_start3A_77 : memref<1x1x64xi32, #tpu.memory_space<vmem>> -> memref<64xi32, #tpu.memory_space<vmem>>
      %dma_start3A_79 = arith.constant 0 : i32
      %dma_start3A_80 = arith.constant 0 : i32
      %dma_start3A_81 = tpu.memref_slice %arg3[%dma_start3A_79, %dma_start3A_80] : memref<10008x128xf32, #tpu.memory_space<hbm>> -> memref<10008x128xf32, #tpu.memory_space<hbm>>
      tpu.enqueue_indirect_dma source(%dma_start3A_81 : memref<10008x128xf32, #tpu.memory_space<hbm>>) target(%dma_start3A_75 : memref<64x128xf32, #tpu.memory_space<vmem>>) offsets(%dma_start3A_78 : memref<64xi32, #tpu.memory_space<vmem>>) semaphore(%arg15 : memref<!tpu.dma_semaphore, #tpu.memory_space<semaphore_mem>>)
      %dma_start3A_82 = arith.constant 0 : i32
      %dma_start3A_83 = arith.constant 1 : i32
      %dma_start3A_84 = arith.constant 64 : i32
      %dma_start3A_85 = arith.constant 0 : i32
      %dma_start3A_86 = tpu.memref_slice %arg11[%dma_start3A_84, %dma_start3A_85] : memref<128x128xf32, #tpu.memory_space<vmem>> -> memref<64x128xf32, #tpu.memory_space<vmem>>
      %dma_start3A_87 = arith.constant 64 : i32
      %dma_start3A_88 = tpu.memref_slice %arg8[%dma_start3A_82, %dma_start3A_83, %dma_start3A_87] : memref<2x8x128xi32, #tpu.memory_space<vmem>> -> memref<1x1x64xi32, #tpu.memory_space<vmem>>
      %dma_start3A_89 = tpu.memref_squeeze %dma_start3A_88 : memref<1x1x64xi32, #tpu.memory_space<vmem>> -> memref<64xi32, #tpu.memory_space<vmem>>
      %dma_start3A_90 = arith.constant 0 : i32
      %dma_start3A_91 = arith.constant 0 : i32
      %dma_start3A_92 = tpu.memref_slice %arg3[%dma_start3A_90, %dma_start3A_91] : memref<10008x128xf32, #tpu.memory_space<hbm>> -> memref<10008x128xf32, #tpu.memory_space<hbm>>
      tpu.enqueue_indirect_dma source(%dma_start3A_92 : memref<10008x128xf32, #tpu.memory_space<hbm>>) target(%dma_start3A_86 : memref<64x128xf32, #tpu.memory_space<vmem>>) offsets(%dma_start3A_89 : memref<64xi32, #tpu.memory_space<vmem>>) semaphore(%arg15 : memref<!tpu.dma_semaphore, #tpu.memory_space<semaphore_mem>>)
      %lt3A_93 = arith.constant 10 : i32
      %lt3A_94 = arith.cmpi slt, %arg1, %lt3A_93 : i32
      %convert_element_type3A_95 = arith.extui %lt3A_94 : i1 to i32
      %cond3A_96 = arith.constant 0 : i32
      %cond3A_97 = arith.cmpi ne, %convert_element_type3A_95, %cond3A_96 : i32
      scf.if %cond3A_97 {
        %mul3A = arith.constant 1000 : i32
        %mul3A_104 = arith.muli %arg1, %mul3A : i32
        "tpu.region"() ({
          %run_scoped3A_105 = tpu.sem_alloc : memref<!tpu.dma_semaphore, #tpu.memory_space<semaphore_mem>>
          %dma_start3A_106 = arith.constant 0 : i32
          %dma_start3A_107 = tpu.memref_slice %arg12[%mul3A_104, %dma_start3A_106] : memref<10000x128xf32, #tpu.memory_space<vmem_shared>> -> memref<1000x128xf32, #tpu.memory_space<vmem_shared>>
          tpu.enqueue_dma source(%arg6 : memref<1000x128xf32, #tpu.memory_space<hbm>>) target(%dma_start3A_107 : memref<1000x128xf32, #tpu.memory_space<vmem_shared>>) target_semaphore(%run_scoped3A_105 : memref<!tpu.dma_semaphore, #tpu.memory_space<semaphore_mem>>)
          %dma_wait3A = arith.constant 0 : i32
          %dma_wait3A_108 = tpu.memref_slice %arg12[%mul3A_104, %dma_wait3A] : memref<10000x128xf32, #tpu.memory_space<vmem_shared>> -> memref<1000x128xf32, #tpu.memory_space<vmem_shared>>
          tpu.wait_dma2 semaphore(%run_scoped3A_105 : memref<!tpu.dma_semaphore, #tpu.memory_space<semaphore_mem>>) src(%arg6 : memref<1000x128xf32, #tpu.memory_space<hbm>>) dst(%dma_wait3A_108 : memref<1000x128xf32, #tpu.memory_space<vmem_shared>>)
          tpu.yield
        }) : () -> ()
      } else {
      }
      %barrier3A_98 = arith.constant 0 : index
      tpu.barrier barrier_id(%barrier3A_98)
      %scan3A = arith.constant 0 : i32
      %scan3A_99 = arith.constant 0 : i32
      %scan3A_100 = arith.constant 80 : i32
      %scan3A_101 = arith.addi %scan3A_99, %scan3A_100 : i32
      %scan3A_102 = arith.constant 1 : i32
      scf.for %scan3A_104 = %scan3A_99 to %scan3A_101 step %scan3A_102  : i32 {
        %mul3A = arith.constant 2 : i32
        %mul3A_105 = arith.muli %scan3A_104, %mul3A : i32
        %jit3A = arith.constant 8 : i32
        %div3A = arith.divsi %mul3A_105, %jit3A : i32
        %sign3A = arith.constant 0 : i32
        %sign3A_106 = arith.cmpi sgt, %mul3A_105, %sign3A : i32
        %sign3A_107 = arith.extui %sign3A_106 : i1 to i32
        %sign3A_108 = arith.constant 0 : i32
        %sign3A_109 = arith.cmpi slt, %mul3A_105, %sign3A_108 : i32
        %sign3A_110 = arith.extui %sign3A_109 : i1 to i32
        %sign3A_111 = arith.subi %sign3A_107, %sign3A_110 : i32
        %sign3A_112 = arith.constant 0 : i32
        %sign3A_113 = arith.cmpi sgt, %jit3A, %sign3A_112 : i32
        %sign3A_114 = arith.extui %sign3A_113 : i1 to i32
        %sign3A_115 = arith.constant 0 : i32
        %sign3A_116 = arith.cmpi slt, %jit3A, %sign3A_115 : i32
        %sign3A_117 = arith.extui %sign3A_116 : i1 to i32
        %sign3A_118 = arith.subi %sign3A_114, %sign3A_117 : i32
        %ne3A = arith.cmpi ne, %sign3A_111, %sign3A_118 : i32
        %rem3A = arith.remsi %mul3A_105, %jit3A : i32
        %ne3A_119 = arith.constant 0 : i32
        %ne3A_120 = arith.cmpi ne, %rem3A, %ne3A_119 : i32
        %and3A = arith.andi %ne3A, %ne3A_120 : i1
        %sub3A = arith.constant 1 : i32
        %sub3A_121 = arith.subi %div3A, %sub3A : i32
        %select_n3A = arith.select %and3A, %sub3A_121, %div3A : i32
        %jit3A_122 = arith.constant 8 : i32
        %eq3A_123 = arith.constant 0 : i32
        %eq3A_124 = arith.cmpi eq, %jit3A_122, %eq3A_123 : i32
        %jit3A_125 = arith.constant 1 : i32
        %select_n3A_126 = arith.select %eq3A_124, %jit3A_125, %jit3A_122 : i32
        %rem3A_127 = arith.remsi %mul3A_105, %select_n3A_126 : i32
        %ne3A_128 = arith.constant 0 : i32
        %ne3A_129 = arith.cmpi ne, %rem3A_127, %ne3A_128 : i32
        %lt3A_130 = arith.constant 0 : i32
        %lt3A_131 = arith.cmpi slt, %rem3A_127, %lt3A_130 : i32
        %lt3A_132 = arith.constant 0 : i32
        %lt3A_133 = arith.cmpi slt, %select_n3A_126, %lt3A_132 : i32
        %ne3A_134 = arith.xori %lt3A_131, %lt3A_133 : i1
        %and3A_135 = arith.andi %ne3A_134, %ne3A_129 : i1
        %add3A = arith.addi %rem3A_127, %select_n3A_126 : i32
        %select_n3A_136 = arith.select %and3A_135, %add3A, %rem3A_127 : i32
        %jit3A_137 = arith.constant 2 : i32
        %eq3A_138 = arith.constant 0 : i32
        %eq3A_139 = arith.cmpi eq, %jit3A_137, %eq3A_138 : i32
        %jit3A_140 = arith.constant 1 : i32
        %select_n3A_141 = arith.select %eq3A_139, %jit3A_140, %jit3A_137 : i32
        %rem3A_142 = arith.remsi %select_n3A, %select_n3A_141 : i32
        %ne3A_143 = arith.constant 0 : i32
        %ne3A_144 = arith.cmpi ne, %rem3A_142, %ne3A_143 : i32
        %lt3A_145 = arith.constant 0 : i32
        %lt3A_146 = arith.cmpi slt, %rem3A_142, %lt3A_145 : i32
        %lt3A_147 = arith.constant 0 : i32
        %lt3A_148 = arith.cmpi slt, %select_n3A_141, %lt3A_147 : i32
        %ne3A_149 = arith.xori %lt3A_146, %lt3A_148 : i1
        %and3A_150 = arith.andi %ne3A_149, %ne3A_144 : i1
        %add3A_151 = arith.addi %rem3A_142, %select_n3A_141 : i32
        %select_n3A_152 = arith.select %and3A_150, %add3A_151, %rem3A_142 : i32
        %jit3A_153 = arith.constant 8 : i32
        %div3A_154 = arith.divsi %mul3A_105, %jit3A_153 : i32
        %sign3A_155 = arith.constant 0 : i32
        %sign3A_156 = arith.cmpi sgt, %mul3A_105, %sign3A_155 : i32
        %sign3A_157 = arith.extui %sign3A_156 : i1 to i32
        %sign3A_158 = arith.constant 0 : i32
        %sign3A_159 = arith.cmpi slt, %mul3A_105, %sign3A_158 : i32
        %sign3A_160 = arith.extui %sign3A_159 : i1 to i32
        %sign3A_161 = arith.subi %sign3A_157, %sign3A_160 : i32
        %sign3A_162 = arith.constant 0 : i32
        %sign3A_163 = arith.cmpi sgt, %jit3A_153, %sign3A_162 : i32
        %sign3A_164 = arith.extui %sign3A_163 : i1 to i32
        %sign3A_165 = arith.constant 0 : i32
        %sign3A_166 = arith.cmpi slt, %jit3A_153, %sign3A_165 : i32
        %sign3A_167 = arith.extui %sign3A_166 : i1 to i32
        %sign3A_168 = arith.subi %sign3A_164, %sign3A_167 : i32
        %ne3A_169 = arith.cmpi ne, %sign3A_161, %sign3A_168 : i32
        %rem3A_170 = arith.remsi %mul3A_105, %jit3A_153 : i32
        %ne3A_171 = arith.constant 0 : i32
        %ne3A_172 = arith.cmpi ne, %rem3A_170, %ne3A_171 : i32
        %and3A_173 = arith.andi %ne3A_169, %ne3A_172 : i1
        %sub3A_174 = arith.constant 1 : i32
        %sub3A_175 = arith.subi %div3A_154, %sub3A_174 : i32
        %select_n3A_176 = arith.select %and3A_173, %sub3A_175, %div3A_154 : i32
        %jit3A_177 = arith.constant 8 : i32
        %eq3A_178 = arith.constant 0 : i32
        %eq3A_179 = arith.cmpi eq, %jit3A_177, %eq3A_178 : i32
        %jit3A_180 = arith.constant 1 : i32
        %select_n3A_181 = arith.select %eq3A_179, %jit3A_180, %jit3A_177 : i32
        %rem3A_182 = arith.remsi %mul3A_105, %select_n3A_181 : i32
        %ne3A_183 = arith.constant 0 : i32
        %ne3A_184 = arith.cmpi ne, %rem3A_182, %ne3A_183 : i32
        %lt3A_185 = arith.constant 0 : i32
        %lt3A_186 = arith.cmpi slt, %rem3A_182, %lt3A_185 : i32
        %lt3A_187 = arith.constant 0 : i32
        %lt3A_188 = arith.cmpi slt, %select_n3A_181, %lt3A_187 : i32
        %ne3A_189 = arith.xori %lt3A_186, %lt3A_188 : i1
        %and3A_190 = arith.andi %ne3A_189, %ne3A_184 : i1
        %add3A_191 = arith.addi %rem3A_182, %select_n3A_181 : i32
        %select_n3A_192 = arith.select %and3A_190, %add3A_191, %rem3A_182 : i32
        %jit3A_193 = arith.constant 2 : i32
        %eq3A_194 = arith.constant 0 : i32
        %eq3A_195 = arith.cmpi eq, %jit3A_193, %eq3A_194 : i32
        %jit3A_196 = arith.constant 1 : i32
        %select_n3A_197 = arith.select %eq3A_195, %jit3A_196, %jit3A_193 : i32
        %rem3A_198 = arith.remsi %select_n3A_176, %select_n3A_197 : i32
        %ne3A_199 = arith.constant 0 : i32
        %ne3A_200 = arith.cmpi ne, %rem3A_198, %ne3A_199 : i32
        %lt3A_201 = arith.constant 0 : i32
        %lt3A_202 = arith.cmpi slt, %rem3A_198, %lt3A_201 : i32
        %lt3A_203 = arith.constant 0 : i32
        %lt3A_204 = arith.cmpi slt, %select_n3A_197, %lt3A_203 : i32
        %ne3A_205 = arith.xori %lt3A_202, %lt3A_204 : i1
        %and3A_206 = arith.andi %ne3A_205, %ne3A_200 : i1
        %add3A_207 = arith.addi %rem3A_198, %select_n3A_197 : i32
        %select_n3A_208 = arith.select %and3A_206, %add3A_207, %rem3A_198 : i32
        %dma_wait3A = arith.constant 0 : i32
        %dma_wait3A_209 = arith.constant 0 : i32
        %dma_wait3A_210 = tpu.memref_slice %arg10[%dma_wait3A, %dma_wait3A_209] : memref<128x128xf32, #tpu.memory_space<vmem>> -> memref<64x128xf32, #tpu.memory_space<vmem>>
        %dma_wait3A_211 = arith.constant 0 : i32
        %dma_wait3A_212 = tpu.memref_slice %arg8[%select_n3A_208, %select_n3A_192, %dma_wait3A_211] : memref<2x8x128xi32, #tpu.memory_space<vmem>> -> memref<1x1x64xi32, #tpu.memory_space<vmem>>
        %dma_wait3A_213 = tpu.memref_squeeze %dma_wait3A_212 : memref<1x1x64xi32, #tpu.memory_space<vmem>> -> memref<64xi32, #tpu.memory_space<vmem>>
        %dma_wait3A_214 = arith.constant 0 : i32
        %dma_wait3A_215 = arith.constant 0 : i32
        %dma_wait3A_216 = tpu.memref_slice %arg3[%dma_wait3A_214, %dma_wait3A_215] : memref<10008x128xf32, #tpu.memory_space<hbm>> -> memref<10008x128xf32, #tpu.memory_space<hbm>>
        tpu.wait_indirect_dma semaphore(%arg14 : memref<!tpu.dma_semaphore, #tpu.memory_space<semaphore_mem>>) src(%dma_wait3A_216 : memref<10008x128xf32, #tpu.memory_space<hbm>>) dst(%dma_wait3A_210 : memref<64x128xf32, #tpu.memory_space<vmem>>)
        %dma_wait3A_217 = arith.constant 64 : i32
        %dma_wait3A_218 = arith.constant 0 : i32
        %dma_wait3A_219 = tpu.memref_slice %arg10[%dma_wait3A_217, %dma_wait3A_218] : memref<128x128xf32, #tpu.memory_space<vmem>> -> memref<64x128xf32, #tpu.memory_space<vmem>>
        %dma_wait3A_220 = arith.constant 64 : i32
        %dma_wait3A_221 = tpu.memref_slice %arg8[%select_n3A_208, %select_n3A_192, %dma_wait3A_220] : memref<2x8x128xi32, #tpu.memory_space<vmem>> -> memref<1x1x64xi32, #tpu.memory_space<vmem>>
        %dma_wait3A_222 = tpu.memref_squeeze %dma_wait3A_221 : memref<1x1x64xi32, #tpu.memory_space<vmem>> -> memref<64xi32, #tpu.memory_space<vmem>>
        %dma_wait3A_223 = arith.constant 0 : i32
        %dma_wait3A_224 = arith.constant 0 : i32
        %dma_wait3A_225 = tpu.memref_slice %arg3[%dma_wait3A_223, %dma_wait3A_224] : memref<10008x128xf32, #tpu.memory_space<hbm>> -> memref<10008x128xf32, #tpu.memory_space<hbm>>
        tpu.wait_indirect_dma semaphore(%arg14 : memref<!tpu.dma_semaphore, #tpu.memory_space<semaphore_mem>>) src(%dma_wait3A_225 : memref<10008x128xf32, #tpu.memory_space<hbm>>) dst(%dma_wait3A_219 : memref<64x128xf32, #tpu.memory_space<vmem>>)
        "tpu.region"() ({
          %run_scoped3A_412 = tpu.sem_alloc : memref<!tpu.dma_semaphore, #tpu.memory_space<semaphore_mem>>
          %dma_start3A_413 = arith.constant 0 : i32
          %dma_start3A_414 = tpu.memref_slice %arg9[%select_n3A_152, %select_n3A_136, %dma_start3A_413] : memref<2x8x128xi32, #tpu.memory_space<vmem>> -> memref<1x1x128xi32, #tpu.memory_space<vmem>>
          %dma_start3A_415 = tpu.memref_squeeze %dma_start3A_414 : memref<1x1x128xi32, #tpu.memory_space<vmem>> -> memref<128xi32, #tpu.memory_space<vmem>>
          %dma_start3A_416 = arith.constant 0 : i32
          %dma_start3A_417 = arith.constant 0 : i32
          %dma_start3A_418 = tpu.memref_slice %arg12[%dma_start3A_416, %dma_start3A_417] : memref<10000x128xf32, #tpu.memory_space<vmem_shared>> -> memref<10000x128xf32, #tpu.memory_space<vmem_shared>>
          tpu.enqueue_indirect_dma source(%arg10 : memref<128x128xf32, #tpu.memory_space<vmem>>) target(%dma_start3A_418 : memref<10000x128xf32, #tpu.memory_space<vmem_shared>>) offsets(%dma_start3A_415 : memref<128xi32, #tpu.memory_space<vmem>>) semaphore(%run_scoped3A_412 : memref<!tpu.dma_semaphore, #tpu.memory_space<semaphore_mem>>) {add = true}
          %dma_wait3A_419 = arith.constant 0 : i32
          %dma_wait3A_420 = tpu.memref_slice %arg9[%select_n3A_152, %select_n3A_136, %dma_wait3A_419] : memref<2x8x128xi32, #tpu.memory_space<vmem>> -> memref<1x1x128xi32, #tpu.memory_space<vmem>>
          %dma_wait3A_421 = tpu.memref_squeeze %dma_wait3A_420 : memref<1x1x128xi32, #tpu.memory_space<vmem>> -> memref<128xi32, #tpu.memory_space<vmem>>
          %dma_wait3A_422 = arith.constant 0 : i32
          %dma_wait3A_423 = arith.constant 0 : i32
          %dma_wait3A_424 = tpu.memref_slice %arg12[%dma_wait3A_422, %dma_wait3A_423] : memref<10000x128xf32, #tpu.memory_space<vmem_shared>> -> memref<10000x128xf32, #tpu.memory_space<vmem_shared>>
          tpu.wait_indirect_dma semaphore(%run_scoped3A_412 : memref<!tpu.dma_semaphore, #tpu.memory_space<semaphore_mem>>) src(%arg10 : memref<128x128xf32, #tpu.memory_space<vmem>>) dst(%dma_wait3A_424 : memref<10000x128xf32, #tpu.memory_space<vmem_shared>>)
          tpu.yield
        }) : () -> ()
        %eq3A_226 = arith.constant 6 : i32
        %eq3A_227 = arith.cmpi eq, %select_n3A_136, %eq3A_226 : i32
        %add3A_228 = arith.constant 1 : i32
        %add3A_229 = arith.addi %select_n3A, %add3A_228 : i32
        %lt3A_230 = arith.constant 20 : i32
        %lt3A_231 = arith.cmpi slt, %add3A_229, %lt3A_230 : i32
        %and3A_232 = arith.andi %eq3A_227, %lt3A_231 : i1
        %convert_element_type3A_233 = arith.extui %and3A_232 : i1 to i32
        %cond3A_234 = arith.constant 0 : i32
        %cond3A_235 = arith.cmpi ne, %convert_element_type3A_233, %cond3A_234 : i32
        scf.if %cond3A_235 {
          %sub3A_412 = arith.constant 1 : i32
          %sub3A_413 = arith.subi %sub3A_412, %select_n3A_152 : i32
          %dma_wait3A_414 = arith.constant 0 : i32
          %dma_wait3A_415 = arith.constant 0 : i32
          %dma_wait3A_416 = arith.constant 0 : i32
          %dma_wait3A_417 = tpu.memref_slice %arg8[%sub3A_413, %dma_wait3A_415, %dma_wait3A_416] : memref<2x8x128xi32, #tpu.memory_space<vmem>> -> memref<1x8x128xi32, #tpu.memory_space<vmem>>
          %dma_wait3A_418 = tpu.memref_squeeze %dma_wait3A_417 : memref<1x8x128xi32, #tpu.memory_space<vmem>> -> memref<8x128xi32, #tpu.memory_space<vmem>>
          %dma_wait3A_419 = arith.constant 0 : i32
          %dma_wait3A_420 = arith.constant 0 : i32
          %dma_wait3A_421 = tpu.memref_slice %arg4[%dma_wait3A_414, %arg1, %dma_wait3A_419, %dma_wait3A_420] : memref<1x16x160x128xi32, #tpu.memory_space<hbm>> -> memref<1x1x8x128xi32, #tpu.memory_space<hbm>>
          %dma_wait3A_422 = tpu.memref_squeeze %dma_wait3A_421 : memref<1x1x8x128xi32, #tpu.memory_space<hbm>> -> memref<8x128xi32, #tpu.memory_space<hbm>>
          %dma_wait3A_423 = arith.constant 0 : i32
          %dma_wait3A_424 = arith.constant 0 : i32
          %dma_wait3A_425 = tpu.memref_slice %arg8[%sub3A_413, %dma_wait3A_423, %dma_wait3A_424] : memref<2x8x128xi32, #tpu.memory_space<vmem>> -> memref<1x8x128xi32, #tpu.memory_space<vmem>>
          %dma_wait3A_426 = tpu.memref_squeeze %dma_wait3A_425 : memref<1x8x128xi32, #tpu.memory_space<vmem>> -> memref<8x128xi32, #tpu.memory_space<vmem>>
          %dma_wait3A_427 = arith.constant 0 : i32
          %dma_wait3A_428 = arith.constant 0 : i32
          %dma_wait3A_429 = tpu.memref_slice %arg4[%dma_wait3A_414, %arg1, %dma_wait3A_427, %dma_wait3A_428] : memref<1x16x160x128xi32, #tpu.memory_space<hbm>> -> memref<1x1x8x128xi32, #tpu.memory_space<hbm>>
          %dma_wait3A_430 = tpu.memref_squeeze %dma_wait3A_429 : memref<1x1x8x128xi32, #tpu.memory_space<hbm>> -> memref<8x128xi32, #tpu.memory_space<hbm>>
          tpu.wait_dma2 semaphore(%arg13 : memref<!tpu.dma_semaphore, #tpu.memory_space<semaphore_mem>>) src(%dma_wait3A_430 : memref<8x128xi32, #tpu.memory_space<hbm>>) dst(%dma_wait3A_426 : memref<8x128xi32, #tpu.memory_space<vmem>>)
          %sub3A_431 = arith.constant 1 : i32
          %sub3A_432 = arith.subi %sub3A_431, %select_n3A_152 : i32
          %dma_wait3A_433 = arith.constant 0 : i32
          %dma_wait3A_434 = arith.constant 0 : i32
          %dma_wait3A_435 = arith.constant 0 : i32
          %dma_wait3A_436 = tpu.memref_slice %arg9[%sub3A_432, %dma_wait3A_434, %dma_wait3A_435] : memref<2x8x128xi32, #tpu.memory_space<vmem>> -> memref<1x8x128xi32, #tpu.memory_space<vmem>>
          %dma_wait3A_437 = tpu.memref_squeeze %dma_wait3A_436 : memref<1x8x128xi32, #tpu.memory_space<vmem>> -> memref<8x128xi32, #tpu.memory_space<vmem>>
          %dma_wait3A_438 = arith.constant 0 : i32
          %dma_wait3A_439 = arith.constant 0 : i32
          %dma_wait3A_440 = tpu.memref_slice %arg5[%dma_wait3A_433, %arg1, %dma_wait3A_438, %dma_wait3A_439] : memref<1x16x160x128xi32, #tpu.memory_space<hbm>> -> memref<1x1x8x128xi32, #tpu.memory_space<hbm>>
          %dma_wait3A_441 = tpu.memref_squeeze %dma_wait3A_440 : memref<1x1x8x128xi32, #tpu.memory_space<hbm>> -> memref<8x128xi32, #tpu.memory_space<hbm>>
          %dma_wait3A_442 = arith.constant 0 : i32
          %dma_wait3A_443 = arith.constant 0 : i32
          %dma_wait3A_444 = tpu.memref_slice %arg9[%sub3A_432, %dma_wait3A_442, %dma_wait3A_443] : memref<2x8x128xi32, #tpu.memory_space<vmem>> -> memref<1x8x128xi32, #tpu.memory_space<vmem>>
          %dma_wait3A_445 = tpu.memref_squeeze %dma_wait3A_444 : memref<1x8x128xi32, #tpu.memory_space<vmem>> -> memref<8x128xi32, #tpu.memory_space<vmem>>
          %dma_wait3A_446 = arith.constant 0 : i32
          %dma_wait3A_447 = arith.constant 0 : i32
          %dma_wait3A_448 = tpu.memref_slice %arg5[%dma_wait3A_433, %arg1, %dma_wait3A_446, %dma_wait3A_447] : memref<1x16x160x128xi32, #tpu.memory_space<hbm>> -> memref<1x1x8x128xi32, #tpu.memory_space<hbm>>
          %dma_wait3A_449 = tpu.memref_squeeze %dma_wait3A_448 : memref<1x1x8x128xi32, #tpu.memory_space<hbm>> -> memref<8x128xi32, #tpu.memory_space<hbm>>
          tpu.wait_dma2 semaphore(%arg13 : memref<!tpu.dma_semaphore, #tpu.memory_space<semaphore_mem>>) src(%dma_wait3A_449 : memref<8x128xi32, #tpu.memory_space<hbm>>) dst(%dma_wait3A_445 : memref<8x128xi32, #tpu.memory_space<vmem>>)
        } else {
        }
        %add3A_236 = arith.constant 2 : i32
        %add3A_237 = arith.addi %mul3A_105, %add3A_236 : i32
        %lt3A_238 = arith.constant 160 : i32
        %lt3A_239 = arith.cmpi slt, %add3A_237, %lt3A_238 : i32
        %convert_element_type3A_240 = arith.extui %lt3A_239 : i1 to i32
        %cond3A_241 = arith.constant 0 : i32
        %cond3A_242 = arith.cmpi ne, %convert_element_type3A_240, %cond3A_241 : i32
        scf.if %cond3A_242 {
          %add3A_412 = arith.constant 2 : i32
          %add3A_413 = arith.addi %mul3A_105, %add3A_412 : i32
          %jit3A_414 = arith.constant 8 : i32
          %div3A_415 = arith.divsi %add3A_413, %jit3A_414 : i32
          %sign3A_416 = arith.constant 0 : i32
          %sign3A_417 = arith.cmpi sgt, %add3A_413, %sign3A_416 : i32
          %sign3A_418 = arith.extui %sign3A_417 : i1 to i32
          %sign3A_419 = arith.constant 0 : i32
          %sign3A_420 = arith.cmpi slt, %add3A_413, %sign3A_419 : i32
          %sign3A_421 = arith.extui %sign3A_420 : i1 to i32
          %sign3A_422 = arith.subi %sign3A_418, %sign3A_421 : i32
          %sign3A_423 = arith.constant 0 : i32
          %sign3A_424 = arith.cmpi sgt, %jit3A_414, %sign3A_423 : i32
          %sign3A_425 = arith.extui %sign3A_424 : i1 to i32
          %sign3A_426 = arith.constant 0 : i32
          %sign3A_427 = arith.cmpi slt, %jit3A_414, %sign3A_426 : i32
          %sign3A_428 = arith.extui %sign3A_427 : i1 to i32
          %sign3A_429 = arith.subi %sign3A_425, %sign3A_428 : i32
          %ne3A_430 = arith.cmpi ne, %sign3A_422, %sign3A_429 : i32
          %rem3A_431 = arith.remsi %add3A_413, %jit3A_414 : i32
          %ne3A_432 = arith.constant 0 : i32
          %ne3A_433 = arith.cmpi ne, %rem3A_431, %ne3A_432 : i32
          %and3A_434 = arith.andi %ne3A_430, %ne3A_433 : i1
          %sub3A_435 = arith.constant 1 : i32
          %sub3A_436 = arith.subi %div3A_415, %sub3A_435 : i32
          %select_n3A_437 = arith.select %and3A_434, %sub3A_436, %div3A_415 : i32
          %jit3A_438 = arith.constant 8 : i32
          %eq3A_439 = arith.constant 0 : i32
          %eq3A_440 = arith.cmpi eq, %jit3A_438, %eq3A_439 : i32
          %jit3A_441 = arith.constant 1 : i32
          %select_n3A_442 = arith.select %eq3A_440, %jit3A_441, %jit3A_438 : i32
          %rem3A_443 = arith.remsi %add3A_413, %select_n3A_442 : i32
          %ne3A_444 = arith.constant 0 : i32
          %ne3A_445 = arith.cmpi ne, %rem3A_443, %ne3A_444 : i32
          %lt3A_446 = arith.constant 0 : i32
          %lt3A_447 = arith.cmpi slt, %rem3A_443, %lt3A_446 : i32
          %lt3A_448 = arith.constant 0 : i32
          %lt3A_449 = arith.cmpi slt, %select_n3A_442, %lt3A_448 : i32
          %ne3A_450 = arith.xori %lt3A_447, %lt3A_449 : i1
          %and3A_451 = arith.andi %ne3A_450, %ne3A_445 : i1
          %add3A_452 = arith.addi %rem3A_443, %select_n3A_442 : i32
          %select_n3A_453 = arith.select %and3A_451, %add3A_452, %rem3A_443 : i32
          %jit3A_454 = arith.constant 2 : i32
          %eq3A_455 = arith.constant 0 : i32
          %eq3A_456 = arith.cmpi eq, %jit3A_454, %eq3A_455 : i32
          %jit3A_457 = arith.constant 1 : i32
          %select_n3A_458 = arith.select %eq3A_456, %jit3A_457, %jit3A_454 : i32
          %rem3A_459 = arith.remsi %select_n3A_437, %select_n3A_458 : i32
          %ne3A_460 = arith.constant 0 : i32
          %ne3A_461 = arith.cmpi ne, %rem3A_459, %ne3A_460 : i32
          %lt3A_462 = arith.constant 0 : i32
          %lt3A_463 = arith.cmpi slt, %rem3A_459, %lt3A_462 : i32
          %lt3A_464 = arith.constant 0 : i32
          %lt3A_465 = arith.cmpi slt, %select_n3A_458, %lt3A_464 : i32
          %ne3A_466 = arith.xori %lt3A_463, %lt3A_465 : i1
          %and3A_467 = arith.andi %ne3A_466, %ne3A_461 : i1
          %add3A_468 = arith.addi %rem3A_459, %select_n3A_458 : i32
          %select_n3A_469 = arith.select %and3A_467, %add3A_468, %rem3A_459 : i32
          %dma_start3A_470 = arith.constant 0 : i32
          %dma_start3A_471 = arith.constant 0 : i32
          %dma_start3A_472 = tpu.memref_slice %arg10[%dma_start3A_470, %dma_start3A_471] : memref<128x128xf32, #tpu.memory_space<vmem>> -> memref<64x128xf32, #tpu.memory_space<vmem>>
          %dma_start3A_473 = arith.constant 0 : i32
          %dma_start3A_474 = tpu.memref_slice %arg8[%select_n3A_469, %select_n3A_453, %dma_start3A_473] : memref<2x8x128xi32, #tpu.memory_space<vmem>> -> memref<1x1x64xi32, #tpu.memory_space<vmem>>
          %dma_start3A_475 = tpu.memref_squeeze %dma_start3A_474 : memref<1x1x64xi32, #tpu.memory_space<vmem>> -> memref<64xi32, #tpu.memory_space<vmem>>
          %dma_start3A_476 = arith.constant 0 : i32
          %dma_start3A_477 = arith.constant 0 : i32
          %dma_start3A_478 = tpu.memref_slice %arg3[%dma_start3A_476, %dma_start3A_477] : memref<10008x128xf32, #tpu.memory_space<hbm>> -> memref<10008x128xf32, #tpu.memory_space<hbm>>
          tpu.enqueue_indirect_dma source(%dma_start3A_478 : memref<10008x128xf32, #tpu.memory_space<hbm>>) target(%dma_start3A_472 : memref<64x128xf32, #tpu.memory_space<vmem>>) offsets(%dma_start3A_475 : memref<64xi32, #tpu.memory_space<vmem>>) semaphore(%arg14 : memref<!tpu.dma_semaphore, #tpu.memory_space<semaphore_mem>>)
          %dma_start3A_479 = arith.constant 64 : i32
          %dma_start3A_480 = arith.constant 0 : i32
          %dma_start3A_481 = tpu.memref_slice %arg10[%dma_start3A_479, %dma_start3A_480] : memref<128x128xf32, #tpu.memory_space<vmem>> -> memref<64x128xf32, #tpu.memory_space<vmem>>
          %dma_start3A_482 = arith.constant 64 : i32
          %dma_start3A_483 = tpu.memref_slice %arg8[%select_n3A_469, %select_n3A_453, %dma_start3A_482] : memref<2x8x128xi32, #tpu.memory_space<vmem>> -> memref<1x1x64xi32, #tpu.memory_space<vmem>>
          %dma_start3A_484 = tpu.memref_squeeze %dma_start3A_483 : memref<1x1x64xi32, #tpu.memory_space<vmem>> -> memref<64xi32, #tpu.memory_space<vmem>>
          %dma_start3A_485 = arith.constant 0 : i32
          %dma_start3A_486 = arith.constant 0 : i32
          %dma_start3A_487 = tpu.memref_slice %arg3[%dma_start3A_485, %dma_start3A_486] : memref<10008x128xf32, #tpu.memory_space<hbm>> -> memref<10008x128xf32, #tpu.memory_space<hbm>>
          tpu.enqueue_indirect_dma source(%dma_start3A_487 : memref<10008x128xf32, #tpu.memory_space<hbm>>) target(%dma_start3A_481 : memref<64x128xf32, #tpu.memory_space<vmem>>) offsets(%dma_start3A_484 : memref<64xi32, #tpu.memory_space<vmem>>) semaphore(%arg14 : memref<!tpu.dma_semaphore, #tpu.memory_space<semaphore_mem>>)
        } else {
        }
        %eq3A_243 = arith.constant 7 : i32
        %eq3A_244 = arith.cmpi eq, %select_n3A_136, %eq3A_243 : i32
        %add3A_245 = arith.constant 2 : i32
        %add3A_246 = arith.addi %select_n3A, %add3A_245 : i32
        %lt3A_247 = arith.constant 20 : i32
        %lt3A_248 = arith.cmpi slt, %add3A_246, %lt3A_247 : i32
        %and3A_249 = arith.andi %eq3A_244, %lt3A_248 : i1
        %convert_element_type3A_250 = arith.extui %and3A_249 : i1 to i32
        %cond3A_251 = arith.constant 0 : i32
        %cond3A_252 = arith.cmpi ne, %convert_element_type3A_250, %cond3A_251 : i32
        scf.if %cond3A_252 {
          %add3A_412 = arith.constant 2 : i32
          %add3A_413 = arith.addi %select_n3A, %add3A_412 : i32
          %mul3A_414 = arith.constant 8 : i32
          %mul3A_415 = arith.muli %add3A_413, %mul3A_414 : i32
          %dma_start3A_416 = arith.constant 0 : i32
          %dma_start3A_417 = arith.constant 0 : i32
          %dma_start3A_418 = arith.constant 0 : i32
          %dma_start3A_419 = tpu.memref_slice %arg8[%select_n3A_152, %dma_start3A_417, %dma_start3A_418] : memref<2x8x128xi32, #tpu.memory_space<vmem>> -> memref<1x8x128xi32, #tpu.memory_space<vmem>>
          %dma_start3A_420 = tpu.memref_squeeze %dma_start3A_419 : memref<1x8x128xi32, #tpu.memory_space<vmem>> -> memref<8x128xi32, #tpu.memory_space<vmem>>
          %dma_start3A_421 = arith.constant 0 : i32
          %dma_start3A_422 = tpu.memref_slice %arg4[%dma_start3A_416, %arg1, %mul3A_415, %dma_start3A_421] : memref<1x16x160x128xi32, #tpu.memory_space<hbm>> -> memref<1x1x8x128xi32, #tpu.memory_space<hbm>>
          %dma_start3A_423 = tpu.memref_squeeze %dma_start3A_422 : memref<1x1x8x128xi32, #tpu.memory_space<hbm>> -> memref<8x128xi32, #tpu.memory_space<hbm>>
          %dma_start3A_424 = arith.constant 0 : i32
          %dma_start3A_425 = arith.constant 0 : i32
          %dma_start3A_426 = tpu.memref_slice %arg8[%select_n3A_152, %dma_start3A_424, %dma_start3A_425] : memref<2x8x128xi32, #tpu.memory_space<vmem>> -> memref<1x8x128xi32, #tpu.memory_space<vmem>>
          %dma_start3A_427 = tpu.memref_squeeze %dma_start3A_426 : memref<1x8x128xi32, #tpu.memory_space<vmem>> -> memref<8x128xi32, #tpu.memory_space<vmem>>
          %dma_start3A_428 = arith.constant 0 : i32
          %dma_start3A_429 = tpu.memref_slice %arg4[%dma_start3A_416, %arg1, %mul3A_415, %dma_start3A_428] : memref<1x16x160x128xi32, #tpu.memory_space<hbm>> -> memref<1x1x8x128xi32, #tpu.memory_space<hbm>>
          %dma_start3A_430 = tpu.memref_squeeze %dma_start3A_429 : memref<1x1x8x128xi32, #tpu.memory_space<hbm>> -> memref<8x128xi32, #tpu.memory_space<hbm>>
          tpu.enqueue_dma source(%dma_start3A_430 : memref<8x128xi32, #tpu.memory_space<hbm>>) target(%dma_start3A_427 : memref<8x128xi32, #tpu.memory_space<vmem>>) target_semaphore(%arg13 : memref<!tpu.dma_semaphore, #tpu.memory_space<semaphore_mem>>)
          %add3A_431 = arith.constant 2 : i32
          %add3A_432 = arith.addi %select_n3A, %add3A_431 : i32
          %mul3A_433 = arith.constant 8 : i32
          %mul3A_434 = arith.muli %add3A_432, %mul3A_433 : i32
          %dma_start3A_435 = arith.constant 0 : i32
          %dma_start3A_436 = arith.constant 0 : i32
          %dma_start3A_437 = arith.constant 0 : i32
          %dma_start3A_438 = tpu.memref_slice %arg9[%select_n3A_152, %dma_start3A_436, %dma_start3A_437] : memref<2x8x128xi32, #tpu.memory_space<vmem>> -> memref<1x8x128xi32, #tpu.memory_space<vmem>>
          %dma_start3A_439 = tpu.memref_squeeze %dma_start3A_438 : memref<1x8x128xi32, #tpu.memory_space<vmem>> -> memref<8x128xi32, #tpu.memory_space<vmem>>
          %dma_start3A_440 = arith.constant 0 : i32
          %dma_start3A_441 = tpu.memref_slice %arg5[%dma_start3A_435, %arg1, %mul3A_434, %dma_start3A_440] : memref<1x16x160x128xi32, #tpu.memory_space<hbm>> -> memref<1x1x8x128xi32, #tpu.memory_space<hbm>>
          %dma_start3A_442 = tpu.memref_squeeze %dma_start3A_441 : memref<1x1x8x128xi32, #tpu.memory_space<hbm>> -> memref<8x128xi32, #tpu.memory_space<hbm>>
          %dma_start3A_443 = arith.constant 0 : i32
          %dma_start3A_444 = arith.constant 0 : i32
          %dma_start3A_445 = tpu.memref_slice %arg9[%select_n3A_152, %dma_start3A_443, %dma_start3A_444] : memref<2x8x128xi32, #tpu.memory_space<vmem>> -> memref<1x8x128xi32, #tpu.memory_space<vmem>>
          %dma_start3A_446 = tpu.memref_squeeze %dma_start3A_445 : memref<1x8x128xi32, #tpu.memory_space<vmem>> -> memref<8x128xi32, #tpu.memory_space<vmem>>
          %dma_start3A_447 = arith.constant 0 : i32
          %dma_start3A_448 = tpu.memref_slice %arg5[%dma_start3A_435, %arg1, %mul3A_434, %dma_start3A_447] : memref<1x16x160x128xi32, #tpu.memory_space<hbm>> -> memref<1x1x8x128xi32, #tpu.memory_space<hbm>>
          %dma_start3A_449 = tpu.memref_squeeze %dma_start3A_448 : memref<1x1x8x128xi32, #tpu.memory_space<hbm>> -> memref<8x128xi32, #tpu.memory_space<hbm>>
          tpu.enqueue_dma source(%dma_start3A_449 : memref<8x128xi32, #tpu.memory_space<hbm>>) target(%dma_start3A_446 : memref<8x128xi32, #tpu.memory_space<vmem>>) target_semaphore(%arg13 : memref<!tpu.dma_semaphore, #tpu.memory_space<semaphore_mem>>)
        } else {
        }
        %add3A_253 = arith.constant 1 : i32
        %add3A_254 = arith.addi %mul3A_105, %add3A_253 : i32
        %jit3A_255 = arith.constant 8 : i32
        %div3A_256 = arith.divsi %add3A_254, %jit3A_255 : i32
        %sign3A_257 = arith.constant 0 : i32
        %sign3A_258 = arith.cmpi sgt, %add3A_254, %sign3A_257 : i32
        %sign3A_259 = arith.extui %sign3A_258 : i1 to i32
        %sign3A_260 = arith.constant 0 : i32
        %sign3A_261 = arith.cmpi slt, %add3A_254, %sign3A_260 : i32
        %sign3A_262 = arith.extui %sign3A_261 : i1 to i32
        %sign3A_263 = arith.subi %sign3A_259, %sign3A_262 : i32
        %sign3A_264 = arith.constant 0 : i32
        %sign3A_265 = arith.cmpi sgt, %jit3A_255, %sign3A_264 : i32
        %sign3A_266 = arith.extui %sign3A_265 : i1 to i32
        %sign3A_267 = arith.constant 0 : i32
        %sign3A_268 = arith.cmpi slt, %jit3A_255, %sign3A_267 : i32
        %sign3A_269 = arith.extui %sign3A_268 : i1 to i32
        %sign3A_270 = arith.subi %sign3A_266, %sign3A_269 : i32
        %ne3A_271 = arith.cmpi ne, %sign3A_263, %sign3A_270 : i32
        %rem3A_272 = arith.remsi %add3A_254, %jit3A_255 : i32
        %ne3A_273 = arith.constant 0 : i32
        %ne3A_274 = arith.cmpi ne, %rem3A_272, %ne3A_273 : i32
        %and3A_275 = arith.andi %ne3A_271, %ne3A_274 : i1
        %sub3A_276 = arith.constant 1 : i32
        %sub3A_277 = arith.subi %div3A_256, %sub3A_276 : i32
        %select_n3A_278 = arith.select %and3A_275, %sub3A_277, %div3A_256 : i32
        %jit3A_279 = arith.constant 8 : i32
        %eq3A_280 = arith.constant 0 : i32
        %eq3A_281 = arith.cmpi eq, %jit3A_279, %eq3A_280 : i32
        %jit3A_282 = arith.constant 1 : i32
        %select_n3A_283 = arith.select %eq3A_281, %jit3A_282, %jit3A_279 : i32
        %rem3A_284 = arith.remsi %add3A_254, %select_n3A_283 : i32
        %ne3A_285 = arith.constant 0 : i32
        %ne3A_286 = arith.cmpi ne, %rem3A_284, %ne3A_285 : i32
        %lt3A_287 = arith.constant 0 : i32
        %lt3A_288 = arith.cmpi slt, %rem3A_284, %lt3A_287 : i32
        %lt3A_289 = arith.constant 0 : i32
        %lt3A_290 = arith.cmpi slt, %select_n3A_283, %lt3A_289 : i32
        %ne3A_291 = arith.xori %lt3A_288, %lt3A_290 : i1
        %and3A_292 = arith.andi %ne3A_291, %ne3A_286 : i1
        %add3A_293 = arith.addi %rem3A_284, %select_n3A_283 : i32
        %select_n3A_294 = arith.select %and3A_292, %add3A_293, %rem3A_284 : i32
        %jit3A_295 = arith.constant 2 : i32
        %eq3A_296 = arith.constant 0 : i32
        %eq3A_297 = arith.cmpi eq, %jit3A_295, %eq3A_296 : i32
        %jit3A_298 = arith.constant 1 : i32
        %select_n3A_299 = arith.select %eq3A_297, %jit3A_298, %jit3A_295 : i32
        %rem3A_300 = arith.remsi %select_n3A_278, %select_n3A_299 : i32
        %ne3A_301 = arith.constant 0 : i32
        %ne3A_302 = arith.cmpi ne, %rem3A_300, %ne3A_301 : i32
        %lt3A_303 = arith.constant 0 : i32
        %lt3A_304 = arith.cmpi slt, %rem3A_300, %lt3A_303 : i32
        %lt3A_305 = arith.constant 0 : i32
        %lt3A_306 = arith.cmpi slt, %select_n3A_299, %lt3A_305 : i32
        %ne3A_307 = arith.xori %lt3A_304, %lt3A_306 : i1
        %and3A_308 = arith.andi %ne3A_307, %ne3A_302 : i1
        %add3A_309 = arith.addi %rem3A_300, %select_n3A_299 : i32
        %select_n3A_310 = arith.select %and3A_308, %add3A_309, %rem3A_300 : i32
        %jit3A_311 = arith.constant 8 : i32
        %div3A_312 = arith.divsi %add3A_254, %jit3A_311 : i32
        %sign3A_313 = arith.constant 0 : i32
        %sign3A_314 = arith.cmpi sgt, %add3A_254, %sign3A_313 : i32
        %sign3A_315 = arith.extui %sign3A_314 : i1 to i32
        %sign3A_316 = arith.constant 0 : i32
        %sign3A_317 = arith.cmpi slt, %add3A_254, %sign3A_316 : i32
        %sign3A_318 = arith.extui %sign3A_317 : i1 to i32
        %sign3A_319 = arith.subi %sign3A_315, %sign3A_318 : i32
        %sign3A_320 = arith.constant 0 : i32
        %sign3A_321 = arith.cmpi sgt, %jit3A_311, %sign3A_320 : i32
        %sign3A_322 = arith.extui %sign3A_321 : i1 to i32
        %sign3A_323 = arith.constant 0 : i32
        %sign3A_324 = arith.cmpi slt, %jit3A_311, %sign3A_323 : i32
        %sign3A_325 = arith.extui %sign3A_324 : i1 to i32
        %sign3A_326 = arith.subi %sign3A_322, %sign3A_325 : i32
        %ne3A_327 = arith.cmpi ne, %sign3A_319, %sign3A_326 : i32
        %rem3A_328 = arith.remsi %add3A_254, %jit3A_311 : i32
        %ne3A_329 = arith.constant 0 : i32
        %ne3A_330 = arith.cmpi ne, %rem3A_328, %ne3A_329 : i32
        %and3A_331 = arith.andi %ne3A_327, %ne3A_330 : i1
        %sub3A_332 = arith.constant 1 : i32
        %sub3A_333 = arith.subi %div3A_312, %sub3A_332 : i32
        %select_n3A_334 = arith.select %and3A_331, %sub3A_333, %div3A_312 : i32
        %jit3A_335 = arith.constant 8 : i32
        %eq3A_336 = arith.constant 0 : i32
        %eq3A_337 = arith.cmpi eq, %jit3A_335, %eq3A_336 : i32
        %jit3A_338 = arith.constant 1 : i32
        %select_n3A_339 = arith.select %eq3A_337, %jit3A_338, %jit3A_335 : i32
        %rem3A_340 = arith.remsi %add3A_254, %select_n3A_339 : i32
        %ne3A_341 = arith.constant 0 : i32
        %ne3A_342 = arith.cmpi ne, %rem3A_340, %ne3A_341 : i32
        %lt3A_343 = arith.constant 0 : i32
        %lt3A_344 = arith.cmpi slt, %rem3A_340, %lt3A_343 : i32
        %lt3A_345 = arith.constant 0 : i32
        %lt3A_346 = arith.cmpi slt, %select_n3A_339, %lt3A_345 : i32
        %ne3A_347 = arith.xori %lt3A_344, %lt3A_346 : i1
        %and3A_348 = arith.andi %ne3A_347, %ne3A_342 : i1
        %add3A_349 = arith.addi %rem3A_340, %select_n3A_339 : i32
        %select_n3A_350 = arith.select %and3A_348, %add3A_349, %rem3A_340 : i32
        %jit3A_351 = arith.constant 2 : i32
        %eq3A_352 = arith.constant 0 : i32
        %eq3A_353 = arith.cmpi eq, %jit3A_351, %eq3A_352 : i32
        %jit3A_354 = arith.constant 1 : i32
        %select_n3A_355 = arith.select %eq3A_353, %jit3A_354, %jit3A_351 : i32
        %rem3A_356 = arith.remsi %select_n3A_334, %select_n3A_355 : i32
        %ne3A_357 = arith.constant 0 : i32
        %ne3A_358 = arith.cmpi ne, %rem3A_356, %ne3A_357 : i32
        %lt3A_359 = arith.constant 0 : i32
        %lt3A_360 = arith.cmpi slt, %rem3A_356, %lt3A_359 : i32
        %lt3A_361 = arith.constant 0 : i32
        %lt3A_362 = arith.cmpi slt, %select_n3A_355, %lt3A_361 : i32
        %ne3A_363 = arith.xori %lt3A_360, %lt3A_362 : i1
        %and3A_364 = arith.andi %ne3A_363, %ne3A_358 : i1
        %add3A_365 = arith.addi %rem3A_356, %select_n3A_355 : i32
        %select_n3A_366 = arith.select %and3A_364, %add3A_365, %rem3A_356 : i32
        %dma_wait3A_367 = arith.constant 0 : i32
        %dma_wait3A_368 = arith.constant 0 : i32
        %dma_wait3A_369 = tpu.memref_slice %arg11[%dma_wait3A_367, %dma_wait3A_368] : memref<128x128xf32, #tpu.memory_space<vmem>> -> memref<64x128xf32, #tpu.memory_space<vmem>>
        %dma_wait3A_370 = arith.constant 0 : i32
        %dma_wait3A_371 = tpu.memref_slice %arg8[%select_n3A_366, %select_n3A_350, %dma_wait3A_370] : memref<2x8x128xi32, #tpu.memory_space<vmem>> -> memref<1x1x64xi32, #tpu.memory_space<vmem>>
        %dma_wait3A_372 = tpu.memref_squeeze %dma_wait3A_371 : memref<1x1x64xi32, #tpu.memory_space<vmem>> -> memref<64xi32, #tpu.memory_space<vmem>>
        %dma_wait3A_373 = arith.constant 0 : i32
        %dma_wait3A_374 = arith.constant 0 : i32
        %dma_wait3A_375 = tpu.memref_slice %arg3[%dma_wait3A_373, %dma_wait3A_374] : memref<10008x128xf32, #tpu.memory_space<hbm>> -> memref<10008x128xf32, #tpu.memory_space<hbm>>
        tpu.wait_indirect_dma semaphore(%arg15 : memref<!tpu.dma_semaphore, #tpu.memory_space<semaphore_mem>>) src(%dma_wait3A_375 : memref<10008x128xf32, #tpu.memory_space<hbm>>) dst(%dma_wait3A_369 : memref<64x128xf32, #tpu.memory_space<vmem>>)
        %dma_wait3A_376 = arith.constant 64 : i32
        %dma_wait3A_377 = arith.constant 0 : i32
        %dma_wait3A_378 = tpu.memref_slice %arg11[%dma_wait3A_376, %dma_wait3A_377] : memref<128x128xf32, #tpu.memory_space<vmem>> -> memref<64x128xf32, #tpu.memory_space<vmem>>
        %dma_wait3A_379 = arith.constant 64 : i32
        %dma_wait3A_380 = tpu.memref_slice %arg8[%select_n3A_366, %select_n3A_350, %dma_wait3A_379] : memref<2x8x128xi32, #tpu.memory_space<vmem>> -> memref<1x1x64xi32, #tpu.memory_space<vmem>>
        %dma_wait3A_381 = tpu.memref_squeeze %dma_wait3A_380 : memref<1x1x64xi32, #tpu.memory_space<vmem>> -> memref<64xi32, #tpu.memory_space<vmem>>
        %dma_wait3A_382 = arith.constant 0 : i32
        %dma_wait3A_383 = arith.constant 0 : i32
        %dma_wait3A_384 = tpu.memref_slice %arg3[%dma_wait3A_382, %dma_wait3A_383] : memref<10008x128xf32, #tpu.memory_space<hbm>> -> memref<10008x128xf32, #tpu.memory_space<hbm>>
        tpu.wait_indirect_dma semaphore(%arg15 : memref<!tpu.dma_semaphore, #tpu.memory_space<semaphore_mem>>) src(%dma_wait3A_384 : memref<10008x128xf32, #tpu.memory_space<hbm>>) dst(%dma_wait3A_378 : memref<64x128xf32, #tpu.memory_space<vmem>>)
        "tpu.region"() ({
          %run_scoped3A_412 = tpu.sem_alloc : memref<!tpu.dma_semaphore, #tpu.memory_space<semaphore_mem>>
          %dma_start3A_413 = arith.constant 0 : i32
          %dma_start3A_414 = tpu.memref_slice %arg9[%select_n3A_310, %select_n3A_294, %dma_start3A_413] : memref<2x8x128xi32, #tpu.memory_space<vmem>> -> memref<1x1x128xi32, #tpu.memory_space<vmem>>
          %dma_start3A_415 = tpu.memref_squeeze %dma_start3A_414 : memref<1x1x128xi32, #tpu.memory_space<vmem>> -> memref<128xi32, #tpu.memory_space<vmem>>
          %dma_start3A_416 = arith.constant 0 : i32
          %dma_start3A_417 = arith.constant 0 : i32
          %dma_start3A_418 = tpu.memref_slice %arg12[%dma_start3A_416, %dma_start3A_417] : memref<10000x128xf32, #tpu.memory_space<vmem_shared>> -> memref<10000x128xf32, #tpu.memory_space<vmem_shared>>
          tpu.enqueue_indirect_dma source(%arg11 : memref<128x128xf32, #tpu.memory_space<vmem>>) target(%dma_start3A_418 : memref<10000x128xf32, #tpu.memory_space<vmem_shared>>) offsets(%dma_start3A_415 : memref<128xi32, #tpu.memory_space<vmem>>) semaphore(%run_scoped3A_412 : memref<!tpu.dma_semaphore, #tpu.memory_space<semaphore_mem>>) {add = true}
          %dma_wait3A_419 = arith.constant 0 : i32
          %dma_wait3A_420 = tpu.memref_slice %arg9[%select_n3A_310, %select_n3A_294, %dma_wait3A_419] : memref<2x8x128xi32, #tpu.memory_space<vmem>> -> memref<1x1x128xi32, #tpu.memory_space<vmem>>
          %dma_wait3A_421 = tpu.memref_squeeze %dma_wait3A_420 : memref<1x1x128xi32, #tpu.memory_space<vmem>> -> memref<128xi32, #tpu.memory_space<vmem>>
          %dma_wait3A_422 = arith.constant 0 : i32
          %dma_wait3A_423 = arith.constant 0 : i32
          %dma_wait3A_424 = tpu.memref_slice %arg12[%dma_wait3A_422, %dma_wait3A_423] : memref<10000x128xf32, #tpu.memory_space<vmem_shared>> -> memref<10000x128xf32, #tpu.memory_space<vmem_shared>>
          tpu.wait_indirect_dma semaphore(%run_scoped3A_412 : memref<!tpu.dma_semaphore, #tpu.memory_space<semaphore_mem>>) src(%arg11 : memref<128x128xf32, #tpu.memory_space<vmem>>) dst(%dma_wait3A_424 : memref<10000x128xf32, #tpu.memory_space<vmem_shared>>)
          tpu.yield
        }) : () -> ()
        %eq3A_385 = arith.constant 6 : i32
        %eq3A_386 = arith.cmpi eq, %select_n3A_294, %eq3A_385 : i32
        %add3A_387 = arith.constant 1 : i32
        %add3A_388 = arith.addi %select_n3A_278, %add3A_387 : i32
        %lt3A_389 = arith.constant 20 : i32
        %lt3A_390 = arith.cmpi slt, %add3A_388, %lt3A_389 : i32
        %and3A_391 = arith.andi %eq3A_386, %lt3A_390 : i1
        %convert_element_type3A_392 = arith.extui %and3A_391 : i1 to i32
        %cond3A_393 = arith.constant 0 : i32
        %cond3A_394 = arith.cmpi ne, %convert_element_type3A_392, %cond3A_393 : i32
        scf.if %cond3A_394 {
          %sub3A_412 = arith.constant 1 : i32
          %sub3A_413 = arith.subi %sub3A_412, %select_n3A_310 : i32
          %dma_wait3A_414 = arith.constant 0 : i32
          %dma_wait3A_415 = arith.constant 0 : i32
          %dma_wait3A_416 = arith.constant 0 : i32
          %dma_wait3A_417 = tpu.memref_slice %arg8[%sub3A_413, %dma_wait3A_415, %dma_wait3A_416] : memref<2x8x128xi32, #tpu.memory_space<vmem>> -> memref<1x8x128xi32, #tpu.memory_space<vmem>>
          %dma_wait3A_418 = tpu.memref_squeeze %dma_wait3A_417 : memref<1x8x128xi32, #tpu.memory_space<vmem>> -> memref<8x128xi32, #tpu.memory_space<vmem>>
          %dma_wait3A_419 = arith.constant 0 : i32
          %dma_wait3A_420 = arith.constant 0 : i32
          %dma_wait3A_421 = tpu.memref_slice %arg4[%dma_wait3A_414, %arg1, %dma_wait3A_419, %dma_wait3A_420] : memref<1x16x160x128xi32, #tpu.memory_space<hbm>> -> memref<1x1x8x128xi32, #tpu.memory_space<hbm>>
          %dma_wait3A_422 = tpu.memref_squeeze %dma_wait3A_421 : memref<1x1x8x128xi32, #tpu.memory_space<hbm>> -> memref<8x128xi32, #tpu.memory_space<hbm>>
          %dma_wait3A_423 = arith.constant 0 : i32
          %dma_wait3A_424 = arith.constant 0 : i32
          %dma_wait3A_425 = tpu.memref_slice %arg8[%sub3A_413, %dma_wait3A_423, %dma_wait3A_424] : memref<2x8x128xi32, #tpu.memory_space<vmem>> -> memref<1x8x128xi32, #tpu.memory_space<vmem>>
          %dma_wait3A_426 = tpu.memref_squeeze %dma_wait3A_425 : memref<1x8x128xi32, #tpu.memory_space<vmem>> -> memref<8x128xi32, #tpu.memory_space<vmem>>
          %dma_wait3A_427 = arith.constant 0 : i32
          %dma_wait3A_428 = arith.constant 0 : i32
          %dma_wait3A_429 = tpu.memref_slice %arg4[%dma_wait3A_414, %arg1, %dma_wait3A_427, %dma_wait3A_428] : memref<1x16x160x128xi32, #tpu.memory_space<hbm>> -> memref<1x1x8x128xi32, #tpu.memory_space<hbm>>
          %dma_wait3A_430 = tpu.memref_squeeze %dma_wait3A_429 : memref<1x1x8x128xi32, #tpu.memory_space<hbm>> -> memref<8x128xi32, #tpu.memory_space<hbm>>
          tpu.wait_dma2 semaphore(%arg13 : memref<!tpu.dma_semaphore, #tpu.memory_space<semaphore_mem>>) src(%dma_wait3A_430 : memref<8x128xi32, #tpu.memory_space<hbm>>) dst(%dma_wait3A_426 : memref<8x128xi32, #tpu.memory_space<vmem>>)
          %sub3A_431 = arith.constant 1 : i32
          %sub3A_432 = arith.subi %sub3A_431, %select_n3A_310 : i32
          %dma_wait3A_433 = arith.constant 0 : i32
          %dma_wait3A_434 = arith.constant 0 : i32
          %dma_wait3A_435 = arith.constant 0 : i32
          %dma_wait3A_436 = tpu.memref_slice %arg9[%sub3A_432, %dma_wait3A_434, %dma_wait3A_435] : memref<2x8x128xi32, #tpu.memory_space<vmem>> -> memref<1x8x128xi32, #tpu.memory_space<vmem>>
          %dma_wait3A_437 = tpu.memref_squeeze %dma_wait3A_436 : memref<1x8x128xi32, #tpu.memory_space<vmem>> -> memref<8x128xi32, #tpu.memory_space<vmem>>
          %dma_wait3A_438 = arith.constant 0 : i32
          %dma_wait3A_439 = arith.constant 0 : i32
          %dma_wait3A_440 = tpu.memref_slice %arg5[%dma_wait3A_433, %arg1, %dma_wait3A_438, %dma_wait3A_439] : memref<1x16x160x128xi32, #tpu.memory_space<hbm>> -> memref<1x1x8x128xi32, #tpu.memory_space<hbm>>
          %dma_wait3A_441 = tpu.memref_squeeze %dma_wait3A_440 : memref<1x1x8x128xi32, #tpu.memory_space<hbm>> -> memref<8x128xi32, #tpu.memory_space<hbm>>
          %dma_wait3A_442 = arith.constant 0 : i32
          %dma_wait3A_443 = arith.constant 0 : i32
          %dma_wait3A_444 = tpu.memref_slice %arg9[%sub3A_432, %dma_wait3A_442, %dma_wait3A_443] : memref<2x8x128xi32, #tpu.memory_space<vmem>> -> memref<1x8x128xi32, #tpu.memory_space<vmem>>
          %dma_wait3A_445 = tpu.memref_squeeze %dma_wait3A_444 : memref<1x8x128xi32, #tpu.memory_space<vmem>> -> memref<8x128xi32, #tpu.memory_space<vmem>>
          %dma_wait3A_446 = arith.constant 0 : i32
          %dma_wait3A_447 = arith.constant 0 : i32
          %dma_wait3A_448 = tpu.memref_slice %arg5[%dma_wait3A_433, %arg1, %dma_wait3A_446, %dma_wait3A_447] : memref<1x16x160x128xi32, #tpu.memory_space<hbm>> -> memref<1x1x8x128xi32, #tpu.memory_space<hbm>>
          %dma_wait3A_449 = tpu.memref_squeeze %dma_wait3A_448 : memref<1x1x8x128xi32, #tpu.memory_space<hbm>> -> memref<8x128xi32, #tpu.memory_space<hbm>>
          tpu.wait_dma2 semaphore(%arg13 : memref<!tpu.dma_semaphore, #tpu.memory_space<semaphore_mem>>) src(%dma_wait3A_449 : memref<8x128xi32, #tpu.memory_space<hbm>>) dst(%dma_wait3A_445 : memref<8x128xi32, #tpu.memory_space<vmem>>)
        } else {
        }
        %add3A_395 = arith.constant 2 : i32
        %add3A_396 = arith.addi %add3A_254, %add3A_395 : i32
        %lt3A_397 = arith.constant 160 : i32
        %lt3A_398 = arith.cmpi slt, %add3A_396, %lt3A_397 : i32
        %convert_element_type3A_399 = arith.extui %lt3A_398 : i1 to i32
        %cond3A_400 = arith.constant 0 : i32
        %cond3A_401 = arith.cmpi ne, %convert_element_type3A_399, %cond3A_400 : i32
        scf.if %cond3A_401 {
          %add3A_412 = arith.constant 2 : i32
          %add3A_413 = arith.addi %add3A_254, %add3A_412 : i32
          %jit3A_414 = arith.constant 8 : i32
          %div3A_415 = arith.divsi %add3A_413, %jit3A_414 : i32
          %sign3A_416 = arith.constant 0 : i32
          %sign3A_417 = arith.cmpi sgt, %add3A_413, %sign3A_416 : i32
          %sign3A_418 = arith.extui %sign3A_417 : i1 to i32
          %sign3A_419 = arith.constant 0 : i32
          %sign3A_420 = arith.cmpi slt, %add3A_413, %sign3A_419 : i32
          %sign3A_421 = arith.extui %sign3A_420 : i1 to i32
          %sign3A_422 = arith.subi %sign3A_418, %sign3A_421 : i32
          %sign3A_423 = arith.constant 0 : i32
          %sign3A_424 = arith.cmpi sgt, %jit3A_414, %sign3A_423 : i32
          %sign3A_425 = arith.extui %sign3A_424 : i1 to i32
          %sign3A_426 = arith.constant 0 : i32
          %sign3A_427 = arith.cmpi slt, %jit3A_414, %sign3A_426 : i32
          %sign3A_428 = arith.extui %sign3A_427 : i1 to i32
          %sign3A_429 = arith.subi %sign3A_425, %sign3A_428 : i32
          %ne3A_430 = arith.cmpi ne, %sign3A_422, %sign3A_429 : i32
          %rem3A_431 = arith.remsi %add3A_413, %jit3A_414 : i32
          %ne3A_432 = arith.constant 0 : i32
          %ne3A_433 = arith.cmpi ne, %rem3A_431, %ne3A_432 : i32
          %and3A_434 = arith.andi %ne3A_430, %ne3A_433 : i1
          %sub3A_435 = arith.constant 1 : i32
          %sub3A_436 = arith.subi %div3A_415, %sub3A_435 : i32
          %select_n3A_437 = arith.select %and3A_434, %sub3A_436, %div3A_415 : i32
          %jit3A_438 = arith.constant 8 : i32
          %eq3A_439 = arith.constant 0 : i32
          %eq3A_440 = arith.cmpi eq, %jit3A_438, %eq3A_439 : i32
          %jit3A_441 = arith.constant 1 : i32
          %select_n3A_442 = arith.select %eq3A_440, %jit3A_441, %jit3A_438 : i32
          %rem3A_443 = arith.remsi %add3A_413, %select_n3A_442 : i32
          %ne3A_444 = arith.constant 0 : i32
          %ne3A_445 = arith.cmpi ne, %rem3A_443, %ne3A_444 : i32
          %lt3A_446 = arith.constant 0 : i32
          %lt3A_447 = arith.cmpi slt, %rem3A_443, %lt3A_446 : i32
          %lt3A_448 = arith.constant 0 : i32
          %lt3A_449 = arith.cmpi slt, %select_n3A_442, %lt3A_448 : i32
          %ne3A_450 = arith.xori %lt3A_447, %lt3A_449 : i1
          %and3A_451 = arith.andi %ne3A_450, %ne3A_445 : i1
          %add3A_452 = arith.addi %rem3A_443, %select_n3A_442 : i32
          %select_n3A_453 = arith.select %and3A_451, %add3A_452, %rem3A_443 : i32
          %jit3A_454 = arith.constant 2 : i32
          %eq3A_455 = arith.constant 0 : i32
          %eq3A_456 = arith.cmpi eq, %jit3A_454, %eq3A_455 : i32
          %jit3A_457 = arith.constant 1 : i32
          %select_n3A_458 = arith.select %eq3A_456, %jit3A_457, %jit3A_454 : i32
          %rem3A_459 = arith.remsi %select_n3A_437, %select_n3A_458 : i32
          %ne3A_460 = arith.constant 0 : i32
          %ne3A_461 = arith.cmpi ne, %rem3A_459, %ne3A_460 : i32
          %lt3A_462 = arith.constant 0 : i32
          %lt3A_463 = arith.cmpi slt, %rem3A_459, %lt3A_462 : i32
          %lt3A_464 = arith.constant 0 : i32
          %lt3A_465 = arith.cmpi slt, %select_n3A_458, %lt3A_464 : i32
          %ne3A_466 = arith.xori %lt3A_463, %lt3A_465 : i1
          %and3A_467 = arith.andi %ne3A_466, %ne3A_461 : i1
          %add3A_468 = arith.addi %rem3A_459, %select_n3A_458 : i32
          %select_n3A_469 = arith.select %and3A_467, %add3A_468, %rem3A_459 : i32
          %dma_start3A_470 = arith.constant 0 : i32
          %dma_start3A_471 = arith.constant 0 : i32
          %dma_start3A_472 = tpu.memref_slice %arg11[%dma_start3A_470, %dma_start3A_471] : memref<128x128xf32, #tpu.memory_space<vmem>> -> memref<64x128xf32, #tpu.memory_space<vmem>>
          %dma_start3A_473 = arith.constant 0 : i32
          %dma_start3A_474 = tpu.memref_slice %arg8[%select_n3A_469, %select_n3A_453, %dma_start3A_473] : memref<2x8x128xi32, #tpu.memory_space<vmem>> -> memref<1x1x64xi32, #tpu.memory_space<vmem>>
          %dma_start3A_475 = tpu.memref_squeeze %dma_start3A_474 : memref<1x1x64xi32, #tpu.memory_space<vmem>> -> memref<64xi32, #tpu.memory_space<vmem>>
          %dma_start3A_476 = arith.constant 0 : i32
          %dma_start3A_477 = arith.constant 0 : i32
          %dma_start3A_478 = tpu.memref_slice %arg3[%dma_start3A_476, %dma_start3A_477] : memref<10008x128xf32, #tpu.memory_space<hbm>> -> memref<10008x128xf32, #tpu.memory_space<hbm>>
          tpu.enqueue_indirect_dma source(%dma_start3A_478 : memref<10008x128xf32, #tpu.memory_space<hbm>>) target(%dma_start3A_472 : memref<64x128xf32, #tpu.memory_space<vmem>>) offsets(%dma_start3A_475 : memref<64xi32, #tpu.memory_space<vmem>>) semaphore(%arg15 : memref<!tpu.dma_semaphore, #tpu.memory_space<semaphore_mem>>)
          %dma_start3A_479 = arith.constant 64 : i32
          %dma_start3A_480 = arith.constant 0 : i32
          %dma_start3A_481 = tpu.memref_slice %arg11[%dma_start3A_479, %dma_start3A_480] : memref<128x128xf32, #tpu.memory_space<vmem>> -> memref<64x128xf32, #tpu.memory_space<vmem>>
          %dma_start3A_482 = arith.constant 64 : i32
          %dma_start3A_483 = tpu.memref_slice %arg8[%select_n3A_469, %select_n3A_453, %dma_start3A_482] : memref<2x8x128xi32, #tpu.memory_space<vmem>> -> memref<1x1x64xi32, #tpu.memory_space<vmem>>
          %dma_start3A_484 = tpu.memref_squeeze %dma_start3A_483 : memref<1x1x64xi32, #tpu.memory_space<vmem>> -> memref<64xi32, #tpu.memory_space<vmem>>
          %dma_start3A_485 = arith.constant 0 : i32
          %dma_start3A_486 = arith.constant 0 : i32
          %dma_start3A_487 = tpu.memref_slice %arg3[%dma_start3A_485, %dma_start3A_486] : memref<10008x128xf32, #tpu.memory_space<hbm>> -> memref<10008x128xf32, #tpu.memory_space<hbm>>
          tpu.enqueue_indirect_dma source(%dma_start3A_487 : memref<10008x128xf32, #tpu.memory_space<hbm>>) target(%dma_start3A_481 : memref<64x128xf32, #tpu.memory_space<vmem>>) offsets(%dma_start3A_484 : memref<64xi32, #tpu.memory_space<vmem>>) semaphore(%arg15 : memref<!tpu.dma_semaphore, #tpu.memory_space<semaphore_mem>>)
        } else {
        }
        %eq3A_402 = arith.constant 7 : i32
        %eq3A_403 = arith.cmpi eq, %select_n3A_294, %eq3A_402 : i32
        %add3A_404 = arith.constant 2 : i32
        %add3A_405 = arith.addi %select_n3A_278, %add3A_404 : i32
        %lt3A_406 = arith.constant 20 : i32
        %lt3A_407 = arith.cmpi slt, %add3A_405, %lt3A_406 : i32
        %and3A_408 = arith.andi %eq3A_403, %lt3A_407 : i1
        %convert_element_type3A_409 = arith.extui %and3A_408 : i1 to i32
        %cond3A_410 = arith.constant 0 : i32
        %cond3A_411 = arith.cmpi ne, %convert_element_type3A_409, %cond3A_410 : i32
        scf.if %cond3A_411 {
          %add3A_412 = arith.constant 2 : i32
          %add3A_413 = arith.addi %select_n3A_278, %add3A_412 : i32
          %mul3A_414 = arith.constant 8 : i32
          %mul3A_415 = arith.muli %add3A_413, %mul3A_414 : i32
          %dma_start3A_416 = arith.constant 0 : i32
          %dma_start3A_417 = arith.constant 0 : i32
          %dma_start3A_418 = arith.constant 0 : i32
          %dma_start3A_419 = tpu.memref_slice %arg8[%select_n3A_310, %dma_start3A_417, %dma_start3A_418] : memref<2x8x128xi32, #tpu.memory_space<vmem>> -> memref<1x8x128xi32, #tpu.memory_space<vmem>>
          %dma_start3A_420 = tpu.memref_squeeze %dma_start3A_419 : memref<1x8x128xi32, #tpu.memory_space<vmem>> -> memref<8x128xi32, #tpu.memory_space<vmem>>
          %dma_start3A_421 = arith.constant 0 : i32
          %dma_start3A_422 = tpu.memref_slice %arg4[%dma_start3A_416, %arg1, %mul3A_415, %dma_start3A_421] : memref<1x16x160x128xi32, #tpu.memory_space<hbm>> -> memref<1x1x8x128xi32, #tpu.memory_space<hbm>>
          %dma_start3A_423 = tpu.memref_squeeze %dma_start3A_422 : memref<1x1x8x128xi32, #tpu.memory_space<hbm>> -> memref<8x128xi32, #tpu.memory_space<hbm>>
          %dma_start3A_424 = arith.constant 0 : i32
          %dma_start3A_425 = arith.constant 0 : i32
          %dma_start3A_426 = tpu.memref_slice %arg8[%select_n3A_310, %dma_start3A_424, %dma_start3A_425] : memref<2x8x128xi32, #tpu.memory_space<vmem>> -> memref<1x8x128xi32, #tpu.memory_space<vmem>>
          %dma_start3A_427 = tpu.memref_squeeze %dma_start3A_426 : memref<1x8x128xi32, #tpu.memory_space<vmem>> -> memref<8x128xi32, #tpu.memory_space<vmem>>
          %dma_start3A_428 = arith.constant 0 : i32
          %dma_start3A_429 = tpu.memref_slice %arg4[%dma_start3A_416, %arg1, %mul3A_415, %dma_start3A_428] : memref<1x16x160x128xi32, #tpu.memory_space<hbm>> -> memref<1x1x8x128xi32, #tpu.memory_space<hbm>>
          %dma_start3A_430 = tpu.memref_squeeze %dma_start3A_429 : memref<1x1x8x128xi32, #tpu.memory_space<hbm>> -> memref<8x128xi32, #tpu.memory_space<hbm>>
          tpu.enqueue_dma source(%dma_start3A_430 : memref<8x128xi32, #tpu.memory_space<hbm>>) target(%dma_start3A_427 : memref<8x128xi32, #tpu.memory_space<vmem>>) target_semaphore(%arg13 : memref<!tpu.dma_semaphore, #tpu.memory_space<semaphore_mem>>)
          %add3A_431 = arith.constant 2 : i32
          %add3A_432 = arith.addi %select_n3A_278, %add3A_431 : i32
          %mul3A_433 = arith.constant 8 : i32
          %mul3A_434 = arith.muli %add3A_432, %mul3A_433 : i32
          %dma_start3A_435 = arith.constant 0 : i32
          %dma_start3A_436 = arith.constant 0 : i32
          %dma_start3A_437 = arith.constant 0 : i32
          %dma_start3A_438 = tpu.memref_slice %arg9[%select_n3A_310, %dma_start3A_436, %dma_start3A_437] : memref<2x8x128xi32, #tpu.memory_space<vmem>> -> memref<1x8x128xi32, #tpu.memory_space<vmem>>
          %dma_start3A_439 = tpu.memref_squeeze %dma_start3A_438 : memref<1x8x128xi32, #tpu.memory_space<vmem>> -> memref<8x128xi32, #tpu.memory_space<vmem>>
          %dma_start3A_440 = arith.constant 0 : i32
          %dma_start3A_441 = tpu.memref_slice %arg5[%dma_start3A_435, %arg1, %mul3A_434, %dma_start3A_440] : memref<1x16x160x128xi32, #tpu.memory_space<hbm>> -> memref<1x1x8x128xi32, #tpu.memory_space<hbm>>
          %dma_start3A_442 = tpu.memref_squeeze %dma_start3A_441 : memref<1x1x8x128xi32, #tpu.memory_space<hbm>> -> memref<8x128xi32, #tpu.memory_space<hbm>>
          %dma_start3A_443 = arith.constant 0 : i32
          %dma_start3A_444 = arith.constant 0 : i32
          %dma_start3A_445 = tpu.memref_slice %arg9[%select_n3A_310, %dma_start3A_443, %dma_start3A_444] : memref<2x8x128xi32, #tpu.memory_space<vmem>> -> memref<1x8x128xi32, #tpu.memory_space<vmem>>
          %dma_start3A_446 = tpu.memref_squeeze %dma_start3A_445 : memref<1x8x128xi32, #tpu.memory_space<vmem>> -> memref<8x128xi32, #tpu.memory_space<vmem>>
          %dma_start3A_447 = arith.constant 0 : i32
          %dma_start3A_448 = tpu.memref_slice %arg5[%dma_start3A_435, %arg1, %mul3A_434, %dma_start3A_447] : memref<1x16x160x128xi32, #tpu.memory_space<hbm>> -> memref<1x1x8x128xi32, #tpu.memory_space<hbm>>
          %dma_start3A_449 = tpu.memref_squeeze %dma_start3A_448 : memref<1x1x8x128xi32, #tpu.memory_space<hbm>> -> memref<8x128xi32, #tpu.memory_space<hbm>>
          tpu.enqueue_dma source(%dma_start3A_449 : memref<8x128xi32, #tpu.memory_space<hbm>>) target(%dma_start3A_446 : memref<8x128xi32, #tpu.memory_space<vmem>>) target_semaphore(%arg13 : memref<!tpu.dma_semaphore, #tpu.memory_space<semaphore_mem>>)
        } else {
        }
      }
      %scan3A_103 = arith.constant 80 : i32
    } else {
    }
    %barrier3A = arith.constant 0 : index
    tpu.barrier barrier_id(%barrier3A)
    %lt3A = arith.constant 10 : i32
    %lt3A_45 = arith.cmpi slt, %arg1, %lt3A : i32
    %convert_element_type3A_46 = arith.extui %lt3A_45 : i1 to i32
    %cond3A_47 = arith.constant 0 : i32
    %cond3A_48 = arith.cmpi ne, %convert_element_type3A_46, %cond3A_47 : i32
    scf.if %cond3A_48 {
      %mul3A = arith.constant 1000 : i32
      %mul3A_49 = arith.muli %arg1, %mul3A : i32
      %mul3A_50 = arith.constant 1000 : i32
      %mul3A_51 = arith.muli %arg1, %mul3A_50 : i32
      "tpu.region"() ({
        %run_scoped3A_52 = tpu.sem_alloc : memref<!tpu.dma_semaphore, #tpu.memory_space<semaphore_mem>>
        %dma_start3A_53 = arith.constant 0 : i32
        %dma_start3A_54 = tpu.memref_slice %arg7[%arg0, %mul3A_51, %dma_start3A_53] : memref<2x10000x128xf32, #tpu.memory_space<hbm>> -> memref<1x1000x128xf32, #tpu.memory_space<hbm>>
        %dma_start3A_55 = tpu.memref_squeeze %dma_start3A_54 : memref<1x1000x128xf32, #tpu.memory_space<hbm>> -> memref<1000x128xf32, #tpu.memory_space<hbm>>
        %dma_start3A_56 = arith.constant 0 : i32
        %dma_start3A_57 = tpu.memref_slice %arg12[%mul3A_49, %dma_start3A_56] : memref<10000x128xf32, #tpu.memory_space<vmem_shared>> -> memref<1000x128xf32, #tpu.memory_space<vmem_shared>>
        tpu.enqueue_dma source(%dma_start3A_57 : memref<1000x128xf32, #tpu.memory_space<vmem_shared>>) target(%dma_start3A_55 : memref<1000x128xf32, #tpu.memory_space<hbm>>) target_semaphore(%run_scoped3A_52 : memref<!tpu.dma_semaphore, #tpu.memory_space<semaphore_mem>>)
        %dma_wait3A = arith.constant 0 : i32
        %dma_wait3A_58 = tpu.memref_slice %arg7[%arg0, %mul3A_51, %dma_wait3A] : memref<2x10000x128xf32, #tpu.memory_space<hbm>> -> memref<1x1000x128xf32, #tpu.memory_space<hbm>>
        %dma_wait3A_59 = tpu.memref_squeeze %dma_wait3A_58 : memref<1x1000x128xf32, #tpu.memory_space<hbm>> -> memref<1000x128xf32, #tpu.memory_space<hbm>>
        %dma_wait3A_60 = arith.constant 0 : i32
        %dma_wait3A_61 = tpu.memref_slice %arg12[%mul3A_49, %dma_wait3A_60] : memref<10000x128xf32, #tpu.memory_space<vmem_shared>> -> memref<1000x128xf32, #tpu.memory_space<vmem_shared>>
        tpu.wait_dma2 semaphore(%run_scoped3A_52 : memref<!tpu.dma_semaphore, #tpu.memory_space<semaphore_mem>>) src(%dma_wait3A_61 : memref<1000x128xf32, #tpu.memory_space<vmem_shared>>) dst(%dma_wait3A_59 : memref<1000x128xf32, #tpu.memory_space<hbm>>)
        tpu.yield
      }) : () -> ()
    } else {
    }
    return
  }
}

module attributes {stable_mosaic.version = 14 : i64} {
  func.func @_stageB_body(%arg0: i32, %arg1: memref<1000x128xf32, #tpu.memory_space<vmem>>, %arg2: memref<128x128xf32, #tpu.memory_space<vmem>>, %arg3: memref<128x128xf32, #tpu.memory_space<vmem>>, %arg4: memref<1000x2xf32, #tpu.memory_space<vmem>>, %arg5: memref<2x1000x128xf32, #tpu.memory_space<vmem>>, %arg6: memref<1000x1xf32, #tpu.memory_space<vmem>>) attributes {dimension_semantics = [#tpu.dimension_semantics<arbitrary>], iteration_bounds = array<i64: 11>, scalar_prefetch = 0 : i64, scratch_operands = 0 : i64, tpu.core_type = #tpu.core_type<tc>, window_params = [{transform_indices = @transform_0, window_bounds = array<i64: 1000, 128>}, {pipeline_mode = #tpu.pipeline_mode<synchronous>, transform_indices = @transform_1, window_bounds = array<i64: 128, 128>}, {pipeline_mode = #tpu.pipeline_mode<synchronous>, transform_indices = @transform_2, window_bounds = array<i64: 128, 128>}, {transform_indices = @transform_3, window_bounds = array<i64: 1000, 2>}, {transform_indices = @transform_4, window_bounds = array<i64: 2, 1000, 128>}, {transform_indices = @transform_5, window_bounds = array<i64: 1000, 1>}]} {
    %lt3A = arith.constant 10 : i32
    %lt3A_0 = arith.cmpi slt, %arg0, %lt3A : i32
    %convert_element_type3A = arith.extui %lt3A_0 : i1 to i32
    %cond3A = arith.constant 0 : i32
    %cond3A_1 = arith.cmpi ne, %convert_element_type3A, %cond3A : i32
    scf.if %cond3A_1 {
      %get3A = arith.constant 0 : index
      %get3A_6 = arith.constant 0 : index
      %get3A_7 = vector.load %arg4[%get3A, %get3A_6] : memref<1000x2xf32, #tpu.memory_space<vmem>>, vector<1000x2xf32>
      %slice3A = vector.extract_strided_slice %get3A_7 {offsets = [0, 0], sizes = [1000, 1], strides = [1, 1]} : vector<1000x2xf32> to vector<1000x1xf32>
      %slice3A_8 = vector.extract_strided_slice %get3A_7 {offsets = [0, 1], sizes = [1000, 1], strides = [1, 1]} : vector<1000x2xf32> to vector<1000x1xf32>
      %add3A = arith.addf %slice3A, %slice3A_8 : vector<1000x1xf32>
      %add3A_9 = arith.constant 1.000000e+00 : f32
      %add3A_10 = vector.broadcast %add3A_9 : f32 to vector<1000x1xf32>
      %add3A_11 = arith.addf %add3A, %add3A_10 : vector<1000x1xf32>
      %rsqrt3A = math.rsqrt %add3A_11 : vector<1000x1xf32>
      %get3A_12 = arith.constant 0 : index
      %get3A_13 = arith.constant 0 : index
      %get3A_14 = vector.load %arg1[%get3A_12, %get3A_13] : memref<1000x128xf32, #tpu.memory_space<vmem>>, vector<1000x128xf32>
      %get3A_15 = arith.constant 0 : index
      %get3A_16 = arith.constant 0 : index
      %get3A_17 = vector.load %arg2[%get3A_15, %get3A_16] : memref<128x128xf32, #tpu.memory_space<vmem>>, vector<128x128xf32>
      %dot_general3A = arith.constant dense<0.000000e+00> : vector<1000x128xf32>
      %dot_general3A_18 = tpu.matmul %get3A_14, %get3A_17, %dot_general3A {dimension_numbers = #tpu.dot_dimension_numbers<[1], [0], [0], [1], [0, 0, 1, 1], [], []>, transpose_lhs_hint = false} : vector<1000x128xf32>, vector<128x128xf32>, vector<1000x128xf32> -> vector<1000x128xf32>
      %get3A_19 = arith.constant 0 : index
      %get3A_20 = arith.constant 0 : index
      %get3A_21 = vector.load %arg3[%get3A_19, %get3A_20] : memref<128x128xf32, #tpu.memory_space<vmem>>, vector<128x128xf32>
      %dot_general3A_22 = arith.constant dense<0.000000e+00> : vector<1000x128xf32>
      %dot_general3A_23 = tpu.matmul %get3A_14, %get3A_21, %dot_general3A_22 {dimension_numbers = #tpu.dot_dimension_numbers<[1], [0], [0], [1], [0, 0, 1, 1], [], []>, transpose_lhs_hint = false} : vector<1000x128xf32>, vector<128x128xf32>, vector<1000x128xf32> -> vector<1000x128xf32>
      %mul3A = vector.broadcast %rsqrt3A : vector<1000x1xf32> to vector<1000x128xf32>
      %mul3A_24 = arith.mulf %dot_general3A_18, %mul3A : vector<1000x128xf32>
      %swap3A = arith.constant 0 : index
      %swap3A_25 = arith.constant 0 : index
      %swap3A_26 = arith.constant 0 : index
      %swap3A_27 = vector.load %arg5[%swap3A, %swap3A_25, %swap3A_26] : memref<2x1000x128xf32, #tpu.memory_space<vmem>>, vector<1x1000x128xf32>
      %swap3A_28 = vector.shape_cast %swap3A_27 : vector<1x1000x128xf32> to vector<1000x128xf32>
      %swap3A_29 = vector.shape_cast %mul3A_24 : vector<1000x128xf32> to vector<1x1000x128xf32>
      tpu.vector_store %arg5[%swap3A, %swap3A_25, %swap3A_26], %swap3A_29 {strides = array<i32>} : memref<2x1000x128xf32, #tpu.memory_space<vmem>>, vector<1x1000x128xf32>,
      %mul3A_30 = vector.broadcast %rsqrt3A : vector<1000x1xf32> to vector<1000x128xf32>
      %mul3A_31 = arith.mulf %dot_general3A_23, %mul3A_30 : vector<1000x128xf32>
      %swap3A_32 = arith.constant 1 : index
      %swap3A_33 = arith.constant 0 : index
      %swap3A_34 = arith.constant 0 : index
      %swap3A_35 = vector.load %arg5[%swap3A_32, %swap3A_33, %swap3A_34] : memref<2x1000x128xf32, #tpu.memory_space<vmem>>, vector<1x1000x128xf32>
      %swap3A_36 = vector.shape_cast %swap3A_35 : vector<1x1000x128xf32> to vector<1000x128xf32>
      %swap3A_37 = vector.shape_cast %mul3A_31 : vector<1000x128xf32> to vector<1x1000x128xf32>
      tpu.vector_store %arg5[%swap3A_32, %swap3A_33, %swap3A_34], %swap3A_37 {strides = array<i32>} : memref<2x1000x128xf32, #tpu.memory_space<vmem>>, vector<1x1000x128xf32>,
      %swap3A_38 = arith.constant 0 : index
      %swap3A_39 = arith.constant 0 : index
      %swap3A_40 = vector.load %arg6[%swap3A_38, %swap3A_39] : memref<1000x1xf32, #tpu.memory_space<vmem>>, vector<1000x1xf32>
      tpu.vector_store %arg6[%swap3A_38, %swap3A_39], %rsqrt3A {strides = array<i32>} : memref<1000x1xf32, #tpu.memory_space<vmem>>, vector<1000x1xf32>,
    } else {
    }
    %eq3A = arith.constant 10 : i32
    %eq3A_2 = arith.cmpi eq, %arg0, %eq3A : i32
    %convert_element_type3A_3 = arith.extui %eq3A_2 : i1 to i32
    %cond3A_4 = arith.constant 0 : i32
    %cond3A_5 = arith.cmpi ne, %convert_element_type3A_3, %cond3A_4 : i32
    scf.if %cond3A_5 {
      %broadcast_in_dim3A = arith.constant 0.000000e+00 : f32
      %broadcast_in_dim3A_6 = vector.broadcast %broadcast_in_dim3A : f32 to vector<2x1000x128xf32>
      %swap3A = arith.constant 0 : index
      %swap3A_7 = arith.constant 0 : index
      %swap3A_8 = arith.constant 0 : index
      %swap3A_9 = vector.load %arg5[%swap3A, %swap3A_7, %swap3A_8] : memref<2x1000x128xf32, #tpu.memory_space<vmem>>, vector<2x1000x128xf32>
      tpu.vector_store %arg5[%swap3A, %swap3A_7, %swap3A_8], %broadcast_in_dim3A_6 {strides = array<i32>} : memref<2x1000x128xf32, #tpu.memory_space<vmem>>, vector<2x1000x128xf32>,
    } else {
    }
    return
  }
  func.func @transform_0(%arg0: i32) -> (i32, i32) {
    %min3A = arith.constant 9 : i32
    %min3A_0 = arith.minsi %arg0, %min3A : i32
    %c0_i32 = arith.constant 0 : i32
    %c0_i32_1 = arith.constant 0 : i32
    return %min3A_0, %c0_i32 : i32, i32
  }
  func.func @transform_1(%arg0: i32) -> (i32, i32) {
    %c0_i32 = arith.constant 0 : i32
    %c0_i32_0 = arith.constant 0 : i32
    %c0_i32_1 = arith.constant 0 : i32
    return %c0_i32, %c0_i32_0 : i32, i32
  }
  func.func @transform_2(%arg0: i32) -> (i32, i32) {
    %c0_i32 = arith.constant 0 : i32
    %c0_i32_0 = arith.constant 0 : i32
    %c0_i32_1 = arith.constant 0 : i32
    return %c0_i32, %c0_i32_0 : i32, i32
  }
  func.func @transform_3(%arg0: i32) -> (i32, i32) {
    %min3A = arith.constant 9 : i32
    %min3A_0 = arith.minsi %arg0, %min3A : i32
    %c0_i32 = arith.constant 0 : i32
    %c0_i32_1 = arith.constant 0 : i32
    return %min3A_0, %c0_i32 : i32, i32
  }
  func.func @transform_4(%arg0: i32) -> (i32, i32, i32) {
    %c0_i32 = arith.constant 0 : i32
    %c0_i32_0 = arith.constant 0 : i32
    %c0_i32_1 = arith.constant 0 : i32
    return %c0_i32, %arg0, %c0_i32_0 : i32, i32, i32
  }
  func.func @transform_5(%arg0: i32) -> (i32, i32) {
    %min3A = arith.constant 9 : i32
    %min3A_0 = arith.minsi %arg0, %min3A : i32
    %c0_i32 = arith.constant 0 : i32
    %c0_i32_1 = arith.constant 0 : i32
    return %min3A_0, %c0_i32 : i32, i32
  }
}

module attributes {stable_mosaic.version = 14 : i64} {
  func.func @_stageD_body(%arg0: i32, %arg1: memref<2x1000x128xf32, #tpu.memory_space<vmem>>, %arg2: memref<2x1000x128xf32, #tpu.memory_space<vmem>>, %arg3: memref<1000x1xf32, #tpu.memory_space<vmem>>, %arg4: memref<2x128xf32, #tpu.memory_space<vmem>>, %arg5: memref<1000x128xf32, #tpu.memory_space<vmem>>, %arg6: memref<1000x128xf32, #tpu.memory_space<vmem>>) attributes {dimension_semantics = [#tpu.dimension_semantics<arbitrary>], iteration_bounds = array<i64: 11>, scalar_prefetch = 0 : i64, scratch_operands = 0 : i64, tpu.core_type = #tpu.core_type<tc>, window_params = [{transform_indices = @transform_0, window_bounds = array<i64: 2, 1000, 128>}, {transform_indices = @transform_1, window_bounds = array<i64: 2, 1000, 128>}, {transform_indices = @transform_2, window_bounds = array<i64: 1000, 1>}, {pipeline_mode = #tpu.pipeline_mode<synchronous>, transform_indices = @transform_3, window_bounds = array<i64: 2, 128>}, {transform_indices = @transform_4, window_bounds = array<i64: 1000, 128>}, {transform_indices = @transform_5, window_bounds = array<i64: 1000, 128>}]} {
    %lt3A = arith.constant 10 : i32
    %lt3A_0 = arith.cmpi slt, %arg0, %lt3A : i32
    %convert_element_type3A = arith.extui %lt3A_0 : i1 to i32
    %cond3A = arith.constant 0 : i32
    %cond3A_1 = arith.cmpi ne, %convert_element_type3A, %cond3A : i32
    scf.if %cond3A_1 {
      %get3A = arith.constant 0 : index
      %get3A_6 = arith.constant 0 : index
      %get3A_7 = vector.load %arg3[%get3A, %get3A_6] : memref<1000x1xf32, #tpu.memory_space<vmem>>, vector<1000x1xf32>
      %get3A_8 = arith.constant 0 : index
      %get3A_9 = arith.constant 0 : index
      %get3A_10 = arith.constant 0 : index
      %get3A_11 = vector.load %arg2[%get3A_8, %get3A_9, %get3A_10] : memref<2x1000x128xf32, #tpu.memory_space<vmem>>, vector<1x1000x128xf32>
      %get3A_12 = vector.shape_cast %get3A_11 : vector<1x1000x128xf32> to vector<1000x128xf32>
      %get3A_13 = arith.constant 0 : index
      %get3A_14 = arith.constant 0 : index
      %get3A_15 = arith.constant 0 : index
      %get3A_16 = vector.load %arg1[%get3A_13, %get3A_14, %get3A_15] : memref<2x1000x128xf32, #tpu.memory_space<vmem>>, vector<1x1000x128xf32>
      %get3A_17 = vector.shape_cast %get3A_16 : vector<1x1000x128xf32> to vector<1000x128xf32>
      %add3A = arith.addf %get3A_12, %get3A_17 : vector<1000x128xf32>
      %mul3A = vector.broadcast %get3A_7 : vector<1000x1xf32> to vector<1000x128xf32>
      %mul3A_18 = arith.mulf %mul3A, %add3A : vector<1000x128xf32>
      %get3A_19 = arith.constant 0 : index
      %get3A_20 = arith.constant 0 : index
      %get3A_21 = vector.load %arg4[%get3A_19, %get3A_20] : memref<2x128xf32, #tpu.memory_space<vmem>>, vector<1x128xf32>
      %add3A_22 = vector.broadcast %get3A_21 : vector<1x128xf32> to vector<1000x128xf32>
      %add3A_23 = arith.addf %mul3A_18, %add3A_22 : vector<1000x128xf32>
      %max3A = arith.constant 0.000000e+00 : f32
      %max3A_24 = vector.broadcast %max3A : f32 to vector<1000x128xf32>
      %max3A_25 = arith.maximumf %add3A_23, %max3A_24 : vector<1000x128xf32>
      %get3A_26 = arith.constant 1 : index
      %get3A_27 = arith.constant 0 : index
      %get3A_28 = arith.constant 0 : index
      %get3A_29 = vector.load %arg2[%get3A_26, %get3A_27, %get3A_28] : memref<2x1000x128xf32, #tpu.memory_space<vmem>>, vector<1x1000x128xf32>
      %get3A_30 = vector.shape_cast %get3A_29 : vector<1x1000x128xf32> to vector<1000x128xf32>
      %get3A_31 = arith.constant 1 : index
      %get3A_32 = arith.constant 0 : index
      %get3A_33 = arith.constant 0 : index
      %get3A_34 = vector.load %arg1[%get3A_31, %get3A_32, %get3A_33] : memref<2x1000x128xf32, #tpu.memory_space<vmem>>, vector<1x1000x128xf32>
      %get3A_35 = vector.shape_cast %get3A_34 : vector<1x1000x128xf32> to vector<1000x128xf32>
      %add3A_36 = arith.addf %get3A_30, %get3A_35 : vector<1000x128xf32>
      %mul3A_37 = vector.broadcast %get3A_7 : vector<1000x1xf32> to vector<1000x128xf32>
      %mul3A_38 = arith.mulf %mul3A_37, %add3A_36 : vector<1000x128xf32>
      %get3A_39 = arith.constant 1 : index
      %get3A_40 = arith.constant 0 : index
      %get3A_41 = vector.load %arg4[%get3A_39, %get3A_40] : memref<2x128xf32, #tpu.memory_space<vmem>>, vector<1x128xf32>
      %add3A_42 = vector.broadcast %get3A_41 : vector<1x128xf32> to vector<1000x128xf32>
      %add3A_43 = arith.addf %mul3A_38, %add3A_42 : vector<1000x128xf32>
      %max3A_44 = arith.constant 0.000000e+00 : f32
      %max3A_45 = vector.broadcast %max3A_44 : f32 to vector<1000x128xf32>
      %max3A_46 = arith.maximumf %add3A_43, %max3A_45 : vector<1000x128xf32>
      %swap3A = arith.constant 0 : index
      %swap3A_47 = arith.constant 0 : index
      %swap3A_48 = vector.load %arg5[%swap3A, %swap3A_47] : memref<1000x128xf32, #tpu.memory_space<vmem>>, vector<1000x128xf32>
      tpu.vector_store %arg5[%swap3A, %swap3A_47], %max3A_25 {strides = array<i32>} : memref<1000x128xf32, #tpu.memory_space<vmem>>, vector<1000x128xf32>,
      %swap3A_49 = arith.constant 0 : index
      %swap3A_50 = arith.constant 0 : index
      %swap3A_51 = vector.load %arg6[%swap3A_49, %swap3A_50] : memref<1000x128xf32, #tpu.memory_space<vmem>>, vector<1000x128xf32>
      tpu.vector_store %arg6[%swap3A_49, %swap3A_50], %max3A_46 {strides = array<i32>} : memref<1000x128xf32, #tpu.memory_space<vmem>>, vector<1000x128xf32>,
    } else {
    }
    %eq3A = arith.constant 10 : i32
    %eq3A_2 = arith.cmpi eq, %arg0, %eq3A : i32
    %convert_element_type3A_3 = arith.extui %eq3A_2 : i1 to i32
    %cond3A_4 = arith.constant 0 : i32
    %cond3A_5 = arith.cmpi ne, %convert_element_type3A_3, %cond3A_4 : i32
    scf.if %cond3A_5 {
      %broadcast_in_dim3A = arith.constant 0.000000e+00 : f32
      %broadcast_in_dim3A_6 = vector.broadcast %broadcast_in_dim3A : f32 to vector<1000x128xf32>
      %swap3A = arith.constant 0 : index
      %swap3A_7 = arith.constant 0 : index
      %swap3A_8 = vector.load %arg5[%swap3A, %swap3A_7] : memref<1000x128xf32, #tpu.memory_space<vmem>>, vector<1000x128xf32>
      tpu.vector_store %arg5[%swap3A, %swap3A_7], %broadcast_in_dim3A_6 {strides = array<i32>} : memref<1000x128xf32, #tpu.memory_space<vmem>>, vector<1000x128xf32>,
    } else {
    }
    return
  }
  func.func @transform_0(%arg0: i32) -> (i32, i32, i32) {
    %min3A = arith.constant 9 : i32
    %min3A_0 = arith.minsi %arg0, %min3A : i32
    %c0_i32 = arith.constant 0 : i32
    %c0_i32_1 = arith.constant 0 : i32
    %c0_i32_2 = arith.constant 0 : i32
    return %c0_i32, %min3A_0, %c0_i32_1 : i32, i32, i32
  }
  func.func @transform_1(%arg0: i32) -> (i32, i32, i32) {
    %min3A = arith.constant 9 : i32
    %min3A_0 = arith.minsi %arg0, %min3A : i32
    %c0_i32 = arith.constant 0 : i32
    %c0_i32_1 = arith.constant 0 : i32
    %c0_i32_2 = arith.constant 0 : i32
    return %c0_i32, %min3A_0, %c0_i32_1 : i32, i32, i32
  }
  func.func @transform_2(%arg0: i32) -> (i32, i32) {
    %min3A = arith.constant 9 : i32
    %min3A_0 = arith.minsi %arg0, %min3A : i32
    %c0_i32 = arith.constant 0 : i32
    %c0_i32_1 = arith.constant 0 : i32
    return %min3A_0, %c0_i32 : i32, i32
  }
  func.func @transform_3(%arg0: i32) -> (i32, i32) {
    %c0_i32 = arith.constant 0 : i32
    %c0_i32_0 = arith.constant 0 : i32
    %c0_i32_1 = arith.constant 0 : i32
    return %c0_i32, %c0_i32_0 : i32, i32
  }
  func.func @transform_4(%arg0: i32) -> (i32, i32) {
    %c0_i32 = arith.constant 0 : i32
    %c0_i32_0 = arith.constant 0 : i32
    return %arg0, %c0_i32 : i32, i32
  }
  func.func @transform_5(%arg0: i32) -> (i32, i32) {
    %min3A = arith.constant 9 : i32
    %min3A_0 = arith.minsi %arg0, %min3A : i32
    %c0_i32 = arith.constant 0 : i32
    %c0_i32_1 = arith.constant 0 : i32
    return %min3A_0, %c0_i32 : i32, i32
  }
}

module attributes {stable_mosaic.version = 14 : i64} {
  func.func @_stageF2_body(%arg0: i32, %arg1: memref<1000x128xf32, #tpu.memory_space<vmem>>, %arg2: memref<1000x10xf32, #tpu.memory_space<vmem>>, %arg3: memref<8x128xf32, #tpu.memory_space<vmem>>, %arg4: memref<1x128xf32, #tpu.memory_space<vmem>>, %arg5: memref<1x128xf32, #tpu.memory_space<vmem>>, %arg6: memref<1x10xf32, #tpu.memory_space<vmem>>, %arg7: memref<1x10xf32, #tpu.memory_space<vmem>>, %arg8: memref<128x8xf32, #tpu.memory_space<vmem>>, %arg9: memref<10x8xf32, #tpu.memory_space<vmem>>, %arg10: memref<1x8xf32, #tpu.memory_space<vmem>>, %arg11: memref<1000x8xf32, #tpu.memory_space<vmem>>) attributes {dimension_semantics = [#tpu.dimension_semantics<arbitrary>], iteration_bounds = array<i64: 10>, scalar_prefetch = 0 : i64, scratch_operands = 0 : i64, tpu.core_type = #tpu.core_type<tc>, window_params = [{transform_indices = @transform_0, window_bounds = array<i64: 1000, 128>}, {transform_indices = @transform_1, window_bounds = array<i64: 1000, 10>}, {pipeline_mode = #tpu.pipeline_mode<synchronous>, transform_indices = @transform_2, window_bounds = array<i64: 8, 128>}, {pipeline_mode = #tpu.pipeline_mode<synchronous>, transform_indices = @transform_3, window_bounds = array<i64: 1, 128>}, {pipeline_mode = #tpu.pipeline_mode<synchronous>, transform_indices = @transform_4, window_bounds = array<i64: 1, 128>}, {pipeline_mode = #tpu.pipeline_mode<synchronous>, transform_indices = @transform_5, window_bounds = array<i64: 1, 10>}, {pipeline_mode = #tpu.pipeline_mode<synchronous>, transform_indices = @transform_6, window_bounds = array<i64: 1, 10>}, {pipeline_mode = #tpu.pipeline_mode<synchronous>, transform_indices = @transform_7, window_bounds = array<i64: 128, 8>}, {pipeline_mode = #tpu.pipeline_mode<synchronous>, transform_indices = @transform_8, window_bounds = array<i64: 10, 8>}, {pipeline_mode = #tpu.pipeline_mode<synchronous>, transform_indices = @transform_9, window_bounds = array<i64: 1, 8>}, {transform_indices = @transform_10, window_bounds = array<i64: 1000, 8>}]} {
    %get3A = arith.constant 0 : index
    %get3A_0 = arith.constant 0 : index
    %get3A_1 = vector.load %arg3[%get3A, %get3A_0] : memref<8x128xf32, #tpu.memory_space<vmem>>, vector<8x128xf32>
    %slice3A = vector.extract_strided_slice %get3A_1 {offsets = [0, 0], sizes = [1, 128], strides = [1, 1]} : vector<8x128xf32> to vector<1x128xf32>
    %mul3A = arith.constant 9.99999974E-5 : f32
    %mul3A_2 = vector.broadcast %mul3A : f32 to vector<1x128xf32>
    %mul3A_3 = arith.mulf %slice3A, %mul3A_2 : vector<1x128xf32>
    %slice3A_4 = vector.extract_strided_slice %get3A_1 {offsets = [1, 0], sizes = [1, 128], strides = [1, 1]} : vector<8x128xf32> to vector<1x128xf32>
    %mul3A_5 = arith.constant 9.99999974E-5 : f32
    %mul3A_6 = vector.broadcast %mul3A_5 : f32 to vector<1x128xf32>
    %mul3A_7 = arith.mulf %slice3A_4, %mul3A_6 : vector<1x128xf32>
    %mul3A_8 = arith.mulf %mul3A_3, %mul3A_3 : vector<1x128xf32>
    %sub3A = arith.subf %mul3A_7, %mul3A_8 : vector<1x128xf32>
    %slice3A_9 = vector.extract_strided_slice %get3A_1 {offsets = [4, 0], sizes = [1, 128], strides = [1, 1]} : vector<8x128xf32> to vector<1x128xf32>
    %add3A = arith.addf %slice3A_9, %mul3A_3 : vector<1x128xf32>
    %slice3A_10 = vector.extract_strided_slice %get3A_1 {offsets = [2, 0], sizes = [1, 10], strides = [1, 1]} : vector<8x128xf32> to vector<1x10xf32>
    %mul3A_11 = arith.constant 9.99999974E-5 : f32
    %mul3A_12 = vector.broadcast %mul3A_11 : f32 to vector<1x10xf32>
    %mul3A_13 = arith.mulf %slice3A_10, %mul3A_12 : vector<1x10xf32>
    %slice3A_14 = vector.extract_strided_slice %get3A_1 {offsets = [3, 0], sizes = [1, 10], strides = [1, 1]} : vector<8x128xf32> to vector<1x10xf32>
    %mul3A_15 = arith.constant 9.99999974E-5 : f32
    %mul3A_16 = vector.broadcast %mul3A_15 : f32 to vector<1x10xf32>
    %mul3A_17 = arith.mulf %slice3A_14, %mul3A_16 : vector<1x10xf32>
    %mul3A_18 = arith.mulf %mul3A_13, %mul3A_13 : vector<1x10xf32>
    %sub3A_19 = arith.subf %mul3A_17, %mul3A_18 : vector<1x10xf32>
    %slice3A_20 = vector.extract_strided_slice %get3A_1 {offsets = [5, 0], sizes = [1, 10], strides = [1, 1]} : vector<8x128xf32> to vector<1x10xf32>
    %add3A_21 = arith.addf %slice3A_20, %mul3A_13 : vector<1x10xf32>
    %add3A_22 = arith.constant 9.99999974E-6 : f32
    %add3A_23 = vector.broadcast %add3A_22 : f32 to vector<1x128xf32>
    %add3A_24 = arith.addf %sub3A, %add3A_23 : vector<1x128xf32>
    %rsqrt3A = math.rsqrt %add3A_24 : vector<1x128xf32>
    %add3A_25 = arith.constant 9.99999974E-6 : f32
    %add3A_26 = vector.broadcast %add3A_25 : f32 to vector<1x10xf32>
    %add3A_27 = arith.addf %sub3A_19, %add3A_26 : vector<1x10xf32>
    %rsqrt3A_28 = math.rsqrt %add3A_27 : vector<1x10xf32>
    %get3A_29 = arith.constant 0 : index
    %get3A_30 = arith.constant 0 : index
    %get3A_31 = vector.load %arg1[%get3A_29, %get3A_30] : memref<1000x128xf32, #tpu.memory_space<vmem>>, vector<1000x128xf32>
    %sub3A_32 = vector.broadcast %add3A : vector<1x128xf32> to vector<1000x128xf32>
    %sub3A_33 = arith.subf %get3A_31, %sub3A_32 : vector<1000x128xf32>
    %mul3A_34 = vector.broadcast %rsqrt3A : vector<1x128xf32> to vector<1000x128xf32>
    %mul3A_35 = arith.mulf %sub3A_33, %mul3A_34 : vector<1000x128xf32>
    %get3A_36 = arith.constant 0 : index
    %get3A_37 = arith.constant 0 : index
    %get3A_38 = vector.load %arg4[%get3A_36, %get3A_37] : memref<1x128xf32, #tpu.memory_space<vmem>>, vector<1x128xf32>
    %mul3A_39 = vector.broadcast %get3A_38 : vector<1x128xf32> to vector<1000x128xf32>
    %mul3A_40 = arith.mulf %mul3A_35, %mul3A_39 : vector<1000x128xf32>
    %get3A_41 = arith.constant 0 : index
    %get3A_42 = arith.constant 0 : index
    %get3A_43 = vector.load %arg5[%get3A_41, %get3A_42] : memref<1x128xf32, #tpu.memory_space<vmem>>, vector<1x128xf32>
    %add3A_44 = vector.broadcast %get3A_43 : vector<1x128xf32> to vector<1000x128xf32>
    %add3A_45 = arith.addf %mul3A_40, %add3A_44 : vector<1000x128xf32>
    %get3A_46 = arith.constant 0 : index
    %get3A_47 = arith.constant 0 : index
    %get3A_48 = vector.load %arg2[%get3A_46, %get3A_47] : memref<1000x10xf32, #tpu.memory_space<vmem>>, vector<1000x10xf32>
    %sub3A_49 = vector.broadcast %add3A_21 : vector<1x10xf32> to vector<1000x10xf32>
    %sub3A_50 = arith.subf %get3A_48, %sub3A_49 : vector<1000x10xf32>
    %mul3A_51 = vector.broadcast %rsqrt3A_28 : vector<1x10xf32> to vector<1000x10xf32>
    %mul3A_52 = arith.mulf %sub3A_50, %mul3A_51 : vector<1000x10xf32>
    %get3A_53 = arith.constant 0 : index
    %get3A_54 = arith.constant 0 : index
    %get3A_55 = vector.load %arg6[%get3A_53, %get3A_54] : memref<1x10xf32, #tpu.memory_space<vmem>>, vector<1x10xf32>
    %mul3A_56 = vector.broadcast %get3A_55 : vector<1x10xf32> to vector<1000x10xf32>
    %mul3A_57 = arith.mulf %mul3A_52, %mul3A_56 : vector<1000x10xf32>
    %get3A_58 = arith.constant 0 : index
    %get3A_59 = arith.constant 0 : index
    %get3A_60 = vector.load %arg7[%get3A_58, %get3A_59] : memref<1x10xf32, #tpu.memory_space<vmem>>, vector<1x10xf32>
    %add3A_61 = vector.broadcast %get3A_60 : vector<1x10xf32> to vector<1000x10xf32>
    %add3A_62 = arith.addf %mul3A_57, %add3A_61 : vector<1000x10xf32>
    %get3A_63 = arith.constant 0 : index
    %get3A_64 = arith.constant 0 : index
    %get3A_65 = vector.load %arg8[%get3A_63, %get3A_64] : memref<128x8xf32, #tpu.memory_space<vmem>>, vector<128x8xf32>
    %dot_general3A = arith.constant dense<0.000000e+00> : vector<1000x8xf32>
    %dot_general3A_66 = tpu.matmul %add3A_45, %get3A_65, %dot_general3A {dimension_numbers = #tpu.dot_dimension_numbers<[1], [0], [0], [1], [0, 0, 1, 1], [], []>, transpose_lhs_hint = false} : vector<1000x128xf32>, vector<128x8xf32>, vector<1000x8xf32> -> vector<1000x8xf32>
    %get3A_67 = arith.constant 0 : index
    %get3A_68 = arith.constant 0 : index
    %get3A_69 = vector.load %arg9[%get3A_67, %get3A_68] : memref<10x8xf32, #tpu.memory_space<vmem>>, vector<10x8xf32>
    %dot_general3A_70 = arith.constant dense<0.000000e+00> : vector<1000x8xf32>
    %dot_general3A_71 = tpu.matmul %add3A_62, %get3A_69, %dot_general3A_70 {dimension_numbers = #tpu.dot_dimension_numbers<[1], [0], [0], [1], [0, 0, 1, 1], [], []>, transpose_lhs_hint = false} : vector<1000x10xf32>, vector<10x8xf32>, vector<1000x8xf32> -> vector<1000x8xf32>
    %add3A_72 = arith.addf %dot_general3A_66, %dot_general3A_71 : vector<1000x8xf32>
    %get3A_73 = arith.constant 0 : index
    %get3A_74 = arith.constant 0 : index
    %get3A_75 = vector.load %arg10[%get3A_73, %get3A_74] : memref<1x8xf32, #tpu.memory_space<vmem>>, vector<1x8xf32>
    %add3A_76 = vector.broadcast %get3A_75 : vector<1x8xf32> to vector<1000x8xf32>
    %add3A_77 = arith.addf %add3A_72, %add3A_76 : vector<1000x8xf32>
    %swap3A = arith.constant 0 : index
    %swap3A_78 = arith.constant 0 : index
    %swap3A_79 = vector.load %arg11[%swap3A, %swap3A_78] : memref<1000x8xf32, #tpu.memory_space<vmem>>, vector<1000x8xf32>
    tpu.vector_store %arg11[%swap3A, %swap3A_78], %add3A_77 {strides = array<i32>} : memref<1000x8xf32, #tpu.memory_space<vmem>>, vector<1000x8xf32>,
    return
  }
  func.func @transform_0(%arg0: i32) -> (i32, i32) {
    %c0_i32 = arith.constant 0 : i32
    %c0_i32_0 = arith.constant 0 : i32
    return %arg0, %c0_i32 : i32, i32
  }
  func.func @transform_1(%arg0: i32) -> (i32, i32) {
    %c0_i32 = arith.constant 0 : i32
    %c0_i32_0 = arith.constant 0 : i32
    return %arg0, %c0_i32 : i32, i32
  }
  func.func @transform_2(%arg0: i32) -> (i32, i32) {
    %c0_i32 = arith.constant 0 : i32
    %c0_i32_0 = arith.constant 0 : i32
    %c0_i32_1 = arith.constant 0 : i32
    return %c0_i32, %c0_i32_0 : i32, i32
  }
  func.func @transform_3(%arg0: i32) -> (i32, i32) {
    %c0_i32 = arith.constant 0 : i32
    %c0_i32_0 = arith.constant 0 : i32
    %c0_i32_1 = arith.constant 0 : i32
    return %c0_i32, %c0_i32_0 : i32, i32
  }
  func.func @transform_4(%arg0: i32) -> (i32, i32) {
    %c0_i32 = arith.constant 0 : i32
    %c0_i32_0 = arith.constant 0 : i32
    %c0_i32_1 = arith.constant 0 : i32
    return %c0_i32, %c0_i32_0 : i32, i32
  }
  func.func @transform_5(%arg0: i32) -> (i32, i32) {
    %c0_i32 = arith.constant 0 : i32
    %c0_i32_0 = arith.constant 0 : i32
    %c0_i32_1 = arith.constant 0 : i32
    return %c0_i32, %c0_i32_0 : i32, i32
  }
  func.func @transform_6(%arg0: i32) -> (i32, i32) {
    %c0_i32 = arith.constant 0 : i32
    %c0_i32_0 = arith.constant 0 : i32
    %c0_i32_1 = arith.constant 0 : i32
    return %c0_i32, %c0_i32_0 : i32, i32
  }
  func.func @transform_7(%arg0: i32) -> (i32, i32) {
    %c0_i32 = arith.constant 0 : i32
    %c0_i32_0 = arith.constant 0 : i32
    %c0_i32_1 = arith.constant 0 : i32
    return %c0_i32, %c0_i32_0 : i32, i32
  }
  func.func @transform_8(%arg0: i32) -> (i32, i32) {
    %c0_i32 = arith.constant 0 : i32
    %c0_i32_0 = arith.constant 0 : i32
    %c0_i32_1 = arith.constant 0 : i32
    return %c0_i32, %c0_i32_0 : i32, i32
  }
  func.func @transform_9(%arg0: i32) -> (i32, i32) {
    %c0_i32 = arith.constant 0 : i32
    %c0_i32_0 = arith.constant 0 : i32
    %c0_i32_1 = arith.constant 0 : i32
    return %c0_i32, %c0_i32_0 : i32, i32
  }
  func.func @transform_10(%arg0: i32) -> (i32, i32) {
    %c0_i32 = arith.constant 0 : i32
    %c0_i32_0 = arith.constant 0 : i32
    return %arg0, %c0_i32 : i32, i32
  }
}

module attributes {stable_mosaic.version = 14 : i64} {
  func.func @_stageF1_body(%arg0: i32, %arg1: memref<1000x128xf32, #tpu.memory_space<vmem>>, %arg2: memref<1000x128xf32, #tpu.memory_space<vmem>>, %arg3: memref<2x1000x128xf32, #tpu.memory_space<vmem>>, %arg4: memref<1000x2xf32, #tpu.memory_space<vmem>>, %arg5: memref<10x10x128xf32, #tpu.memory_space<vmem>>, %arg6: memref<10x10x10xf32, #tpu.memory_space<vmem>>, %arg7: memref<10x10xf32, #tpu.memory_space<vmem>>, %arg8: memref<1x1xf32, #tpu.memory_space<vmem>>, %arg9: memref<1000x10xf32, #tpu.memory_space<vmem>>, %arg10: memref<8x128xf32, #tpu.memory_space<vmem>>) attributes {dimension_semantics = [#tpu.dimension_semantics<arbitrary>], iteration_bounds = array<i64: 10>, scalar_prefetch = 0 : i64, scratch_operands = 0 : i64, tpu.core_type = #tpu.core_type<tc>, window_params = [{transform_indices = @transform_0, window_bounds = array<i64: 1000, 128>}, {transform_indices = @transform_1, window_bounds = array<i64: 1000, 128>}, {transform_indices = @transform_2, window_bounds = array<i64: 2, 1000, 128>}, {transform_indices = @transform_3, window_bounds = array<i64: 1000, 2>}, {pipeline_mode = #tpu.pipeline_mode<synchronous>, transform_indices = @transform_4, window_bounds = array<i64: 10, 10, 128>}, {pipeline_mode = #tpu.pipeline_mode<synchronous>, transform_indices = @transform_5, window_bounds = array<i64: 10, 10, 10>}, {pipeline_mode = #tpu.pipeline_mode<synchronous>, transform_indices = @transform_6, window_bounds = array<i64: 10, 10>}, {pipeline_mode = #tpu.pipeline_mode<synchronous>, transform_indices = @transform_7, window_bounds = array<i64: 1, 1>}, {transform_indices = @transform_8, window_bounds = array<i64: 1000, 10>}, {pipeline_mode = #tpu.pipeline_mode<synchronous>, transform_indices = @transform_9, window_bounds = array<i64: 8, 128>}]} {
    %get3A = arith.constant 0 : index
    %get3A_0 = arith.constant 0 : index
    %get3A_1 = vector.load %arg7[%get3A, %get3A_0] : memref<10x10xf32, #tpu.memory_space<vmem>>, vector<10x10xf32>
    %reduce_max3A = arith.constant dense<0xFF800000> : vector<10xf32>
    %reduce_max3A_2 = vector.multi_reduction <maximumf>, %get3A_1, %reduce_max3A [1] : vector<10x10xf32> to vector<10xf32>
    %broadcast_in_dim3A = vector.shape_cast %reduce_max3A_2 : vector<10xf32> to vector<10x1xf32>
    %sub3A = vector.broadcast %broadcast_in_dim3A : vector<10x1xf32> to vector<10x10xf32>
    %sub3A_3 = arith.subf %get3A_1, %sub3A : vector<10x10xf32>
    %exp3A = math.exp %sub3A_3 : vector<10x10xf32>
    %reduce_sum3A = arith.constant dense<0.000000e+00> : vector<10xf32>
    %reduce_sum3A_4 = vector.multi_reduction <add>, %exp3A, %reduce_sum3A [1] : vector<10x10xf32> to vector<10xf32>
    %broadcast_in_dim3A_5 = vector.shape_cast %reduce_sum3A_4 : vector<10xf32> to vector<10x1xf32>
    %div3A = vector.broadcast %broadcast_in_dim3A_5 : vector<10x1xf32> to vector<10x10xf32>
    %div3A_6 = arith.divf %exp3A, %div3A : vector<10x10xf32>
    %get3A_7 = arith.constant 0 : index
    %get3A_8 = arith.constant 0 : index
    %get3A_9 = arith.constant 0 : index
    %get3A_10 = vector.load %arg5[%get3A_7, %get3A_8, %get3A_9] : memref<10x10x128xf32, #tpu.memory_space<vmem>>, vector<10x10x128xf32>
    %get3A_11 = arith.constant 0 : index
    %get3A_12 = arith.constant 0 : index
    %get3A_13 = arith.constant 0 : index
    %get3A_14 = vector.load %arg6[%get3A_11, %get3A_12, %get3A_13] : memref<10x10x10xf32, #tpu.memory_space<vmem>>, vector<10x10x10xf32>
    %get3A_15 = arith.constant 0 : index
    %get3A_16 = arith.constant 0 : index
    %get3A_17 = vector.load %arg8[%get3A_15, %get3A_16] : memref<1x1xf32, #tpu.memory_space<vmem>>, vector<1x1xf32>
    %get3A_18 = vector.extract %get3A_17[0, 0] : f32 from vector<1x1xf32>
    %neg3A = arith.constant 0.000000e+00 : f32
    %neg3A_19 = arith.subf %neg3A, %get3A_18 : f32
    %exp3A_20 = math.exp %neg3A_19 : f32
    %add3A = arith.constant 1.000000e+00 : f32
    %add3A_21 = arith.addf %add3A, %exp3A_20 : f32
    %div3A_22 = arith.constant 1.000000e+00 : f32
    %div3A_23 = arith.divf %div3A_22, %add3A_21 : f32
    %broadcast_in_dim3A_24 = vector.shape_cast %div3A_6 : vector<10x10xf32> to vector<10x10x1xf32>
    %mul3A = vector.broadcast %broadcast_in_dim3A_24 : vector<10x10x1xf32> to vector<10x10x128xf32>
    %mul3A_25 = arith.mulf %mul3A, %get3A_10 : vector<10x10x128xf32>
    %reduce_sum3A_26 = arith.constant dense<0.000000e+00> : vector<10x128xf32>
    %reduce_sum3A_27 = vector.multi_reduction <add>, %mul3A_25, %reduce_sum3A_26 [1] : vector<10x10x128xf32> to vector<10x128xf32>
    %mul3A_28 = arith.mulf %get3A_10, %get3A_10 : vector<10x10x128xf32>
    %reduce_sum3A_29 = arith.constant dense<0.000000e+00> : vector<10x10xf32>
    %reduce_sum3A_30 = vector.multi_reduction <add>, %mul3A_28, %reduce_sum3A_29 [2] : vector<10x10x128xf32> to vector<10x10xf32>
    %mul3A_31 = arith.mulf %div3A_6, %reduce_sum3A_30 : vector<10x10xf32>
    %reduce_sum3A_32 = arith.constant dense<0.000000e+00> : vector<10xf32>
    %reduce_sum3A_33 = vector.multi_reduction <add>, %mul3A_31, %reduce_sum3A_32 [1] : vector<10x10xf32> to vector<10xf32>
    %broadcast_in_dim3A_34 = vector.shape_cast %get3A_14 : vector<10x10x10xf32> to vector<10x10x10x1xf32>
    %broadcast_in_dim3A_35 = vector.shape_cast %get3A_10 : vector<10x10x128xf32> to vector<10x1x10x128xf32>
    %mul3A_36 = vector.broadcast %broadcast_in_dim3A_34 : vector<10x10x10x1xf32> to vector<10x10x10x128xf32>
    %mul3A_37 = vector.broadcast %broadcast_in_dim3A_35 : vector<10x1x10x128xf32> to vector<10x10x10x128xf32>
    %mul3A_38 = arith.mulf %mul3A_36, %mul3A_37 : vector<10x10x10x128xf32>
    %reduce_sum3A_39 = arith.constant dense<0.000000e+00> : vector<10x10x128xf32>
    %reduce_sum3A_40 = vector.multi_reduction <add>, %mul3A_38, %reduce_sum3A_39 [2] : vector<10x10x10x128xf32> to vector<10x10x128xf32>
    %broadcast_in_dim3A_41 = vector.shape_cast %div3A_6 : vector<10x10xf32> to vector<10x10x1xf32>
    %mul3A_42 = vector.broadcast %broadcast_in_dim3A_41 : vector<10x10x1xf32> to vector<10x10x128xf32>
    %mul3A_43 = arith.mulf %mul3A_42, %reduce_sum3A_40 : vector<10x10x128xf32>
    %reduce_sum3A_44 = arith.constant dense<0.000000e+00> : vector<10x128xf32>
    %reduce_sum3A_45 = vector.multi_reduction <add>, %mul3A_43, %reduce_sum3A_44 [1] : vector<10x10x128xf32> to vector<10x128xf32>
    %mul3A_46 = arith.mulf %reduce_sum3A_40, %reduce_sum3A_40 : vector<10x10x128xf32>
    %reduce_sum3A_47 = arith.constant dense<0.000000e+00> : vector<10x10xf32>
    %reduce_sum3A_48 = vector.multi_reduction <add>, %mul3A_46, %reduce_sum3A_47 [2] : vector<10x10x128xf32> to vector<10x10xf32>
    %mul3A_49 = arith.mulf %div3A_6, %reduce_sum3A_48 : vector<10x10xf32>
    %reduce_sum3A_50 = arith.constant dense<0.000000e+00> : vector<10xf32>
    %reduce_sum3A_51 = vector.multi_reduction <add>, %mul3A_49, %reduce_sum3A_50 [1] : vector<10x10xf32> to vector<10xf32>
    %get3A_52 = arith.constant 0 : index
    %get3A_53 = arith.constant 0 : index
    %get3A_54 = vector.load %arg4[%get3A_52, %get3A_53] : memref<1000x2xf32, #tpu.memory_space<vmem>>, vector<1000x2xf32>
    %slice3A = vector.extract_strided_slice %get3A_54 {offsets = [0, 0], sizes = [1000, 1], strides = [1, 1]} : vector<1000x2xf32> to vector<1000x1xf32>
    %slice3A_55 = vector.extract_strided_slice %get3A_54 {offsets = [0, 1], sizes = [1000, 1], strides = [1, 1]} : vector<1000x2xf32> to vector<1000x1xf32>
    %add3A_56 = arith.addf %slice3A, %slice3A_55 : vector<1000x1xf32>
    %get3A_57 = arith.constant 0 : index
    %get3A_58 = arith.constant 0 : index
    %get3A_59 = vector.load %arg1[%get3A_57, %get3A_58] : memref<1000x128xf32, #tpu.memory_space<vmem>>, vector<1000x128xf32>
    %get3A_60 = arith.constant 0 : index
    %get3A_61 = arith.constant 0 : index
    %get3A_62 = arith.constant 0 : index
    %get3A_63 = vector.load %arg3[%get3A_60, %get3A_61, %get3A_62] : memref<2x1000x128xf32, #tpu.memory_space<vmem>>, vector<1x1000x128xf32>
    %get3A_64 = vector.shape_cast %get3A_63 : vector<1x1000x128xf32> to vector<1000x128xf32>
    %get3A_65 = arith.constant 1 : index
    %get3A_66 = arith.constant 0 : index
    %get3A_67 = arith.constant 0 : index
    %get3A_68 = vector.load %arg3[%get3A_65, %get3A_66, %get3A_67] : memref<2x1000x128xf32, #tpu.memory_space<vmem>>, vector<1x1000x128xf32>
    %get3A_69 = vector.shape_cast %get3A_68 : vector<1x1000x128xf32> to vector<1000x128xf32>
    %add3A_70 = arith.addf %get3A_64, %get3A_69 : vector<1000x128xf32>
    %max3A = arith.constant 1.000000e+00 : f32
    %max3A_71 = vector.broadcast %max3A : f32 to vector<1000x1xf32>
    %max3A_72 = arith.maximumf %add3A_56, %max3A_71 : vector<1000x1xf32>
    %div3A_73 = vector.broadcast %max3A_72 : vector<1000x1xf32> to vector<1000x128xf32>
    %div3A_74 = arith.divf %add3A_70, %div3A_73 : vector<1000x128xf32>
    %mul3A_75 = arith.mulf %get3A_59, %get3A_59 : vector<1000x128xf32>
    %reduce_sum3A_76 = arith.constant dense<0.000000e+00> : vector<1000xf32>
    %reduce_sum3A_77 = vector.multi_reduction <add>, %mul3A_75, %reduce_sum3A_76 [1] : vector<1000x128xf32> to vector<1000xf32>
    %broadcast_in_dim3A_78 = vector.shape_cast %reduce_sum3A_77 : vector<1000xf32> to vector<1000x1xf32>
    %reshape3A = vector.shape_cast %reduce_sum3A_33 : vector<10xf32> to vector<1x10xf32>
    %add3A_79 = vector.broadcast %broadcast_in_dim3A_78 : vector<1000x1xf32> to vector<1000x10xf32>
    %add3A_80 = vector.broadcast %reshape3A : vector<1x10xf32> to vector<1000x10xf32>
    %add3A_81 = arith.addf %add3A_79, %add3A_80 : vector<1000x10xf32>
    %dot_general3A = arith.constant dense<0.000000e+00> : vector<1000x10xf32>
    %dot_general3A_82 = tpu.matmul %get3A_59, %reduce_sum3A_27, %dot_general3A {dimension_numbers = #tpu.dot_dimension_numbers<[1], [1], [0], [0], [0, 0, 1, 0], [], []>, transpose_lhs_hint = false} : vector<1000x128xf32>, vector<10x128xf32>, vector<1000x10xf32> -> vector<1000x10xf32>
    %mul3A_83 = arith.constant 2.000000e+00 : f32
    %mul3A_84 = vector.broadcast %mul3A_83 : f32 to vector<1000x10xf32>
    %mul3A_85 = arith.mulf %mul3A_84, %dot_general3A_82 : vector<1000x10xf32>
    %sub3A_86 = arith.subf %add3A_81, %mul3A_85 : vector<1000x10xf32>
    %mul3A_87 = arith.mulf %div3A_74, %div3A_74 : vector<1000x128xf32>
    %reduce_sum3A_88 = arith.constant dense<0.000000e+00> : vector<1000xf32>
    %reduce_sum3A_89 = vector.multi_reduction <add>, %mul3A_87, %reduce_sum3A_88 [1] : vector<1000x128xf32> to vector<1000xf32>
    %broadcast_in_dim3A_90 = vector.shape_cast %reduce_sum3A_89 : vector<1000xf32> to vector<1000x1xf32>
    %reshape3A_91 = vector.shape_cast %reduce_sum3A_51 : vector<10xf32> to vector<1x10xf32>
    %add3A_92 = vector.broadcast %broadcast_in_dim3A_90 : vector<1000x1xf32> to vector<1000x10xf32>
    %add3A_93 = vector.broadcast %reshape3A_91 : vector<1x10xf32> to vector<1000x10xf32>
    %add3A_94 = arith.addf %add3A_92, %add3A_93 : vector<1000x10xf32>
    %dot_general3A_95 = arith.constant dense<0.000000e+00> : vector<1000x10xf32>
    %dot_general3A_96 = tpu.matmul %div3A_74, %reduce_sum3A_45, %dot_general3A_95 {dimension_numbers = #tpu.dot_dimension_numbers<[1], [1], [0], [0], [0, 0, 1, 0], [], []>, transpose_lhs_hint = false} : vector<1000x128xf32>, vector<10x128xf32>, vector<1000x10xf32> -> vector<1000x10xf32>
    %mul3A_97 = arith.constant 2.000000e+00 : f32
    %mul3A_98 = vector.broadcast %mul3A_97 : f32 to vector<1000x10xf32>
    %mul3A_99 = arith.mulf %mul3A_98, %dot_general3A_96 : vector<1000x10xf32>
    %sub3A_100 = arith.subf %add3A_94, %mul3A_99 : vector<1000x10xf32>
    %mul3A_101 = vector.broadcast %div3A_23 : f32 to vector<1000x10xf32>
    %mul3A_102 = arith.mulf %mul3A_101, %sub3A_86 : vector<1000x10xf32>
    %sub3A_103 = arith.constant 1.000000e+00 : f32
    %sub3A_104 = arith.subf %sub3A_103, %div3A_23 : f32
    %mul3A_105 = vector.broadcast %sub3A_104 : f32 to vector<1000x10xf32>
    %mul3A_106 = arith.mulf %mul3A_105, %sub3A_100 : vector<1000x10xf32>
    %add3A_107 = arith.addf %mul3A_102, %mul3A_106 : vector<1000x10xf32>
    %swap3A = arith.constant 0 : index
    %swap3A_108 = arith.constant 0 : index
    %swap3A_109 = vector.load %arg9[%swap3A, %swap3A_108] : memref<1000x10xf32, #tpu.memory_space<vmem>>, vector<1000x10xf32>
    tpu.vector_store %arg9[%swap3A, %swap3A_108], %add3A_107 {strides = array<i32>} : memref<1000x10xf32, #tpu.memory_space<vmem>>, vector<1000x10xf32>,
    %get3A_110 = arith.constant 0 : index
    %get3A_111 = arith.constant 0 : index
    %get3A_112 = vector.load %arg2[%get3A_110, %get3A_111] : memref<1000x128xf32, #tpu.memory_space<vmem>>, vector<1000x128xf32>
    %eq3A = arith.constant 0 : i32
    %eq3A_113 = arith.cmpi eq, %arg0, %eq3A : i32
    %convert_element_type3A = arith.extui %eq3A_113 : i1 to i32
    %cond3A = arith.constant 0 : i32
    %cond3A_114 = arith.cmpi ne, %convert_element_type3A, %cond3A : i32
    scf.if %cond3A_114 {
      %broadcast_in_dim3A_167 = arith.constant 0.000000e+00 : f32
      %broadcast_in_dim3A_168 = vector.broadcast %broadcast_in_dim3A_167 : f32 to vector<8x128xf32>
      %swap3A_169 = arith.constant 0 : index
      %swap3A_170 = arith.constant 0 : index
      %swap3A_171 = vector.load %arg10[%swap3A_169, %swap3A_170] : memref<8x128xf32, #tpu.memory_space<vmem>>, vector<8x128xf32>
      tpu.vector_store %arg10[%swap3A_169, %swap3A_170], %broadcast_in_dim3A_168 {strides = array<i32>} : memref<8x128xf32, #tpu.memory_space<vmem>>, vector<8x128xf32>,
      %reduce_sum3A_172 = arith.constant dense<0.000000e+00> : vector<128xf32>
      %reduce_sum3A_173 = vector.multi_reduction <add>, %get3A_112, %reduce_sum3A_172 [0] : vector<1000x128xf32> to vector<128xf32>
      %broadcast_in_dim3A_174 = vector.shape_cast %reduce_sum3A_173 : vector<128xf32> to vector<1x128xf32>
      %div3A_175 = arith.constant 1.000000e+03 : f32
      %div3A_176 = vector.broadcast %div3A_175 : f32 to vector<1x128xf32>
      %div3A_177 = arith.divf %broadcast_in_dim3A_174, %div3A_176 : vector<1x128xf32>
      %swap3A_178 = arith.constant 4 : index
      %swap3A_179 = arith.constant 0 : index
      %swap3A_180 = vector.load %arg10[%swap3A_178, %swap3A_179] : memref<8x128xf32, #tpu.memory_space<vmem>>, vector<1x128xf32>
      tpu.vector_store %arg10[%swap3A_178, %swap3A_179], %div3A_177 {strides = array<i32>} : memref<8x128xf32, #tpu.memory_space<vmem>>, vector<1x128xf32>,
      %reduce_sum3A_181 = arith.constant dense<0.000000e+00> : vector<10xf32>
      %reduce_sum3A_182 = vector.multi_reduction <add>, %add3A_107, %reduce_sum3A_181 [0] : vector<1000x10xf32> to vector<10xf32>
      %broadcast_in_dim3A_183 = vector.shape_cast %reduce_sum3A_182 : vector<10xf32> to vector<1x10xf32>
      %div3A_184 = arith.constant 1.000000e+03 : f32
      %div3A_185 = vector.broadcast %div3A_184 : f32 to vector<1x10xf32>
      %div3A_186 = arith.divf %broadcast_in_dim3A_183, %div3A_185 : vector<1x10xf32>
      %swap3A_187 = arith.constant 5 : index
      %swap3A_188 = arith.constant 0 : index
      %swap3A_189 = vector.load %arg10[%swap3A_187, %swap3A_188] : memref<8x128xf32, #tpu.memory_space<vmem>>, vector<1x10xf32>
      tpu.vector_store %arg10[%swap3A_187, %swap3A_188], %div3A_186 {strides = array<i32>} : memref<8x128xf32, #tpu.memory_space<vmem>>, vector<1x10xf32>,
    } else {
    }
    %get3A_115 = arith.constant 4 : index
    %get3A_116 = arith.constant 0 : index
    %get3A_117 = vector.load %arg10[%get3A_115, %get3A_116] : memref<8x128xf32, #tpu.memory_space<vmem>>, vector<1x128xf32>
    %get3A_118 = arith.constant 5 : index
    %get3A_119 = arith.constant 0 : index
    %get3A_120 = vector.load %arg10[%get3A_118, %get3A_119] : memref<8x128xf32, #tpu.memory_space<vmem>>, vector<1x10xf32>
    %sub3A_121 = vector.broadcast %get3A_117 : vector<1x128xf32> to vector<1000x128xf32>
    %sub3A_122 = arith.subf %get3A_112, %sub3A_121 : vector<1000x128xf32>
    %sub3A_123 = vector.broadcast %get3A_120 : vector<1x10xf32> to vector<1000x10xf32>
    %sub3A_124 = arith.subf %add3A_107, %sub3A_123 : vector<1000x10xf32>
    %get3A_125 = arith.constant 0 : index
    %get3A_126 = arith.constant 0 : index
    %get3A_127 = vector.load %arg10[%get3A_125, %get3A_126] : memref<8x128xf32, #tpu.memory_space<vmem>>, vector<1x128xf32>
    %reduce_sum3A_128 = arith.constant dense<0.000000e+00> : vector<128xf32>
    %reduce_sum3A_129 = vector.multi_reduction <add>, %sub3A_122, %reduce_sum3A_128 [0] : vector<1000x128xf32> to vector<128xf32>
    %broadcast_in_dim3A_130 = vector.shape_cast %reduce_sum3A_129 : vector<128xf32> to vector<1x128xf32>
    %add3A_131 = arith.addf %get3A_127, %broadcast_in_dim3A_130 : vector<1x128xf32>
    %swap3A_132 = arith.constant 0 : index
    %swap3A_133 = arith.constant 0 : index
    %swap3A_134 = vector.load %arg10[%swap3A_132, %swap3A_133] : memref<8x128xf32, #tpu.memory_space<vmem>>, vector<1x128xf32>
    tpu.vector_store %arg10[%swap3A_132, %swap3A_133], %add3A_131 {strides = array<i32>} : memref<8x128xf32, #tpu.memory_space<vmem>>, vector<1x128xf32>,
    %get3A_135 = arith.constant 1 : index
    %get3A_136 = arith.constant 0 : index
    %get3A_137 = vector.load %arg10[%get3A_135, %get3A_136] : memref<8x128xf32, #tpu.memory_space<vmem>>, vector<1x128xf32>
    %mul3A_138 = arith.mulf %sub3A_122, %sub3A_122 : vector<1000x128xf32>
    %reduce_sum3A_139 = arith.constant dense<0.000000e+00> : vector<128xf32>
    %reduce_sum3A_140 = vector.multi_reduction <add>, %mul3A_138, %reduce_sum3A_139 [0] : vector<1000x128xf32> to vector<128xf32>
    %broadcast_in_dim3A_141 = vector.shape_cast %reduce_sum3A_140 : vector<128xf32> to vector<1x128xf32>
    %add3A_142 = arith.addf %get3A_137, %broadcast_in_dim3A_141 : vector<1x128xf32>
    %swap3A_143 = arith.constant 1 : index
    %swap3A_144 = arith.constant 0 : index
    %swap3A_145 = vector.load %arg10[%swap3A_143, %swap3A_144] : memref<8x128xf32, #tpu.memory_space<vmem>>, vector<1x128xf32>
    tpu.vector_store %arg10[%swap3A_143, %swap3A_144], %add3A_142 {strides = array<i32>} : memref<8x128xf32, #tpu.memory_space<vmem>>, vector<1x128xf32>,
    %get3A_146 = arith.constant 2 : index
    %get3A_147 = arith.constant 0 : index
    %get3A_148 = vector.load %arg10[%get3A_146, %get3A_147] : memref<8x128xf32, #tpu.memory_space<vmem>>, vector<1x10xf32>
    %reduce_sum3A_149 = arith.constant dense<0.000000e+00> : vector<10xf32>
    %reduce_sum3A_150 = vector.multi_reduction <add>, %sub3A_124, %reduce_sum3A_149 [0] : vector<1000x10xf32> to vector<10xf32>
    %broadcast_in_dim3A_151 = vector.shape_cast %reduce_sum3A_150 : vector<10xf32> to vector<1x10xf32>
    %add3A_152 = arith.addf %get3A_148, %broadcast_in_dim3A_151 : vector<1x10xf32>
    %swap3A_153 = arith.constant 2 : index
    %swap3A_154 = arith.constant 0 : index
    %swap3A_155 = vector.load %arg10[%swap3A_153, %swap3A_154] : memref<8x128xf32, #tpu.memory_space<vmem>>, vector<1x10xf32>
    tpu.vector_store %arg10[%swap3A_153, %swap3A_154], %add3A_152 {strides = array<i32>} : memref<8x128xf32, #tpu.memory_space<vmem>>, vector<1x10xf32>,
    %get3A_156 = arith.constant 3 : index
    %get3A_157 = arith.constant 0 : index
    %get3A_158 = vector.load %arg10[%get3A_156, %get3A_157] : memref<8x128xf32, #tpu.memory_space<vmem>>, vector<1x10xf32>
    %mul3A_159 = arith.mulf %sub3A_124, %sub3A_124 : vector<1000x10xf32>
    %reduce_sum3A_160 = arith.constant dense<0.000000e+00> : vector<10xf32>
    %reduce_sum3A_161 = vector.multi_reduction <add>, %mul3A_159, %reduce_sum3A_160 [0] : vector<1000x10xf32> to vector<10xf32>
    %broadcast_in_dim3A_162 = vector.shape_cast %reduce_sum3A_161 : vector<10xf32> to vector<1x10xf32>
    %add3A_163 = arith.addf %get3A_158, %broadcast_in_dim3A_162 : vector<1x10xf32>
    %swap3A_164 = arith.constant 3 : index
    %swap3A_165 = arith.constant 0 : index
    %swap3A_166 = vector.load %arg10[%swap3A_164, %swap3A_165] : memref<8x128xf32, #tpu.memory_space<vmem>>, vector<1x10xf32>
    tpu.vector_store %arg10[%swap3A_164, %swap3A_165], %add3A_163 {strides = array<i32>} : memref<8x128xf32, #tpu.memory_space<vmem>>, vector<1x10xf32>,
    return
  }
  func.func @transform_0(%arg0: i32) -> (i32, i32) {
    %c0_i32 = arith.constant 0 : i32
    %c0_i32_0 = arith.constant 0 : i32
    return %arg0, %c0_i32 : i32, i32
  }
  func.func @transform_1(%arg0: i32) -> (i32, i32) {
    %c0_i32 = arith.constant 0 : i32
    %c0_i32_0 = arith.constant 0 : i32
    return %arg0, %c0_i32 : i32, i32
  }
  func.func @transform_2(%arg0: i32) -> (i32, i32, i32) {
    %c0_i32 = arith.constant 0 : i32
    %c0_i32_0 = arith.constant 0 : i32
    %c0_i32_1 = arith.constant 0 : i32
    return %c0_i32, %arg0, %c0_i32_0 : i32, i32, i32
  }
  func.func @transform_3(%arg0: i32) -> (i32, i32) {
    %c0_i32 = arith.constant 0 : i32
    %c0_i32_0 = arith.constant 0 : i32
    return %arg0, %c0_i32 : i32, i32
  }
  func.func @transform_4(%arg0: i32) -> (i32, i32, i32) {
    %c0_i32 = arith.constant 0 : i32
    %c0_i32_0 = arith.constant 0 : i32
    %c0_i32_1 = arith.constant 0 : i32
    %c0_i32_2 = arith.constant 0 : i32
    return %c0_i32, %c0_i32_0, %c0_i32_1 : i32, i32, i32
  }
  func.func @transform_5(%arg0: i32) -> (i32, i32, i32) {
    %c0_i32 = arith.constant 0 : i32
    %c0_i32_0 = arith.constant 0 : i32
    %c0_i32_1 = arith.constant 0 : i32
    %c0_i32_2 = arith.constant 0 : i32
    return %c0_i32, %c0_i32_0, %c0_i32_1 : i32, i32, i32
  }
  func.func @transform_6(%arg0: i32) -> (i32, i32) {
    %c0_i32 = arith.constant 0 : i32
    %c0_i32_0 = arith.constant 0 : i32
    %c0_i32_1 = arith.constant 0 : i32
    return %c0_i32, %c0_i32_0 : i32, i32
  }
  func.func @transform_7(%arg0: i32) -> (i32, i32) {
    %c0_i32 = arith.constant 0 : i32
    %c0_i32_0 = arith.constant 0 : i32
    %c0_i32_1 = arith.constant 0 : i32
    return %c0_i32, %c0_i32_0 : i32, i32
  }
  func.func @transform_8(%arg0: i32) -> (i32, i32) {
    %c0_i32 = arith.constant 0 : i32
    %c0_i32_0 = arith.constant 0 : i32
    return %arg0, %c0_i32 : i32, i32
  }
  func.func @transform_9(%arg0: i32) -> (i32, i32) {
    %c0_i32 = arith.constant 0 : i32
    %c0_i32_0 = arith.constant 0 : i32
    %c0_i32_1 = arith.constant 0 : i32
    return %c0_i32, %c0_i32_0 : i32, i32
  }
}

</mosaic_0001>

<sc_bundles>
// kernel: kernel.12.cloned.1.call-start
scs
__scs_entry_jumppad:
0x0: {  	(pc) =	sbr.rel $0x88, $3  }
0x1: {  	(tag) =	ssettag $0x0;
	lr =	simm.s32 $0x1  }
0x2: {  	[smem:$0x3F93] =	sst lr;
	_ =	strace $0xD0000000  }
0x3: {  	_ = 	snop  }
0x4: {  	_ = 	snop  }
0x5: {  	_ = 	snop  }
0x6: {  	_ = 	snop  }
0x7: {  	_ = 	snop  }
__scs_overlays_trampoline_lowered:
0x8: {  	[smem:$0x3FA2] =	sst s0  }
0x9: {  	[smem:$0x3FA3] =	sst s1  }
0xa: {  	[smem:$0x3FA4] =	sst s2  }
0xb: {  	[smem:$0x3FA5] =	sst s3  }
0xc: {  	[smem:$0x3FA6] =	sst s4  }
0xd: {  	[smem:$0x3FA7] =	sst s5  }
0xe: {  	[smem:$0x3FA8] =	sst s6  }
0xf: {  	[smem:$0x3FA9] =	sst s7  }
0x10: {  	[smem:$0x3FAA] =	sst s8  }
0x11: {  	[smem:$0x3FAB] =	sst s9;
	s0 =	simm.s32 @!p0 $0x0  }
0x12: {  	s1 =	sld [smem:$0x3F91];
	s0 =	simm.s32 @p0 $0x1  }
0x13: {  	[smem:$0x3FAC] =	sst s0;
	s0 =	simm.s32 @!p1 $0x0  }
0x14: {  	s2 =	sld [smem:$0x3F90];
	s0 =	simm.s32 @p1 $0x1  }
0x15: {  	[smem:$0x3FAD] =	sst s0;
	s0 =	simm.s32 @!p2 $0x0  }
0x16: {  	s3 =	sld [smem:$0x3FDB];
	s0 =	simm.s32 @p2 $0x1  }
0x17: {  	s4 =	simm.s32 $0x1BF5;
	[smem:$0x3FAF] =	sst s0  }
0x18: {  	s0 =	sld [smem:$0x3F92];
	_ =	swait.ge [sflag:s4], $0x0  }
0x19: {  	s7 =	sld [smem:$0x3F93]  }
0x1a: {  	s8 =	sadd.s32 $0xFFFFE003, lr  }
0x1b: {  	s9 =	sadd.s32 $0xFFFFFEF7, lr;
	s5 =	simm.s32 $0xFFFFFFFF;
	p2 =	slt.u32 s8, $0xFFFFF086  }
0x1c: {  	p1 =	slt.u32 s9, $0xF7A;
	s5 =	simm.s32 @!p2 $0x0  }
0x1d: {  	s5 =	simm.s32 @p1 $0x1;
	p0 =	seq.s32 s7, s2  }
0x1e: {  	s7 =	smul.u32 @!p0 $0xF7A, s2;
	p2 =	seq.s32 @!p0 s5, $0x0  }
0x1f: {  	s9 =	smul.u32 $0xF7A, s1;
	s8 =	simm.s32 @!p0 $0x1BF5;
	p2 =	por !p2, p0  }
0x20: {  	[sflag:s8] =	ssyncset.s32 @!p0 $0xFFFFF086;
	s6 =	sadd.s32 @!p0 s3, s7;
	s7 =	simm.s32 @!p0 $0x108  }
0x21: {  	s3 =	sadd.s32 s3, s9;
	s6 =	sadd.s32 @!p0 $0x88, s6;
	s7 =	simm.s32 @p2 $0x1082  }
0x22: {  	[simem:s7], [sflag:s8] =	dma.local @!p0 [hbm:s6], $0xF7A  }
0x23: {  	s9 =	sor.u32 $0xD0000000, s2;
	s6 =	simm.s32 $0x108;
	_ =	swait.ge @!p0 [sflag:s8], $0x0  }
0x24: {  	s3 =	sadd.s32 $0x88, s3;
	s6 =	simm.s32 @!p1 $0x1082;
	[sflag:s4] =	ssyncset.s32 $0xFFFFF086  }
0x25: {  	[simem:s6], [sflag:s4] =	dma.local [hbm:s3], $0xF7A  }
0x26: {  	[smem:$0x3F93] =	sst s1;
	(tag) =	ssettag s2;
	_ =	strace s9  }
0x27: {  	s1 =	sld [smem:$0x3FA3]  }
0x28: {  	s2 =	sld [smem:$0x3FA4]  }
0x29: {  	s4 =	sld [smem:$0x3FA6]  }
0x2a: {  	p0 =	seq.s32 s5, $0x0;
	s5 =	sld [smem:$0x3FA7]  }
0x2b: {  	s6 =	sld [smem:$0x3FA8]  }
0x2c: {  	s7 =	sld [smem:$0x3FA9]  }
0x2d: {  	s3 =	simm.s32 $0x108;
	s8 =	sld [smem:$0x3FAA]  }
0x2e: {  	s3 =	simm.s32 @!p0 $0x1082;
	s9 =	sld [smem:$0x3FAB]  }
0x2f: {  	lr =	sadd.s32 s0, s3;
	s0 =	sld [smem:$0x3FA2]  }
0x30: {  	s3 =	sld [smem:$0x3FA5]  }
0x31: {  	[smem:$0x3FAE] =	sst s10  }
0x32: {  	s10 =	sld [smem:$0x3FAC];
	_ =	sdelay $0x3  }
0x33: {  	p0 =	seq.s32 s10, $0x1;
	s10 =	sld [smem:$0x3FAE];
	_ =	sdelay $0x3  }
0x34: {  	[smem:$0x3FAE] =	sst s10  }
0x35: {  	s10 =	sld [smem:$0x3FAD];
	_ =	sdelay $0x3  }
0x36: {  	p1 =	seq.s32 s10, $0x1;
	s10 =	sld [smem:$0x3FAE];
	_ =	sdelay $0x3  }
0x37: {  	[smem:$0x3FAE] =	sst s10  }
0x38: {  	s10 =	sld [smem:$0x3FAF]  }
0x39: {  	_ = 	snop;
	(pc) =	sbr.ind lr, $3  }
0x3a: {  	_ = 	snop  }
0x3b: {  	_ = 	snop  }
0x3c: {  	p2 =	seq.s32 s10, $0x1;
	s10 =	sld [smem:$0x3FAE]  }
0x3d: {  	_ =	shalt  }
0x3e: {  	_ =	shalt  }
0x3f: {  	_ =	shalt  }
0x40: {  	_ =	shalt  }
0x41: {  	_ =	shalt  }
0x42: {  	_ =	shalt  }
0x43: {  	_ =	shalt  }
0x44: {  	_ =	shalt  }
0x45: {  	_ =	shalt  }
0x46: {  	_ =	shalt  }
0x47: {  	_ =	shalt  }
0x48: {  	_ =	shalt  }
0x49: {  	_ =	shalt  }
0x4a: {  	_ =	shalt  }
0x4b: {  	_ =	shalt  }
0x4c: {  	_ =	shalt  }
0x4d: {  	_ =	shalt  }
0x4e: {  	_ =	shalt  }
0x4f: {  	_ =	shalt  }
0x50: {  	_ =	shalt  }
0x51: {  	_ =	shalt  }
0x52: {  	_ =	shalt  }
0x53: {  	_ =	shalt  }
0x54: {  	_ =	shalt  }
0x55: {  	_ =	shalt  }
0x56: {  	_ =	shalt  }
0x57: {  	_ =	shalt  }
0x58: {  	_ =	shalt  }
0x59: {  	_ =	shalt  }
0x5a: {  	_ =	shalt  }
0x5b: {  	_ =	shalt  }
0x5c: {  	_ =	shalt  }
0x5d: {  	_ =	shalt  }
0x5e: {  	_ =	shalt  }
0x5f: {  	_ =	shalt  }
0x60: {  	_ =	shalt  }
0x61: {  	_ =	shalt  }
0x62: {  	_ =	shalt  }
0x63: {  	_ =	shalt  }
0x64: {  	_ =	shalt  }
0x65: {  	_ =	shalt  }
0x66: {  	_ =	shalt  }
0x67: {  	_ =	shalt  }
0x68: {  	_ =	shalt  }
0x69: {  	_ =	shalt  }
0x6a: {  	_ =	shalt  }
0x6b: {  	_ =	shalt  }
0x6c: {  	_ =	shalt  }
0x6d: {  	_ =	shalt  }
0x6e: {  	_ =	shalt  }
0x6f: {  	_ =	shalt  }
0x70: {  	_ =	shalt  }
0x71: {  	_ =	shalt  }
0x72: {  	_ =	shalt  }
0x73: {  	_ =	shalt  }
0x74: {  	_ =	shalt  }
0x75: {  	_ =	shalt  }
0x76: {  	_ =	shalt  }
0x77: {  	_ =	shalt  }
0x78: {  	_ =	shalt  }
0x79: {  	_ =	shalt  }
0x7a: {  	_ =	shalt  }
0x7b: {  	_ =	shalt  }
0x7c: {  	_ =	shalt  }
0x7d: {  	_ =	shalt  }
0x7e: {  	_ =	shalt  }
0x7f: {  	_ =	shalt  }
0x80: {  	_ =	shalt  }
0x81: {  	_ =	shalt  }
0x82: {  	_ =	shalt  }
0x83: {  	_ =	shalt  }
0x84: {  	_ =	shalt  }
0x85: {  	_ =	shalt  }
0x86: {  	_ =	shalt  }
0x87: {  	_ =	shalt  }
.Lfunc_end0:
.L_simem_size_0:
called_computation.1_lowered:
.L_overlay_start_0:
0x88: {  	s2 =	sld [smem:$0x3FD9]  }
0x89: {  	s3 =	sld [smem:$0x3FFE];
	_ =	sdelay $0x1  }
0x8a: {  	s1 =	srdreg.scid  }
0x8b: {  	s0 =	sand.u32 $0x1, s1  }
0x8c: {  	s16 =	sshll.u32 s0, $0xA;
	s2 =	sadd.s32 s3, s2  }
0x8d: {  	s2 =	sadd.s32 s2, s16  }
0x8e: {  	[smem:$0x3FBA] =	sst s2  }
0x8f: {  	_ = 	snop  }
0x90: {  	(tm) =	ssettm $0x1  }
0x91: {  	s17 =	sld [smem:$0x3FFB];
	_ =	sdelay $0x3  }
0x92: {  	_ =	strace s17  }
0x93: {  	s2 =	sld [smem:$0x3FFC];
	_ =	sdelay $0x3  }
0x94: {  	_ =	strace s2  }
0x95: {  	s2 =	sld [smem:$0x3FFD];
	_ =	sdelay $0x3  }
0x96: {  	_ =	strace s2  }
0x97: {  	_ =	strace $0x8FFFFFFF  }
0x98: {  	s18 =	sld [smem:$0x3FDB];
	_ =	sdelay $0x1  }
0x99: {  	s19 =	simm.s32 $_scs_section_size  }
0x9a: {  	s4 =	simm.s32 $_size__tile_overlayer_lowered;
	s5 =	simm.s32 $_tile_overlayer_lowered  }
0x9b: {  	s22 =	simm.s32 $0x1BFF;
	s21 =	sshll.u32 s5, $0x1;
	s2 =	sadd.s32 s19, s18  }
0x9c: {  	s6 =	simm.s32 $0x0;
	s20 =	sshll.u32 s4, $0x1;
	s4 =	sadd.s32 s21, s2  }
0x9d: {  	[timem:s6], [sflag:s22] =	dma.local [hbm:s4], s20  }
0x9e: {  	_ =	swait.ge [sflag:s22], s20  }
0x9f: {  	s3 =	ssub.s32 $0x0, s20;
	[sflag:s22] =	ssyncset.done $0x0  }
0xa0: {  	[sflag:s22] =	ssyncadd.s32 s3;
	_ =	sdelay $0x1  }
0xa1: {  	s23 =	simm.s32 $0x1B8B  }
0xa2: {  	_ =	swait.ge [sflag:s23], $0x1  }
0xa3: {  	[sflag:s23] =	ssyncset.done $0x0  }
0xa4: {  	s25 =	simm.s32 $0x1B8E;
	s24 =	sld [smem:$0x3FFE];
	[sflag:s23] =	ssyncadd.s32 $0xFFFFFFFF  }
0xa5: {  	s26 =	simm.s32 $execute0_lowered;
	[smem:$0x3FD2] =	sst s25  }
0xa6: {  	s4 =	sshll.u32 s26, $0x1;
	_ =	strace $0x80000049;
	[dreg:$0x1] =	wrdreg $0xFFFFFFFF  }
0xa7: {  	s28 =	simm.s32 $_size_execute0_lowered;
	s2 =	sadd.s32 s2, s4;
	[dreg:$0x0] =	wrdreg $0x0  }
0xa8: {  	s4 =	sshll.u32 s28, $0x1;
	[dreg:$0x2] =	wrdreg s2  }
0xa9: {  	[dreg:$0x3] =	wrdreg s4  }
0xaa: {  	[dreg:$0x4] =	wrdreg $0xC0  }
0xab: {  	_ =	task [dreg:s6], $0x5FFFF  }
0xac: {  	[dreg:$0x1] =	wrdreg $0xFFFFFFFF  }
0xad: {  	[dreg:$0x0] =	wrdreg $0x60  }
0xae: {  	[dreg:$0x2] =	wrdreg s24  }
0xaf: {  	[dreg:$0x3] =	wrdreg $0x90000  }
0xb0: {  	[dreg:$0x4] =	wrdreg $0x9  }
0xb1: {  	_ =	task.clear_ibuf [dreg:s6], $0x5FFFF;
	_ =	strace $0x90000049  }
0xb2: {  	s29 =	simm.s32 $0x9;
	_ =	strace $0x8000004B  }
0xb3: {  	_ =	swait.ge [sflag:s29], $0x1  }
0xb4: {  	[sflag:s29] =	ssyncadd.s32 $0xFFFFFFFF  }
0xb5: {  	_ =	strace $0x9000004B  }
0xb6: {  	_ =	sfence  }
0xb7: {  	s30 =	sld [smem:$0x0];
	_ =	sdelay $0x2  }
0xb8: {  	s31 =	sshll.u32 s1, $0xD;
	s1 =	sshrl.u32 s1, $0x2  }
0xb9: {  	s3 =	sand.u32 $0x4000, s31;
	s1 =	sadd.s32 s1, s30  }
0xba: {  	s0 =	sor.u32 s3, s0;
	s1 =	sshll.u32 s1, $0x11  }
0xbb: {  	s0 =	sor.u32 s1, s0  }
0xbc: {  	s0 =	sadd.s32 $0x8F2B, s0  }
0xbd: {  	[sflag:s0] =	ssyncadd.remote.s32 $0x1  }
0xbe: {  	_ =	sfence.sel $0xFFFF  }
0xbf: {  	[dreg:$0x0] =	wrdreg $0xFFFFFFFF;
	(pc) =	sbr.abs _section_cstart, $3  }
0xc0: {  	[dreg:$0x1] =	wrdreg $0xFFFFFFFF  }
0xc1: {  	_ =	task.clear_ibuf [dreg:s6], $0x2FFFF;
	_ =	strace $0x9FFFFFFF  }
0xc2: {  	(tm) =	ssettm $0x7FFFFFFF  }
0xc3: {  	_ =	shalt  }
tec
execute0_lowered:
.L_overlay_start_1:
0x0: {  	(tag) =	ssettag $0x1  }
0x1: {  	s0 =	rddreg [dreg:$0x0]  }
0x2: {  	s1 =	rddreg [dreg:$0x1];
	s3 =	simm.s32 $0x0  }
0x3: {  	s2 =	srdreg.scid;
	s13 =	stileid.u32;
	s17 =	simm.s32 $0x4  }
0x4: {  	s21 =	simm.s32 $0x40;
	s28 =	simm.s32 $0x7000;
	s29 =	simm.s32 $0x2  }
0x5: {  	s30 =	simm.s32 $0x3;
	[smem:$0x7FF] =	sst s3;
	s2 =	sand.u32 $0x1, s2  }
0x6: {  	s9 =	smul.u32 $0x1F400, s13;
	s4 =	sadd.s32 $0x98A00, s0;
	s5 =	sadd.s32 $0x71800, s0  }
0x7: {  	s6 =	sadd.s32 $0x19400, s0;
	s7 =	sadd.s32 $0xF400, s0;
	s22 =	smul.u32 $0x5000, s13  }
0x8: {  	s10 =	sadd.s32 $0x4200, s0;
	s12 =	smul.u32 $0x7D000, s13;
	p1 =	sgt.u32 s13, $0x9  }
0x9: {  	s18 =	simm.s32 $0x0;
	s8 =	smul.u32 $0x138800, s2;
	_ =	strace $0x8000004A  }
0xa: {  	[dreg:$0x3] =	wrdreg s10;
	s23 =	ssub.s32 $0x2, s2;
	p0 =	seq.s32 s2, $0x1  }
0xb: {  	s24 =	sshrl.u32 s23, $0x1;
	s11 =	sshrl.u32 s22, $0x3;
	s31 =	sshrl.u32 s12, $0x2  }
0xc: {  	s8 =	sadd.s32 s9, s8;
	s25 =	sor.u32 $0x80, s11;
	s14 =	sadd.s32 s6, s11  }
0xd: {  	s11 =	sadd.s32 s7, s11;
	s2 =	sadd.s32 s31, s1;
	[dreg:$0x4] =	wrdreg s14  }
0xe: {  	s8 =	sshrl.u32 s8, $0x3;
	[dreg:$0x5] =	wrdreg s11;
	s26 =	sadd.s32 s6, s25  }
.Ltmp0:
0xf: {  	s10 =	sadd.s32 s7, s25;
	[dreg:$0x8] =	wrdreg s2;
	(pc) =	sbr.rel .LBB2_1-.Ltmp0, $4  }
0x10: {  	s14 =	sor.u32 $0x800, s22;
	s22 =	simm.s32 $0x1000;
	s25 =	simm.s32 $0x5000  }
0x11: {  	s0 =	sadd.s32 s8, s0;
	s8 =	ssub.s32 s23, s24;
	[dreg:$0x6] =	wrdreg s26  }
0x12: {  	[dreg:$0x7] =	wrdreg s10;
	s23 =	simm.s32 $0x3000;
	s0 =	sadd.s32 $0xBFC00, s0  }
0x13: {  	s24 =	simm.s32 $0x80;
	s16 =	smax.u32 s8, $0x1;
	[dreg:$0x9] =	wrdreg s0  }
.LBB2_7:
0x14: {  	[tilespmem:s31], [sflag:$0x1] =	stream.linear.gather @!p3 [hbm4b:s9+s11], $0x400, $0x38;
	[tilespmem:$0x1C880] =	vst v63  }
0x15: {  	_ = 	snop  }
0x16: {  	[tilespmem:s26], [sflag:$0x1] =	stream.linear.gather @!p3 [hbm4b:s12+s11], $0x400, $0x38;
	[tilespmem:$0x1C880] =	vst v63  }
0x17: {  	_ =	swait.ge [sflag:s29], $0x2000  }
0x18: {  	[sflag:s29] =	ssyncset.done $0x0  }
0x19: {  	[sflag:s29] =	ssyncadd.s32 $0xFFFFE000  }
0x1a: {  	_ =	swait.ge [sflag:s29], $0x2000  }
0x1b: {  	[sflag:s29] =	ssyncset.done $0x0  }
0x1c: {  	s0 =	simm.s32 $0xF00;
	[sflag:s29] =	ssyncadd.s32 $0xFFFFE000  }
0x1d: {  	[spmem:s1] =	stream.indirect.scatter.add.f32 [tilespmem:s22], [sflag:$0x4], $0x80, s0, s24, $0xb8;
	[tilespmem:$0x1C880] =	vst v63  }
0x1e: {  	_ =	swait.ge [sflag:s17], $0x4000  }
0x1f: {  	[sflag:s17] =	ssyncset.done $0x0  }
0x20: {  	[sflag:s17] =	ssyncadd.s32 $0xFFFFC000  }
0x21: {  	_ =	swait.ge [sflag:s30], $0x2000  }
0x22: {  	[sflag:s30] =	ssyncset.done $0x0  }
0x23: {  	[sflag:s30] =	ssyncadd.s32 $0xFFFFE000  }
0x24: {  	_ =	swait.ge [sflag:s30], $0x2000  }
0x25: {  	[sflag:s30] =	ssyncset.done $0x0  }
0x26: {  	s31 =	simm.s32 $0xF80;
	[sflag:s30] =	ssyncadd.s32 $0xFFFFE000  }
0x27: {  	[spmem:s1] =	stream.indirect.scatter.add.f32 [tilespmem:s25], [sflag:$0x4], $0x80, s31, s24, $0xb8;
	[tilespmem:$0x1C880] =	vst v63  }
0x28: {  	_ =	swait.ge [sflag:s17], $0x4000  }
0x29: {  	[sflag:s17] =	ssyncset.done $0x0  }
0x2a: {  	[sflag:s17] =	ssyncadd.s32 $0xFFFFC000  }
.LBB2_8:
0x2b: {  	[bflag:$0x0] =	sbarrier.arrive $0xFFFF;
	s18 =	sadd.s32 $0x1, s18  }
0x2c: {  	s0 =	rddreg [dreg:$0x9];
	p2 =	sne.s32 s18, s16  }
0x2d: {  	[hbm:s0], [sflag:s20] =	dma.local @!p1 [spmem:s19], $0x3E80  }
.Ltmp1:
0x2e: {  	_ = 	snop;
	(pc) =	sbr.rel @!p2 .LBB2_9-.Ltmp1, $4  }
0x2f: {  	s0 =	simm.s32 @!p1 $0x4  }
0x30: {  	_ =	swait.ge @!p1 [sflag:s0], $0x3E80  }
0x31: {  	[sflag:s0] =	ssyncset.done @!p1 $0x0  }
0x32: {  	[sflag:s0] =	ssyncadd.s32 @!p1 $0xFFFFC180  }
.LBB2_1:
0x33: {  	s0 =	rddreg [dreg:$0x4]  }
0x34: {  	[tilespmem:s3], [sflag:$0x4] =	stream.linear.gather [hbm4b:s0+s3], $0x400, $0x38;
	[tilespmem:$0x1C880] =	vst v63  }
0x35: {  	_ =	swait.ge [sflag:s17], $0x400  }
0x36: {  	s2 =	simm.s32 $0x800;
	[sflag:s17] =	ssyncset.done $0x0  }
0x37: {  	s20 =	simm.s32 $0x400;
	s15 =	rddreg [dreg:$0x5];
	[sflag:s17] =	ssyncadd.s32 $0xFFFFFC00  }
0x38: {  	[tilespmem:s2], [sflag:$0x4] =	stream.linear.gather [hbm4b:s15+s3], $0x400, $0x38;
	[tilespmem:$0x1C880] =	vst v63  }
0x39: {  	s31 =	simm.s32 $0xC00;
	s0 =	stileid.u32;
	_ =	swait.ge [sflag:s17], $0x400  }
.Ltmp2:
0x3a: {  	[sflag:s17] =	ssyncset.done $0x0;
	s19 =	rddreg [dreg:$0x6];
	(pc) =	sbr.rel @!p0 .LBB2_2-.Ltmp2, $4  }
0x3b: {  	s0 =	sshll.u32 @!p1 s0, $0x6;
	s2 =	rddreg [dreg:$0x8];
	[sflag:s17] =	ssyncadd.s32 $0xFFFFFC00  }
0x3c: {  	[tilespmem:s20], [sflag:$0x1] =	stream.linear.gather [hbm4b:s19+s3], $0x400, $0x38;
	[tilespmem:$0x1C880] =	vst v63  }
0x3d: {  	s26 =	rddreg [dreg:$0x7];
	s19 =	sshrl.u32 @!p1 s2, $0x3;
	s20 =	sor.u32 @!p1 $0x1C04, s0  }
0x3e: {  	[tilespmem:s31], [sflag:$0x1] =	stream.linear.gather [hbm4b:s26+s3], $0x400, $0x38;
	[tilespmem:$0x1C880] =	vst v63  }
0x3f: {  	[tilespmem:s22], [sflag:$0x2] =	stream.indirect.gather [hbm4b:s5+s21], $0x80, s3, s21, $0xb8;
	[tilespmem:$0x1C880] =	vst v63  }
0x40: {  	_ = 	snop  }
0x41: {  	[tilespmem:s23], [sflag:$0x2] =	stream.indirect.gather [hbm4b:s5+s21], $0x80, s21, s21, $0xb8;
	[tilespmem:$0x1C880] =	vst v63  }
0x42: {  	_ = 	snop  }
0x43: {  	[tilespmem:s25], [sflag:$0x3] =	stream.indirect.gather [hbm4b:s5+s21], $0x80, s24, s21, $0xb8;
	[tilespmem:$0x1C880] =	vst v63  }
0x44: {  	s0 =	simm.s32 $0xC0  }
0x45: {  	[tilespmem:s28], [sflag:$0x3] =	stream.indirect.gather [hbm4b:s5+s21], $0x80, s0, s21, $0xb8;
	[tilespmem:$0x1C880] =	vst v63  }
0x46: {  	s0 =	rddreg [dreg:$0x3]  }
0x47: {  	[spmem:s19], [sflag:s20] =	dma.local @!p1 [hbm:s0], $0x3E80  }
0x48: {  	s0 =	simm.s32 @!p1 $0x4  }
0x49: {  	_ =	swait.ge @!p1 [sflag:s0], $0x3E80  }
0x4a: {  	[sflag:s0] =	ssyncset.done @!p1 $0x0  }
0x4b: {  	[sflag:s0] =	ssyncadd.s32 @!p1 $0xFFFFC180  }
0x4c: {  	[bflag:$0x0] =	sbarrier.arrive $0xFFFF  }
0x4d: {  	_ =	swait.ge [sflag:s29], $0x2000  }
0x4e: {  	[sflag:s29] =	ssyncset.done $0x0  }
0x4f: {  	s2 =	simm.s32 $0x0;
	[sflag:s29] =	ssyncadd.s32 $0xFFFFE000  }
0x50: {  	s8 =	sand.u32 $0x6, s2;
	s31 =	sand.u32 $0x400, s2;
	_ =	swait.ge [sflag:s29], $0x2000  }
0x51: {  	s26 =	sor.u32 $0x800, s31;
	s11 =	sshll.u32 s8, $0x7;
	[sflag:s29] =	ssyncset.done $0x0  }
0x52: {  	p2 =	por $0x0, $0x0;
	s9 =	sor.u32 s11, s26;
	[sflag:s29] =	ssyncadd.s32 $0xFFFFE000  }
0x53: {  	[spmem:s1] =	stream.indirect.scatter.add.f32 [tilespmem:s22], [sflag:$0x4], $0x80, s9, s24, $0xb8;
	[tilespmem:$0x1C880] =	vst v63  }
0x54: {  	p3 =	sne.s32 @!p2 s8, $0x6;
	_ =	swait.ge [sflag:s17], $0x4000  }
0x55: {  	p2 =	por p3, p2;
	[sflag:s17] =	ssyncset.done $0x0  }
0x56: {  	s10 =	simm.s32 @!p2 $0x1;
	[sflag:s17] =	ssyncadd.s32 $0xFFFFC000  }
0x57: {  	_ =	swait.ge @!p2 [sflag:s10], $0x400  }
0x58: {  	[sflag:s10] =	ssyncset.done @!p2 $0x0  }
0x59: {  	[sflag:s10] =	ssyncadd.s32 @!p2 $0xFFFFFC00  }
0x5a: {  	_ =	swait.ge @!p2 [sflag:s10], $0x400  }
0x5b: {  	s0 =	simm.s32 $0x100;
	[sflag:s10] =	ssyncset.done @!p2 $0x0  }
0x5c: {  	s11 =	sand.u32 $0x700, s0;
	[sflag:s10] =	ssyncadd.s32 @!p2 $0xFFFFFC00  }
0x5d: {  	[tilespmem:s22], [sflag:$0x2] =	stream.indirect.gather [hbm4b:s5+s21], $0x80, s11, s21, $0xb8;
	[tilespmem:$0x1C880] =	vst v63  }
0x5e: {  	s12 =	sor.u32 $0x40, s11  }
0x5f: {  	[tilespmem:s23], [sflag:$0x2] =	stream.indirect.gather [hbm4b:s5+s21], $0x80, s12, s21, $0xb8;
	[tilespmem:$0x1C880] =	vst v63  }
0x60: {  	_ =	swait.ge [sflag:s30], $0x2000  }
0x61: {  	[sflag:s30] =	ssyncset.done $0x0  }
0x62: {  	[sflag:s30] =	ssyncadd.s32 $0xFFFFE000  }
0x63: {  	s13 =	simm.s32 $0x180;
	p2 =	por $0x0, $0x0;
	_ =	swait.ge [sflag:s30], $0x2000  }
0x64: {  	s9 =	sadd.s32 $0x80, s9;
	p3 =	sne.s32 @!p2 s8, $0x6;
	[sflag:s30] =	ssyncset.done $0x0  }
0x65: {  	s8 =	sand.u32 $0x780, s13;
	p3 =	por p3, p2;
	[sflag:s30] =	ssyncadd.s32 $0xFFFFE000  }
0x66: {  	[spmem:s1] =	stream.indirect.scatter.add.f32 [tilespmem:s25], [sflag:$0x4], $0x80, s9, s24, $0xb8;
	[tilespmem:$0x1C880] =	vst v63  }
0x67: {  	s15 =	sor.u32 $0x40, s8;
	s2 =	sand.u32 @!p3 $0x7C00, s2;
	_ =	swait.ge [sflag:s17], $0x4000  }
0x68: {  	s11 =	simm.s32 @!p3 $0x0;
	s9 =	sadd.s32 @!p3 s2, s14;
	[sflag:s17] =	ssyncset.done $0x0  }
0x69: {  	s2 =	simm.s32 $0x1;
	s10 =	sshrl.u32 @!p3 s9, $0x3;
	[sflag:s17] =	ssyncadd.s32 $0xFFFFC000  }
0x6a: {  	[tilespmem:s25], [sflag:$0x3] =	stream.indirect.gather [hbm4b:s5+s21], $0x80, s8, s21, $0xb8;
	[tilespmem:$0x1C880] =	vst v63  }
0x6b: {  	s9 =	sadd.s32 @!p3 s6, s10;
	s12 =	sadd.s32 @!p3 s7, s10;
	s8 =	simm.s32 $0x2  }
0x6c: {  	[tilespmem:s28], [sflag:$0x3] =	stream.indirect.gather [hbm4b:s5+s21], $0x80, s15, s21, $0xb8;
	[tilespmem:$0x1C880] =	vst v63  }
.LBB2_6:
0x6d: {  	[tilespmem:s31], [sflag:$0x1] =	stream.linear.gather @!p3 [hbm4b:s9+s11], $0x400, $0x38;
	[tilespmem:$0x1C880] =	vst v63  }
0x6e: {  	s10 =	smov.u32 s2;
	s2 =	sadd.s32 $0x1, s2;
	s9 =	smov.u32 s0  }
0x6f: {  	[tilespmem:s26], [sflag:$0x1] =	stream.linear.gather @!p3 [hbm4b:s12+s11], $0x400, $0x38;
	[tilespmem:$0x1C880] =	vst v63  }
0x70: {  	p2 =	sne.s32 s2, $0x4F;
	_ =	swait.ge [sflag:s29], $0x2000  }
0x71: {  	[sflag:s29] =	ssyncset.done $0x0  }
0x72: {  	s31 =	sand.u32 $0x400, s0;
	s11 =	sand.u32 $0x6, s8;
	[sflag:s29] =	ssyncadd.s32 $0xFFFFE000  }
0x73: {  	s26 =	sor.u32 $0x800, s31;
	s12 =	sshll.u32 s11, $0x7;
	_ =	swait.ge [sflag:s29], $0x2000  }
0x74: {  	p3 =	sgt.u32 s10, $0x4B;
	s12 =	sor.u32 s12, s26;
	[sflag:s29] =	ssyncset.done $0x0  }
0x75: {  	p4 =	sne.s32 @!p3 s11, $0x6;
	[sflag:s29] =	ssyncadd.s32 $0xFFFFE000  }
0x76: {  	[spmem:s1] =	stream.indirect.scatter.add.f32 [tilespmem:s22], [sflag:$0x4], $0x80, s12, s24, $0xb8;
	[tilespmem:$0x1C880] =	vst v63  }
0x77: {  	p3 =	por p4, p3;
	_ =	swait.ge [sflag:s17], $0x4000  }
0x78: {  	s13 =	simm.s32 @!p3 $0x1;
	[sflag:s17] =	ssyncset.done $0x0  }
0x79: {  	[sflag:s17] =	ssyncadd.s32 $0xFFFFC000  }
0x7a: {  	_ =	swait.ge @!p3 [sflag:s13], $0x400  }
0x7b: {  	[sflag:s13] =	ssyncset.done @!p3 $0x0  }
0x7c: {  	[sflag:s13] =	ssyncadd.s32 @!p3 $0xFFFFFC00  }
0x7d: {  	s0 =	sadd.s32 $0x100, s0;
	_ =	swait.ge @!p3 [sflag:s13], $0x400  }
0x7e: {  	s15 =	sand.u32 $0x700, s0;
	[sflag:s13] =	ssyncset.done @!p3 $0x0  }
0x7f: {  	[sflag:s13] =	ssyncadd.s32 @!p3 $0xFFFFFC00  }
0x80: {  	[tilespmem:s22], [sflag:$0x2] =	stream.indirect.gather [hbm4b:s5+s21], $0x80, s15, s21, $0xb8;
	[tilespmem:$0x1C880] =	vst v63  }
0x81: {  	s13 =	sor.u32 $0x40, s15  }
0x82: {  	[tilespmem:s23], [sflag:$0x2] =	stream.indirect.gather [hbm4b:s5+s21], $0x80, s13, s21, $0xb8;
	[tilespmem:$0x1C880] =	vst v63  }
0x83: {  	_ =	swait.ge [sflag:s30], $0x2000  }
0x84: {  	[sflag:s30] =	ssyncset.done $0x0  }
0x85: {  	[sflag:s30] =	ssyncadd.s32 $0xFFFFE000  }
0x86: {  	_ =	swait.ge [sflag:s30], $0x2000  }
0x87: {  	s12 =	sadd.s32 $0x80, s12;
	[sflag:s30] =	ssyncset.done $0x0  }
0x88: {  	p3 =	sgt.u32 s10, $0x47;
	[sflag:s30] =	ssyncadd.s32 $0xFFFFE000  }
0x89: {  	[spmem:s1] =	stream.indirect.scatter.add.f32 [tilespmem:s25], [sflag:$0x4], $0x80, s12, s24, $0xb8;
	[tilespmem:$0x1C880] =	vst v63  }
0x8a: {  	p4 =	sne.s32 @!p3 s11, $0x6;
	_ =	swait.ge [sflag:s17], $0x4000  }
0x8b: {  	s10 =	sadd.s32 $0x180, s9;
	p3 =	por p4, p3;
	[sflag:s17] =	ssyncset.done $0x0  }
0x8c: {  	s10 =	sand.u32 $0x780, s10;
	s9 =	sand.u32 @!p3 $0x7C00, s9;
	[sflag:s17] =	ssyncadd.s32 $0xFFFFC000  }
0x8d: {  	[tilespmem:s25], [sflag:$0x3] =	stream.indirect.gather [hbm4b:s5+s21], $0x80, s10, s21, $0xb8;
	[tilespmem:$0x1C880] =	vst v63  }
.Ltmp3:
0x8e: {  	_ = 	snop;
	(pc) =	sbr.rel @p2 .LBB2_6-.Ltmp3, $4  }
0x8f: {  	s9 =	sadd.s32 @!p3 s9, s14  }
0x90: {  	s8 =	sadd.s32 $0x2, s8;
	s12 =	sshrl.u32 @!p3 s9, $0x3;
	s10 =	sor.u32 $0x40, s10  }
0x91: {  	[tilespmem:s28], [sflag:$0x3] =	stream.indirect.gather [hbm4b:s5+s21], $0x80, s10, s21, $0xb8;
	[tilespmem:$0x1C880] =	vst v63  }
0x92: {  	s11 =	simm.s32 @!p3 $0x0;
	s9 =	sadd.s32 @!p3 s6, s12;
	s12 =	sadd.s32 @!p3 s7, s12  }
.Ltmp4:
0x93: {  	_ = 	snop;
	(pc) =	sbr.rel .LBB2_7-.Ltmp4, $1  }
0x94: {  	_ =	sdelay $0x3  }
.LBB2_2:
0x95: {  	[tilespmem:s22], [sflag:$0x2] =	stream.indirect.gather [hbm4b:s4+s21], $0x80, s3, s21, $0xb8;
	[tilespmem:$0x1C880] =	vst v63  }
0x96: {  	_ = 	snop  }
0x97: {  	[tilespmem:s23], [sflag:$0x2] =	stream.indirect.gather [hbm4b:s4+s21], $0x80, s21, s21, $0xb8;
	[tilespmem:$0x1C880] =	vst v63  }
0x98: {  	_ = 	snop  }
0x99: {  	[tilespmem:s25], [sflag:$0x3] =	stream.indirect.gather [hbm4b:s4+s21], $0x80, s24, s21, $0xb8;
	[tilespmem:$0x1C880] =	vst v63  }
0x9a: {  	s0 =	simm.s32 $0xC0  }
0x9b: {  	[tilespmem:s28], [sflag:$0x3] =	stream.indirect.gather [hbm4b:s4+s21], $0x80, s0, s21, $0xb8;
	[tilespmem:$0x1C880] =	vst v63  }
0x9c: {  	s0 =	rddreg [dreg:$0x3]  }
0x9d: {  	[spmem:s19], [sflag:s20] =	dma.local @!p1 [hbm:s0], $0x3E80  }
0x9e: {  	s0 =	simm.s32 @!p1 $0x4  }
0x9f: {  	_ =	swait.ge @!p1 [sflag:s0], $0x3E80  }
0xa0: {  	[sflag:s0] =	ssyncset.done @!p1 $0x0  }
0xa1: {  	[sflag:s0] =	ssyncadd.s32 @!p1 $0xFFFFC180  }
0xa2: {  	[bflag:$0x0] =	sbarrier.arrive $0xFFFF  }
0xa3: {  	_ =	swait.ge [sflag:s29], $0x2000  }
0xa4: {  	[sflag:s29] =	ssyncset.done $0x0  }
0xa5: {  	s2 =	simm.s32 $0x0;
	[sflag:s29] =	ssyncadd.s32 $0xFFFFE000  }
0xa6: {  	s8 =	sand.u32 $0x6, s2;
	s31 =	sand.u32 $0x400, s2;
	_ =	swait.ge [sflag:s29], $0x2000  }
0xa7: {  	s26 =	sor.u32 $0x800, s31;
	s11 =	sshll.u32 s8, $0x7;
	[sflag:s29] =	ssyncset.done $0x0  }
0xa8: {  	p2 =	por $0x0, $0x0;
	s9 =	sor.u32 s11, s26;
	[sflag:s29] =	ssyncadd.s32 $0xFFFFE000  }
0xa9: {  	[spmem:s1] =	stream.indirect.scatter.add.f32 [tilespmem:s22], [sflag:$0x4], $0x80, s9, s24, $0xb8;
	[tilespmem:$0x1C880] =	vst v63  }
0xaa: {  	p3 =	sne.s32 @!p2 s8, $0x6;
	_ =	swait.ge [sflag:s17], $0x4000  }
0xab: {  	p2 =	por p3, p2;
	[sflag:s17] =	ssyncset.done $0x0  }
0xac: {  	s10 =	simm.s32 @!p2 $0x1;
	[sflag:s17] =	ssyncadd.s32 $0xFFFFC000  }
0xad: {  	_ =	swait.ge @!p2 [sflag:s10], $0x400  }
0xae: {  	[sflag:s10] =	ssyncset.done @!p2 $0x0  }
0xaf: {  	[sflag:s10] =	ssyncadd.s32 @!p2 $0xFFFFFC00  }
0xb0: {  	_ =	swait.ge @!p2 [sflag:s10], $0x400  }
0xb1: {  	s0 =	simm.s32 $0x100;
	[sflag:s10] =	ssyncset.done @!p2 $0x0  }
0xb2: {  	s11 =	sand.u32 $0x700, s0;
	[sflag:s10] =	ssyncadd.s32 @!p2 $0xFFFFFC00  }
0xb3: {  	[tilespmem:s22], [sflag:$0x2] =	stream.indirect.gather [hbm4b:s4+s21], $0x80, s11, s21, $0xb8;
	[tilespmem:$0x1C880] =	vst v63  }
0xb4: {  	s12 =	sor.u32 $0x40, s11  }
0xb5: {  	[tilespmem:s23], [sflag:$0x2] =	stream.indirect.gather [hbm4b:s4+s21], $0x80, s12, s21, $0xb8;
	[tilespmem:$0x1C880] =	vst v63  }
0xb6: {  	_ =	swait.ge [sflag:s30], $0x2000  }
0xb7: {  	[sflag:s30] =	ssyncset.done $0x0  }
0xb8: {  	[sflag:s30] =	ssyncadd.s32 $0xFFFFE000  }
0xb9: {  	s13 =	simm.s32 $0x180;
	p2 =	por $0x0, $0x0;
	_ =	swait.ge [sflag:s30], $0x2000  }
0xba: {  	s9 =	sadd.s32 $0x80, s9;
	p3 =	sne.s32 @!p2 s8, $0x6;
	[sflag:s30] =	ssyncset.done $0x0  }
0xbb: {  	s8 =	sand.u32 $0x780, s13;
	p3 =	por p3, p2;
	[sflag:s30] =	ssyncadd.s32 $0xFFFFE000  }
0xbc: {  	[spmem:s1] =	stream.indirect.scatter.add.f32 [tilespmem:s25], [sflag:$0x4], $0x80, s9, s24, $0xb8;
	[tilespmem:$0x1C880] =	vst v63  }
0xbd: {  	s15 =	sor.u32 $0x40, s8;
	s2 =	sand.u32 @!p3 $0x7C00, s2;
	_ =	swait.ge [sflag:s17], $0x4000  }
0xbe: {  	s11 =	simm.s32 @!p3 $0x0;
	s9 =	sadd.s32 @!p3 s2, s14;
	[sflag:s17] =	ssyncset.done $0x0  }
0xbf: {  	s2 =	simm.s32 $0x1;
	s10 =	sshrl.u32 @!p3 s9, $0x3;
	[sflag:s17] =	ssyncadd.s32 $0xFFFFC000  }
0xc0: {  	[tilespmem:s25], [sflag:$0x3] =	stream.indirect.gather [hbm4b:s4+s21], $0x80, s8, s21, $0xb8;
	[tilespmem:$0x1C880] =	vst v63  }
0xc1: {  	s9 =	sadd.s32 @!p3 s6, s10;
	s12 =	sadd.s32 @!p3 s7, s10;
	s8 =	simm.s32 $0x2  }
0xc2: {  	[tilespmem:s28], [sflag:$0x3] =	stream.indirect.gather [hbm4b:s4+s21], $0x80, s15, s21, $0xb8;
	[tilespmem:$0x1C880] =	vst v63  }
.LBB2_3:
0xc3: {  	[tilespmem:s31], [sflag:$0x1] =	stream.linear.gather @!p3 [hbm4b:s9+s11], $0x400, $0x38;
	[tilespmem:$0x1C880] =	vst v63  }
0xc4: {  	s10 =	smov.u32 s2;
	s2 =	sadd.s32 $0x1, s2;
	s9 =	smov.u32 s0  }
0xc5: {  	[tilespmem:s26], [sflag:$0x1] =	stream.linear.gather @!p3 [hbm4b:s12+s11], $0x400, $0x38;
	[tilespmem:$0x1C880] =	vst v63  }
0xc6: {  	p2 =	seq.s32 s2, $0x4F;
	_ =	swait.ge [sflag:s29], $0x2000  }
0xc7: {  	[sflag:s29] =	ssyncset.done $0x0  }
0xc8: {  	s31 =	sand.u32 $0x400, s0;
	s11 =	sand.u32 $0x6, s8;
	[sflag:s29] =	ssyncadd.s32 $0xFFFFE000  }
0xc9: {  	s26 =	sor.u32 $0x800, s31;
	s12 =	sshll.u32 s11, $0x7;
	_ =	swait.ge [sflag:s29], $0x2000  }
0xca: {  	p3 =	sgt.u32 s10, $0x4B;
	s12 =	sor.u32 s12, s26;
	[sflag:s29] =	ssyncset.done $0x0  }
0xcb: {  	p4 =	sne.s32 @!p3 s11, $0x6;
	[sflag:s29] =	ssyncadd.s32 $0xFFFFE000  }
0xcc: {  	[spmem:s1] =	stream.indirect.scatter.add.f32 [tilespmem:s22], [sflag:$0x4], $0x80, s12, s24, $0xb8;
	[tilespmem:$0x1C880] =	vst v63  }
0xcd: {  	p3 =	por p4, p3;
	_ =	swait.ge [sflag:s17], $0x4000  }
0xce: {  	s13 =	simm.s32 @!p3 $0x1;
	[sflag:s17] =	ssyncset.done $0x0  }
0xcf: {  	[sflag:s17] =	ssyncadd.s32 $0xFFFFC000  }
0xd0: {  	_ =	swait.ge @!p3 [sflag:s13], $0x400  }
0xd1: {  	[sflag:s13] =	ssyncset.done @!p3 $0x0  }
0xd2: {  	[sflag:s13] =	ssyncadd.s32 @!p3 $0xFFFFFC00  }
0xd3: {  	s0 =	sadd.s32 $0x100, s0;
	_ =	swait.ge @!p3 [sflag:s13], $0x400  }
0xd4: {  	s15 =	sand.u32 $0x700, s0;
	[sflag:s13] =	ssyncset.done @!p3 $0x0  }
0xd5: {  	[sflag:s13] =	ssyncadd.s32 @!p3 $0xFFFFFC00  }
0xd6: {  	[tilespmem:s22], [sflag:$0x2] =	stream.indirect.gather [hbm4b:s4+s21], $0x80, s15, s21, $0xb8;
	[tilespmem:$0x1C880] =	vst v63  }
0xd7: {  	s13 =	sor.u32 $0x40, s15  }
0xd8: {  	[tilespmem:s23], [sflag:$0x2] =	stream.indirect.gather [hbm4b:s4+s21], $0x80, s13, s21, $0xb8;
	[tilespmem:$0x1C880] =	vst v63  }
0xd9: {  	_ =	swait.ge [sflag:s30], $0x2000  }
0xda: {  	[sflag:s30] =	ssyncset.done $0x0  }
0xdb: {  	[sflag:s30] =	ssyncadd.s32 $0xFFFFE000  }
0xdc: {  	_ =	swait.ge [sflag:s30], $0x2000  }
0xdd: {  	s12 =	sadd.s32 $0x80, s12;
	[sflag:s30] =	ssyncset.done $0x0  }
0xde: {  	p3 =	sgt.u32 s10, $0x47;
	[sflag:s30] =	ssyncadd.s32 $0xFFFFE000  }
0xdf: {  	[spmem:s1] =	stream.indirect.scatter.add.f32 [tilespmem:s25], [sflag:$0x4], $0x80, s12, s24, $0xb8;
	[tilespmem:$0x1C880] =	vst v63  }
0xe0: {  	p4 =	sne.s32 @!p3 s11, $0x6;
	_ =	swait.ge [sflag:s17], $0x4000  }
0xe1: {  	s10 =	sadd.s32 $0x180, s9;
	p3 =	por p4, p3;
	[sflag:s17] =	ssyncset.done $0x0  }
0xe2: {  	s10 =	sand.u32 $0x780, s10;
	s9 =	sand.u32 @!p3 $0x7C00, s9;
	[sflag:s17] =	ssyncadd.s32 $0xFFFFC000  }
0xe3: {  	[tilespmem:s25], [sflag:$0x3] =	stream.indirect.gather [hbm4b:s4+s21], $0x80, s10, s21, $0xb8;
	[tilespmem:$0x1C880] =	vst v63  }
.Ltmp5:
0xe4: {  	_ = 	snop;
	(pc) =	sbr.rel @!p2 .LBB2_3-.Ltmp5, $4  }
0xe5: {  	s9 =	sadd.s32 @!p3 s9, s14  }
0xe6: {  	s8 =	sadd.s32 $0x2, s8;
	s12 =	sshrl.u32 @!p3 s9, $0x3;
	s10 =	sor.u32 $0x40, s10  }
0xe7: {  	[tilespmem:s28], [sflag:$0x3] =	stream.indirect.gather [hbm4b:s4+s21], $0x80, s10, s21, $0xb8;
	[tilespmem:$0x1C880] =	vst v63  }
0xe8: {  	s11 =	simm.s32 @!p3 $0x0;
	s9 =	sadd.s32 @!p3 s6, s12;
	s12 =	sadd.s32 @!p3 s7, s12  }
0xe9: {  	[tilespmem:s31], [sflag:$0x1] =	stream.linear.gather @!p3 [hbm4b:s9+s11], $0x400, $0x38;
	[tilespmem:$0x1C880] =	vst v63  }
0xea: {  	_ = 	snop  }
0xeb: {  	[tilespmem:s26], [sflag:$0x1] =	stream.linear.gather @!p3 [hbm4b:s12+s11], $0x400, $0x38;
	[tilespmem:$0x1C880] =	vst v63  }
0xec: {  	_ =	swait.ge [sflag:s29], $0x2000  }
0xed: {  	[sflag:s29] =	ssyncset.done $0x0  }
0xee: {  	[sflag:s29] =	ssyncadd.s32 $0xFFFFE000  }
0xef: {  	_ =	swait.ge [sflag:s29], $0x2000  }
0xf0: {  	[sflag:s29] =	ssyncset.done $0x0  }
0xf1: {  	s0 =	simm.s32 $0xF00;
	[sflag:s29] =	ssyncadd.s32 $0xFFFFE000  }
0xf2: {  	[spmem:s1] =	stream.indirect.scatter.add.f32 [tilespmem:s22], [sflag:$0x4], $0x80, s0, s24, $0xb8;
	[tilespmem:$0x1C880] =	vst v63  }
0xf3: {  	_ =	swait.ge [sflag:s17], $0x4000  }
0xf4: {  	[sflag:s17] =	ssyncset.done $0x0  }
0xf5: {  	[sflag:s17] =	ssyncadd.s32 $0xFFFFC000  }
0xf6: {  	_ =	swait.ge [sflag:s30], $0x2000  }
0xf7: {  	[sflag:s30] =	ssyncset.done $0x0  }
0xf8: {  	[sflag:s30] =	ssyncadd.s32 $0xFFFFE000  }
0xf9: {  	_ =	swait.ge [sflag:s30], $0x2000  }
0xfa: {  	[sflag:s30] =	ssyncset.done $0x0  }
.Ltmp6:
0xfb: {  	s31 =	simm.s32 $0xF80;
	[sflag:s30] =	ssyncadd.s32 $0xFFFFE000;
	(pc) =	sbr.rel .LBB2_8-.Ltmp6, $4  }
0xfc: {  	[spmem:s1] =	stream.indirect.scatter.add.f32 [tilespmem:s25], [sflag:$0x4], $0x80, s31, s24, $0xb8;
	[tilespmem:$0x1C880] =	vst v63  }
0xfd: {  	_ =	swait.ge [sflag:s17], $0x4000  }
0xfe: {  	[sflag:s17] =	ssyncset.done $0x0  }
0xff: {  	[sflag:s17] =	ssyncadd.s32 $0xFFFFC000  }
.LBB2_9:
0x100: {  	_ =	sfence.sel $0x180000  }
0x101: {  	[bflag:$0x0] =	sbarrier.arrive $0xFFFF  }
0x102: {  	_ =	strace $0x9000004A  }
0x103: {  	s0 =	stileid.u32;
	[bflag:$0x2] =	sbarrier.arrive $0xFFFF  }
0x104: {  	p0 =	sne.s32 s0, $0x0;
	s0 =	rddreg [dreg:$0x2]  }
0x105: {  	s0 =	sadd.s32 @!p0 $0x100000, s0  }
0x106: {  	[sflag:s0] =	ssyncadd.tile.s32 @!p0 $0x1;
	_ =	shalt  }
.Lfunc_end2:
_tile_overlayer_lowered:
.L_overlay_start_2:
0x107: {  	(tag) =	ssettag $0x2  }
0x108: {  	s0 =	rddreg [dreg:$0x0];
	s2 =	stileid.u32  }
0x109: {  	s1 =	rddreg [dreg:$0x1];
	p0 =	sne.s32 s2, $0x0  }
0x10a: {  	s3 =	rddreg [dreg:$0x2];
	[bflag:$0x3] =	sbarrier.arrive $0xFFFF;
	s2 =	simm.s32 @!p0 $0x1C04  }
0x10b: {  	[timem:s3], [sflag:s2] =	dma.local @!p0 [hbm:s0], s1  }
0x10c: {  	s0 =	simm.s32 @!p0 $0x4  }
0x10d: {  	_ =	swait.ge @!p0 [sflag:s0], s1  }
0x10e: {  	s1 =	ssub.s32 @!p0 $0x0, s1;
	[sflag:s0] =	ssyncset.done @!p0 $0x0  }
0x10f: {  	[sflag:s0] =	ssyncadd.s32 @!p0 s1  }
0x110: {  	[bflag:$0x3] =	sbarrier.arrive $0xFFFF  }
0x111: {  	_ =	shalt  }

// kernel: kernel.15.cloned.1.call-start
scs
__scs_entry_jumppad:
0x0: {  	(pc) =	sbr.rel $0x88, $3  }
0x1: {  	(tag) =	ssettag $0x0;
	lr =	simm.s32 $0x1  }
0x2: {  	[smem:$0x3F93] =	sst lr;
	_ =	strace $0xD0000000  }
0x3: {  	_ = 	snop  }
0x4: {  	_ = 	snop  }
0x5: {  	_ = 	snop  }
0x6: {  	_ = 	snop  }
0x7: {  	_ = 	snop  }
__scs_overlays_trampoline_lowered:
0x8: {  	[smem:$0x3FA2] =	sst s0  }
0x9: {  	[smem:$0x3FA3] =	sst s1  }
0xa: {  	[smem:$0x3FA4] =	sst s2  }
0xb: {  	[smem:$0x3FA5] =	sst s3  }
0xc: {  	[smem:$0x3FA6] =	sst s4  }
0xd: {  	[smem:$0x3FA7] =	sst s5  }
0xe: {  	[smem:$0x3FA8] =	sst s6  }
0xf: {  	[smem:$0x3FA9] =	sst s7  }
0x10: {  	[smem:$0x3FAA] =	sst s8  }
0x11: {  	[smem:$0x3FAB] =	sst s9;
	s0 =	simm.s32 @!p0 $0x0  }
0x12: {  	s1 =	sld [smem:$0x3F91];
	s0 =	simm.s32 @p0 $0x1  }
0x13: {  	[smem:$0x3FAC] =	sst s0;
	s0 =	simm.s32 @!p1 $0x0  }
0x14: {  	s2 =	sld [smem:$0x3F90];
	s0 =	simm.s32 @p1 $0x1  }
0x15: {  	[smem:$0x3FAD] =	sst s0;
	s0 =	simm.s32 @!p2 $0x0  }
0x16: {  	s3 =	sld [smem:$0x3FDB];
	s0 =	simm.s32 @p2 $0x1  }
0x17: {  	s4 =	simm.s32 $0x1BF5;
	[smem:$0x3FAF] =	sst s0  }
0x18: {  	s0 =	sld [smem:$0x3F92];
	_ =	swait.ge [sflag:s4], $0x0  }
0x19: {  	s7 =	sld [smem:$0x3F93]  }
0x1a: {  	s8 =	sadd.s32 $0xFFFFE003, lr  }
0x1b: {  	s9 =	sadd.s32 $0xFFFFFEF7, lr;
	s5 =	simm.s32 $0xFFFFFFFF;
	p2 =	slt.u32 s8, $0xFFFFF086  }
0x1c: {  	p1 =	slt.u32 s9, $0xF7A;
	s5 =	simm.s32 @!p2 $0x0  }
0x1d: {  	s5 =	simm.s32 @p1 $0x1;
	p0 =	seq.s32 s7, s2  }
0x1e: {  	s7 =	smul.u32 @!p0 $0xF7A, s2;
	p2 =	seq.s32 @!p0 s5, $0x0  }
0x1f: {  	s9 =	smul.u32 $0xF7A, s1;
	s8 =	simm.s32 @!p0 $0x1BF5;
	p2 =	por !p2, p0  }
0x20: {  	[sflag:s8] =	ssyncset.s32 @!p0 $0xFFFFF086;
	s6 =	sadd.s32 @!p0 s3, s7;
	s7 =	simm.s32 @!p0 $0x108  }
0x21: {  	s3 =	sadd.s32 s3, s9;
	s6 =	sadd.s32 @!p0 $0x88, s6;
	s7 =	simm.s32 @p2 $0x1082  }
0x22: {  	[simem:s7], [sflag:s8] =	dma.local @!p0 [hbm:s6], $0xF7A  }
0x23: {  	s9 =	sor.u32 $0xD0000000, s2;
	s6 =	simm.s32 $0x108;
	_ =	swait.ge @!p0 [sflag:s8], $0x0  }
0x24: {  	s3 =	sadd.s32 $0x88, s3;
	s6 =	simm.s32 @!p1 $0x1082;
	[sflag:s4] =	ssyncset.s32 $0xFFFFF086  }
0x25: {  	[simem:s6], [sflag:s4] =	dma.local [hbm:s3], $0xF7A  }
0x26: {  	[smem:$0x3F93] =	sst s1;
	(tag) =	ssettag s2;
	_ =	strace s9  }
0x27: {  	s1 =	sld [smem:$0x3FA3]  }
0x28: {  	s2 =	sld [smem:$0x3FA4]  }
0x29: {  	s4 =	sld [smem:$0x3FA6]  }
0x2a: {  	p0 =	seq.s32 s5, $0x0;
	s5 =	sld [smem:$0x3FA7]  }
0x2b: {  	s6 =	sld [smem:$0x3FA8]  }
0x2c: {  	s7 =	sld [smem:$0x3FA9]  }
0x2d: {  	s3 =	simm.s32 $0x108;
	s8 =	sld [smem:$0x3FAA]  }
0x2e: {  	s3 =	simm.s32 @!p0 $0x1082;
	s9 =	sld [smem:$0x3FAB]  }
0x2f: {  	lr =	sadd.s32 s0, s3;
	s0 =	sld [smem:$0x3FA2]  }
0x30: {  	s3 =	sld [smem:$0x3FA5]  }
0x31: {  	[smem:$0x3FAE] =	sst s10  }
0x32: {  	s10 =	sld [smem:$0x3FAC];
	_ =	sdelay $0x3  }
0x33: {  	p0 =	seq.s32 s10, $0x1;
	s10 =	sld [smem:$0x3FAE];
	_ =	sdelay $0x3  }
0x34: {  	[smem:$0x3FAE] =	sst s10  }
0x35: {  	s10 =	sld [smem:$0x3FAD];
	_ =	sdelay $0x3  }
0x36: {  	p1 =	seq.s32 s10, $0x1;
	s10 =	sld [smem:$0x3FAE];
	_ =	sdelay $0x3  }
0x37: {  	[smem:$0x3FAE] =	sst s10  }
0x38: {  	s10 =	sld [smem:$0x3FAF]  }
0x39: {  	_ = 	snop;
	(pc) =	sbr.ind lr, $3  }
0x3a: {  	_ = 	snop  }
0x3b: {  	_ = 	snop  }
0x3c: {  	p2 =	seq.s32 s10, $0x1;
	s10 =	sld [smem:$0x3FAE]  }
0x3d: {  	_ =	shalt  }
0x3e: {  	_ =	shalt  }
0x3f: {  	_ =	shalt  }
0x40: {  	_ =	shalt  }
0x41: {  	_ =	shalt  }
0x42: {  	_ =	shalt  }
0x43: {  	_ =	shalt  }
0x44: {  	_ =	shalt  }
0x45: {  	_ =	shalt  }
0x46: {  	_ =	shalt  }
0x47: {  	_ =	shalt  }
0x48: {  	_ =	shalt  }
0x49: {  	_ =	shalt  }
0x4a: {  	_ =	shalt  }
0x4b: {  	_ =	shalt  }
0x4c: {  	_ =	shalt  }
0x4d: {  	_ =	shalt  }
0x4e: {  	_ =	shalt  }
0x4f: {  	_ =	shalt  }
0x50: {  	_ =	shalt  }
0x51: {  	_ =	shalt  }
0x52: {  	_ =	shalt  }
0x53: {  	_ =	shalt  }
0x54: {  	_ =	shalt  }
0x55: {  	_ =	shalt  }
0x56: {  	_ =	shalt  }
0x57: {  	_ =	shalt  }
0x58: {  	_ =	shalt  }
0x59: {  	_ =	shalt  }
0x5a: {  	_ =	shalt  }
0x5b: {  	_ =	shalt  }
0x5c: {  	_ =	shalt  }
0x5d: {  	_ =	shalt  }
0x5e: {  	_ =	shalt  }
0x5f: {  	_ =	shalt  }
0x60: {  	_ =	shalt  }
0x61: {  	_ =	shalt  }
0x62: {  	_ =	shalt  }
0x63: {  	_ =	shalt  }
0x64: {  	_ =	shalt  }
0x65: {  	_ =	shalt  }
0x66: {  	_ =	shalt  }
0x67: {  	_ =	shalt  }
0x68: {  	_ =	shalt  }
0x69: {  	_ =	shalt  }
0x6a: {  	_ =	shalt  }
0x6b: {  	_ =	shalt  }
0x6c: {  	_ =	shalt  }
0x6d: {  	_ =	shalt  }
0x6e: {  	_ =	shalt  }
0x6f: {  	_ =	shalt  }
0x70: {  	_ =	shalt  }
0x71: {  	_ =	shalt  }
0x72: {  	_ =	shalt  }
0x73: {  	_ =	shalt  }
0x74: {  	_ =	shalt  }
0x75: {  	_ =	shalt  }
0x76: {  	_ =	shalt  }
0x77: {  	_ =	shalt  }
0x78: {  	_ =	shalt  }
0x79: {  	_ =	shalt  }
0x7a: {  	_ =	shalt  }
0x7b: {  	_ =	shalt  }
0x7c: {  	_ =	shalt  }
0x7d: {  	_ =	shalt  }
0x7e: {  	_ =	shalt  }
0x7f: {  	_ =	shalt  }
0x80: {  	_ =	shalt  }
0x81: {  	_ =	shalt  }
0x82: {  	_ =	shalt  }
0x83: {  	_ =	shalt  }
0x84: {  	_ =	shalt  }
0x85: {  	_ =	shalt  }
0x86: {  	_ =	shalt  }
0x87: {  	_ =	shalt  }
.Lfunc_end0:
.L_simem_size_0:
called_computation.2_lowered:
.L_overlay_start_0:
0x88: {  	s2 =	sld [smem:$0x3FD9]  }
0x89: {  	s3 =	sld [smem:$0x3FFE];
	_ =	sdelay $0x1  }
0x8a: {  	s1 =	srdreg.scid  }
0x8b: {  	s0 =	sand.u32 $0x1, s1  }
0x8c: {  	s16 =	sshll.u32 s0, $0xA;
	s2 =	sadd.s32 s3, s2  }
0x8d: {  	s2 =	sadd.s32 s2, s16  }
0x8e: {  	[smem:$0x3FBA] =	sst s2  }
0x8f: {  	_ = 	snop  }
0x90: {  	(tm) =	ssettm $0x1  }
0x91: {  	s17 =	sld [smem:$0x3FFB];
	_ =	sdelay $0x3  }
0x92: {  	_ =	strace s17  }
0x93: {  	s2 =	sld [smem:$0x3FFC];
	_ =	sdelay $0x3  }
0x94: {  	_ =	strace s2  }
0x95: {  	s2 =	sld [smem:$0x3FFD];
	_ =	sdelay $0x3  }
0x96: {  	_ =	strace s2  }
0x97: {  	_ =	strace $0x8FFFFFFF  }
0x98: {  	s18 =	sld [smem:$0x3FDB];
	_ =	sdelay $0x1  }
0x99: {  	s19 =	simm.s32 $_scs_section_size  }
0x9a: {  	s4 =	simm.s32 $_size__tile_overlayer_lowered;
	s5 =	simm.s32 $_tile_overlayer_lowered  }
0x9b: {  	s22 =	simm.s32 $0x1BFF;
	s21 =	sshll.u32 s5, $0x1;
	s2 =	sadd.s32 s19, s18  }
0x9c: {  	s6 =	simm.s32 $0x0;
	s20 =	sshll.u32 s4, $0x1;
	s4 =	sadd.s32 s21, s2  }
0x9d: {  	[timem:s6], [sflag:s22] =	dma.local [hbm:s4], s20  }
0x9e: {  	_ =	swait.ge [sflag:s22], s20  }
0x9f: {  	s3 =	ssub.s32 $0x0, s20;
	[sflag:s22] =	ssyncset.done $0x0  }
0xa0: {  	[sflag:s22] =	ssyncadd.s32 s3;
	_ =	sdelay $0x1  }
0xa1: {  	s23 =	simm.s32 $0x1B8B  }
0xa2: {  	_ =	swait.ge [sflag:s23], $0x1  }
0xa3: {  	[sflag:s23] =	ssyncset.done $0x0  }
0xa4: {  	s25 =	simm.s32 $0x1B8E;
	s24 =	sld [smem:$0x3FFE];
	[sflag:s23] =	ssyncadd.s32 $0xFFFFFFFF  }
0xa5: {  	s26 =	simm.s32 $execute0_lowered;
	[smem:$0x3FD2] =	sst s25  }
0xa6: {  	s4 =	sshll.u32 s26, $0x1;
	_ =	strace $0x8000004C;
	[dreg:$0x1] =	wrdreg $0xFFFFFFFF  }
0xa7: {  	s28 =	simm.s32 $_size_execute0_lowered;
	s2 =	sadd.s32 s2, s4;
	[dreg:$0x0] =	wrdreg $0x0  }
0xa8: {  	s4 =	sshll.u32 s28, $0x1;
	[dreg:$0x2] =	wrdreg s2  }
0xa9: {  	[dreg:$0x3] =	wrdreg s4  }
0xaa: {  	[dreg:$0x4] =	wrdreg $0xC0  }
0xab: {  	_ =	task [dreg:s6], $0x5FFFF  }
0xac: {  	[dreg:$0x1] =	wrdreg $0xFFFFFFFF  }
0xad: {  	[dreg:$0x0] =	wrdreg $0x60  }
0xae: {  	[dreg:$0x2] =	wrdreg s24  }
0xaf: {  	[dreg:$0x3] =	wrdreg $0x90000  }
0xb0: {  	[dreg:$0x4] =	wrdreg $0x9  }
0xb1: {  	_ =	task.clear_ibuf [dreg:s6], $0x5FFFF;
	_ =	strace $0x9000004C  }
0xb2: {  	s29 =	simm.s32 $0x9;
	_ =	strace $0x8000004E  }
0xb3: {  	_ =	swait.ge [sflag:s29], $0x1  }
0xb4: {  	[sflag:s29] =	ssyncadd.s32 $0xFFFFFFFF  }
0xb5: {  	_ =	strace $0x9000004E  }
0xb6: {  	_ =	sfence  }
0xb7: {  	s30 =	sld [smem:$0x0];
	_ =	sdelay $0x2  }
0xb8: {  	s31 =	sshll.u32 s1, $0xD;
	s1 =	sshrl.u32 s1, $0x2  }
0xb9: {  	s3 =	sand.u32 $0x4000, s31;
	s1 =	sadd.s32 s1, s30  }
0xba: {  	s0 =	sor.u32 s3, s0;
	s1 =	sshll.u32 s1, $0x11  }
0xbb: {  	s0 =	sor.u32 s1, s0  }
0xbc: {  	s0 =	sadd.s32 $0x8F2B, s0  }
0xbd: {  	[sflag:s0] =	ssyncadd.remote.s32 $0x1  }
0xbe: {  	_ =	sfence.sel $0xFFFF  }
0xbf: {  	[dreg:$0x0] =	wrdreg $0xFFFFFFFF;
	(pc) =	sbr.abs _section_cstart, $3  }
0xc0: {  	[dreg:$0x1] =	wrdreg $0xFFFFFFFF  }
0xc1: {  	_ =	task.clear_ibuf [dreg:s6], $0x2FFFF;
	_ =	strace $0x9FFFFFFF  }
0xc2: {  	(tm) =	ssettm $0x7FFFFFFF  }
0xc3: {  	_ =	shalt  }
tec
execute0_lowered:
.L_overlay_start_1:
0x0: {  	(tag) =	ssettag $0x1  }
0x1: {  	s0 =	rddreg [dreg:$0x0]  }
0x2: {  	s1 =	rddreg [dreg:$0x1];
	s2 =	srdreg.scid  }
0x3: {  	s3 =	simm.s32 $0x0;
	s16 =	stileid.u32;
	s15 =	simm.s32 $0x4  }
0x4: {  	s19 =	simm.s32 $0x40;
	s20 =	simm.s32 $0x1000;
	s21 =	simm.s32 $0x3000  }
0x5: {  	s28 =	simm.s32 $0x3;
	s31 =	simm.s32 $0x0;
	s8 =	smul.u32 $0x1F400, s16  }
0x6: {  	s2 =	sand.u32 $0x1, s2;
	s5 =	sadd.s32 $0x117E00, s0;
	s12 =	smul.u32 $0x2800, s16  }
0x7: {  	[smem:$0x7FF] =	sst s3;
	s6 =	sadd.s32 $0x10DE00, s0;
	s14 =	smul.u32 $0x7D000, s16  }
0x8: {  	s4 =	sadd.s32 $0x8200, s0;
	s10 =	sadd.s32 $0x4200, s0;
	s7 =	smul.u32 $0x138800, s2  }
0x9: {  	p1 =	sgt.u32 s16, $0x9;
	_ =	strace $0x8000004D;
	s9 =	smul.u32 $0x28000, s2  }
0xa: {  	[dreg:$0x5] =	wrdreg s10;
	s22 =	ssub.s32 $0x2, s2;
	p0 =	seq.s32 s2, $0x1  }
0xb: {  	s23 =	sshrl.u32 s22, $0x1;
	s26 =	sadd.s32 $0x800, s12;
	s29 =	sshrl.u32 s14, $0x2  }
0xc: {  	s7 =	sadd.s32 s8, s7;
	s13 =	sadd.s32 s12, s9;
	[dreg:$0x3] =	wrdreg s26  }
0xd: {  	s12 =	sadd.s32 s29, s1;
	s26 =	simm.s32 $0x2;
	s7 =	sshrl.u32 s7, $0x3  }
0xe: {  	s9 =	sshrl.u32 s13, $0x3;
	s30 =	sadd.s32 $0x800, s13;
	s0 =	sadd.s32 s7, s0  }
.Ltmp0:
0xf: {  	s7 =	ssub.s32 s22, s23;
	s24 =	sadd.s32 s5, s9;
	(pc) =	sbr.rel .LBB2_1-.Ltmp0, $4  }
0x10: {  	s25 =	sor.u32 $0x80, s9;
	s9 =	sadd.s32 s6, s9;
	[dreg:$0x4] =	wrdreg s30  }
0x11: {  	s22 =	simm.s32 $0x80;
	s23 =	simm.s32 $0x5000;
	[dreg:$0x6] =	wrdreg s24  }
0x12: {  	[dreg:$0x7] =	wrdreg s9;
	s10 =	sadd.s32 s5, s25;
	s11 =	sadd.s32 s6, s25  }
0x13: {  	s13 =	sadd.s32 $0x2F400, s0;
	s14 =	smax.u32 s7, $0x1;
	s25 =	simm.s32 $0x7000  }
.LBB2_7:
0x14: {  	[tilespmem:s18], [sflag:$0x1] =	stream.linear.gather @!p3 [hbm4b:s2+s7], $0x400, $0x38;
	[tilespmem:$0x1C880] =	vst v63  }
0x15: {  	_ = 	snop  }
0x16: {  	[tilespmem:s17], [sflag:$0x1] =	stream.linear.gather @!p3 [hbm4b:s8+s7], $0x400, $0x38;
	[tilespmem:$0x1C880] =	vst v63  }
0x17: {  	_ =	swait.ge [sflag:s26], $0x2000  }
0x18: {  	[sflag:s26] =	ssyncset.done $0x0  }
0x19: {  	[sflag:s26] =	ssyncadd.s32 $0xFFFFE000  }
0x1a: {  	_ =	swait.ge [sflag:s26], $0x2000  }
0x1b: {  	[sflag:s26] =	ssyncset.done $0x0  }
0x1c: {  	s29 =	simm.s32 $0xF00;
	[sflag:s26] =	ssyncadd.s32 $0xFFFFE000  }
0x1d: {  	[spmem:s1] =	stream.indirect.scatter.add.f32 [tilespmem:s20], [sflag:$0x4], $0x80, s29, s22, $0xb8;
	[tilespmem:$0x1C880] =	vst v63  }
0x1e: {  	_ =	swait.ge [sflag:s15], $0x4000  }
0x1f: {  	[sflag:s15] =	ssyncset.done $0x0  }
0x20: {  	[sflag:s15] =	ssyncadd.s32 $0xFFFFC000  }
0x21: {  	_ =	swait.ge [sflag:s28], $0x2000  }
0x22: {  	[sflag:s28] =	ssyncset.done $0x0  }
0x23: {  	[sflag:s28] =	ssyncadd.s32 $0xFFFFE000  }
0x24: {  	_ =	swait.ge [sflag:s28], $0x2000  }
0x25: {  	[sflag:s28] =	ssyncset.done $0x0  }
0x26: {  	s30 =	simm.s32 $0xF80;
	[sflag:s28] =	ssyncadd.s32 $0xFFFFE000  }
0x27: {  	[spmem:s1] =	stream.indirect.scatter.add.f32 [tilespmem:s23], [sflag:$0x4], $0x80, s30, s22, $0xb8;
	[tilespmem:$0x1C880] =	vst v63  }
0x28: {  	_ =	swait.ge [sflag:s15], $0x4000  }
0x29: {  	[sflag:s15] =	ssyncset.done $0x0  }
0x2a: {  	[sflag:s15] =	ssyncadd.s32 $0xFFFFC000  }
.LBB2_8:
0x2b: {  	[bflag:$0x0] =	sbarrier.arrive $0xFFFF;
	s31 =	sadd.s32 $0x1, s31  }
0x2c: {  	[hbm:s13], [sflag:s16] =	dma.local @!p1 [spmem:s0], $0x3E80  }
0x2d: {  	p2 =	sne.s32 s31, s14  }
.Ltmp1:
0x2e: {  	_ = 	snop;
	(pc) =	sbr.rel @!p2 .LBB2_9-.Ltmp1, $4  }
0x2f: {  	s0 =	simm.s32 @!p1 $0x4  }
0x30: {  	_ =	swait.ge @!p1 [sflag:s0], $0x3E80  }
0x31: {  	[sflag:s0] =	ssyncset.done @!p1 $0x0  }
0x32: {  	[sflag:s0] =	ssyncadd.s32 @!p1 $0xFFFFC180  }
.LBB2_1:
0x33: {  	s0 =	rddreg [dreg:$0x6]  }
0x34: {  	[tilespmem:s3], [sflag:$0x4] =	stream.linear.gather [hbm4b:s0+s3], $0x400, $0x38;
	[tilespmem:$0x1C880] =	vst v63  }
0x35: {  	_ =	swait.ge [sflag:s15], $0x400  }
0x36: {  	[sflag:s15] =	ssyncset.done $0x0  }
0x37: {  	s2 =	simm.s32 $0x800;
	s18 =	rddreg [dreg:$0x7];
	[sflag:s15] =	ssyncadd.s32 $0xFFFFFC00  }
0x38: {  	[tilespmem:s2], [sflag:$0x4] =	stream.linear.gather [hbm4b:s18+s3], $0x400, $0x38;
	[tilespmem:$0x1C880] =	vst v63  }
0x39: {  	_ =	swait.ge [sflag:s15], $0x400  }
0x3a: {  	[sflag:s15] =	ssyncset.done $0x0  }
0x3b: {  	s24 =	simm.s32 $0x400;
	[sflag:s15] =	ssyncadd.s32 $0xFFFFFC00  }
0x3c: {  	[tilespmem:s24], [sflag:$0x1] =	stream.linear.gather [hbm4b:s10+s3], $0x400, $0x38;
	[tilespmem:$0x1C880] =	vst v63  }
0x3d: {  	s29 =	simm.s32 $0xC00  }
0x3e: {  	[tilespmem:s29], [sflag:$0x1] =	stream.linear.gather [hbm4b:s11+s3], $0x400, $0x38;
	[tilespmem:$0x1C880] =	vst v63  }
0x3f: {  	_ = 	snop  }
0x40: {  	[tilespmem:s20], [sflag:$0x2] =	stream.indirect.gather [hbm4b:s4+s19], $0x80, s3, s19, $0xb8;
	[tilespmem:$0x1C880] =	vst v63  }
0x41: {  	_ = 	snop  }
0x42: {  	[tilespmem:s21], [sflag:$0x2] =	stream.indirect.gather [hbm4b:s4+s19], $0x80, s19, s19, $0xb8;
	[tilespmem:$0x1C880] =	vst v63  }
.Ltmp2:
0x43: {  	s0 =	stileid.u32;
	(pc) =	sbr.rel @!p0 .LBB2_2-.Ltmp2, $4  }
0x44: {  	s2 =	sshll.u32 @!p1 s0, $0x6  }
0x45: {  	[tilespmem:s23], [sflag:$0x3] =	stream.indirect.gather [hbm4b:s4+s19], $0x80, s22, s19, $0xb8;
	[tilespmem:$0x1C880] =	vst v63  }
0x46: {  	s30 =	simm.s32 $0xC0;
	s0 =	sshrl.u32 @!p1 s12, $0x3;
	s16 =	sor.u32 @!p1 $0x1C04, s2  }
0x47: {  	[tilespmem:s25], [sflag:$0x3] =	stream.indirect.gather [hbm4b:s4+s19], $0x80, s30, s19, $0xb8;
	[tilespmem:$0x1C880] =	vst v63  }
0x48: {  	s2 =	rddreg [dreg:$0x5]  }
0x49: {  	[spmem:s0], [sflag:s16] =	dma.local @!p1 [hbm:s2], $0x3E80  }
0x4a: {  	s2 =	simm.s32 @!p1 $0x4  }
0x4b: {  	_ =	swait.ge @!p1 [sflag:s2], $0x3E80  }
0x4c: {  	[sflag:s2] =	ssyncset.done @!p1 $0x0  }
0x4d: {  	[sflag:s2] =	ssyncadd.s32 @!p1 $0xFFFFC180  }
0x4e: {  	[bflag:$0x0] =	sbarrier.arrive $0xFFFF  }
0x4f: {  	_ =	swait.ge [sflag:s26], $0x2000  }
0x50: {  	[sflag:s26] =	ssyncset.done $0x0  }
0x51: {  	s2 =	simm.s32 $0x0;
	[sflag:s26] =	ssyncadd.s32 $0xFFFFE000  }
0x52: {  	s7 =	sand.u32 $0x6, s2;
	s18 =	sand.u32 $0x400, s2;
	_ =	swait.ge [sflag:s26], $0x2000  }
0x53: {  	s17 =	sor.u32 $0x800, s18;
	s8 =	sshll.u32 s7, $0x7;
	[sflag:s26] =	ssyncset.done $0x0  }
0x54: {  	p2 =	por $0x0, $0x0;
	s8 =	sor.u32 s8, s17;
	[sflag:s26] =	ssyncadd.s32 $0xFFFFE000  }
0x55: {  	[spmem:s1] =	stream.indirect.scatter.add.f32 [tilespmem:s20], [sflag:$0x4], $0x80, s8, s22, $0xb8;
	[tilespmem:$0x1C880] =	vst v63  }
0x56: {  	p3 =	sne.s32 @!p2 s7, $0x6;
	_ =	swait.ge [sflag:s15], $0x4000  }
0x57: {  	p2 =	por p3, p2;
	[sflag:s15] =	ssyncset.done $0x0  }
0x58: {  	s9 =	simm.s32 @!p2 $0x1;
	[sflag:s15] =	ssyncadd.s32 $0xFFFFC000  }
0x59: {  	_ =	swait.ge @!p2 [sflag:s9], $0x400  }
0x5a: {  	[sflag:s9] =	ssyncset.done @!p2 $0x0  }
0x5b: {  	[sflag:s9] =	ssyncadd.s32 @!p2 $0xFFFFFC00  }
0x5c: {  	_ =	swait.ge @!p2 [sflag:s9], $0x400  }
0x5d: {  	s24 =	simm.s32 $0x100;
	[sflag:s9] =	ssyncset.done @!p2 $0x0  }
0x5e: {  	s29 =	sand.u32 $0x700, s24;
	[sflag:s9] =	ssyncadd.s32 @!p2 $0xFFFFFC00  }
0x5f: {  	[tilespmem:s20], [sflag:$0x2] =	stream.indirect.gather [hbm4b:s4+s19], $0x80, s29, s19, $0xb8;
	[tilespmem:$0x1C880] =	vst v63  }
0x60: {  	s9 =	sor.u32 $0x40, s29  }
0x61: {  	[tilespmem:s21], [sflag:$0x2] =	stream.indirect.gather [hbm4b:s4+s19], $0x80, s9, s19, $0xb8;
	[tilespmem:$0x1C880] =	vst v63  }
0x62: {  	_ =	swait.ge [sflag:s28], $0x2000  }
0x63: {  	[sflag:s28] =	ssyncset.done $0x0  }
0x64: {  	[sflag:s28] =	ssyncadd.s32 $0xFFFFE000  }
0x65: {  	_ =	swait.ge [sflag:s28], $0x2000  }
0x66: {  	s30 =	simm.s32 $0x2;
	p2 =	por $0x0, $0x0;
	[sflag:s28] =	ssyncset.done $0x0  }
0x67: {  	s8 =	sadd.s32 $0x80, s8;
	p3 =	sne.s32 @!p2 s7, $0x6;
	[sflag:s28] =	ssyncadd.s32 $0xFFFFE000  }
0x68: {  	[spmem:s1] =	stream.indirect.scatter.add.f32 [tilespmem:s23], [sflag:$0x4], $0x80, s8, s22, $0xb8;
	[tilespmem:$0x1C880] =	vst v63  }
0x69: {  	p3 =	por p3, p2;
	s9 =	simm.s32 $0x180;
	_ =	swait.ge [sflag:s15], $0x4000  }
0x6a: {  	s2 =	sand.u32 @!p3 $0x1C00, s2;
	[sflag:s15] =	ssyncset.done $0x0;
	s8 =	rddreg [dreg:$0x4]  }
0x6b: {  	s7 =	sand.u32 $0x780, s9;
	[sflag:s15] =	ssyncadd.s32 $0xFFFFC000;
	s2 =	sadd.s32 @!p3 s2, s8  }
0x6c: {  	[tilespmem:s23], [sflag:$0x3] =	stream.indirect.gather [hbm4b:s4+s19], $0x80, s7, s19, $0xb8;
	[tilespmem:$0x1C880] =	vst v63  }
0x6d: {  	s29 =	simm.s32 $0x1;
	s7 =	sor.u32 $0x40, s7;
	s8 =	sshrl.u32 @!p3 s2, $0x3  }
0x6e: {  	[tilespmem:s25], [sflag:$0x3] =	stream.indirect.gather [hbm4b:s4+s19], $0x80, s7, s19, $0xb8;
	[tilespmem:$0x1C880] =	vst v63  }
0x6f: {  	s2 =	sadd.s32 @!p3 s5, s8;
	s8 =	sadd.s32 @!p3 s6, s8;
	s7 =	simm.s32 @!p3 $0x0  }
.LBB2_6:
0x70: {  	[tilespmem:s18], [sflag:$0x1] =	stream.linear.gather @!p3 [hbm4b:s2+s7], $0x400, $0x38;
	[tilespmem:$0x1C880] =	vst v63  }
0x71: {  	_ = 	snop  }
0x72: {  	[tilespmem:s17], [sflag:$0x1] =	stream.linear.gather @!p3 [hbm4b:s8+s7], $0x400, $0x38;
	[tilespmem:$0x1C880] =	vst v63  }
0x73: {  	_ =	swait.ge [sflag:s26], $0x2000  }
0x74: {  	[sflag:s26] =	ssyncset.done $0x0  }
0x75: {  	s9 =	smov.u32 s29;
	[sflag:s26] =	ssyncadd.s32 $0xFFFFE000  }
0x76: {  	s18 =	sand.u32 $0x400, s24;
	s7 =	sand.u32 $0x6, s30;
	_ =	swait.ge [sflag:s26], $0x2000  }
0x77: {  	s17 =	sor.u32 $0x800, s18;
	s8 =	sshll.u32 s7, $0x7;
	[sflag:s26] =	ssyncset.done $0x0  }
0x78: {  	p5 =	sgt.u32 s9, $0x23;
	s8 =	sor.u32 s8, s17;
	[sflag:s26] =	ssyncadd.s32 $0xFFFFE000  }
0x79: {  	[spmem:s1] =	stream.indirect.scatter.add.f32 [tilespmem:s20], [sflag:$0x4], $0x80, s8, s22, $0xb8;
	[tilespmem:$0x1C880] =	vst v63  }
0x7a: {  	p6 =	sne.s32 @!p5 s7, $0x6;
	_ =	swait.ge [sflag:s15], $0x4000  }
0x7b: {  	p3 =	sgt.u32 s9, $0x1F;
	p5 =	por p6, p5;
	[sflag:s15] =	ssyncset.done $0x0  }
0x7c: {  	p4 =	sne.s32 @!p3 s7, $0x6;
	s7 =	simm.s32 @!p5 $0x1;
	[sflag:s15] =	ssyncadd.s32 $0xFFFFC000  }
0x7d: {  	_ =	swait.ge @!p5 [sflag:s7], $0x400  }
0x7e: {  	[sflag:s7] =	ssyncset.done @!p5 $0x0  }
0x7f: {  	[sflag:s7] =	ssyncadd.s32 @!p5 $0xFFFFFC00  }
0x80: {  	_ =	swait.ge @!p5 [sflag:s7], $0x400  }
0x81: {  	s2 =	smov.u32 s24;
	s24 =	sadd.s32 $0x100, s24;
	[sflag:s7] =	ssyncset.done @!p5 $0x0  }
0x82: {  	s9 =	sand.u32 $0x700, s24;
	[sflag:s7] =	ssyncadd.s32 @!p5 $0xFFFFFC00  }
0x83: {  	[tilespmem:s20], [sflag:$0x2] =	stream.indirect.gather [hbm4b:s4+s19], $0x80, s9, s19, $0xb8;
	[tilespmem:$0x1C880] =	vst v63  }
0x84: {  	s9 =	sor.u32 $0x40, s9  }
0x85: {  	[tilespmem:s21], [sflag:$0x2] =	stream.indirect.gather [hbm4b:s4+s19], $0x80, s9, s19, $0xb8;
	[tilespmem:$0x1C880] =	vst v63  }
0x86: {  	_ =	swait.ge [sflag:s28], $0x2000  }
0x87: {  	[sflag:s28] =	ssyncset.done $0x0  }
0x88: {  	[sflag:s28] =	ssyncadd.s32 $0xFFFFE000  }
0x89: {  	s29 =	sadd.s32 $0x1, s29;
	_ =	swait.ge [sflag:s28], $0x2000  }
0x8a: {  	p2 =	sne.s32 s29, $0x27;
	[sflag:s28] =	ssyncset.done $0x0  }
0x8b: {  	p3 =	por p4, p3;
	s8 =	sadd.s32 $0x80, s8;
	[sflag:s28] =	ssyncadd.s32 $0xFFFFE000  }
0x8c: {  	[spmem:s1] =	stream.indirect.scatter.add.f32 [tilespmem:s23], [sflag:$0x4], $0x80, s8, s22, $0xb8;
	[tilespmem:$0x1C880] =	vst v63  }
0x8d: {  	s9 =	sadd.s32 $0x180, s2;
	s2 =	sand.u32 @!p3 $0x1C00, s2;
	_ =	swait.ge [sflag:s15], $0x4000  }
0x8e: {  	s7 =	sand.u32 $0x780, s9;
	[sflag:s15] =	ssyncset.done $0x0;
	s8 =	rddreg [dreg:$0x4]  }
.Ltmp3:
0x8f: {  	[sflag:s15] =	ssyncadd.s32 $0xFFFFC000;
	s2 =	sadd.s32 @!p3 s2, s8;
	(pc) =	sbr.rel @p2 .LBB2_6-.Ltmp3, $4  }
0x90: {  	[tilespmem:s23], [sflag:$0x3] =	stream.indirect.gather [hbm4b:s4+s19], $0x80, s7, s19, $0xb8;
	[tilespmem:$0x1C880] =	vst v63  }
0x91: {  	s30 =	sadd.s32 $0x2, s30;
	s7 =	sor.u32 $0x40, s7;
	s8 =	sshrl.u32 @!p3 s2, $0x3  }
0x92: {  	[tilespmem:s25], [sflag:$0x3] =	stream.indirect.gather [hbm4b:s4+s19], $0x80, s7, s19, $0xb8;
	[tilespmem:$0x1C880] =	vst v63  }
0x93: {  	s2 =	sadd.s32 @!p3 s5, s8;
	s8 =	sadd.s32 @!p3 s6, s8;
	s7 =	simm.s32 @!p3 $0x0  }
.Ltmp4:
0x94: {  	_ = 	snop;
	(pc) =	sbr.rel .LBB2_7-.Ltmp4, $1  }
0x95: {  	_ =	sdelay $0x3  }
.LBB2_2:
0x96: {  	s2 =	rddreg [dreg:$0x5]  }
0x97: {  	[spmem:s0], [sflag:s16] =	dma.local @!p1 [hbm:s2], $0x3E80  }
0x98: {  	s2 =	simm.s32 @!p1 $0x4  }
0x99: {  	_ =	swait.ge @!p1 [sflag:s2], $0x3E80  }
0x9a: {  	[sflag:s2] =	ssyncset.done @!p1 $0x0  }
0x9b: {  	[sflag:s2] =	ssyncadd.s32 @!p1 $0xFFFFC180  }
0x9c: {  	[bflag:$0x0] =	sbarrier.arrive $0xFFFF  }
0x9d: {  	_ =	swait.ge [sflag:s26], $0x2000  }
0x9e: {  	[sflag:s26] =	ssyncset.done $0x0  }
0x9f: {  	s2 =	simm.s32 $0x0;
	[sflag:s26] =	ssyncadd.s32 $0xFFFFE000  }
0xa0: {  	s7 =	sand.u32 $0x6, s2;
	s18 =	sand.u32 $0x400, s2;
	_ =	swait.ge [sflag:s26], $0x2000  }
0xa1: {  	s17 =	sor.u32 $0x800, s18;
	s8 =	sshll.u32 s7, $0x7;
	[sflag:s26] =	ssyncset.done $0x0  }
0xa2: {  	p2 =	por $0x0, $0x0;
	s8 =	sor.u32 s8, s17;
	[sflag:s26] =	ssyncadd.s32 $0xFFFFE000  }
0xa3: {  	[spmem:s1] =	stream.indirect.scatter.add.f32 [tilespmem:s20], [sflag:$0x4], $0x80, s8, s22, $0xb8;
	[tilespmem:$0x1C880] =	vst v63  }
0xa4: {  	p3 =	sne.s32 @!p2 s7, $0x6;
	_ =	swait.ge [sflag:s15], $0x4000  }
0xa5: {  	p2 =	por p3, p2;
	[sflag:s15] =	ssyncset.done $0x0  }
0xa6: {  	s29 =	simm.s32 @!p2 $0x1;
	[sflag:s15] =	ssyncadd.s32 $0xFFFFC000  }
0xa7: {  	_ =	swait.ge @!p2 [sflag:s29], $0x400  }
0xa8: {  	[sflag:s29] =	ssyncset.done @!p2 $0x0  }
0xa9: {  	[sflag:s29] =	ssyncadd.s32 @!p2 $0xFFFFFC00  }
0xaa: {  	_ =	swait.ge @!p2 [sflag:s29], $0x400  }
0xab: {  	s24 =	simm.s32 $0x100;
	[sflag:s29] =	ssyncset.done @!p2 $0x0  }
0xac: {  	s30 =	sand.u32 $0x700, s24;
	[sflag:s29] =	ssyncadd.s32 @!p2 $0xFFFFFC00  }
0xad: {  	[tilespmem:s20], [sflag:$0x2] =	stream.indirect.gather [hbm4b:s4+s19], $0x80, s30, s19, $0xb8;
	[tilespmem:$0x1C880] =	vst v63  }
0xae: {  	s29 =	sor.u32 $0x40, s30  }
0xaf: {  	[tilespmem:s21], [sflag:$0x2] =	stream.indirect.gather [hbm4b:s4+s19], $0x80, s29, s19, $0xb8;
	[tilespmem:$0x1C880] =	vst v63  }
0xb0: {  	_ =	swait.ge [sflag:s28], $0x2000  }
0xb1: {  	[sflag:s28] =	ssyncset.done $0x0  }
0xb2: {  	[sflag:s28] =	ssyncadd.s32 $0xFFFFE000  }
0xb3: {  	_ =	swait.ge [sflag:s28], $0x2000  }
0xb4: {  	s9 =	simm.s32 $0x180;
	p2 =	por $0x0, $0x0;
	[sflag:s28] =	ssyncset.done $0x0  }
0xb5: {  	s8 =	sadd.s32 $0x80, s8;
	p3 =	sne.s32 @!p2 s7, $0x6;
	[sflag:s28] =	ssyncadd.s32 $0xFFFFE000  }
0xb6: {  	[spmem:s1] =	stream.indirect.scatter.add.f32 [tilespmem:s23], [sflag:$0x4], $0x80, s8, s22, $0xb8;
	[tilespmem:$0x1C880] =	vst v63  }
0xb7: {  	s7 =	sand.u32 $0x780, s9;
	p3 =	por p3, p2;
	_ =	swait.ge [sflag:s15], $0x4000  }
0xb8: {  	s2 =	sand.u32 @!p3 $0x1C00, s2;
	[sflag:s15] =	ssyncset.done $0x0;
	s8 =	rddreg [dreg:$0x3]  }
0xb9: {  	s30 =	simm.s32 $0x2;
	[sflag:s15] =	ssyncadd.s32 $0xFFFFC000;
	s2 =	sadd.s32 @!p3 s2, s8  }
0xba: {  	[tilespmem:s23], [sflag:$0x3] =	stream.indirect.gather [hbm4b:s4+s19], $0x80, s7, s19, $0xb8;
	[tilespmem:$0x1C880] =	vst v63  }
0xbb: {  	s29 =	simm.s32 $0x1;
	s7 =	sor.u32 $0x40, s7;
	s8 =	sshrl.u32 @!p3 s2, $0x3  }
0xbc: {  	[tilespmem:s25], [sflag:$0x3] =	stream.indirect.gather [hbm4b:s4+s19], $0x80, s7, s19, $0xb8;
	[tilespmem:$0x1C880] =	vst v63  }
0xbd: {  	s2 =	sadd.s32 @!p3 s5, s8;
	s8 =	sadd.s32 @!p3 s6, s8;
	s7 =	simm.s32 @!p3 $0x0  }
.LBB2_3:
0xbe: {  	[tilespmem:s18], [sflag:$0x1] =	stream.linear.gather @!p3 [hbm4b:s2+s7], $0x400, $0x38;
	[tilespmem:$0x1C880] =	vst v63  }
0xbf: {  	_ = 	snop  }
0xc0: {  	[tilespmem:s17], [sflag:$0x1] =	stream.linear.gather @!p3 [hbm4b:s8+s7], $0x400, $0x38;
	[tilespmem:$0x1C880] =	vst v63  }
0xc1: {  	_ =	swait.ge [sflag:s26], $0x2000  }
0xc2: {  	[sflag:s26] =	ssyncset.done $0x0  }
0xc3: {  	s9 =	smov.u32 s29;
	[sflag:s26] =	ssyncadd.s32 $0xFFFFE000  }
0xc4: {  	s18 =	sand.u32 $0x400, s24;
	s7 =	sand.u32 $0x6, s30;
	_ =	swait.ge [sflag:s26], $0x2000  }
0xc5: {  	s17 =	sor.u32 $0x800, s18;
	s8 =	sshll.u32 s7, $0x7;
	[sflag:s26] =	ssyncset.done $0x0  }
0xc6: {  	p5 =	sgt.u32 s9, $0x23;
	s8 =	sor.u32 s8, s17;
	[sflag:s26] =	ssyncadd.s32 $0xFFFFE000  }
0xc7: {  	[spmem:s1] =	stream.indirect.scatter.add.f32 [tilespmem:s20], [sflag:$0x4], $0x80, s8, s22, $0xb8;
	[tilespmem:$0x1C880] =	vst v63  }
0xc8: {  	p6 =	sne.s32 @!p5 s7, $0x6;
	_ =	swait.ge [sflag:s15], $0x4000  }
0xc9: {  	p3 =	sgt.u32 s9, $0x1F;
	p5 =	por p6, p5;
	[sflag:s15] =	ssyncset.done $0x0  }
0xca: {  	p4 =	sne.s32 @!p3 s7, $0x6;
	s7 =	simm.s32 @!p5 $0x1;
	[sflag:s15] =	ssyncadd.s32 $0xFFFFC000  }
0xcb: {  	_ =	swait.ge @!p5 [sflag:s7], $0x400  }
0xcc: {  	[sflag:s7] =	ssyncset.done @!p5 $0x0  }
0xcd: {  	[sflag:s7] =	ssyncadd.s32 @!p5 $0xFFFFFC00  }
0xce: {  	_ =	swait.ge @!p5 [sflag:s7], $0x400  }
0xcf: {  	s2 =	smov.u32 s24;
	s24 =	sadd.s32 $0x100, s24;
	[sflag:s7] =	ssyncset.done @!p5 $0x0  }
0xd0: {  	s9 =	sand.u32 $0x700, s24;
	[sflag:s7] =	ssyncadd.s32 @!p5 $0xFFFFFC00  }
0xd1: {  	[tilespmem:s20], [sflag:$0x2] =	stream.indirect.gather [hbm4b:s4+s19], $0x80, s9, s19, $0xb8;
	[tilespmem:$0x1C880] =	vst v63  }
0xd2: {  	s9 =	sor.u32 $0x40, s9  }
0xd3: {  	[tilespmem:s21], [sflag:$0x2] =	stream.indirect.gather [hbm4b:s4+s19], $0x80, s9, s19, $0xb8;
	[tilespmem:$0x1C880] =	vst v63  }
0xd4: {  	_ =	swait.ge [sflag:s28], $0x2000  }
0xd5: {  	[sflag:s28] =	ssyncset.done $0x0  }
0xd6: {  	[sflag:s28] =	ssyncadd.s32 $0xFFFFE000  }
0xd7: {  	s29 =	sadd.s32 $0x1, s29;
	_ =	swait.ge [sflag:s28], $0x2000  }
0xd8: {  	p2 =	seq.s32 s29, $0x27;
	[sflag:s28] =	ssyncset.done $0x0  }
0xd9: {  	p3 =	por p4, p3;
	s8 =	sadd.s32 $0x80, s8;
	[sflag:s28] =	ssyncadd.s32 $0xFFFFE000  }
0xda: {  	[spmem:s1] =	stream.indirect.scatter.add.f32 [tilespmem:s23], [sflag:$0x4], $0x80, s8, s22, $0xb8;
	[tilespmem:$0x1C880] =	vst v63  }
0xdb: {  	s9 =	sadd.s32 $0x180, s2;
	s2 =	sand.u32 @!p3 $0x1C00, s2;
	_ =	swait.ge [sflag:s15], $0x4000  }
0xdc: {  	s7 =	sand.u32 $0x780, s9;
	[sflag:s15] =	ssyncset.done $0x0;
	s8 =	rddreg [dreg:$0x3]  }
.Ltmp5:
0xdd: {  	[sflag:s15] =	ssyncadd.s32 $0xFFFFC000;
	s2 =	sadd.s32 @!p3 s2, s8;
	(pc) =	sbr.rel @!p2 .LBB2_3-.Ltmp5, $4  }
0xde: {  	[tilespmem:s23], [sflag:$0x3] =	stream.indirect.gather [hbm4b:s4+s19], $0x80, s7, s19, $0xb8;
	[tilespmem:$0x1C880] =	vst v63  }
0xdf: {  	s30 =	sadd.s32 $0x2, s30;
	s7 =	sor.u32 $0x40, s7;
	s8 =	sshrl.u32 @!p3 s2, $0x3  }
0xe0: {  	[tilespmem:s25], [sflag:$0x3] =	stream.indirect.gather [hbm4b:s4+s19], $0x80, s7, s19, $0xb8;
	[tilespmem:$0x1C880] =	vst v63  }
0xe1: {  	s2 =	sadd.s32 @!p3 s5, s8;
	s8 =	sadd.s32 @!p3 s6, s8;
	s7 =	simm.s32 @!p3 $0x0  }
0xe2: {  	[tilespmem:s18], [sflag:$0x1] =	stream.linear.gather @!p3 [hbm4b:s2+s7], $0x400, $0x38;
	[tilespmem:$0x1C880] =	vst v63  }
0xe3: {  	_ = 	snop  }
0xe4: {  	[tilespmem:s17], [sflag:$0x1] =	stream.linear.gather @!p3 [hbm4b:s8+s7], $0x400, $0x38;
	[tilespmem:$0x1C880] =	vst v63  }
0xe5: {  	_ =	swait.ge [sflag:s26], $0x2000  }
0xe6: {  	[sflag:s26] =	ssyncset.done $0x0  }
0xe7: {  	[sflag:s26] =	ssyncadd.s32 $0xFFFFE000  }
0xe8: {  	_ =	swait.ge [sflag:s26], $0x2000  }
0xe9: {  	[sflag:s26] =	ssyncset.done $0x0  }
0xea: {  	s29 =	simm.s32 $0xF00;
	[sflag:s26] =	ssyncadd.s32 $0xFFFFE000  }
0xeb: {  	[spmem:s1] =	stream.indirect.scatter.add.f32 [tilespmem:s20], [sflag:$0x4], $0x80, s29, s22, $0xb8;
	[tilespmem:$0x1C880] =	vst v63  }
0xec: {  	_ =	swait.ge [sflag:s15], $0x4000  }
0xed: {  	[sflag:s15] =	ssyncset.done $0x0  }
0xee: {  	[sflag:s15] =	ssyncadd.s32 $0xFFFFC000  }
0xef: {  	_ =	swait.ge [sflag:s28], $0x2000  }
0xf0: {  	[sflag:s28] =	ssyncset.done $0x0  }
0xf1: {  	[sflag:s28] =	ssyncadd.s32 $0xFFFFE000  }
0xf2: {  	_ =	swait.ge [sflag:s28], $0x2000  }
0xf3: {  	[sflag:s28] =	ssyncset.done $0x0  }
.Ltmp6:
0xf4: {  	s30 =	simm.s32 $0xF80;
	[sflag:s28] =	ssyncadd.s32 $0xFFFFE000;
	(pc) =	sbr.rel .LBB2_8-.Ltmp6, $4  }
0xf5: {  	[spmem:s1] =	stream.indirect.scatter.add.f32 [tilespmem:s23], [sflag:$0x4], $0x80, s30, s22, $0xb8;
	[tilespmem:$0x1C880] =	vst v63  }
0xf6: {  	_ =	swait.ge [sflag:s15], $0x4000  }
0xf7: {  	[sflag:s15] =	ssyncset.done $0x0  }
0xf8: {  	[sflag:s15] =	ssyncadd.s32 $0xFFFFC000  }
.LBB2_9:
0xf9: {  	_ =	sfence.sel $0x180000  }
0xfa: {  	[bflag:$0x0] =	sbarrier.arrive $0xFFFF  }
0xfb: {  	_ =	strace $0x9000004D  }
0xfc: {  	s0 =	stileid.u32;
	[bflag:$0x2] =	sbarrier.arrive $0xFFFF  }
0xfd: {  	p0 =	sne.s32 s0, $0x0;
	s0 =	rddreg [dreg:$0x2]  }
0xfe: {  	s0 =	sadd.s32 @!p0 $0x100000, s0  }
0xff: {  	[sflag:s0] =	ssyncadd.tile.s32 @!p0 $0x1;
	_ =	shalt  }
.Lfunc_end2:
_tile_overlayer_lowered:
.L_overlay_start_2:
0x100: {  	(tag) =	ssettag $0x2  }
0x101: {  	s0 =	rddreg [dreg:$0x0];
	s2 =	stileid.u32  }
0x102: {  	s1 =	rddreg [dreg:$0x1];
	p0 =	sne.s32 s2, $0x0  }
0x103: {  	s3 =	rddreg [dreg:$0x2];
	[bflag:$0x3] =	sbarrier.arrive $0xFFFF;
	s2 =	simm.s32 @!p0 $0x1C04  }
0x104: {  	[timem:s3], [sflag:s2] =	dma.local @!p0 [hbm:s0], s1  }
0x105: {  	s0 =	simm.s32 @!p0 $0x4  }
0x106: {  	_ =	swait.ge @!p0 [sflag:s0], s1  }
0x107: {  	s1 =	ssub.s32 @!p0 $0x0, s1;
	[sflag:s0] =	ssyncset.done @!p0 $0x0  }
0x108: {  	[sflag:s0] =	ssyncadd.s32 @!p0 s1  }
0x109: {  	[bflag:$0x3] =	sbarrier.arrive $0xFFFF  }
0x10a: {  	_ =	shalt  }

// kernel: kernel.9.cloned.1.call-start
scs
__scs_entry_jumppad:
0x0: {  	(pc) =	sbr.rel $0x88, $3  }
0x1: {  	(tag) =	ssettag $0x0;
	lr =	simm.s32 $0x1  }
0x2: {  	[smem:$0x3F93] =	sst lr;
	_ =	strace $0xD0000000  }
0x3: {  	_ = 	snop  }
0x4: {  	_ = 	snop  }
0x5: {  	_ = 	snop  }
0x6: {  	_ = 	snop  }
0x7: {  	_ = 	snop  }
__scs_overlays_trampoline_lowered:
0x8: {  	[smem:$0x3FA2] =	sst s0  }
0x9: {  	[smem:$0x3FA3] =	sst s1  }
0xa: {  	[smem:$0x3FA4] =	sst s2  }
0xb: {  	[smem:$0x3FA5] =	sst s3  }
0xc: {  	[smem:$0x3FA6] =	sst s4  }
0xd: {  	[smem:$0x3FA7] =	sst s5  }
0xe: {  	[smem:$0x3FA8] =	sst s6  }
0xf: {  	[smem:$0x3FA9] =	sst s7  }
0x10: {  	[smem:$0x3FAA] =	sst s8  }
0x11: {  	[smem:$0x3FAB] =	sst s9;
	s0 =	simm.s32 @!p0 $0x0  }
0x12: {  	s1 =	sld [smem:$0x3F91];
	s0 =	simm.s32 @p0 $0x1  }
0x13: {  	[smem:$0x3FAC] =	sst s0;
	s0 =	simm.s32 @!p1 $0x0  }
0x14: {  	s2 =	sld [smem:$0x3F90];
	s0 =	simm.s32 @p1 $0x1  }
0x15: {  	[smem:$0x3FAD] =	sst s0;
	s0 =	simm.s32 @!p2 $0x0  }
0x16: {  	s3 =	sld [smem:$0x3FDB];
	s0 =	simm.s32 @p2 $0x1  }
0x17: {  	s4 =	simm.s32 $0x1BF5;
	[smem:$0x3FAF] =	sst s0  }
0x18: {  	s0 =	sld [smem:$0x3F92];
	_ =	swait.ge [sflag:s4], $0x0  }
0x19: {  	s7 =	sld [smem:$0x3F93]  }
0x1a: {  	s8 =	sadd.s32 $0xFFFFE003, lr  }
0x1b: {  	s9 =	sadd.s32 $0xFFFFFEF7, lr;
	s5 =	simm.s32 $0xFFFFFFFF;
	p2 =	slt.u32 s8, $0xFFFFF086  }
0x1c: {  	p1 =	slt.u32 s9, $0xF7A;
	s5 =	simm.s32 @!p2 $0x0  }
0x1d: {  	s5 =	simm.s32 @p1 $0x1;
	p0 =	seq.s32 s7, s2  }
0x1e: {  	s7 =	smul.u32 @!p0 $0xF7A, s2;
	p2 =	seq.s32 @!p0 s5, $0x0  }
0x1f: {  	s9 =	smul.u32 $0xF7A, s1;
	s8 =	simm.s32 @!p0 $0x1BF5;
	p2 =	por !p2, p0  }
0x20: {  	[sflag:s8] =	ssyncset.s32 @!p0 $0xFFFFF086;
	s6 =	sadd.s32 @!p0 s3, s7;
	s7 =	simm.s32 @!p0 $0x108  }
0x21: {  	s3 =	sadd.s32 s3, s9;
	s6 =	sadd.s32 @!p0 $0x88, s6;
	s7 =	simm.s32 @p2 $0x1082  }
0x22: {  	[simem:s7], [sflag:s8] =	dma.local @!p0 [hbm:s6], $0xF7A  }
0x23: {  	s9 =	sor.u32 $0xD0000000, s2;
	s6 =	simm.s32 $0x108;
	_ =	swait.ge @!p0 [sflag:s8], $0x0  }
0x24: {  	s3 =	sadd.s32 $0x88, s3;
	s6 =	simm.s32 @!p1 $0x1082;
	[sflag:s4] =	ssyncset.s32 $0xFFFFF086  }
0x25: {  	[simem:s6], [sflag:s4] =	dma.local [hbm:s3], $0xF7A  }
0x26: {  	[smem:$0x3F93] =	sst s1;
	(tag) =	ssettag s2;
	_ =	strace s9  }
0x27: {  	s1 =	sld [smem:$0x3FA3]  }
0x28: {  	s2 =	sld [smem:$0x3FA4]  }
0x29: {  	s4 =	sld [smem:$0x3FA6]  }
0x2a: {  	p0 =	seq.s32 s5, $0x0;
	s5 =	sld [smem:$0x3FA7]  }
0x2b: {  	s6 =	sld [smem:$0x3FA8]  }
0x2c: {  	s7 =	sld [smem:$0x3FA9]  }
0x2d: {  	s3 =	simm.s32 $0x108;
	s8 =	sld [smem:$0x3FAA]  }
0x2e: {  	s3 =	simm.s32 @!p0 $0x1082;
	s9 =	sld [smem:$0x3FAB]  }
0x2f: {  	lr =	sadd.s32 s0, s3;
	s0 =	sld [smem:$0x3FA2]  }
0x30: {  	s3 =	sld [smem:$0x3FA5]  }
0x31: {  	[smem:$0x3FAE] =	sst s10  }
0x32: {  	s10 =	sld [smem:$0x3FAC];
	_ =	sdelay $0x3  }
0x33: {  	p0 =	seq.s32 s10, $0x1;
	s10 =	sld [smem:$0x3FAE];
	_ =	sdelay $0x3  }
0x34: {  	[smem:$0x3FAE] =	sst s10  }
0x35: {  	s10 =	sld [smem:$0x3FAD];
	_ =	sdelay $0x3  }
0x36: {  	p1 =	seq.s32 s10, $0x1;
	s10 =	sld [smem:$0x3FAE];
	_ =	sdelay $0x3  }
0x37: {  	[smem:$0x3FAE] =	sst s10  }
0x38: {  	s10 =	sld [smem:$0x3FAF]  }
0x39: {  	_ = 	snop;
	(pc) =	sbr.ind lr, $3  }
0x3a: {  	_ = 	snop  }
0x3b: {  	_ = 	snop  }
0x3c: {  	p2 =	seq.s32 s10, $0x1;
	s10 =	sld [smem:$0x3FAE]  }
0x3d: {  	_ =	shalt  }
0x3e: {  	_ =	shalt  }
0x3f: {  	_ =	shalt  }
0x40: {  	_ =	shalt  }
0x41: {  	_ =	shalt  }
0x42: {  	_ =	shalt  }
0x43: {  	_ =	shalt  }
0x44: {  	_ =	shalt  }
0x45: {  	_ =	shalt  }
0x46: {  	_ =	shalt  }
0x47: {  	_ =	shalt  }
0x48: {  	_ =	shalt  }
0x49: {  	_ =	shalt  }
0x4a: {  	_ =	shalt  }
0x4b: {  	_ =	shalt  }
0x4c: {  	_ =	shalt  }
0x4d: {  	_ =	shalt  }
0x4e: {  	_ =	shalt  }
0x4f: {  	_ =	shalt  }
0x50: {  	_ =	shalt  }
0x51: {  	_ =	shalt  }
0x52: {  	_ =	shalt  }
0x53: {  	_ =	shalt  }
0x54: {  	_ =	shalt  }
0x55: {  	_ =	shalt  }
0x56: {  	_ =	shalt  }
0x57: {  	_ =	shalt  }
0x58: {  	_ =	shalt  }
0x59: {  	_ =	shalt  }
0x5a: {  	_ =	shalt  }
0x5b: {  	_ =	shalt  }
0x5c: {  	_ =	shalt  }
0x5d: {  	_ =	shalt  }
0x5e: {  	_ =	shalt  }
0x5f: {  	_ =	shalt  }
0x60: {  	_ =	shalt  }
0x61: {  	_ =	shalt  }
0x62: {  	_ =	shalt  }
0x63: {  	_ =	shalt  }
0x64: {  	_ =	shalt  }
0x65: {  	_ =	shalt  }
0x66: {  	_ =	shalt  }
0x67: {  	_ =	shalt  }
0x68: {  	_ =	shalt  }
0x69: {  	_ =	shalt  }
0x6a: {  	_ =	shalt  }
0x6b: {  	_ =	shalt  }
0x6c: {  	_ =	shalt  }
0x6d: {  	_ =	shalt  }
0x6e: {  	_ =	shalt  }
0x6f: {  	_ =	shalt  }
0x70: {  	_ =	shalt  }
0x71: {  	_ =	shalt  }
0x72: {  	_ =	shalt  }
0x73: {  	_ =	shalt  }
0x74: {  	_ =	shalt  }
0x75: {  	_ =	shalt  }
0x76: {  	_ =	shalt  }
0x77: {  	_ =	shalt  }
0x78: {  	_ =	shalt  }
0x79: {  	_ =	shalt  }
0x7a: {  	_ =	shalt  }
0x7b: {  	_ =	shalt  }
0x7c: {  	_ =	shalt  }
0x7d: {  	_ =	shalt  }
0x7e: {  	_ =	shalt  }
0x7f: {  	_ =	shalt  }
0x80: {  	_ =	shalt  }
0x81: {  	_ =	shalt  }
0x82: {  	_ =	shalt  }
0x83: {  	_ =	shalt  }
0x84: {  	_ =	shalt  }
0x85: {  	_ =	shalt  }
0x86: {  	_ =	shalt  }
0x87: {  	_ =	shalt  }
.Lfunc_end0:
.L_simem_size_0:
called_computation_lowered:
.L_overlay_start_0:
0x88: {  	s2 =	sld [smem:$0x3FD9]  }
0x89: {  	s3 =	sld [smem:$0x3FFE];
	_ =	sdelay $0x1  }
0x8a: {  	s1 =	srdreg.scid  }
0x8b: {  	s0 =	sand.u32 $0x1, s1  }
0x8c: {  	s17 =	sshll.u32 s0, $0xA;
	s2 =	sadd.s32 s3, s2  }
0x8d: {  	s2 =	sadd.s32 s2, s17  }
0x8e: {  	[smem:$0x3FBA] =	sst s2  }
0x8f: {  	_ = 	snop  }
0x90: {  	s2 =	sld [smem:$0x3FD0];
	(tm) =	ssettm $0x1  }
0x91: {  	s18 =	sld [smem:$0x3FFB];
	_ =	sdelay $0x3  }
0x92: {  	_ =	strace s18  }
0x93: {  	s3 =	sld [smem:$0x3FFC];
	_ =	sdelay $0x3  }
0x94: {  	_ =	strace s3  }
0x95: {  	s3 =	sld [smem:$0x3FFD];
	_ =	sdelay $0x3  }
0x96: {  	_ =	strace s3  }
0x97: {  	_ =	strace $0x8FFFFFFF  }
0x98: {  	s19 =	sld [smem:$0x3FDB];
	_ =	sdelay $0x1  }
0x99: {  	s4 =	simm.s32 $_scs_section_size  }
0x9a: {  	s5 =	simm.s32 $_size__tile_overlayer_lowered;
	s6 =	simm.s32 $_tile_overlayer_lowered  }
0x9b: {  	s22 =	simm.s32 $0x1BFF;
	s21 =	sshll.u32 s6, $0x1;
	s3 =	sadd.s32 s4, s19  }
0x9c: {  	s7 =	simm.s32 $0x0;
	s20 =	sshll.u32 s5, $0x1;
	s5 =	sadd.s32 s21, s3  }
0x9d: {  	[timem:s7], [sflag:s22] =	dma.local [hbm:s5], s20  }
0x9e: {  	_ =	swait.ge [sflag:s22], s20  }
0x9f: {  	s4 =	ssub.s32 $0x0, s20;
	[sflag:s22] =	ssyncset.done $0x0  }
0xa0: {  	[sflag:s22] =	ssyncadd.s32 s4;
	_ =	sdelay $0x1  }
0xa1: {  	s23 =	simm.s32 $0x1B8B  }
0xa2: {  	_ =	swait.ge [sflag:s23], $0x1  }
0xa3: {  	[sflag:s23] =	ssyncset.done $0x0  }
0xa4: {  	s25 =	simm.s32 $0x1B8E;
	s24 =	sld [smem:$0x3FFE];
	[sflag:s23] =	ssyncadd.s32 $0xFFFFFFFF  }
0xa5: {  	s26 =	simm.s32 $execute0_lowered;
	[smem:$0x3FD2] =	sst s25  }
0xa6: {  	s5 =	sshll.u32 s26, $0x1;
	_ =	strace $0x80000046;
	[dreg:$0x1] =	wrdreg $0xFFFFFFFF  }
0xa7: {  	s28 =	simm.s32 $_size_execute0_lowered;
	s3 =	sadd.s32 s3, s5;
	[dreg:$0x0] =	wrdreg $0x0  }
0xa8: {  	s5 =	sshll.u32 s28, $0x1;
	[dreg:$0x2] =	wrdreg s3  }
0xa9: {  	[dreg:$0x3] =	wrdreg s5  }
0xaa: {  	[dreg:$0x4] =	wrdreg $0xC0  }
0xab: {  	_ =	task [dreg:s7], $0x5FFFF  }
0xac: {  	[dreg:$0x1] =	wrdreg $0xFFFFFFFF  }
0xad: {  	[dreg:$0x0] =	wrdreg $0x60  }
0xae: {  	[dreg:$0x2] =	wrdreg s24  }
0xaf: {  	[dreg:$0x3] =	wrdreg s2  }
0xb0: {  	[dreg:$0x4] =	wrdreg $0x54000  }
0xb1: {  	[dreg:$0x5] =	wrdreg $0x9  }
0xb2: {  	_ =	task.clear_ibuf [dreg:s7], $0x6FFFF;
	_ =	strace $0x90000046  }
0xb3: {  	s29 =	simm.s32 $0x9;
	_ =	strace $0x80000048  }
0xb4: {  	_ =	swait.ge [sflag:s29], $0x1  }
0xb5: {  	[sflag:s29] =	ssyncadd.s32 $0xFFFFFFFF  }
0xb6: {  	_ =	strace $0x90000048  }
0xb7: {  	_ =	sfence  }
0xb8: {  	s30 =	sld [smem:$0x0];
	_ =	sdelay $0x2  }
0xb9: {  	s31 =	sshll.u32 s1, $0xD;
	s1 =	sshrl.u32 s1, $0x2  }
0xba: {  	s3 =	sand.u32 $0x4000, s31;
	s1 =	sadd.s32 s1, s30  }
0xbb: {  	s0 =	sor.u32 s3, s0;
	s1 =	sshll.u32 s1, $0x11  }
0xbc: {  	s0 =	sor.u32 s1, s0  }
0xbd: {  	s0 =	sadd.s32 $0x8F2B, s0  }
0xbe: {  	[sflag:s0] =	ssyncadd.remote.s32 $0x1  }
0xbf: {  	_ =	sfence.sel $0xFFFF  }
0xc0: {  	[dreg:$0x0] =	wrdreg $0xFFFFFFFF;
	(pc) =	sbr.abs _section_cstart, $3  }
0xc1: {  	[dreg:$0x1] =	wrdreg $0xFFFFFFFF  }
0xc2: {  	_ =	task.clear_ibuf [dreg:s7], $0x2FFFF;
	_ =	strace $0x9FFFFFFF  }
0xc3: {  	(tm) =	ssettm $0x7FFFFFFF  }
tec
execute0_lowered:
.L_overlay_start_1:
0x0: {  	(tag) =	ssettag $0x1  }
0x1: {  	s5 =	rddreg [dreg:$0x0]  }
0x2: {  	s1 =	rddreg [dreg:$0x1]  }
0x3: {  	s3 =	rddreg [dreg:$0x2]  }
0x4: {  	s0 =	rddreg [dreg:$0x3];
	s4 =	simm.s32 $0x0;
	s6 =	srdreg.scid  }
0x5: {  	s2 =	stileid.u32;
	s13 =	simm.s32 $0x0;
	s7 =	sand.u32 $0x1, s6  }
0x6: {  	s31 =	sshll.u32 s2, $0x1;
	s8 =	smul.u32 $0x3E8, s2;
	[smem:$0x7FF] =	sst s4  }
0x7: {  	s6 =	sor.u32 s7, s31;
	s10 =	ssub.s32 $0x2, s7;
	_ =	strace $0x80000047  }
0x8: {  	s6 =	smul.u32 $0x500, s6;
	s9 =	sshrl.u32 s8, $0x3;
	s11 =	sshrl.u32 s10, $0x1  }
0x9: {  	p0 =	seq.s32 s7, $0x1;
	s9 =	sadd.s32 s9, s5;
	s10 =	ssub.s32 s10, s11  }
0xa: {  	s11 =	simm.s32 $0xEE00;
	s12 =	sadd.s32 s6, s5;
	s5 =	sadd.s32 $0xE200, s9  }
0xb: {  	s6 =	sadd.s32 s8, s3;
	s8 =	smax.u32 s10, $0x1;
	s11 =	simm.s32 @!p0 $0xE800  }
0xc: {  	p0 =	sgt.u32 s2, $0x9;
	s10 =	simm.s32 $0x1;
	s7 =	sadd.s32 $0x4200, s12  }
0xd: {  	s9 =	sadd.s32 s11, s9;
	s11 =	simm.s32 $0x2800;
	s12 =	simm.s32 $0x7D  }
.LBB2_1:
0xe: {  	s14 =	simm.s32 @!p0 $0x0;
	s15 =	simm.s32 @!p0 $0x5000  }
0xf: {  	[tilespmem:s15], [sflag:$0x1] =	stream.linear.gather @!p0 [hbm4b:s5+s14], $0x3E8, $0x38;
	[tilespmem:$0x5678] =	vst v63  }
0x10: {  	s14 =	simm.s32 @!p0 $0x1  }
0x11: {  	_ =	swait.ge @!p0 [sflag:s14], $0x3E8  }
0x12: {  	[sflag:s14] =	ssyncset.done @!p0 $0x0  }
0x13: {  	[sflag:s14] =	ssyncadd.s32 @!p0 $0xFFFFFC18  }
0x14: {  	[spmem:s6] =	stream.linear.scatter @!p0 [tilespmem:s15], [sflag:$0x1], $0x3E8, $0x38;
	[tilespmem:$0x5678] =	vst v63  }
0x15: {  	_ =	swait.ge @!p0 [sflag:s14], $0x3E8  }
0x16: {  	[sflag:s14] =	ssyncset.done @!p0 $0x0  }
0x17: {  	[sflag:s14] =	ssyncadd.s32 @!p0 $0xFFFFFC18  }
0x18: {  	[tilespmem:s4], [sflag:$0x1] =	stream.linear.gather [hbm4b:s7+s4], $0x2800, $0x38;
	[tilespmem:$0x5678] =	vst v63  }
0x19: {  	_ =	swait.ge [sflag:s10], $0x2800  }
0x1a: {  	[sflag:s10] =	ssyncset.done $0x0  }
0x1b: {  	[sflag:s10] =	ssyncadd.s32 $0xFFFFD800  }
0x1c: {  	[tilespmem:s11], [sflag:$0x1] =	stream.linear.gather [hbm4b:s1+s4], $0x2800, $0x38;
	[tilespmem:$0x5678] =	vst v63  }
0x1d: {  	_ =	swait.ge [sflag:s10], $0x2800  }
0x1e: {  	[sflag:s10] =	ssyncset.done $0x0  }
0x1f: {  	[sflag:s10] =	ssyncadd.s32 $0xFFFFD800  }
0x20: {  	s30 =	simm.s32 $0x0;
	s31 =	simm.s32 $0x2800;
	[bflag:$0x0] =	sbarrier.arrive $0xFFFF  }
0x21: {  	[spmem:s3] =	stream.indirect.scatter.add.f32 [tilespmem:s31], [sflag:$0x1], $0x1, s30, s12, $0xb8;
	[tilespmem:$0x5678] =	vst v63  }
0x22: {  	s14 =	simm.s32 $0x200;
	_ =	swait.ge [sflag:s10], $0x7D  }
.LBB2_2:
0x23: {  	s15 =	sshra.s32 s14, $0x2;
	[sflag:s10] =	ssyncset.done $0x0;
	p1 =	sne.s32 s14, $0x9E00  }
.Ltmp0:
0x24: {  	s16 =	sadd.s32 $0x2800, s15;
	[sflag:s10] =	ssyncadd.s32 $0xFFFFFF83;
	(pc) =	sbr.rel @p1 .LBB2_2-.Ltmp0, $3  }
0x25: {  	[spmem:s3] =	stream.indirect.scatter.add.f32 [tilespmem:s16], [sflag:$0x1], $0x1, s15, s12, $0xb8;
	[tilespmem:$0x5678] =	vst v63  }
0x26: {  	s14 =	sadd.s32 $0x200, s14;
	_ =	sdelay $0x1  }
0x27: {  	_ =	swait.ge [sflag:s10], $0x7D  }
0x28: {  	[sflag:s10] =	ssyncset.done $0x0  }
0x29: {  	[sflag:s10] =	ssyncadd.s32 $0xFFFFFF83  }
0x2a: {  	s14 =	simm.s32 @!p0 $0x5000;
	s15 =	simm.s32 @!p0 $0x1;
	[bflag:$0x0] =	sbarrier.arrive $0xFFFF  }
0x2b: {  	[tilespmem:s14], [sflag:$0x1] =	stream.linear.gather @!p0 [spmem:s6], $0x3E8, $0x38;
	[tilespmem:$0x5678] =	vst v63  }
0x2c: {  	s13 =	sadd.s32 $0x1, s13;
	_ =	swait.ge @!p0 [sflag:s15], $0x3E8  }
0x2d: {  	p1 =	sne.s32 s13, s8;
	[sflag:s15] =	ssyncset.done @!p0 $0x0  }
.Ltmp1:
0x2e: {  	s16 =	simm.s32 @!p0 $0x0;
	[sflag:s15] =	ssyncadd.s32 @!p0 $0xFFFFFC18;
	(pc) =	sbr.rel @p1 .LBB2_1-.Ltmp1, $4  }
0x2f: {  	[hbm4b:s9+s16] =	stream.linear.scatter @!p0 [tilespmem:s14], [sflag:$0x1], $0x3E8, $0x38;
	[tilespmem:$0x5678] =	vst v63  }
0x30: {  	_ =	swait.ge @!p0 [sflag:s15], $0x3E8  }
0x31: {  	[sflag:s15] =	ssyncset.done @!p0 $0x0  }
0x32: {  	[sflag:s15] =	ssyncadd.s32 @!p0 $0xFFFFFC18  }
0x33: {  	_ =	sfence.sel $0x180000  }
0x34: {  	[bflag:$0x0] =	sbarrier.arrive $0xFFFF  }
0x35: {  	p0 =	sne.s32 s2, $0x0;
	_ =	strace $0x90000047  }
0x36: {  	s0 =	sadd.s32 @!p0 $0x100000, s0;
	[bflag:$0x2] =	sbarrier.arrive $0xFFFF  }
0x37: {  	[sflag:s0] =	ssyncadd.tile.s32 @!p0 $0x1;
	_ =	shalt  }
.Lfunc_end2:
_tile_overlayer_lowered:
.L_overlay_start_2:
0x38: {  	(tag) =	ssettag $0x2  }
0x39: {  	s0 =	rddreg [dreg:$0x0];
	s2 =	stileid.u32  }
0x3a: {  	s1 =	rddreg [dreg:$0x1];
	p0 =	sne.s32 s2, $0x0  }
0x3b: {  	s3 =	rddreg [dreg:$0x2];
	[bflag:$0x3] =	sbarrier.arrive $0xFFFF;
	s2 =	simm.s32 @!p0 $0x1C01  }
0x3c: {  	[timem:s3], [sflag:s2] =	dma.local @!p0 [hbm:s0], s1  }
0x3d: {  	s0 =	simm.s32 @!p0 $0x1  }
0x3e: {  	_ =	swait.ge @!p0 [sflag:s0], s1  }
0x3f: {  	s1 =	ssub.s32 @!p0 $0x0, s1;
	[sflag:s0] =	ssyncset.done @!p0 $0x0  }
0x40: {  	[sflag:s0] =	ssyncadd.s32 @!p0 s1  }
0x41: {  	[bflag:$0x3] =	sbarrier.arrive $0xFFFF  }
0x42: {  	_ =	shalt  }

</sc_bundles>
